<compile_context>
chip_gen: v7x
topology: tpu7x:2x2x1
jax: 0.10.2.dev20260603
libtpu: 0.0.44.dev20260713+nightly
codegen_flags: <defaults>
</compile_context>

<pallas_src>
import functools
import math

import jax
import jax.numpy as jnp
from jax import lax
from jax.experimental import pallas as pl
from jax.experimental.pallas import tpu as pltpu
from jax.experimental.pallas import tpu_sc as plsc

_EMB = 32
_SCALE = math.sqrt(_EMB)
_LANES = 16
_CHUNK = 128
_B = 4096
_L = 200
_BT = _B // _CHUNK
_LT = _L // 8
_VOCAB = 1000000
_RTP = (_VOCAB + _CHUNK - 1) // _CHUNK


@functools.lru_cache(maxsize=None)
def _build_convert():
    info = plsc.get_sparse_core_info()
    nw = info.num_cores * info.num_subcores
    n_slab = _RTP
    n_main = n_slab // nw
    mesh = plsc.VectorSubcoreMesh(core_axis_name="c", subcore_axis_name="s")

    @functools.partial(
        pl.kernel,
        mesh=mesh,
        out_type=jax.ShapeDtypeStruct((_RTP * _CHUNK, _EMB), jnp.float32),
        compiler_params=pltpu.CompilerParams(
            use_tc_tiling_on_sc=False, needs_layout_passes=False
        ),
        scratch_types=[
            pltpu.VMEM((2, 4, 8, _CHUNK), jnp.float32),
            pltpu.VMEM((2, _CHUNK, _EMB + 1), jnp.float32),
            pltpu.SemaphoreType.DMA,
            pltpu.SemaphoreType.DMA,
            pltpu.SemaphoreType.DMA,
            pltpu.SemaphoreType.DMA,
        ],
    )
    def conv_kernel(tab4_hbm, lin_hbm, nbuf, obuf, g0, g1, o0, o1):
        wid = lax.axis_index("s") * info.num_cores + lax.axis_index("c")
        gsem = (g0, g1)
        osem = (o0, o1)
        iota16 = lax.iota(jnp.int32, _LANES)
        rows = [iota16 + j * _LANES for j in range(_CHUNK // _LANES)]

        def fire_in(k, b):
            rt = wid + k * nw
            for et in range(4):
                pltpu.async_copy(tab4_hbm.at[et, rt], nbuf.at[b, et], gsem[b])

        def wait_in(b):
            for et in range(4):
                pltpu.make_async_copy(
                    tab4_hbm.at[0, 0], nbuf.at[b, et], gsem[b]
                ).wait()

        def fire_out(k, b):
            rt = wid + k * nw
            pltpu.async_copy(
                obuf.at[b, pl.ds(0, _CHUNK), pl.ds(0, _EMB)],
                lin_hbm.at[pl.ds(rt * _CHUNK, _CHUNK), :],
                osem[b],
            )

        def wait_out(b):
            pltpu.make_async_copy(
                obuf.at[b, pl.ds(0, _CHUNK), pl.ds(0, _EMB)],
                lin_hbm.at[pl.ds(0, _CHUNK), :],
                osem[b],
            ).wait()

        def transpose(b):
            @plsc.parallel_loop(0, _EMB, unroll=4)
            def _(e):
                col = jnp.full((_LANES,), e, jnp.int32)
                et = e // 8
                es = e % 8
                for j in range(_CHUNK // _LANES):
                    v = nbuf[b, et, es, pl.ds(j * _LANES, _LANES)]
                    plsc.store_scatter(obuf.at[b], [rows[j], col], v)

        fire_in(0, 0)
        fire_in(1, 1)

        def pair_body(k2, carry):
            for b in range(2):
                k = k2 * 2 + b
                wait_in(b)

                @pl.when(k >= 2)
                def _():
                    wait_out(b)

                transpose(b)

                @pl.when(k + 2 < n_main)
                def _():
                    fire_in(k + 2, b)

                fire_out(k, b)
            return carry

        lax.fori_loop(0, n_main // 2, pair_body, 0)
        wait_out(0)
        wait_out(1)

        @pl.when(wid < n_slab - n_main * nw)
        def _():
            rt = n_main * nw + wid
            for et in range(4):
                pltpu.sync_copy(tab4_hbm.at[et, rt], nbuf.at[0, et])
            transpose(0)
            pltpu.sync_copy(
                obuf.at[0, pl.ds(0, _CHUNK), pl.ds(0, _EMB)],
                lin_hbm.at[pl.ds(rt * _CHUNK, _CHUNK), :],
            )

    return conv_kernel


@functools.lru_cache(maxsize=None)
def _build_lookup():
    n_tokens = _B * _L
    info = plsc.get_sparse_core_info()
    nw = info.num_cores * info.num_subcores
    per_w = n_tokens // nw
    n_chunks = per_w // _CHUNK
    mesh = plsc.VectorSubcoreMesh(core_axis_name="c", subcore_axis_name="s")

    @functools.partial(
        pl.kernel,
        mesh=mesh,
        out_type=jax.ShapeDtypeStruct((_L, 4, _BT, 8, _CHUNK), jnp.float32),
        compiler_params=pltpu.CompilerParams(
            use_tc_tiling_on_sc=False, needs_layout_passes=False
        ),
        scratch_types=[
            pltpu.VMEM((per_w,), jnp.int32),
            pltpu.VMEM((4, _CHUNK, _EMB), jnp.float32),
            pltpu.VMEM((4, _EMB, _CHUNK + 1), jnp.float32),
            pltpu.SemaphoreType.DMA,
            pltpu.SemaphoreType.DMA,
            pltpu.SemaphoreType.DMA,
            pltpu.SemaphoreType.DMA,
            pltpu.SemaphoreType.DMA,
            pltpu.SemaphoreType.DMA,
            pltpu.SemaphoreType.DMA,
            pltpu.SemaphoreType.DMA,
        ],
    )
    def emb_kernel(
        tok_hbm, table_hbm, out_hbm, idx_v, gbuf, tbuf,
        g0, g1, g2, g3, o0, o1, o2, o3
    ):
        wid = lax.axis_index("s") * info.num_cores + lax.axis_index("c")
        base = wid * per_w
        gsem = (g0, g1, g2, g3)
        osem = (o0, o1, o2, o3)
        pltpu.sync_copy(tok_hbm.at[pl.ds(base, per_w)], idx_v)

        def fire_gather(c, b):
            pltpu.async_copy(
                table_hbm.at[idx_v.at[pl.ds(c * _CHUNK, _CHUNK)]],
                gbuf.at[b],
                gsem[b],
            )

        def wait_gather(b):
            pltpu.make_async_copy(
                table_hbm.at[pl.ds(0, _CHUNK)], gbuf.at[b], gsem[b]
            ).wait()

        def chunk_coords(c):
            k = base // _CHUNK + c
            lt = k // (_BT * 8)
            r1 = k % (_BT * 8)
            bt = r1 // 8
            ls = r1 % 8
            return lt * 8 + ls, bt

        def fire_out(c, b):
            l, bt = chunk_coords(c)
            for et in range(4):
                pltpu.async_copy(
                    tbuf.at[b, pl.ds(et * 8, 8), pl.ds(0, _CHUNK)],
                    out_hbm.at[l, et, bt],
                    osem[b],
                )

        def wait_out(b):
            for et in range(4):
                pltpu.make_async_copy(
                    tbuf.at[b, pl.ds(et * 8, 8), pl.ds(0, _CHUNK)],
                    out_hbm.at[0, 0, 0],
                    osem[b],
                ).wait()

        iota16 = lax.iota(jnp.int32, _LANES)

        def transpose(b):
            @plsc.parallel_loop(0, _CHUNK, unroll=8)
            def _(bl):
                col = jnp.full((_LANES,), bl, jnp.int32)
                for h in range(2):
                    v = gbuf[b, bl, pl.ds(h * _LANES, _LANES)] * _SCALE
                    plsc.store_scatter(
                        tbuf.at[b], [iota16 + h * _LANES, col], v
                    )

        for b in range(4):
            fire_gather(b, b)

        def quad_body(c4, carry):
            for b in range(4):
                c = c4 * 4 + b
                wait_gather(b)

                @pl.when(c >= 4)
                def _():
                    wait_out(b)

                transpose(b)

                @pl.when(c + 4 < n_chunks)
                def _():
                    fire_gather(c + 4, b)

                fire_out(c, b)
            return carry

        lax.fori_loop(0, n_chunks // 4, quad_body, 0)
        for b in range(4):
            wait_out(b)

    return emb_kernel


def kernel(tokens, table):
    flat = (
        tokens.astype(jnp.int32)
        .reshape(_BT, _CHUNK, _LT, 8)
        .transpose(2, 0, 3, 1)
        .reshape(-1)
    )
    tabp = jnp.pad(table, ((0, _RTP * _CHUNK - _VOCAB), (0, 0)))
    tab4 = tabp.reshape(_RTP, _CHUNK, 4, 8).transpose(2, 0, 3, 1)
    lin = _build_convert()(tab4)
    out5 = _build_lookup()(flat, lin)
    return out5.transpose(2, 4, 0, 1, 3).reshape(_B, _L, _EMB)

# --- scband reference (transcript-rebuilt; emitter-appended) ---
"""Pipeline reference for scband-token-embedding-13984413516021 (READ-ONLY COPY).

The authoritative reference and input builder live on the scoring server;
editing this copy changes nothing except your own understanding.
"""

import jax, jax.numpy as jnp
import numpy as np
import math

VOCAB = 1000000
EMB = 32
B = 4096
L = 200

def setup_inputs(seed: int = 0) -> dict:
    key = jax.random.key(seed)
    k1, k2 = jax.random.split(key)
    tokens = jax.random.randint(k1, (B, L), 0, VOCAB, dtype=jnp.int64 if jax.config.jax_enable_x64 else jnp.int32)
    # nn.Embedding default init: N(0, 1)
    table = jax.random.normal(k2, (VOCAB, EMB), dtype=jnp.float32)
    return {"tokens": tokens, "table": table}

def reference(tokens, table):
    # TokenEmbedding.forward: embedding(tokens.long()) * sqrt(emb_size)
    emb = jnp.take(table, tokens, axis=0)
    return emb * math.sqrt(EMB)

if __name__ == "__main__":
    import jax
    _d = setup_inputs()
    print(jax.jit(kernel)(*tuple(_d.values())))

</pallas_src>

<mosaic_0001>
#map = affine_map<(d0, d1) -> (0, 0, 0, 0)>
#map1 = affine_map<(d0, d1) -> (0, 0)>
module attributes {stable_mosaic.version = 14 : i64} {
  func.func @conv_kernel(%arg0: i32, %arg1: i32, %arg2: memref<4x7813x8x128xf32, #tpu.memory_space<hbm>>, %arg3: memref<1000064x32xf32, #tpu.memory_space<hbm>>, %arg4: memref<2x4x8x128xf32, #tpu.memory_space<vmem>>, %arg5: memref<2x128x33xf32, #tpu.memory_space<vmem>>, %arg6: memref<!tpu.dma_semaphore, #tpu.memory_space<semaphore_mem>>, %arg7: memref<!tpu.dma_semaphore, #tpu.memory_space<semaphore_mem>>, %arg8: memref<!tpu.dma_semaphore, #tpu.memory_space<semaphore_mem>>, %arg9: memref<!tpu.dma_semaphore, #tpu.memory_space<semaphore_mem>>) attributes {dimension_semantics = [#tpu.dimension_semantics<core_parallel>, #tpu.dimension_semantics<subcore_parallel>], iteration_bounds = array<i64: 2, 16>, scalar_prefetch = 0 : i64, scratch_operands = 6 : i64, tpu.core_type = #tpu.core_type<sc_vector_subcore>, window_params = [{transform_indices = #map}, {transform_indices = #map1}]} {
    %mul3A = arith.constant 2 : i32
    %mul3A_0 = arith.muli %arg1, %mul3A : i32
    %add3A = arith.addi %mul3A_0, %arg0 : i32
    %iota3A = tpu.iota {dimensions = array<i32: 0>} : vector<16xi32>
    %add3A_1 = arith.constant 0 : i32
    %add3A_2 = vector.broadcast %add3A_1 : i32 to vector<16xi32>
    %add3A_3 = arith.addi %iota3A, %add3A_2 : vector<16xi32>
    %add3A_4 = arith.constant 16 : i32
    %add3A_5 = vector.broadcast %add3A_4 : i32 to vector<16xi32>
    %add3A_6 = arith.addi %iota3A, %add3A_5 : vector<16xi32>
    %add3A_7 = arith.constant 32 : i32
    %add3A_8 = vector.broadcast %add3A_7 : i32 to vector<16xi32>
    %add3A_9 = arith.addi %iota3A, %add3A_8 : vector<16xi32>
    %add3A_10 = arith.constant 48 : i32
    %add3A_11 = vector.broadcast %add3A_10 : i32 to vector<16xi32>
    %add3A_12 = arith.addi %iota3A, %add3A_11 : vector<16xi32>
    %add3A_13 = arith.constant 64 : i32
    %add3A_14 = vector.broadcast %add3A_13 : i32 to vector<16xi32>
    %add3A_15 = arith.addi %iota3A, %add3A_14 : vector<16xi32>
    %add3A_16 = arith.constant 80 : i32
    %add3A_17 = vector.broadcast %add3A_16 : i32 to vector<16xi32>
    %add3A_18 = arith.addi %iota3A, %add3A_17 : vector<16xi32>
    %add3A_19 = arith.constant 96 : i32
    %add3A_20 = vector.broadcast %add3A_19 : i32 to vector<16xi32>
    %add3A_21 = arith.addi %iota3A, %add3A_20 : vector<16xi32>
    %add3A_22 = arith.constant 112 : i32
    %add3A_23 = vector.broadcast %add3A_22 : i32 to vector<16xi32>
    %add3A_24 = arith.addi %iota3A, %add3A_23 : vector<16xi32>
    %add3A_25 = arith.constant 0 : i32
    %add3A_26 = arith.addi %add3A, %add3A_25 : i32
    %dma_start3A = arith.constant 0 : i32
    %dma_start3A_27 = arith.constant 0 : i32
    %dma_start3A_28 = arith.constant 0 : i32
    %dma_start3A_29 = arith.constant 0 : i32
    %dma_start3A_30 = arith.constant 0 : i32
    %dma_start3A_31 = tpu.memref_slice %arg4[%dma_start3A_27, %dma_start3A_28, %dma_start3A_29, %dma_start3A_30] : memref<2x4x8x128xf32, #tpu.memory_space<vmem>> -> memref<1x1x8x128xf32, #tpu.memory_space<vmem>>
    %dma_start3A_32 = tpu.memref_squeeze %dma_start3A_31 : memref<1x1x8x128xf32, #tpu.memory_space<vmem>> -> memref<8x128xf32, #tpu.memory_space<vmem>>
    %dma_start3A_33 = arith.constant 0 : i32
    %dma_start3A_34 = arith.constant 0 : i32
    %dma_start3A_35 = tpu.memref_slice %arg2[%dma_start3A, %add3A_26, %dma_start3A_33, %dma_start3A_34] : memref<4x7813x8x128xf32, #tpu.memory_space<hbm>> -> memref<1x1x8x128xf32, #tpu.memory_space<hbm>>
    %dma_start3A_36 = tpu.memref_squeeze %dma_start3A_35 : memref<1x1x8x128xf32, #tpu.memory_space<hbm>> -> memref<8x128xf32, #tpu.memory_space<hbm>>
    %dma_start3A_37 = arith.constant 0 : i32
    %dma_start3A_38 = arith.constant 0 : i32
    %dma_start3A_39 = tpu.memref_slice %arg4[%dma_start3A_27, %dma_start3A_28, %dma_start3A_37, %dma_start3A_38] : memref<2x4x8x128xf32, #tpu.memory_space<vmem>> -> memref<1x1x8x128xf32, #tpu.memory_space<vmem>>
    %dma_start3A_40 = tpu.memref_squeeze %dma_start3A_39 : memref<1x1x8x128xf32, #tpu.memory_space<vmem>> -> memref<8x128xf32, #tpu.memory_space<vmem>>
    %dma_start3A_41 = arith.constant 0 : i32
    %dma_start3A_42 = arith.constant 0 : i32
    %dma_start3A_43 = tpu.memref_slice %arg2[%dma_start3A, %add3A_26, %dma_start3A_41, %dma_start3A_42] : memref<4x7813x8x128xf32, #tpu.memory_space<hbm>> -> memref<1x1x8x128xf32, #tpu.memory_space<hbm>>
    %dma_start3A_44 = tpu.memref_squeeze %dma_start3A_43 : memref<1x1x8x128xf32, #tpu.memory_space<hbm>> -> memref<8x128xf32, #tpu.memory_space<hbm>>
    tpu.enqueue_dma source(%dma_start3A_44 : memref<8x128xf32, #tpu.memory_space<hbm>>) target(%dma_start3A_40 : memref<8x128xf32, #tpu.memory_space<vmem>>) target_semaphore(%arg6 : memref<!tpu.dma_semaphore, #tpu.memory_space<semaphore_mem>>)
    %dma_start3A_45 = arith.constant 1 : i32
    %dma_start3A_46 = arith.constant 0 : i32
    %dma_start3A_47 = arith.constant 1 : i32
    %dma_start3A_48 = arith.constant 0 : i32
    %dma_start3A_49 = arith.constant 0 : i32
    %dma_start3A_50 = tpu.memref_slice %arg4[%dma_start3A_46, %dma_start3A_47, %dma_start3A_48, %dma_start3A_49] : memref<2x4x8x128xf32, #tpu.memory_space<vmem>> -> memref<1x1x8x128xf32, #tpu.memory_space<vmem>>
    %dma_start3A_51 = tpu.memref_squeeze %dma_start3A_50 : memref<1x1x8x128xf32, #tpu.memory_space<vmem>> -> memref<8x128xf32, #tpu.memory_space<vmem>>
    %dma_start3A_52 = arith.constant 0 : i32
    %dma_start3A_53 = arith.constant 0 : i32
    %dma_start3A_54 = tpu.memref_slice %arg2[%dma_start3A_45, %add3A_26, %dma_start3A_52, %dma_start3A_53] : memref<4x7813x8x128xf32, #tpu.memory_space<hbm>> -> memref<1x1x8x128xf32, #tpu.memory_space<hbm>>
    %dma_start3A_55 = tpu.memref_squeeze %dma_start3A_54 : memref<1x1x8x128xf32, #tpu.memory_space<hbm>> -> memref<8x128xf32, #tpu.memory_space<hbm>>
    %dma_start3A_56 = arith.constant 0 : i32
    %dma_start3A_57 = arith.constant 0 : i32
    %dma_start3A_58 = tpu.memref_slice %arg4[%dma_start3A_46, %dma_start3A_47, %dma_start3A_56, %dma_start3A_57] : memref<2x4x8x128xf32, #tpu.memory_space<vmem>> -> memref<1x1x8x128xf32, #tpu.memory_space<vmem>>
    %dma_start3A_59 = tpu.memref_squeeze %dma_start3A_58 : memref<1x1x8x128xf32, #tpu.memory_space<vmem>> -> memref<8x128xf32, #tpu.memory_space<vmem>>
    %dma_start3A_60 = arith.constant 0 : i32
    %dma_start3A_61 = arith.constant 0 : i32
    %dma_start3A_62 = tpu.memref_slice %arg2[%dma_start3A_45, %add3A_26, %dma_start3A_60, %dma_start3A_61] : memref<4x7813x8x128xf32, #tpu.memory_space<hbm>> -> memref<1x1x8x128xf32, #tpu.memory_space<hbm>>
    %dma_start3A_63 = tpu.memref_squeeze %dma_start3A_62 : memref<1x1x8x128xf32, #tpu.memory_space<hbm>> -> memref<8x128xf32, #tpu.memory_space<hbm>>
    tpu.enqueue_dma source(%dma_start3A_63 : memref<8x128xf32, #tpu.memory_space<hbm>>) target(%dma_start3A_59 : memref<8x128xf32, #tpu.memory_space<vmem>>) target_semaphore(%arg6 : memref<!tpu.dma_semaphore, #tpu.memory_space<semaphore_mem>>)
    %dma_start3A_64 = arith.constant 2 : i32
    %dma_start3A_65 = arith.constant 0 : i32
    %dma_start3A_66 = arith.constant 2 : i32
    %dma_start3A_67 = arith.constant 0 : i32
    %dma_start3A_68 = arith.constant 0 : i32
    %dma_start3A_69 = tpu.memref_slice %arg4[%dma_start3A_65, %dma_start3A_66, %dma_start3A_67, %dma_start3A_68] : memref<2x4x8x128xf32, #tpu.memory_space<vmem>> -> memref<1x1x8x128xf32, #tpu.memory_space<vmem>>
    %dma_start3A_70 = tpu.memref_squeeze %dma_start3A_69 : memref<1x1x8x128xf32, #tpu.memory_space<vmem>> -> memref<8x128xf32, #tpu.memory_space<vmem>>
    %dma_start3A_71 = arith.constant 0 : i32
    %dma_start3A_72 = arith.constant 0 : i32
    %dma_start3A_73 = tpu.memref_slice %arg2[%dma_start3A_64, %add3A_26, %dma_start3A_71, %dma_start3A_72] : memref<4x7813x8x128xf32, #tpu.memory_space<hbm>> -> memref<1x1x8x128xf32, #tpu.memory_space<hbm>>
    %dma_start3A_74 = tpu.memref_squeeze %dma_start3A_73 : memref<1x1x8x128xf32, #tpu.memory_space<hbm>> -> memref<8x128xf32, #tpu.memory_space<hbm>>
    %dma_start3A_75 = arith.constant 0 : i32
    %dma_start3A_76 = arith.constant 0 : i32
    %dma_start3A_77 = tpu.memref_slice %arg4[%dma_start3A_65, %dma_start3A_66, %dma_start3A_75, %dma_start3A_76] : memref<2x4x8x128xf32, #tpu.memory_space<vmem>> -> memref<1x1x8x128xf32, #tpu.memory_space<vmem>>
    %dma_start3A_78 = tpu.memref_squeeze %dma_start3A_77 : memref<1x1x8x128xf32, #tpu.memory_space<vmem>> -> memref<8x128xf32, #tpu.memory_space<vmem>>
    %dma_start3A_79 = arith.constant 0 : i32
    %dma_start3A_80 = arith.constant 0 : i32
    %dma_start3A_81 = tpu.memref_slice %arg2[%dma_start3A_64, %add3A_26, %dma_start3A_79, %dma_start3A_80] : memref<4x7813x8x128xf32, #tpu.memory_space<hbm>> -> memref<1x1x8x128xf32, #tpu.memory_space<hbm>>
    %dma_start3A_82 = tpu.memref_squeeze %dma_start3A_81 : memref<1x1x8x128xf32, #tpu.memory_space<hbm>> -> memref<8x128xf32, #tpu.memory_space<hbm>>
    tpu.enqueue_dma source(%dma_start3A_82 : memref<8x128xf32, #tpu.memory_space<hbm>>) target(%dma_start3A_78 : memref<8x128xf32, #tpu.memory_space<vmem>>) target_semaphore(%arg6 : memref<!tpu.dma_semaphore, #tpu.memory_space<semaphore_mem>>)
    %dma_start3A_83 = arith.constant 3 : i32
    %dma_start3A_84 = arith.constant 0 : i32
    %dma_start3A_85 = arith.constant 3 : i32
    %dma_start3A_86 = arith.constant 0 : i32
    %dma_start3A_87 = arith.constant 0 : i32
    %dma_start3A_88 = tpu.memref_slice %arg4[%dma_start3A_84, %dma_start3A_85, %dma_start3A_86, %dma_start3A_87] : memref<2x4x8x128xf32, #tpu.memory_space<vmem>> -> memref<1x1x8x128xf32, #tpu.memory_space<vmem>>
    %dma_start3A_89 = tpu.memref_squeeze %dma_start3A_88 : memref<1x1x8x128xf32, #tpu.memory_space<vmem>> -> memref<8x128xf32, #tpu.memory_space<vmem>>
    %dma_start3A_90 = arith.constant 0 : i32
    %dma_start3A_91 = arith.constant 0 : i32
    %dma_start3A_92 = tpu.memref_slice %arg2[%dma_start3A_83, %add3A_26, %dma_start3A_90, %dma_start3A_91] : memref<4x7813x8x128xf32, #tpu.memory_space<hbm>> -> memref<1x1x8x128xf32, #tpu.memory_space<hbm>>
    %dma_start3A_93 = tpu.memref_squeeze %dma_start3A_92 : memref<1x1x8x128xf32, #tpu.memory_space<hbm>> -> memref<8x128xf32, #tpu.memory_space<hbm>>
    %dma_start3A_94 = arith.constant 0 : i32
    %dma_start3A_95 = arith.constant 0 : i32
    %dma_start3A_96 = tpu.memref_slice %arg4[%dma_start3A_84, %dma_start3A_85, %dma_start3A_94, %dma_start3A_95] : memref<2x4x8x128xf32, #tpu.memory_space<vmem>> -> memref<1x1x8x128xf32, #tpu.memory_space<vmem>>
    %dma_start3A_97 = tpu.memref_squeeze %dma_start3A_96 : memref<1x1x8x128xf32, #tpu.memory_space<vmem>> -> memref<8x128xf32, #tpu.memory_space<vmem>>
    %dma_start3A_98 = arith.constant 0 : i32
    %dma_start3A_99 = arith.constant 0 : i32
    %dma_start3A_100 = tpu.memref_slice %arg2[%dma_start3A_83, %add3A_26, %dma_start3A_98, %dma_start3A_99] : memref<4x7813x8x128xf32, #tpu.memory_space<hbm>> -> memref<1x1x8x128xf32, #tpu.memory_space<hbm>>
    %dma_start3A_101 = tpu.memref_squeeze %dma_start3A_100 : memref<1x1x8x128xf32, #tpu.memory_space<hbm>> -> memref<8x128xf32, #tpu.memory_space<hbm>>
    tpu.enqueue_dma source(%dma_start3A_101 : memref<8x128xf32, #tpu.memory_space<hbm>>) target(%dma_start3A_97 : memref<8x128xf32, #tpu.memory_space<vmem>>) target_semaphore(%arg6 : memref<!tpu.dma_semaphore, #tpu.memory_space<semaphore_mem>>)
    %add3A_102 = arith.constant 32 : i32
    %add3A_103 = arith.addi %add3A, %add3A_102 : i32
    %dma_start3A_104 = arith.constant 0 : i32
    %dma_start3A_105 = arith.constant 1 : i32
    %dma_start3A_106 = arith.constant 0 : i32
    %dma_start3A_107 = arith.constant 0 : i32
    %dma_start3A_108 = arith.constant 0 : i32
    %dma_start3A_109 = tpu.memref_slice %arg4[%dma_start3A_105, %dma_start3A_106, %dma_start3A_107, %dma_start3A_108] : memref<2x4x8x128xf32, #tpu.memory_space<vmem>> -> memref<1x1x8x128xf32, #tpu.memory_space<vmem>>
    %dma_start3A_110 = tpu.memref_squeeze %dma_start3A_109 : memref<1x1x8x128xf32, #tpu.memory_space<vmem>> -> memref<8x128xf32, #tpu.memory_space<vmem>>
    %dma_start3A_111 = arith.constant 0 : i32
    %dma_start3A_112 = arith.constant 0 : i32
    %dma_start3A_113 = tpu.memref_slice %arg2[%dma_start3A_104, %add3A_103, %dma_start3A_111, %dma_start3A_112] : memref<4x7813x8x128xf32, #tpu.memory_space<hbm>> -> memref<1x1x8x128xf32, #tpu.memory_space<hbm>>
    %dma_start3A_114 = tpu.memref_squeeze %dma_start3A_113 : memref<1x1x8x128xf32, #tpu.memory_space<hbm>> -> memref<8x128xf32, #tpu.memory_space<hbm>>
    %dma_start3A_115 = arith.constant 0 : i32
    %dma_start3A_116 = arith.constant 0 : i32
    %dma_start3A_117 = tpu.memref_slice %arg4[%dma_start3A_105, %dma_start3A_106, %dma_start3A_115, %dma_start3A_116] : memref<2x4x8x128xf32, #tpu.memory_space<vmem>> -> memref<1x1x8x128xf32, #tpu.memory_space<vmem>>
    %dma_start3A_118 = tpu.memref_squeeze %dma_start3A_117 : memref<1x1x8x128xf32, #tpu.memory_space<vmem>> -> memref<8x128xf32, #tpu.memory_space<vmem>>
    %dma_start3A_119 = arith.constant 0 : i32
    %dma_start3A_120 = arith.constant 0 : i32
    %dma_start3A_121 = tpu.memref_slice %arg2[%dma_start3A_104, %add3A_103, %dma_start3A_119, %dma_start3A_120] : memref<4x7813x8x128xf32, #tpu.memory_space<hbm>> -> memref<1x1x8x128xf32, #tpu.memory_space<hbm>>
    %dma_start3A_122 = tpu.memref_squeeze %dma_start3A_121 : memref<1x1x8x128xf32, #tpu.memory_space<hbm>> -> memref<8x128xf32, #tpu.memory_space<hbm>>
    tpu.enqueue_dma source(%dma_start3A_122 : memref<8x128xf32, #tpu.memory_space<hbm>>) target(%dma_start3A_118 : memref<8x128xf32, #tpu.memory_space<vmem>>) target_semaphore(%arg7 : memref<!tpu.dma_semaphore, #tpu.memory_space<semaphore_mem>>)
    %dma_start3A_123 = arith.constant 1 : i32
    %dma_start3A_124 = arith.constant 1 : i32
    %dma_start3A_125 = arith.constant 1 : i32
    %dma_start3A_126 = arith.constant 0 : i32
    %dma_start3A_127 = arith.constant 0 : i32
    %dma_start3A_128 = tpu.memref_slice %arg4[%dma_start3A_124, %dma_start3A_125, %dma_start3A_126, %dma_start3A_127] : memref<2x4x8x128xf32, #tpu.memory_space<vmem>> -> memref<1x1x8x128xf32, #tpu.memory_space<vmem>>
    %dma_start3A_129 = tpu.memref_squeeze %dma_start3A_128 : memref<1x1x8x128xf32, #tpu.memory_space<vmem>> -> memref<8x128xf32, #tpu.memory_space<vmem>>
    %dma_start3A_130 = arith.constant 0 : i32
    %dma_start3A_131 = arith.constant 0 : i32
    %dma_start3A_132 = tpu.memref_slice %arg2[%dma_start3A_123, %add3A_103, %dma_start3A_130, %dma_start3A_131] : memref<4x7813x8x128xf32, #tpu.memory_space<hbm>> -> memref<1x1x8x128xf32, #tpu.memory_space<hbm>>
    %dma_start3A_133 = tpu.memref_squeeze %dma_start3A_132 : memref<1x1x8x128xf32, #tpu.memory_space<hbm>> -> memref<8x128xf32, #tpu.memory_space<hbm>>
    %dma_start3A_134 = arith.constant 0 : i32
    %dma_start3A_135 = arith.constant 0 : i32
    %dma_start3A_136 = tpu.memref_slice %arg4[%dma_start3A_124, %dma_start3A_125, %dma_start3A_134, %dma_start3A_135] : memref<2x4x8x128xf32, #tpu.memory_space<vmem>> -> memref<1x1x8x128xf32, #tpu.memory_space<vmem>>
    %dma_start3A_137 = tpu.memref_squeeze %dma_start3A_136 : memref<1x1x8x128xf32, #tpu.memory_space<vmem>> -> memref<8x128xf32, #tpu.memory_space<vmem>>
    %dma_start3A_138 = arith.constant 0 : i32
    %dma_start3A_139 = arith.constant 0 : i32
    %dma_start3A_140 = tpu.memref_slice %arg2[%dma_start3A_123, %add3A_103, %dma_start3A_138, %dma_start3A_139] : memref<4x7813x8x128xf32, #tpu.memory_space<hbm>> -> memref<1x1x8x128xf32, #tpu.memory_space<hbm>>
    %dma_start3A_141 = tpu.memref_squeeze %dma_start3A_140 : memref<1x1x8x128xf32, #tpu.memory_space<hbm>> -> memref<8x128xf32, #tpu.memory_space<hbm>>
    tpu.enqueue_dma source(%dma_start3A_141 : memref<8x128xf32, #tpu.memory_space<hbm>>) target(%dma_start3A_137 : memref<8x128xf32, #tpu.memory_space<vmem>>) target_semaphore(%arg7 : memref<!tpu.dma_semaphore, #tpu.memory_space<semaphore_mem>>)
    %dma_start3A_142 = arith.constant 2 : i32
    %dma_start3A_143 = arith.constant 1 : i32
    %dma_start3A_144 = arith.constant 2 : i32
    %dma_start3A_145 = arith.constant 0 : i32
    %dma_start3A_146 = arith.constant 0 : i32
    %dma_start3A_147 = tpu.memref_slice %arg4[%dma_start3A_143, %dma_start3A_144, %dma_start3A_145, %dma_start3A_146] : memref<2x4x8x128xf32, #tpu.memory_space<vmem>> -> memref<1x1x8x128xf32, #tpu.memory_space<vmem>>
    %dma_start3A_148 = tpu.memref_squeeze %dma_start3A_147 : memref<1x1x8x128xf32, #tpu.memory_space<vmem>> -> memref<8x128xf32, #tpu.memory_space<vmem>>
    %dma_start3A_149 = arith.constant 0 : i32
    %dma_start3A_150 = arith.constant 0 : i32
    %dma_start3A_151 = tpu.memref_slice %arg2[%dma_start3A_142, %add3A_103, %dma_start3A_149, %dma_start3A_150] : memref<4x7813x8x128xf32, #tpu.memory_space<hbm>> -> memref<1x1x8x128xf32, #tpu.memory_space<hbm>>
    %dma_start3A_152 = tpu.memref_squeeze %dma_start3A_151 : memref<1x1x8x128xf32, #tpu.memory_space<hbm>> -> memref<8x128xf32, #tpu.memory_space<hbm>>
    %dma_start3A_153 = arith.constant 0 : i32
    %dma_start3A_154 = arith.constant 0 : i32
    %dma_start3A_155 = tpu.memref_slice %arg4[%dma_start3A_143, %dma_start3A_144, %dma_start3A_153, %dma_start3A_154] : memref<2x4x8x128xf32, #tpu.memory_space<vmem>> -> memref<1x1x8x128xf32, #tpu.memory_space<vmem>>
    %dma_start3A_156 = tpu.memref_squeeze %dma_start3A_155 : memref<1x1x8x128xf32, #tpu.memory_space<vmem>> -> memref<8x128xf32, #tpu.memory_space<vmem>>
    %dma_start3A_157 = arith.constant 0 : i32
    %dma_start3A_158 = arith.constant 0 : i32
    %dma_start3A_159 = tpu.memref_slice %arg2[%dma_start3A_142, %add3A_103, %dma_start3A_157, %dma_start3A_158] : memref<4x7813x8x128xf32, #tpu.memory_space<hbm>> -> memref<1x1x8x128xf32, #tpu.memory_space<hbm>>
    %dma_start3A_160 = tpu.memref_squeeze %dma_start3A_159 : memref<1x1x8x128xf32, #tpu.memory_space<hbm>> -> memref<8x128xf32, #tpu.memory_space<hbm>>
    tpu.enqueue_dma source(%dma_start3A_160 : memref<8x128xf32, #tpu.memory_space<hbm>>) target(%dma_start3A_156 : memref<8x128xf32, #tpu.memory_space<vmem>>) target_semaphore(%arg7 : memref<!tpu.dma_semaphore, #tpu.memory_space<semaphore_mem>>)
    %dma_start3A_161 = arith.constant 3 : i32
    %dma_start3A_162 = arith.constant 1 : i32
    %dma_start3A_163 = arith.constant 3 : i32
    %dma_start3A_164 = arith.constant 0 : i32
    %dma_start3A_165 = arith.constant 0 : i32
    %dma_start3A_166 = tpu.memref_slice %arg4[%dma_start3A_162, %dma_start3A_163, %dma_start3A_164, %dma_start3A_165] : memref<2x4x8x128xf32, #tpu.memory_space<vmem>> -> memref<1x1x8x128xf32, #tpu.memory_space<vmem>>
    %dma_start3A_167 = tpu.memref_squeeze %dma_start3A_166 : memref<1x1x8x128xf32, #tpu.memory_space<vmem>> -> memref<8x128xf32, #tpu.memory_space<vmem>>
    %dma_start3A_168 = arith.constant 0 : i32
    %dma_start3A_169 = arith.constant 0 : i32
    %dma_start3A_170 = tpu.memref_slice %arg2[%dma_start3A_161, %add3A_103, %dma_start3A_168, %dma_start3A_169] : memref<4x7813x8x128xf32, #tpu.memory_space<hbm>> -> memref<1x1x8x128xf32, #tpu.memory_space<hbm>>
    %dma_start3A_171 = tpu.memref_squeeze %dma_start3A_170 : memref<1x1x8x128xf32, #tpu.memory_space<hbm>> -> memref<8x128xf32, #tpu.memory_space<hbm>>
    %dma_start3A_172 = arith.constant 0 : i32
    %dma_start3A_173 = arith.constant 0 : i32
    %dma_start3A_174 = tpu.memref_slice %arg4[%dma_start3A_162, %dma_start3A_163, %dma_start3A_172, %dma_start3A_173] : memref<2x4x8x128xf32, #tpu.memory_space<vmem>> -> memref<1x1x8x128xf32, #tpu.memory_space<vmem>>
    %dma_start3A_175 = tpu.memref_squeeze %dma_start3A_174 : memref<1x1x8x128xf32, #tpu.memory_space<vmem>> -> memref<8x128xf32, #tpu.memory_space<vmem>>
    %dma_start3A_176 = arith.constant 0 : i32
    %dma_start3A_177 = arith.constant 0 : i32
    %dma_start3A_178 = tpu.memref_slice %arg2[%dma_start3A_161, %add3A_103, %dma_start3A_176, %dma_start3A_177] : memref<4x7813x8x128xf32, #tpu.memory_space<hbm>> -> memref<1x1x8x128xf32, #tpu.memory_space<hbm>>
    %dma_start3A_179 = tpu.memref_squeeze %dma_start3A_178 : memref<1x1x8x128xf32, #tpu.memory_space<hbm>> -> memref<8x128xf32, #tpu.memory_space<hbm>>
    tpu.enqueue_dma source(%dma_start3A_179 : memref<8x128xf32, #tpu.memory_space<hbm>>) target(%dma_start3A_175 : memref<8x128xf32, #tpu.memory_space<vmem>>) target_semaphore(%arg7 : memref<!tpu.dma_semaphore, #tpu.memory_space<semaphore_mem>>)
    %scan3A = arith.constant 0 : i32
    %scan3A_180 = arith.constant 0 : i32
    %scan3A_181 = arith.constant 122 : i32
    %scan3A_182 = arith.addi %scan3A_180, %scan3A_181 : i32
    %scan3A_183 = arith.constant 1 : i32
    scf.for %scan3A_216 = %scan3A_180 to %scan3A_182 step %scan3A_183  : i32 {
      %mul3A_217 = arith.constant 2 : i32
      %mul3A_218 = arith.muli %scan3A_216, %mul3A_217 : i32
      %add3A_219 = arith.constant 0 : i32
      %add3A_220 = arith.addi %mul3A_218, %add3A_219 : i32
      %dma_wait3A_221 = arith.constant 0 : i32
      %dma_wait3A_222 = arith.constant 0 : i32
      %dma_wait3A_223 = arith.constant 0 : i32
      %dma_wait3A_224 = arith.constant 0 : i32
      %dma_wait3A_225 = arith.constant 0 : i32
      %dma_wait3A_226 = arith.constant 0 : i32
      %dma_wait3A_227 = tpu.memref_slice %arg4[%dma_wait3A_223, %dma_wait3A_224, %dma_wait3A_225, %dma_wait3A_226] : memref<2x4x8x128xf32, #tpu.memory_space<vmem>> -> memref<1x1x8x128xf32, #tpu.memory_space<vmem>>
      %dma_wait3A_228 = tpu.memref_squeeze %dma_wait3A_227 : memref<1x1x8x128xf32, #tpu.memory_space<vmem>> -> memref<8x128xf32, #tpu.memory_space<vmem>>
      %dma_wait3A_229 = arith.constant 0 : i32
      %dma_wait3A_230 = arith.constant 0 : i32
      %dma_wait3A_231 = tpu.memref_slice %arg2[%dma_wait3A_221, %dma_wait3A_222, %dma_wait3A_229, %dma_wait3A_230] : memref<4x7813x8x128xf32, #tpu.memory_space<hbm>> -> memref<1x1x8x128xf32, #tpu.memory_space<hbm>>
      %dma_wait3A_232 = tpu.memref_squeeze %dma_wait3A_231 : memref<1x1x8x128xf32, #tpu.memory_space<hbm>> -> memref<8x128xf32, #tpu.memory_space<hbm>>
      %dma_wait3A_233 = arith.constant 0 : i32
      %dma_wait3A_234 = arith.constant 0 : i32
      %dma_wait3A_235 = tpu.memref_slice %arg4[%dma_wait3A_223, %dma_wait3A_224, %dma_wait3A_233, %dma_wait3A_234] : memref<2x4x8x128xf32, #tpu.memory_space<vmem>> -> memref<1x1x8x128xf32, #tpu.memory_space<vmem>>
      %dma_wait3A_236 = tpu.memref_squeeze %dma_wait3A_235 : memref<1x1x8x128xf32, #tpu.memory_space<vmem>> -> memref<8x128xf32, #tpu.memory_space<vmem>>
      %dma_wait3A_237 = arith.constant 0 : i32
      %dma_wait3A_238 = arith.constant 0 : i32
      %dma_wait3A_239 = tpu.memref_slice %arg2[%dma_wait3A_221, %dma_wait3A_222, %dma_wait3A_237, %dma_wait3A_238] : memref<4x7813x8x128xf32, #tpu.memory_space<hbm>> -> memref<1x1x8x128xf32, #tpu.memory_space<hbm>>
      %dma_wait3A_240 = tpu.memref_squeeze %dma_wait3A_239 : memref<1x1x8x128xf32, #tpu.memory_space<hbm>> -> memref<8x128xf32, #tpu.memory_space<hbm>>
      tpu.wait_dma2 semaphore(%arg6 : memref<!tpu.dma_semaphore, #tpu.memory_space<semaphore_mem>>) src(%dma_wait3A_240 : memref<8x128xf32, #tpu.memory_space<hbm>>) dst(%dma_wait3A_236 : memref<8x128xf32, #tpu.memory_space<vmem>>)
      %dma_wait3A_241 = arith.constant 0 : i32
      %dma_wait3A_242 = arith.constant 0 : i32
      %dma_wait3A_243 = arith.constant 0 : i32
      %dma_wait3A_244 = arith.constant 1 : i32
      %dma_wait3A_245 = arith.constant 0 : i32
      %dma_wait3A_246 = arith.constant 0 : i32
      %dma_wait3A_247 = tpu.memref_slice %arg4[%dma_wait3A_243, %dma_wait3A_244, %dma_wait3A_245, %dma_wait3A_246] : memref<2x4x8x128xf32, #tpu.memory_space<vmem>> -> memref<1x1x8x128xf32, #tpu.memory_space<vmem>>
      %dma_wait3A_248 = tpu.memref_squeeze %dma_wait3A_247 : memref<1x1x8x128xf32, #tpu.memory_space<vmem>> -> memref<8x128xf32, #tpu.memory_space<vmem>>
      %dma_wait3A_249 = arith.constant 0 : i32
      %dma_wait3A_250 = arith.constant 0 : i32
      %dma_wait3A_251 = tpu.memref_slice %arg2[%dma_wait3A_241, %dma_wait3A_242, %dma_wait3A_249, %dma_wait3A_250] : memref<4x7813x8x128xf32, #tpu.memory_space<hbm>> -> memref<1x1x8x128xf32, #tpu.memory_space<hbm>>
      %dma_wait3A_252 = tpu.memref_squeeze %dma_wait3A_251 : memref<1x1x8x128xf32, #tpu.memory_space<hbm>> -> memref<8x128xf32, #tpu.memory_space<hbm>>
      %dma_wait3A_253 = arith.constant 0 : i32
      %dma_wait3A_254 = arith.constant 0 : i32
      %dma_wait3A_255 = tpu.memref_slice %arg4[%dma_wait3A_243, %dma_wait3A_244, %dma_wait3A_253, %dma_wait3A_254] : memref<2x4x8x128xf32, #tpu.memory_space<vmem>> -> memref<1x1x8x128xf32, #tpu.memory_space<vmem>>
      %dma_wait3A_256 = tpu.memref_squeeze %dma_wait3A_255 : memref<1x1x8x128xf32, #tpu.memory_space<vmem>> -> memref<8x128xf32, #tpu.memory_space<vmem>>
      %dma_wait3A_257 = arith.constant 0 : i32
      %dma_wait3A_258 = arith.constant 0 : i32
      %dma_wait3A_259 = tpu.memref_slice %arg2[%dma_wait3A_241, %dma_wait3A_242, %dma_wait3A_257, %dma_wait3A_258] : memref<4x7813x8x128xf32, #tpu.memory_space<hbm>> -> memref<1x1x8x128xf32, #tpu.memory_space<hbm>>
      %dma_wait3A_260 = tpu.memref_squeeze %dma_wait3A_259 : memref<1x1x8x128xf32, #tpu.memory_space<hbm>> -> memref<8x128xf32, #tpu.memory_space<hbm>>
      tpu.wait_dma2 semaphore(%arg6 : memref<!tpu.dma_semaphore, #tpu.memory_space<semaphore_mem>>) src(%dma_wait3A_260 : memref<8x128xf32, #tpu.memory_space<hbm>>) dst(%dma_wait3A_256 : memref<8x128xf32, #tpu.memory_space<vmem>>)
      %dma_wait3A_261 = arith.constant 0 : i32
      %dma_wait3A_262 = arith.constant 0 : i32
      %dma_wait3A_263 = arith.constant 0 : i32
      %dma_wait3A_264 = arith.constant 2 : i32
      %dma_wait3A_265 = arith.constant 0 : i32
      %dma_wait3A_266 = arith.constant 0 : i32
      %dma_wait3A_267 = tpu.memref_slice %arg4[%dma_wait3A_263, %dma_wait3A_264, %dma_wait3A_265, %dma_wait3A_266] : memref<2x4x8x128xf32, #tpu.memory_space<vmem>> -> memref<1x1x8x128xf32, #tpu.memory_space<vmem>>
      %dma_wait3A_268 = tpu.memref_squeeze %dma_wait3A_267 : memref<1x1x8x128xf32, #tpu.memory_space<vmem>> -> memref<8x128xf32, #tpu.memory_space<vmem>>
      %dma_wait3A_269 = arith.constant 0 : i32
      %dma_wait3A_270 = arith.constant 0 : i32
      %dma_wait3A_271 = tpu.memref_slice %arg2[%dma_wait3A_261, %dma_wait3A_262, %dma_wait3A_269, %dma_wait3A_270] : memref<4x7813x8x128xf32, #tpu.memory_space<hbm>> -> memref<1x1x8x128xf32, #tpu.memory_space<hbm>>
      %dma_wait3A_272 = tpu.memref_squeeze %dma_wait3A_271 : memref<1x1x8x128xf32, #tpu.memory_space<hbm>> -> memref<8x128xf32, #tpu.memory_space<hbm>>
      %dma_wait3A_273 = arith.constant 0 : i32
      %dma_wait3A_274 = arith.constant 0 : i32
      %dma_wait3A_275 = tpu.memref_slice %arg4[%dma_wait3A_263, %dma_wait3A_264, %dma_wait3A_273, %dma_wait3A_274] : memref<2x4x8x128xf32, #tpu.memory_space<vmem>> -> memref<1x1x8x128xf32, #tpu.memory_space<vmem>>
      %dma_wait3A_276 = tpu.memref_squeeze %dma_wait3A_275 : memref<1x1x8x128xf32, #tpu.memory_space<vmem>> -> memref<8x128xf32, #tpu.memory_space<vmem>>
      %dma_wait3A_277 = arith.constant 0 : i32
      %dma_wait3A_278 = arith.constant 0 : i32
      %dma_wait3A_279 = tpu.memref_slice %arg2[%dma_wait3A_261, %dma_wait3A_262, %dma_wait3A_277, %dma_wait3A_278] : memref<4x7813x8x128xf32, #tpu.memory_space<hbm>> -> memref<1x1x8x128xf32, #tpu.memory_space<hbm>>
      %dma_wait3A_280 = tpu.memref_squeeze %dma_wait3A_279 : memref<1x1x8x128xf32, #tpu.memory_space<hbm>> -> memref<8x128xf32, #tpu.memory_space<hbm>>
      tpu.wait_dma2 semaphore(%arg6 : memref<!tpu.dma_semaphore, #tpu.memory_space<semaphore_mem>>) src(%dma_wait3A_280 : memref<8x128xf32, #tpu.memory_space<hbm>>) dst(%dma_wait3A_276 : memref<8x128xf32, #tpu.memory_space<vmem>>)
      %dma_wait3A_281 = arith.constant 0 : i32
      %dma_wait3A_282 = arith.constant 0 : i32
      %dma_wait3A_283 = arith.constant 0 : i32
      %dma_wait3A_284 = arith.constant 3 : i32
      %dma_wait3A_285 = arith.constant 0 : i32
      %dma_wait3A_286 = arith.constant 0 : i32
      %dma_wait3A_287 = tpu.memref_slice %arg4[%dma_wait3A_283, %dma_wait3A_284, %dma_wait3A_285, %dma_wait3A_286] : memref<2x4x8x128xf32, #tpu.memory_space<vmem>> -> memref<1x1x8x128xf32, #tpu.memory_space<vmem>>
      %dma_wait3A_288 = tpu.memref_squeeze %dma_wait3A_287 : memref<1x1x8x128xf32, #tpu.memory_space<vmem>> -> memref<8x128xf32, #tpu.memory_space<vmem>>
      %dma_wait3A_289 = arith.constant 0 : i32
      %dma_wait3A_290 = arith.constant 0 : i32
      %dma_wait3A_291 = tpu.memref_slice %arg2[%dma_wait3A_281, %dma_wait3A_282, %dma_wait3A_289, %dma_wait3A_290] : memref<4x7813x8x128xf32, #tpu.memory_space<hbm>> -> memref<1x1x8x128xf32, #tpu.memory_space<hbm>>
      %dma_wait3A_292 = tpu.memref_squeeze %dma_wait3A_291 : memref<1x1x8x128xf32, #tpu.memory_space<hbm>> -> memref<8x128xf32, #tpu.memory_space<hbm>>
      %dma_wait3A_293 = arith.constant 0 : i32
      %dma_wait3A_294 = arith.constant 0 : i32
      %dma_wait3A_295 = tpu.memref_slice %arg4[%dma_wait3A_283, %dma_wait3A_284, %dma_wait3A_293, %dma_wait3A_294] : memref<2x4x8x128xf32, #tpu.memory_space<vmem>> -> memref<1x1x8x128xf32, #tpu.memory_space<vmem>>
      %dma_wait3A_296 = tpu.memref_squeeze %dma_wait3A_295 : memref<1x1x8x128xf32, #tpu.memory_space<vmem>> -> memref<8x128xf32, #tpu.memory_space<vmem>>
      %dma_wait3A_297 = arith.constant 0 : i32
      %dma_wait3A_298 = arith.constant 0 : i32
      %dma_wait3A_299 = tpu.memref_slice %arg2[%dma_wait3A_281, %dma_wait3A_282, %dma_wait3A_297, %dma_wait3A_298] : memref<4x7813x8x128xf32, #tpu.memory_space<hbm>> -> memref<1x1x8x128xf32, #tpu.memory_space<hbm>>
      %dma_wait3A_300 = tpu.memref_squeeze %dma_wait3A_299 : memref<1x1x8x128xf32, #tpu.memory_space<hbm>> -> memref<8x128xf32, #tpu.memory_space<hbm>>
      tpu.wait_dma2 semaphore(%arg6 : memref<!tpu.dma_semaphore, #tpu.memory_space<semaphore_mem>>) src(%dma_wait3A_300 : memref<8x128xf32, #tpu.memory_space<hbm>>) dst(%dma_wait3A_296 : memref<8x128xf32, #tpu.memory_space<vmem>>)
      %ge3A = arith.constant 2 : i32
      %ge3A_301 = arith.cmpi sge, %add3A_220, %ge3A : i32
      %convert_element_type3A_302 = arith.extui %ge3A_301 : i1 to i32
      %cond3A_303 = arith.constant 0 : i32
      %cond3A_304 = arith.cmpi ne, %convert_element_type3A_302, %cond3A_303 : i32
      scf.if %cond3A_304 {
        %dma_wait3A_449 = arith.constant 0 : i32
        %dma_wait3A_450 = arith.constant 0 : i32
        %dma_wait3A_451 = arith.constant 0 : i32
        %dma_wait3A_452 = tpu.memref_slice %arg5[%dma_wait3A_449, %dma_wait3A_450, %dma_wait3A_451] : memref<2x128x33xf32, #tpu.memory_space<vmem>> -> memref<1x128x32xf32, #tpu.memory_space<vmem>>
        %dma_wait3A_453 = tpu.memref_squeeze %dma_wait3A_452 : memref<1x128x32xf32, #tpu.memory_space<vmem>> -> memref<128x32xf32, #tpu.memory_space<vmem>>
        %dma_wait3A_454 = arith.constant 0 : i32
        %dma_wait3A_455 = arith.constant 0 : i32
        %dma_wait3A_456 = tpu.memref_slice %arg3[%dma_wait3A_454, %dma_wait3A_455] : memref<1000064x32xf32, #tpu.memory_space<hbm>> -> memref<128x32xf32, #tpu.memory_space<hbm>>
        %dma_wait3A_457 = arith.constant 0 : i32
        %dma_wait3A_458 = arith.constant 0 : i32
        %dma_wait3A_459 = tpu.memref_slice %arg3[%dma_wait3A_457, %dma_wait3A_458] : memref<1000064x32xf32, #tpu.memory_space<hbm>> -> memref<128x32xf32, #tpu.memory_space<hbm>>
        %dma_wait3A_460 = arith.constant 0 : i32
        %dma_wait3A_461 = arith.constant 0 : i32
        %dma_wait3A_462 = tpu.memref_slice %arg5[%dma_wait3A_449, %dma_wait3A_460, %dma_wait3A_461] : memref<2x128x33xf32, #tpu.memory_space<vmem>> -> memref<1x128x32xf32, #tpu.memory_space<vmem>>
        %dma_wait3A_463 = tpu.memref_squeeze %dma_wait3A_462 : memref<1x128x32xf32, #tpu.memory_space<vmem>> -> memref<128x32xf32, #tpu.memory_space<vmem>>
        tpu.wait_dma2 semaphore(%arg8 : memref<!tpu.dma_semaphore, #tpu.memory_space<semaphore_mem>>) src(%dma_wait3A_463 : memref<128x32xf32, #tpu.memory_space<vmem>>) dst(%dma_wait3A_459 : memref<128x32xf32, #tpu.memory_space<hbm>>)
      } else {
      }
      %parallel_loop3A = arith.constant 0 : i32
      %parallel_loop3A_305 = arith.constant 32 : i32
      %parallel_loop3A_306 = arith.constant 1 : i32
      scf.for %parallel_loop3A_449 = %parallel_loop3A to %parallel_loop3A_305 step %parallel_loop3A_306  : i32 {
        %parallel_loop3A_450 = vector.broadcast %parallel_loop3A_449 : i32 to vector<16xi32>
        %parallel_loop3A_451 = arith.constant 8 : i32
        %parallel_loop3A_452 = arith.divsi %parallel_loop3A_449, %parallel_loop3A_451 : i32
        %parallel_loop3A_453 = arith.constant 0 : i32
        %parallel_loop3A_454 = arith.cmpi sgt, %parallel_loop3A_449, %parallel_loop3A_453 : i32
        %parallel_loop3A_455 = arith.extui %parallel_loop3A_454 : i1 to i32
        %parallel_loop3A_456 = arith.constant 0 : i32
        %parallel_loop3A_457 = arith.cmpi slt, %parallel_loop3A_449, %parallel_loop3A_456 : i32
        %parallel_loop3A_458 = arith.extui %parallel_loop3A_457 : i1 to i32
        %parallel_loop3A_459 = arith.subi %parallel_loop3A_455, %parallel_loop3A_458 : i32
        %parallel_loop3A_460 = arith.constant 0 : i32
        %parallel_loop3A_461 = arith.cmpi sgt, %parallel_loop3A_451, %parallel_loop3A_460 : i32
        %parallel_loop3A_462 = arith.extui %parallel_loop3A_461 : i1 to i32
        %parallel_loop3A_463 = arith.constant 0 : i32
        %parallel_loop3A_464 = arith.cmpi slt, %parallel_loop3A_451, %parallel_loop3A_463 : i32
        %parallel_loop3A_465 = arith.extui %parallel_loop3A_464 : i1 to i32
        %parallel_loop3A_466 = arith.subi %parallel_loop3A_462, %parallel_loop3A_465 : i32
        %parallel_loop3A_467 = arith.cmpi ne, %parallel_loop3A_459, %parallel_loop3A_466 : i32
        %parallel_loop3A_468 = arith.remsi %parallel_loop3A_449, %parallel_loop3A_451 : i32
        %parallel_loop3A_469 = arith.constant 0 : i32
        %parallel_loop3A_470 = arith.cmpi ne, %parallel_loop3A_468, %parallel_loop3A_469 : i32
        %parallel_loop3A_471 = arith.andi %parallel_loop3A_467, %parallel_loop3A_470 : i1
        %parallel_loop3A_472 = arith.constant 1 : i32
        %parallel_loop3A_473 = arith.subi %parallel_loop3A_452, %parallel_loop3A_472 : i32
        %parallel_loop3A_474 = arith.select %parallel_loop3A_471, %parallel_loop3A_473, %parallel_loop3A_452 : i32
        %parallel_loop3A_475 = arith.constant 8 : i32
        %parallel_loop3A_476 = arith.constant 0 : i32
        %parallel_loop3A_477 = arith.cmpi eq, %parallel_loop3A_475, %parallel_loop3A_476 : i32
        %parallel_loop3A_478 = arith.constant 1 : i32
        %parallel_loop3A_479 = arith.select %parallel_loop3A_477, %parallel_loop3A_478, %parallel_loop3A_475 : i32
        %parallel_loop3A_480 = arith.remsi %parallel_loop3A_449, %parallel_loop3A_479 : i32
        %parallel_loop3A_481 = arith.constant 0 : i32
        %parallel_loop3A_482 = arith.cmpi ne, %parallel_loop3A_480, %parallel_loop3A_481 : i32
        %parallel_loop3A_483 = arith.constant 0 : i32
        %parallel_loop3A_484 = arith.cmpi slt, %parallel_loop3A_480, %parallel_loop3A_483 : i32
        %parallel_loop3A_485 = arith.constant 0 : i32
        %parallel_loop3A_486 = arith.cmpi slt, %parallel_loop3A_479, %parallel_loop3A_485 : i32
        %parallel_loop3A_487 = arith.xori %parallel_loop3A_484, %parallel_loop3A_486 : i1
        %parallel_loop3A_488 = arith.andi %parallel_loop3A_487, %parallel_loop3A_482 : i1
        %parallel_loop3A_489 = arith.addi %parallel_loop3A_480, %parallel_loop3A_479 : i32
        %parallel_loop3A_490 = arith.select %parallel_loop3A_488, %parallel_loop3A_489, %parallel_loop3A_480 : i32
        %parallel_loop3A_491 = arith.constant 0 : i32
        %parallel_loop3A_492 = arith.index_cast %parallel_loop3A_491 : i32 to index
        %parallel_loop3A_493 = arith.index_cast %parallel_loop3A_474 : i32 to index
        %parallel_loop3A_494 = arith.index_cast %parallel_loop3A_490 : i32 to index
        %parallel_loop3A_495 = arith.constant 0 : index
        %parallel_loop3A_496 = tpu.vector_load %arg4[%parallel_loop3A_492, %parallel_loop3A_493, %parallel_loop3A_494, %parallel_loop3A_495] {strides = array<i32>} : memref<2x4x8x128xf32, #tpu.memory_space<vmem>>, vector<16xf32>,
        %parallel_loop3A_497 = arith.constant 0 : i32
        %parallel_loop3A_498 = arith.constant 0 : i32
        %parallel_loop3A_499 = arith.constant 0 : i32
        %parallel_loop3A_500 = tpu.memref_slice %arg5[%parallel_loop3A_497, %parallel_loop3A_498, %parallel_loop3A_499] : memref<2x128x33xf32, #tpu.memory_space<vmem>> -> memref<1x128x33xf32, #tpu.memory_space<vmem>>
        %parallel_loop3A_501 = tpu.memref_squeeze %parallel_loop3A_500 : memref<1x128x33xf32, #tpu.memory_space<vmem>> -> memref<128x33xf32, #tpu.memory_space<vmem>>
        tpu.vector_store_idx %parallel_loop3A_501[%add3A_3, %parallel_loop3A_450], %parallel_loop3A_496 : memref<128x33xf32, #tpu.memory_space<vmem>>[vector<16xi32>, vector<16xi32>], vector<16xf32>,
        %parallel_loop3A_502 = arith.constant 0 : i32
        %parallel_loop3A_503 = arith.index_cast %parallel_loop3A_502 : i32 to index
        %parallel_loop3A_504 = arith.index_cast %parallel_loop3A_474 : i32 to index
        %parallel_loop3A_505 = arith.index_cast %parallel_loop3A_490 : i32 to index
        %parallel_loop3A_506 = arith.constant 16 : index
        %parallel_loop3A_507 = tpu.vector_load %arg4[%parallel_loop3A_503, %parallel_loop3A_504, %parallel_loop3A_505, %parallel_loop3A_506] {strides = array<i32>} : memref<2x4x8x128xf32, #tpu.memory_space<vmem>>, vector<16xf32>,
        %parallel_loop3A_508 = arith.constant 0 : i32
        %parallel_loop3A_509 = arith.constant 0 : i32
        %parallel_loop3A_510 = arith.constant 0 : i32
        %parallel_loop3A_511 = tpu.memref_slice %arg5[%parallel_loop3A_508, %parallel_loop3A_509, %parallel_loop3A_510] : memref<2x128x33xf32, #tpu.memory_space<vmem>> -> memref<1x128x33xf32, #tpu.memory_space<vmem>>
        %parallel_loop3A_512 = tpu.memref_squeeze %parallel_loop3A_511 : memref<1x128x33xf32, #tpu.memory_space<vmem>> -> memref<128x33xf32, #tpu.memory_space<vmem>>
        tpu.vector_store_idx %parallel_loop3A_512[%add3A_6, %parallel_loop3A_450], %parallel_loop3A_507 : memref<128x33xf32, #tpu.memory_space<vmem>>[vector<16xi32>, vector<16xi32>], vector<16xf32>,
        %parallel_loop3A_513 = arith.constant 0 : i32
        %parallel_loop3A_514 = arith.index_cast %parallel_loop3A_513 : i32 to index
        %parallel_loop3A_515 = arith.index_cast %parallel_loop3A_474 : i32 to index
        %parallel_loop3A_516 = arith.index_cast %parallel_loop3A_490 : i32 to index
        %parallel_loop3A_517 = arith.constant 32 : index
        %parallel_loop3A_518 = tpu.vector_load %arg4[%parallel_loop3A_514, %parallel_loop3A_515, %parallel_loop3A_516, %parallel_loop3A_517] {strides = array<i32>} : memref<2x4x8x128xf32, #tpu.memory_space<vmem>>, vector<16xf32>,
        %parallel_loop3A_519 = arith.constant 0 : i32
        %parallel_loop3A_520 = arith.constant 0 : i32
        %parallel_loop3A_521 = arith.constant 0 : i32
        %parallel_loop3A_522 = tpu.memref_slice %arg5[%parallel_loop3A_519, %parallel_loop3A_520, %parallel_loop3A_521] : memref<2x128x33xf32, #tpu.memory_space<vmem>> -> memref<1x128x33xf32, #tpu.memory_space<vmem>>
        %parallel_loop3A_523 = tpu.memref_squeeze %parallel_loop3A_522 : memref<1x128x33xf32, #tpu.memory_space<vmem>> -> memref<128x33xf32, #tpu.memory_space<vmem>>
        tpu.vector_store_idx %parallel_loop3A_523[%add3A_9, %parallel_loop3A_450], %parallel_loop3A_518 : memref<128x33xf32, #tpu.memory_space<vmem>>[vector<16xi32>, vector<16xi32>], vector<16xf32>,
        %parallel_loop3A_524 = arith.constant 0 : i32
        %parallel_loop3A_525 = arith.index_cast %parallel_loop3A_524 : i32 to index
        %parallel_loop3A_526 = arith.index_cast %parallel_loop3A_474 : i32 to index
        %parallel_loop3A_527 = arith.index_cast %parallel_loop3A_490 : i32 to index
        %parallel_loop3A_528 = arith.constant 48 : index
        %parallel_loop3A_529 = tpu.vector_load %arg4[%parallel_loop3A_525, %parallel_loop3A_526, %parallel_loop3A_527, %parallel_loop3A_528] {strides = array<i32>} : memref<2x4x8x128xf32, #tpu.memory_space<vmem>>, vector<16xf32>,
        %parallel_loop3A_530 = arith.constant 0 : i32
        %parallel_loop3A_531 = arith.constant 0 : i32
        %parallel_loop3A_532 = arith.constant 0 : i32
        %parallel_loop3A_533 = tpu.memref_slice %arg5[%parallel_loop3A_530, %parallel_loop3A_531, %parallel_loop3A_532] : memref<2x128x33xf32, #tpu.memory_space<vmem>> -> memref<1x128x33xf32, #tpu.memory_space<vmem>>
        %parallel_loop3A_534 = tpu.memref_squeeze %parallel_loop3A_533 : memref<1x128x33xf32, #tpu.memory_space<vmem>> -> memref<128x33xf32, #tpu.memory_space<vmem>>
        tpu.vector_store_idx %parallel_loop3A_534[%add3A_12, %parallel_loop3A_450], %parallel_loop3A_529 : memref<128x33xf32, #tpu.memory_space<vmem>>[vector<16xi32>, vector<16xi32>], vector<16xf32>,
        %parallel_loop3A_535 = arith.constant 0 : i32
        %parallel_loop3A_536 = arith.index_cast %parallel_loop3A_535 : i32 to index
        %parallel_loop3A_537 = arith.index_cast %parallel_loop3A_474 : i32 to index
        %parallel_loop3A_538 = arith.index_cast %parallel_loop3A_490 : i32 to index
        %parallel_loop3A_539 = arith.constant 64 : index
        %parallel_loop3A_540 = tpu.vector_load %arg4[%parallel_loop3A_536, %parallel_loop3A_537, %parallel_loop3A_538, %parallel_loop3A_539] {strides = array<i32>} : memref<2x4x8x128xf32, #tpu.memory_space<vmem>>, vector<16xf32>,
        %parallel_loop3A_541 = arith.constant 0 : i32
        %parallel_loop3A_542 = arith.constant 0 : i32
        %parallel_loop3A_543 = arith.constant 0 : i32
        %parallel_loop3A_544 = tpu.memref_slice %arg5[%parallel_loop3A_541, %parallel_loop3A_542, %parallel_loop3A_543] : memref<2x128x33xf32, #tpu.memory_space<vmem>> -> memref<1x128x33xf32, #tpu.memory_space<vmem>>
        %parallel_loop3A_545 = tpu.memref_squeeze %parallel_loop3A_544 : memref<1x128x33xf32, #tpu.memory_space<vmem>> -> memref<128x33xf32, #tpu.memory_space<vmem>>
        tpu.vector_store_idx %parallel_loop3A_545[%add3A_15, %parallel_loop3A_450], %parallel_loop3A_540 : memref<128x33xf32, #tpu.memory_space<vmem>>[vector<16xi32>, vector<16xi32>], vector<16xf32>,
        %parallel_loop3A_546 = arith.constant 0 : i32
        %parallel_loop3A_547 = arith.index_cast %parallel_loop3A_546 : i32 to index
        %parallel_loop3A_548 = arith.index_cast %parallel_loop3A_474 : i32 to index
        %parallel_loop3A_549 = arith.index_cast %parallel_loop3A_490 : i32 to index
        %parallel_loop3A_550 = arith.constant 80 : index
        %parallel_loop3A_551 = tpu.vector_load %arg4[%parallel_loop3A_547, %parallel_loop3A_548, %parallel_loop3A_549, %parallel_loop3A_550] {strides = array<i32>} : memref<2x4x8x128xf32, #tpu.memory_space<vmem>>, vector<16xf32>,
        %parallel_loop3A_552 = arith.constant 0 : i32
        %parallel_loop3A_553 = arith.constant 0 : i32
        %parallel_loop3A_554 = arith.constant 0 : i32
        %parallel_loop3A_555 = tpu.memref_slice %arg5[%parallel_loop3A_552, %parallel_loop3A_553, %parallel_loop3A_554] : memref<2x128x33xf32, #tpu.memory_space<vmem>> -> memref<1x128x33xf32, #tpu.memory_space<vmem>>
        %parallel_loop3A_556 = tpu.memref_squeeze %parallel_loop3A_555 : memref<1x128x33xf32, #tpu.memory_space<vmem>> -> memref<128x33xf32, #tpu.memory_space<vmem>>
        tpu.vector_store_idx %parallel_loop3A_556[%add3A_18, %parallel_loop3A_450], %parallel_loop3A_551 : memref<128x33xf32, #tpu.memory_space<vmem>>[vector<16xi32>, vector<16xi32>], vector<16xf32>,
        %parallel_loop3A_557 = arith.constant 0 : i32
        %parallel_loop3A_558 = arith.index_cast %parallel_loop3A_557 : i32 to index
        %parallel_loop3A_559 = arith.index_cast %parallel_loop3A_474 : i32 to index
        %parallel_loop3A_560 = arith.index_cast %parallel_loop3A_490 : i32 to index
        %parallel_loop3A_561 = arith.constant 96 : index
        %parallel_loop3A_562 = tpu.vector_load %arg4[%parallel_loop3A_558, %parallel_loop3A_559, %parallel_loop3A_560, %parallel_loop3A_561] {strides = array<i32>} : memref<2x4x8x128xf32, #tpu.memory_space<vmem>>, vector<16xf32>,
        %parallel_loop3A_563 = arith.constant 0 : i32
        %parallel_loop3A_564 = arith.constant 0 : i32
        %parallel_loop3A_565 = arith.constant 0 : i32
        %parallel_loop3A_566 = tpu.memref_slice %arg5[%parallel_loop3A_563, %parallel_loop3A_564, %parallel_loop3A_565] : memref<2x128x33xf32, #tpu.memory_space<vmem>> -> memref<1x128x33xf32, #tpu.memory_space<vmem>>
        %parallel_loop3A_567 = tpu.memref_squeeze %parallel_loop3A_566 : memref<1x128x33xf32, #tpu.memory_space<vmem>> -> memref<128x33xf32, #tpu.memory_space<vmem>>
        tpu.vector_store_idx %parallel_loop3A_567[%add3A_21, %parallel_loop3A_450], %parallel_loop3A_562 : memref<128x33xf32, #tpu.memory_space<vmem>>[vector<16xi32>, vector<16xi32>], vector<16xf32>,
        %parallel_loop3A_568 = arith.constant 0 : i32
        %parallel_loop3A_569 = arith.index_cast %parallel_loop3A_568 : i32 to index
        %parallel_loop3A_570 = arith.index_cast %parallel_loop3A_474 : i32 to index
        %parallel_loop3A_571 = arith.index_cast %parallel_loop3A_490 : i32 to index
        %parallel_loop3A_572 = arith.constant 112 : index
        %parallel_loop3A_573 = tpu.vector_load %arg4[%parallel_loop3A_569, %parallel_loop3A_570, %parallel_loop3A_571, %parallel_loop3A_572] {strides = array<i32>} : memref<2x4x8x128xf32, #tpu.memory_space<vmem>>, vector<16xf32>,
        %parallel_loop3A_574 = arith.constant 0 : i32
        %parallel_loop3A_575 = arith.constant 0 : i32
        %parallel_loop3A_576 = arith.constant 0 : i32
        %parallel_loop3A_577 = tpu.memref_slice %arg5[%parallel_loop3A_574, %parallel_loop3A_575, %parallel_loop3A_576] : memref<2x128x33xf32, #tpu.memory_space<vmem>> -> memref<1x128x33xf32, #tpu.memory_space<vmem>>
        %parallel_loop3A_578 = tpu.memref_squeeze %parallel_loop3A_577 : memref<1x128x33xf32, #tpu.memory_space<vmem>> -> memref<128x33xf32, #tpu.memory_space<vmem>>
        tpu.vector_store_idx %parallel_loop3A_578[%add3A_24, %parallel_loop3A_450], %parallel_loop3A_573 : memref<128x33xf32, #tpu.memory_space<vmem>>[vector<16xi32>, vector<16xi32>], vector<16xf32>,
      } {sc.loop_unroll_factor = 4 : i64, sc.parallel_access}
      %add3A_307 = arith.constant 2 : i32
      %add3A_308 = arith.addi %add3A_220, %add3A_307 : i32
      %lt3A_309 = arith.constant 244 : i32
      %lt3A_310 = arith.cmpi slt, %add3A_308, %lt3A_309 : i32
      %convert_element_type3A_311 = arith.extui %lt3A_310 : i1 to i32
      %cond3A_312 = arith.constant 0 : i32
      %cond3A_313 = arith.cmpi ne, %convert_element_type3A_311, %cond3A_312 : i32
      scf.if %cond3A_313 {
        %add3A_449 = arith.constant 2 : i32
        %add3A_450 = arith.addi %add3A_220, %add3A_449 : i32
        %mul3A_451 = arith.constant 32 : i32
        %mul3A_452 = arith.muli %add3A_450, %mul3A_451 : i32
        %add3A_453 = arith.addi %add3A, %mul3A_452 : i32
        %dma_start3A_454 = arith.constant 0 : i32
        %dma_start3A_455 = arith.constant 0 : i32
        %dma_start3A_456 = arith.constant 0 : i32
        %dma_start3A_457 = arith.constant 0 : i32
        %dma_start3A_458 = arith.constant 0 : i32
        %dma_start3A_459 = tpu.memref_slice %arg4[%dma_start3A_455, %dma_start3A_456, %dma_start3A_457, %dma_start3A_458] : memref<2x4x8x128xf32, #tpu.memory_space<vmem>> -> memref<1x1x8x128xf32, #tpu.memory_space<vmem>>
        %dma_start3A_460 = tpu.memref_squeeze %dma_start3A_459 : memref<1x1x8x128xf32, #tpu.memory_space<vmem>> -> memref<8x128xf32, #tpu.memory_space<vmem>>
        %dma_start3A_461 = arith.constant 0 : i32
        %dma_start3A_462 = arith.constant 0 : i32
        %dma_start3A_463 = tpu.memref_slice %arg2[%dma_start3A_454, %add3A_453, %dma_start3A_461, %dma_start3A_462] : memref<4x7813x8x128xf32, #tpu.memory_space<hbm>> -> memref<1x1x8x128xf32, #tpu.memory_space<hbm>>
        %dma_start3A_464 = tpu.memref_squeeze %dma_start3A_463 : memref<1x1x8x128xf32, #tpu.memory_space<hbm>> -> memref<8x128xf32, #tpu.memory_space<hbm>>
        %dma_start3A_465 = arith.constant 0 : i32
        %dma_start3A_466 = arith.constant 0 : i32
        %dma_start3A_467 = tpu.memref_slice %arg4[%dma_start3A_455, %dma_start3A_456, %dma_start3A_465, %dma_start3A_466] : memref<2x4x8x128xf32, #tpu.memory_space<vmem>> -> memref<1x1x8x128xf32, #tpu.memory_space<vmem>>
        %dma_start3A_468 = tpu.memref_squeeze %dma_start3A_467 : memref<1x1x8x128xf32, #tpu.memory_space<vmem>> -> memref<8x128xf32, #tpu.memory_space<vmem>>
        %dma_start3A_469 = arith.constant 0 : i32
        %dma_start3A_470 = arith.constant 0 : i32
        %dma_start3A_471 = tpu.memref_slice %arg2[%dma_start3A_454, %add3A_453, %dma_start3A_469, %dma_start3A_470] : memref<4x7813x8x128xf32, #tpu.memory_space<hbm>> -> memref<1x1x8x128xf32, #tpu.memory_space<hbm>>
        %dma_start3A_472 = tpu.memref_squeeze %dma_start3A_471 : memref<1x1x8x128xf32, #tpu.memory_space<hbm>> -> memref<8x128xf32, #tpu.memory_space<hbm>>
        tpu.enqueue_dma source(%dma_start3A_472 : memref<8x128xf32, #tpu.memory_space<hbm>>) target(%dma_start3A_468 : memref<8x128xf32, #tpu.memory_space<vmem>>) target_semaphore(%arg6 : memref<!tpu.dma_semaphore, #tpu.memory_space<semaphore_mem>>)
        %dma_start3A_473 = arith.constant 1 : i32
        %dma_start3A_474 = arith.constant 0 : i32
        %dma_start3A_475 = arith.constant 1 : i32
        %dma_start3A_476 = arith.constant 0 : i32
        %dma_start3A_477 = arith.constant 0 : i32
        %dma_start3A_478 = tpu.memref_slice %arg4[%dma_start3A_474, %dma_start3A_475, %dma_start3A_476, %dma_start3A_477] : memref<2x4x8x128xf32, #tpu.memory_space<vmem>> -> memref<1x1x8x128xf32, #tpu.memory_space<vmem>>
        %dma_start3A_479 = tpu.memref_squeeze %dma_start3A_478 : memref<1x1x8x128xf32, #tpu.memory_space<vmem>> -> memref<8x128xf32, #tpu.memory_space<vmem>>
        %dma_start3A_480 = arith.constant 0 : i32
        %dma_start3A_481 = arith.constant 0 : i32
        %dma_start3A_482 = tpu.memref_slice %arg2[%dma_start3A_473, %add3A_453, %dma_start3A_480, %dma_start3A_481] : memref<4x7813x8x128xf32, #tpu.memory_space<hbm>> -> memref<1x1x8x128xf32, #tpu.memory_space<hbm>>
        %dma_start3A_483 = tpu.memref_squeeze %dma_start3A_482 : memref<1x1x8x128xf32, #tpu.memory_space<hbm>> -> memref<8x128xf32, #tpu.memory_space<hbm>>
        %dma_start3A_484 = arith.constant 0 : i32
        %dma_start3A_485 = arith.constant 0 : i32
        %dma_start3A_486 = tpu.memref_slice %arg4[%dma_start3A_474, %dma_start3A_475, %dma_start3A_484, %dma_start3A_485] : memref<2x4x8x128xf32, #tpu.memory_space<vmem>> -> memref<1x1x8x128xf32, #tpu.memory_space<vmem>>
        %dma_start3A_487 = tpu.memref_squeeze %dma_start3A_486 : memref<1x1x8x128xf32, #tpu.memory_space<vmem>> -> memref<8x128xf32, #tpu.memory_space<vmem>>
        %dma_start3A_488 = arith.constant 0 : i32
        %dma_start3A_489 = arith.constant 0 : i32
        %dma_start3A_490 = tpu.memref_slice %arg2[%dma_start3A_473, %add3A_453, %dma_start3A_488, %dma_start3A_489] : memref<4x7813x8x128xf32, #tpu.memory_space<hbm>> -> memref<1x1x8x128xf32, #tpu.memory_space<hbm>>
        %dma_start3A_491 = tpu.memref_squeeze %dma_start3A_490 : memref<1x1x8x128xf32, #tpu.memory_space<hbm>> -> memref<8x128xf32, #tpu.memory_space<hbm>>
        tpu.enqueue_dma source(%dma_start3A_491 : memref<8x128xf32, #tpu.memory_space<hbm>>) target(%dma_start3A_487 : memref<8x128xf32, #tpu.memory_space<vmem>>) target_semaphore(%arg6 : memref<!tpu.dma_semaphore, #tpu.memory_space<semaphore_mem>>)
        %dma_start3A_492 = arith.constant 2 : i32
        %dma_start3A_493 = arith.constant 0 : i32
        %dma_start3A_494 = arith.constant 2 : i32
        %dma_start3A_495 = arith.constant 0 : i32
        %dma_start3A_496 = arith.constant 0 : i32
        %dma_start3A_497 = tpu.memref_slice %arg4[%dma_start3A_493, %dma_start3A_494, %dma_start3A_495, %dma_start3A_496] : memref<2x4x8x128xf32, #tpu.memory_space<vmem>> -> memref<1x1x8x128xf32, #tpu.memory_space<vmem>>
        %dma_start3A_498 = tpu.memref_squeeze %dma_start3A_497 : memref<1x1x8x128xf32, #tpu.memory_space<vmem>> -> memref<8x128xf32, #tpu.memory_space<vmem>>
        %dma_start3A_499 = arith.constant 0 : i32
        %dma_start3A_500 = arith.constant 0 : i32
        %dma_start3A_501 = tpu.memref_slice %arg2[%dma_start3A_492, %add3A_453, %dma_start3A_499, %dma_start3A_500] : memref<4x7813x8x128xf32, #tpu.memory_space<hbm>> -> memref<1x1x8x128xf32, #tpu.memory_space<hbm>>
        %dma_start3A_502 = tpu.memref_squeeze %dma_start3A_501 : memref<1x1x8x128xf32, #tpu.memory_space<hbm>> -> memref<8x128xf32, #tpu.memory_space<hbm>>
        %dma_start3A_503 = arith.constant 0 : i32
        %dma_start3A_504 = arith.constant 0 : i32
        %dma_start3A_505 = tpu.memref_slice %arg4[%dma_start3A_493, %dma_start3A_494, %dma_start3A_503, %dma_start3A_504] : memref<2x4x8x128xf32, #tpu.memory_space<vmem>> -> memref<1x1x8x128xf32, #tpu.memory_space<vmem>>
        %dma_start3A_506 = tpu.memref_squeeze %dma_start3A_505 : memref<1x1x8x128xf32, #tpu.memory_space<vmem>> -> memref<8x128xf32, #tpu.memory_space<vmem>>
        %dma_start3A_507 = arith.constant 0 : i32
        %dma_start3A_508 = arith.constant 0 : i32
        %dma_start3A_509 = tpu.memref_slice %arg2[%dma_start3A_492, %add3A_453, %dma_start3A_507, %dma_start3A_508] : memref<4x7813x8x128xf32, #tpu.memory_space<hbm>> -> memref<1x1x8x128xf32, #tpu.memory_space<hbm>>
        %dma_start3A_510 = tpu.memref_squeeze %dma_start3A_509 : memref<1x1x8x128xf32, #tpu.memory_space<hbm>> -> memref<8x128xf32, #tpu.memory_space<hbm>>
        tpu.enqueue_dma source(%dma_start3A_510 : memref<8x128xf32, #tpu.memory_space<hbm>>) target(%dma_start3A_506 : memref<8x128xf32, #tpu.memory_space<vmem>>) target_semaphore(%arg6 : memref<!tpu.dma_semaphore, #tpu.memory_space<semaphore_mem>>)
        %dma_start3A_511 = arith.constant 3 : i32
        %dma_start3A_512 = arith.constant 0 : i32
        %dma_start3A_513 = arith.constant 3 : i32
        %dma_start3A_514 = arith.constant 0 : i32
        %dma_start3A_515 = arith.constant 0 : i32
        %dma_start3A_516 = tpu.memref_slice %arg4[%dma_start3A_512, %dma_start3A_513, %dma_start3A_514, %dma_start3A_515] : memref<2x4x8x128xf32, #tpu.memory_space<vmem>> -> memref<1x1x8x128xf32, #tpu.memory_space<vmem>>
        %dma_start3A_517 = tpu.memref_squeeze %dma_start3A_516 : memref<1x1x8x128xf32, #tpu.memory_space<vmem>> -> memref<8x128xf32, #tpu.memory_space<vmem>>
        %dma_start3A_518 = arith.constant 0 : i32
        %dma_start3A_519 = arith.constant 0 : i32
        %dma_start3A_520 = tpu.memref_slice %arg2[%dma_start3A_511, %add3A_453, %dma_start3A_518, %dma_start3A_519] : memref<4x7813x8x128xf32, #tpu.memory_space<hbm>> -> memref<1x1x8x128xf32, #tpu.memory_space<hbm>>
        %dma_start3A_521 = tpu.memref_squeeze %dma_start3A_520 : memref<1x1x8x128xf32, #tpu.memory_space<hbm>> -> memref<8x128xf32, #tpu.memory_space<hbm>>
        %dma_start3A_522 = arith.constant 0 : i32
        %dma_start3A_523 = arith.constant 0 : i32
        %dma_start3A_524 = tpu.memref_slice %arg4[%dma_start3A_512, %dma_start3A_513, %dma_start3A_522, %dma_start3A_523] : memref<2x4x8x128xf32, #tpu.memory_space<vmem>> -> memref<1x1x8x128xf32, #tpu.memory_space<vmem>>
        %dma_start3A_525 = tpu.memref_squeeze %dma_start3A_524 : memref<1x1x8x128xf32, #tpu.memory_space<vmem>> -> memref<8x128xf32, #tpu.memory_space<vmem>>
        %dma_start3A_526 = arith.constant 0 : i32
        %dma_start3A_527 = arith.constant 0 : i32
        %dma_start3A_528 = tpu.memref_slice %arg2[%dma_start3A_511, %add3A_453, %dma_start3A_526, %dma_start3A_527] : memref<4x7813x8x128xf32, #tpu.memory_space<hbm>> -> memref<1x1x8x128xf32, #tpu.memory_space<hbm>>
        %dma_start3A_529 = tpu.memref_squeeze %dma_start3A_528 : memref<1x1x8x128xf32, #tpu.memory_space<hbm>> -> memref<8x128xf32, #tpu.memory_space<hbm>>
        tpu.enqueue_dma source(%dma_start3A_529 : memref<8x128xf32, #tpu.memory_space<hbm>>) target(%dma_start3A_525 : memref<8x128xf32, #tpu.memory_space<vmem>>) target_semaphore(%arg6 : memref<!tpu.dma_semaphore, #tpu.memory_space<semaphore_mem>>)
      } else {
      }
      %mul3A_314 = arith.constant 32 : i32
      %mul3A_315 = arith.muli %add3A_220, %mul3A_314 : i32
      %add3A_316 = arith.addi %add3A, %mul3A_315 : i32
      %mul3A_317 = arith.constant 128 : i32
      %mul3A_318 = arith.muli %add3A_316, %mul3A_317 : i32
      %dma_start3A_319 = arith.constant 0 : i32
      %dma_start3A_320 = arith.constant 0 : i32
      %dma_start3A_321 = arith.constant 0 : i32
      %dma_start3A_322 = tpu.memref_slice %arg5[%dma_start3A_319, %dma_start3A_320, %dma_start3A_321] : memref<2x128x33xf32, #tpu.memory_space<vmem>> -> memref<1x128x32xf32, #tpu.memory_space<vmem>>
      %dma_start3A_323 = tpu.memref_squeeze %dma_start3A_322 : memref<1x128x32xf32, #tpu.memory_space<vmem>> -> memref<128x32xf32, #tpu.memory_space<vmem>>
      %dma_start3A_324 = arith.constant 0 : i32
      %dma_start3A_325 = tpu.memref_slice %arg3[%mul3A_318, %dma_start3A_324] : memref<1000064x32xf32, #tpu.memory_space<hbm>> -> memref<128x32xf32, #tpu.memory_space<hbm>>
      %dma_start3A_326 = arith.constant 0 : i32
      %dma_start3A_327 = tpu.memref_slice %arg3[%mul3A_318, %dma_start3A_326] : memref<1000064x32xf32, #tpu.memory_space<hbm>> -> memref<128x32xf32, #tpu.memory_space<hbm>>
      %dma_start3A_328 = arith.constant 0 : i32
      %dma_start3A_329 = arith.constant 0 : i32
      %dma_start3A_330 = tpu.memref_slice %arg5[%dma_start3A_319, %dma_start3A_328, %dma_start3A_329] : memref<2x128x33xf32, #tpu.memory_space<vmem>> -> memref<1x128x32xf32, #tpu.memory_space<vmem>>
      %dma_start3A_331 = tpu.memref_squeeze %dma_start3A_330 : memref<1x128x32xf32, #tpu.memory_space<vmem>> -> memref<128x32xf32, #tpu.memory_space<vmem>>
      tpu.enqueue_dma source(%dma_start3A_331 : memref<128x32xf32, #tpu.memory_space<vmem>>) target(%dma_start3A_327 : memref<128x32xf32, #tpu.memory_space<hbm>>) target_semaphore(%arg8 : memref<!tpu.dma_semaphore, #tpu.memory_space<semaphore_mem>>)
      %mul3A_332 = arith.constant 2 : i32
      %mul3A_333 = arith.muli %scan3A_216, %mul3A_332 : i32
      %add3A_334 = arith.constant 1 : i32
      %add3A_335 = arith.addi %mul3A_333, %add3A_334 : i32
      %dma_wait3A_336 = arith.constant 0 : i32
      %dma_wait3A_337 = arith.constant 0 : i32
      %dma_wait3A_338 = arith.constant 1 : i32
      %dma_wait3A_339 = arith.constant 0 : i32
      %dma_wait3A_340 = arith.constant 0 : i32
      %dma_wait3A_341 = arith.constant 0 : i32
      %dma_wait3A_342 = tpu.memref_slice %arg4[%dma_wait3A_338, %dma_wait3A_339, %dma_wait3A_340, %dma_wait3A_341] : memref<2x4x8x128xf32, #tpu.memory_space<vmem>> -> memref<1x1x8x128xf32, #tpu.memory_space<vmem>>
      %dma_wait3A_343 = tpu.memref_squeeze %dma_wait3A_342 : memref<1x1x8x128xf32, #tpu.memory_space<vmem>> -> memref<8x128xf32, #tpu.memory_space<vmem>>
      %dma_wait3A_344 = arith.constant 0 : i32
      %dma_wait3A_345 = arith.constant 0 : i32
      %dma_wait3A_346 = tpu.memref_slice %arg2[%dma_wait3A_336, %dma_wait3A_337, %dma_wait3A_344, %dma_wait3A_345] : memref<4x7813x8x128xf32, #tpu.memory_space<hbm>> -> memref<1x1x8x128xf32, #tpu.memory_space<hbm>>
      %dma_wait3A_347 = tpu.memref_squeeze %dma_wait3A_346 : memref<1x1x8x128xf32, #tpu.memory_space<hbm>> -> memref<8x128xf32, #tpu.memory_space<hbm>>
      %dma_wait3A_348 = arith.constant 0 : i32
      %dma_wait3A_349 = arith.constant 0 : i32
      %dma_wait3A_350 = tpu.memref_slice %arg4[%dma_wait3A_338, %dma_wait3A_339, %dma_wait3A_348, %dma_wait3A_349] : memref<2x4x8x128xf32, #tpu.memory_space<vmem>> -> memref<1x1x8x128xf32, #tpu.memory_space<vmem>>
      %dma_wait3A_351 = tpu.memref_squeeze %dma_wait3A_350 : memref<1x1x8x128xf32, #tpu.memory_space<vmem>> -> memref<8x128xf32, #tpu.memory_space<vmem>>
      %dma_wait3A_352 = arith.constant 0 : i32
      %dma_wait3A_353 = arith.constant 0 : i32
      %dma_wait3A_354 = tpu.memref_slice %arg2[%dma_wait3A_336, %dma_wait3A_337, %dma_wait3A_352, %dma_wait3A_353] : memref<4x7813x8x128xf32, #tpu.memory_space<hbm>> -> memref<1x1x8x128xf32, #tpu.memory_space<hbm>>
      %dma_wait3A_355 = tpu.memref_squeeze %dma_wait3A_354 : memref<1x1x8x128xf32, #tpu.memory_space<hbm>> -> memref<8x128xf32, #tpu.memory_space<hbm>>
      tpu.wait_dma2 semaphore(%arg7 : memref<!tpu.dma_semaphore, #tpu.memory_space<semaphore_mem>>) src(%dma_wait3A_355 : memref<8x128xf32, #tpu.memory_space<hbm>>) dst(%dma_wait3A_351 : memref<8x128xf32, #tpu.memory_space<vmem>>)
      %dma_wait3A_356 = arith.constant 0 : i32
      %dma_wait3A_357 = arith.constant 0 : i32
      %dma_wait3A_358 = arith.constant 1 : i32
      %dma_wait3A_359 = arith.constant 1 : i32
      %dma_wait3A_360 = arith.constant 0 : i32
      %dma_wait3A_361 = arith.constant 0 : i32
      %dma_wait3A_362 = tpu.memref_slice %arg4[%dma_wait3A_358, %dma_wait3A_359, %dma_wait3A_360, %dma_wait3A_361] : memref<2x4x8x128xf32, #tpu.memory_space<vmem>> -> memref<1x1x8x128xf32, #tpu.memory_space<vmem>>
      %dma_wait3A_363 = tpu.memref_squeeze %dma_wait3A_362 : memref<1x1x8x128xf32, #tpu.memory_space<vmem>> -> memref<8x128xf32, #tpu.memory_space<vmem>>
      %dma_wait3A_364 = arith.constant 0 : i32
      %dma_wait3A_365 = arith.constant 0 : i32
      %dma_wait3A_366 = tpu.memref_slice %arg2[%dma_wait3A_356, %dma_wait3A_357, %dma_wait3A_364, %dma_wait3A_365] : memref<4x7813x8x128xf32, #tpu.memory_space<hbm>> -> memref<1x1x8x128xf32, #tpu.memory_space<hbm>>
      %dma_wait3A_367 = tpu.memref_squeeze %dma_wait3A_366 : memref<1x1x8x128xf32, #tpu.memory_space<hbm>> -> memref<8x128xf32, #tpu.memory_space<hbm>>
      %dma_wait3A_368 = arith.constant 0 : i32
      %dma_wait3A_369 = arith.constant 0 : i32
      %dma_wait3A_370 = tpu.memref_slice %arg4[%dma_wait3A_358, %dma_wait3A_359, %dma_wait3A_368, %dma_wait3A_369] : memref<2x4x8x128xf32, #tpu.memory_space<vmem>> -> memref<1x1x8x128xf32, #tpu.memory_space<vmem>>
      %dma_wait3A_371 = tpu.memref_squeeze %dma_wait3A_370 : memref<1x1x8x128xf32, #tpu.memory_space<vmem>> -> memref<8x128xf32, #tpu.memory_space<vmem>>
      %dma_wait3A_372 = arith.constant 0 : i32
      %dma_wait3A_373 = arith.constant 0 : i32
      %dma_wait3A_374 = tpu.memref_slice %arg2[%dma_wait3A_356, %dma_wait3A_357, %dma_wait3A_372, %dma_wait3A_373] : memref<4x7813x8x128xf32, #tpu.memory_space<hbm>> -> memref<1x1x8x128xf32, #tpu.memory_space<hbm>>
      %dma_wait3A_375 = tpu.memref_squeeze %dma_wait3A_374 : memref<1x1x8x128xf32, #tpu.memory_space<hbm>> -> memref<8x128xf32, #tpu.memory_space<hbm>>
      tpu.wait_dma2 semaphore(%arg7 : memref<!tpu.dma_semaphore, #tpu.memory_space<semaphore_mem>>) src(%dma_wait3A_375 : memref<8x128xf32, #tpu.memory_space<hbm>>) dst(%dma_wait3A_371 : memref<8x128xf32, #tpu.memory_space<vmem>>)
      %dma_wait3A_376 = arith.constant 0 : i32
      %dma_wait3A_377 = arith.constant 0 : i32
      %dma_wait3A_378 = arith.constant 1 : i32
      %dma_wait3A_379 = arith.constant 2 : i32
      %dma_wait3A_380 = arith.constant 0 : i32
      %dma_wait3A_381 = arith.constant 0 : i32
      %dma_wait3A_382 = tpu.memref_slice %arg4[%dma_wait3A_378, %dma_wait3A_379, %dma_wait3A_380, %dma_wait3A_381] : memref<2x4x8x128xf32, #tpu.memory_space<vmem>> -> memref<1x1x8x128xf32, #tpu.memory_space<vmem>>
      %dma_wait3A_383 = tpu.memref_squeeze %dma_wait3A_382 : memref<1x1x8x128xf32, #tpu.memory_space<vmem>> -> memref<8x128xf32, #tpu.memory_space<vmem>>
      %dma_wait3A_384 = arith.constant 0 : i32
      %dma_wait3A_385 = arith.constant 0 : i32
      %dma_wait3A_386 = tpu.memref_slice %arg2[%dma_wait3A_376, %dma_wait3A_377, %dma_wait3A_384, %dma_wait3A_385] : memref<4x7813x8x128xf32, #tpu.memory_space<hbm>> -> memref<1x1x8x128xf32, #tpu.memory_space<hbm>>
      %dma_wait3A_387 = tpu.memref_squeeze %dma_wait3A_386 : memref<1x1x8x128xf32, #tpu.memory_space<hbm>> -> memref<8x128xf32, #tpu.memory_space<hbm>>
      %dma_wait3A_388 = arith.constant 0 : i32
      %dma_wait3A_389 = arith.constant 0 : i32
      %dma_wait3A_390 = tpu.memref_slice %arg4[%dma_wait3A_378, %dma_wait3A_379, %dma_wait3A_388, %dma_wait3A_389] : memref<2x4x8x128xf32, #tpu.memory_space<vmem>> -> memref<1x1x8x128xf32, #tpu.memory_space<vmem>>
      %dma_wait3A_391 = tpu.memref_squeeze %dma_wait3A_390 : memref<1x1x8x128xf32, #tpu.memory_space<vmem>> -> memref<8x128xf32, #tpu.memory_space<vmem>>
      %dma_wait3A_392 = arith.constant 0 : i32
      %dma_wait3A_393 = arith.constant 0 : i32
      %dma_wait3A_394 = tpu.memref_slice %arg2[%dma_wait3A_376, %dma_wait3A_377, %dma_wait3A_392, %dma_wait3A_393] : memref<4x7813x8x128xf32, #tpu.memory_space<hbm>> -> memref<1x1x8x128xf32, #tpu.memory_space<hbm>>
      %dma_wait3A_395 = tpu.memref_squeeze %dma_wait3A_394 : memref<1x1x8x128xf32, #tpu.memory_space<hbm>> -> memref<8x128xf32, #tpu.memory_space<hbm>>
      tpu.wait_dma2 semaphore(%arg7 : memref<!tpu.dma_semaphore, #tpu.memory_space<semaphore_mem>>) src(%dma_wait3A_395 : memref<8x128xf32, #tpu.memory_space<hbm>>) dst(%dma_wait3A_391 : memref<8x128xf32, #tpu.memory_space<vmem>>)
      %dma_wait3A_396 = arith.constant 0 : i32
      %dma_wait3A_397 = arith.constant 0 : i32
      %dma_wait3A_398 = arith.constant 1 : i32
      %dma_wait3A_399 = arith.constant 3 : i32
      %dma_wait3A_400 = arith.constant 0 : i32
      %dma_wait3A_401 = arith.constant 0 : i32
      %dma_wait3A_402 = tpu.memref_slice %arg4[%dma_wait3A_398, %dma_wait3A_399, %dma_wait3A_400, %dma_wait3A_401] : memref<2x4x8x128xf32, #tpu.memory_space<vmem>> -> memref<1x1x8x128xf32, #tpu.memory_space<vmem>>
      %dma_wait3A_403 = tpu.memref_squeeze %dma_wait3A_402 : memref<1x1x8x128xf32, #tpu.memory_space<vmem>> -> memref<8x128xf32, #tpu.memory_space<vmem>>
      %dma_wait3A_404 = arith.constant 0 : i32
      %dma_wait3A_405 = arith.constant 0 : i32
      %dma_wait3A_406 = tpu.memref_slice %arg2[%dma_wait3A_396, %dma_wait3A_397, %dma_wait3A_404, %dma_wait3A_405] : memref<4x7813x8x128xf32, #tpu.memory_space<hbm>> -> memref<1x1x8x128xf32, #tpu.memory_space<hbm>>
      %dma_wait3A_407 = tpu.memref_squeeze %dma_wait3A_406 : memref<1x1x8x128xf32, #tpu.memory_space<hbm>> -> memref<8x128xf32, #tpu.memory_space<hbm>>
      %dma_wait3A_408 = arith.constant 0 : i32
      %dma_wait3A_409 = arith.constant 0 : i32
      %dma_wait3A_410 = tpu.memref_slice %arg4[%dma_wait3A_398, %dma_wait3A_399, %dma_wait3A_408, %dma_wait3A_409] : memref<2x4x8x128xf32, #tpu.memory_space<vmem>> -> memref<1x1x8x128xf32, #tpu.memory_space<vmem>>
      %dma_wait3A_411 = tpu.memref_squeeze %dma_wait3A_410 : memref<1x1x8x128xf32, #tpu.memory_space<vmem>> -> memref<8x128xf32, #tpu.memory_space<vmem>>
      %dma_wait3A_412 = arith.constant 0 : i32
      %dma_wait3A_413 = arith.constant 0 : i32
      %dma_wait3A_414 = tpu.memref_slice %arg2[%dma_wait3A_396, %dma_wait3A_397, %dma_wait3A_412, %dma_wait3A_413] : memref<4x7813x8x128xf32, #tpu.memory_space<hbm>> -> memref<1x1x8x128xf32, #tpu.memory_space<hbm>>
      %dma_wait3A_415 = tpu.memref_squeeze %dma_wait3A_414 : memref<1x1x8x128xf32, #tpu.memory_space<hbm>> -> memref<8x128xf32, #tpu.memory_space<hbm>>
      tpu.wait_dma2 semaphore(%arg7 : memref<!tpu.dma_semaphore, #tpu.memory_space<semaphore_mem>>) src(%dma_wait3A_415 : memref<8x128xf32, #tpu.memory_space<hbm>>) dst(%dma_wait3A_411 : memref<8x128xf32, #tpu.memory_space<vmem>>)
      %ge3A_416 = arith.constant 2 : i32
      %ge3A_417 = arith.cmpi sge, %add3A_335, %ge3A_416 : i32
      %convert_element_type3A_418 = arith.extui %ge3A_417 : i1 to i32
      %cond3A_419 = arith.constant 0 : i32
      %cond3A_420 = arith.cmpi ne, %convert_element_type3A_418, %cond3A_419 : i32
      scf.if %cond3A_420 {
        %dma_wait3A_449 = arith.constant 1 : i32
        %dma_wait3A_450 = arith.constant 0 : i32
        %dma_wait3A_451 = arith.constant 0 : i32
        %dma_wait3A_452 = tpu.memref_slice %arg5[%dma_wait3A_449, %dma_wait3A_450, %dma_wait3A_451] : memref<2x128x33xf32, #tpu.memory_space<vmem>> -> memref<1x128x32xf32, #tpu.memory_space<vmem>>
        %dma_wait3A_453 = tpu.memref_squeeze %dma_wait3A_452 : memref<1x128x32xf32, #tpu.memory_space<vmem>> -> memref<128x32xf32, #tpu.memory_space<vmem>>
        %dma_wait3A_454 = arith.constant 0 : i32
        %dma_wait3A_455 = arith.constant 0 : i32
        %dma_wait3A_456 = tpu.memref_slice %arg3[%dma_wait3A_454, %dma_wait3A_455] : memref<1000064x32xf32, #tpu.memory_space<hbm>> -> memref<128x32xf32, #tpu.memory_space<hbm>>
        %dma_wait3A_457 = arith.constant 0 : i32
        %dma_wait3A_458 = arith.constant 0 : i32
        %dma_wait3A_459 = tpu.memref_slice %arg3[%dma_wait3A_457, %dma_wait3A_458] : memref<1000064x32xf32, #tpu.memory_space<hbm>> -> memref<128x32xf32, #tpu.memory_space<hbm>>
        %dma_wait3A_460 = arith.constant 0 : i32
        %dma_wait3A_461 = arith.constant 0 : i32
        %dma_wait3A_462 = tpu.memref_slice %arg5[%dma_wait3A_449, %dma_wait3A_460, %dma_wait3A_461] : memref<2x128x33xf32, #tpu.memory_space<vmem>> -> memref<1x128x32xf32, #tpu.memory_space<vmem>>
        %dma_wait3A_463 = tpu.memref_squeeze %dma_wait3A_462 : memref<1x128x32xf32, #tpu.memory_space<vmem>> -> memref<128x32xf32, #tpu.memory_space<vmem>>
        tpu.wait_dma2 semaphore(%arg9 : memref<!tpu.dma_semaphore, #tpu.memory_space<semaphore_mem>>) src(%dma_wait3A_463 : memref<128x32xf32, #tpu.memory_space<vmem>>) dst(%dma_wait3A_459 : memref<128x32xf32, #tpu.memory_space<hbm>>)
      } else {
      }
      %parallel_loop3A_421 = arith.constant 0 : i32
      %parallel_loop3A_422 = arith.constant 32 : i32
      %parallel_loop3A_423 = arith.constant 1 : i32
      scf.for %parallel_loop3A_449 = %parallel_loop3A_421 to %parallel_loop3A_422 step %parallel_loop3A_423  : i32 {
        %parallel_loop3A_450 = vector.broadcast %parallel_loop3A_449 : i32 to vector<16xi32>
        %parallel_loop3A_451 = arith.constant 8 : i32
        %parallel_loop3A_452 = arith.divsi %parallel_loop3A_449, %parallel_loop3A_451 : i32
        %parallel_loop3A_453 = arith.constant 0 : i32
        %parallel_loop3A_454 = arith.cmpi sgt, %parallel_loop3A_449, %parallel_loop3A_453 : i32
        %parallel_loop3A_455 = arith.extui %parallel_loop3A_454 : i1 to i32
        %parallel_loop3A_456 = arith.constant 0 : i32
        %parallel_loop3A_457 = arith.cmpi slt, %parallel_loop3A_449, %parallel_loop3A_456 : i32
        %parallel_loop3A_458 = arith.extui %parallel_loop3A_457 : i1 to i32
        %parallel_loop3A_459 = arith.subi %parallel_loop3A_455, %parallel_loop3A_458 : i32
        %parallel_loop3A_460 = arith.constant 0 : i32
        %parallel_loop3A_461 = arith.cmpi sgt, %parallel_loop3A_451, %parallel_loop3A_460 : i32
        %parallel_loop3A_462 = arith.extui %parallel_loop3A_461 : i1 to i32
        %parallel_loop3A_463 = arith.constant 0 : i32
        %parallel_loop3A_464 = arith.cmpi slt, %parallel_loop3A_451, %parallel_loop3A_463 : i32
        %parallel_loop3A_465 = arith.extui %parallel_loop3A_464 : i1 to i32
        %parallel_loop3A_466 = arith.subi %parallel_loop3A_462, %parallel_loop3A_465 : i32
        %parallel_loop3A_467 = arith.cmpi ne, %parallel_loop3A_459, %parallel_loop3A_466 : i32
        %parallel_loop3A_468 = arith.remsi %parallel_loop3A_449, %parallel_loop3A_451 : i32
        %parallel_loop3A_469 = arith.constant 0 : i32
        %parallel_loop3A_470 = arith.cmpi ne, %parallel_loop3A_468, %parallel_loop3A_469 : i32
        %parallel_loop3A_471 = arith.andi %parallel_loop3A_467, %parallel_loop3A_470 : i1
        %parallel_loop3A_472 = arith.constant 1 : i32
        %parallel_loop3A_473 = arith.subi %parallel_loop3A_452, %parallel_loop3A_472 : i32
        %parallel_loop3A_474 = arith.select %parallel_loop3A_471, %parallel_loop3A_473, %parallel_loop3A_452 : i32
        %parallel_loop3A_475 = arith.constant 8 : i32
        %parallel_loop3A_476 = arith.constant 0 : i32
        %parallel_loop3A_477 = arith.cmpi eq, %parallel_loop3A_475, %parallel_loop3A_476 : i32
        %parallel_loop3A_478 = arith.constant 1 : i32
        %parallel_loop3A_479 = arith.select %parallel_loop3A_477, %parallel_loop3A_478, %parallel_loop3A_475 : i32
        %parallel_loop3A_480 = arith.remsi %parallel_loop3A_449, %parallel_loop3A_479 : i32
        %parallel_loop3A_481 = arith.constant 0 : i32
        %parallel_loop3A_482 = arith.cmpi ne, %parallel_loop3A_480, %parallel_loop3A_481 : i32
        %parallel_loop3A_483 = arith.constant 0 : i32
        %parallel_loop3A_484 = arith.cmpi slt, %parallel_loop3A_480, %parallel_loop3A_483 : i32
        %parallel_loop3A_485 = arith.constant 0 : i32
        %parallel_loop3A_486 = arith.cmpi slt, %parallel_loop3A_479, %parallel_loop3A_485 : i32
        %parallel_loop3A_487 = arith.xori %parallel_loop3A_484, %parallel_loop3A_486 : i1
        %parallel_loop3A_488 = arith.andi %parallel_loop3A_487, %parallel_loop3A_482 : i1
        %parallel_loop3A_489 = arith.addi %parallel_loop3A_480, %parallel_loop3A_479 : i32
        %parallel_loop3A_490 = arith.select %parallel_loop3A_488, %parallel_loop3A_489, %parallel_loop3A_480 : i32
        %parallel_loop3A_491 = arith.constant 1 : i32
        %parallel_loop3A_492 = arith.index_cast %parallel_loop3A_491 : i32 to index
        %parallel_loop3A_493 = arith.index_cast %parallel_loop3A_474 : i32 to index
        %parallel_loop3A_494 = arith.index_cast %parallel_loop3A_490 : i32 to index
        %parallel_loop3A_495 = arith.constant 0 : index
        %parallel_loop3A_496 = tpu.vector_load %arg4[%parallel_loop3A_492, %parallel_loop3A_493, %parallel_loop3A_494, %parallel_loop3A_495] {strides = array<i32>} : memref<2x4x8x128xf32, #tpu.memory_space<vmem>>, vector<16xf32>,
        %parallel_loop3A_497 = arith.constant 1 : i32
        %parallel_loop3A_498 = arith.constant 0 : i32
        %parallel_loop3A_499 = arith.constant 0 : i32
        %parallel_loop3A_500 = tpu.memref_slice %arg5[%parallel_loop3A_497, %parallel_loop3A_498, %parallel_loop3A_499] : memref<2x128x33xf32, #tpu.memory_space<vmem>> -> memref<1x128x33xf32, #tpu.memory_space<vmem>>
        %parallel_loop3A_501 = tpu.memref_squeeze %parallel_loop3A_500 : memref<1x128x33xf32, #tpu.memory_space<vmem>> -> memref<128x33xf32, #tpu.memory_space<vmem>>
        tpu.vector_store_idx %parallel_loop3A_501[%add3A_3, %parallel_loop3A_450], %parallel_loop3A_496 : memref<128x33xf32, #tpu.memory_space<vmem>>[vector<16xi32>, vector<16xi32>], vector<16xf32>,
        %parallel_loop3A_502 = arith.constant 1 : i32
        %parallel_loop3A_503 = arith.index_cast %parallel_loop3A_502 : i32 to index
        %parallel_loop3A_504 = arith.index_cast %parallel_loop3A_474 : i32 to index
        %parallel_loop3A_505 = arith.index_cast %parallel_loop3A_490 : i32 to index
        %parallel_loop3A_506 = arith.constant 16 : index
        %parallel_loop3A_507 = tpu.vector_load %arg4[%parallel_loop3A_503, %parallel_loop3A_504, %parallel_loop3A_505, %parallel_loop3A_506] {strides = array<i32>} : memref<2x4x8x128xf32, #tpu.memory_space<vmem>>, vector<16xf32>,
        %parallel_loop3A_508 = arith.constant 1 : i32
        %parallel_loop3A_509 = arith.constant 0 : i32
        %parallel_loop3A_510 = arith.constant 0 : i32
        %parallel_loop3A_511 = tpu.memref_slice %arg5[%parallel_loop3A_508, %parallel_loop3A_509, %parallel_loop3A_510] : memref<2x128x33xf32, #tpu.memory_space<vmem>> -> memref<1x128x33xf32, #tpu.memory_space<vmem>>
        %parallel_loop3A_512 = tpu.memref_squeeze %parallel_loop3A_511 : memref<1x128x33xf32, #tpu.memory_space<vmem>> -> memref<128x33xf32, #tpu.memory_space<vmem>>
        tpu.vector_store_idx %parallel_loop3A_512[%add3A_6, %parallel_loop3A_450], %parallel_loop3A_507 : memref<128x33xf32, #tpu.memory_space<vmem>>[vector<16xi32>, vector<16xi32>], vector<16xf32>,
        %parallel_loop3A_513 = arith.constant 1 : i32
        %parallel_loop3A_514 = arith.index_cast %parallel_loop3A_513 : i32 to index
        %parallel_loop3A_515 = arith.index_cast %parallel_loop3A_474 : i32 to index
        %parallel_loop3A_516 = arith.index_cast %parallel_loop3A_490 : i32 to index
        %parallel_loop3A_517 = arith.constant 32 : index
        %parallel_loop3A_518 = tpu.vector_load %arg4[%parallel_loop3A_514, %parallel_loop3A_515, %parallel_loop3A_516, %parallel_loop3A_517] {strides = array<i32>} : memref<2x4x8x128xf32, #tpu.memory_space<vmem>>, vector<16xf32>,
        %parallel_loop3A_519 = arith.constant 1 : i32
        %parallel_loop3A_520 = arith.constant 0 : i32
        %parallel_loop3A_521 = arith.constant 0 : i32
        %parallel_loop3A_522 = tpu.memref_slice %arg5[%parallel_loop3A_519, %parallel_loop3A_520, %parallel_loop3A_521] : memref<2x128x33xf32, #tpu.memory_space<vmem>> -> memref<1x128x33xf32, #tpu.memory_space<vmem>>
        %parallel_loop3A_523 = tpu.memref_squeeze %parallel_loop3A_522 : memref<1x128x33xf32, #tpu.memory_space<vmem>> -> memref<128x33xf32, #tpu.memory_space<vmem>>
        tpu.vector_store_idx %parallel_loop3A_523[%add3A_9, %parallel_loop3A_450], %parallel_loop3A_518 : memref<128x33xf32, #tpu.memory_space<vmem>>[vector<16xi32>, vector<16xi32>], vector<16xf32>,
        %parallel_loop3A_524 = arith.constant 1 : i32
        %parallel_loop3A_525 = arith.index_cast %parallel_loop3A_524 : i32 to index
        %parallel_loop3A_526 = arith.index_cast %parallel_loop3A_474 : i32 to index
        %parallel_loop3A_527 = arith.index_cast %parallel_loop3A_490 : i32 to index
        %parallel_loop3A_528 = arith.constant 48 : index
        %parallel_loop3A_529 = tpu.vector_load %arg4[%parallel_loop3A_525, %parallel_loop3A_526, %parallel_loop3A_527, %parallel_loop3A_528] {strides = array<i32>} : memref<2x4x8x128xf32, #tpu.memory_space<vmem>>, vector<16xf32>,
        %parallel_loop3A_530 = arith.constant 1 : i32
        %parallel_loop3A_531 = arith.constant 0 : i32
        %parallel_loop3A_532 = arith.constant 0 : i32
        %parallel_loop3A_533 = tpu.memref_slice %arg5[%parallel_loop3A_530, %parallel_loop3A_531, %parallel_loop3A_532] : memref<2x128x33xf32, #tpu.memory_space<vmem>> -> memref<1x128x33xf32, #tpu.memory_space<vmem>>
        %parallel_loop3A_534 = tpu.memref_squeeze %parallel_loop3A_533 : memref<1x128x33xf32, #tpu.memory_space<vmem>> -> memref<128x33xf32, #tpu.memory_space<vmem>>
        tpu.vector_store_idx %parallel_loop3A_534[%add3A_12, %parallel_loop3A_450], %parallel_loop3A_529 : memref<128x33xf32, #tpu.memory_space<vmem>>[vector<16xi32>, vector<16xi32>], vector<16xf32>,
        %parallel_loop3A_535 = arith.constant 1 : i32
        %parallel_loop3A_536 = arith.index_cast %parallel_loop3A_535 : i32 to index
        %parallel_loop3A_537 = arith.index_cast %parallel_loop3A_474 : i32 to index
        %parallel_loop3A_538 = arith.index_cast %parallel_loop3A_490 : i32 to index
        %parallel_loop3A_539 = arith.constant 64 : index
        %parallel_loop3A_540 = tpu.vector_load %arg4[%parallel_loop3A_536, %parallel_loop3A_537, %parallel_loop3A_538, %parallel_loop3A_539] {strides = array<i32>} : memref<2x4x8x128xf32, #tpu.memory_space<vmem>>, vector<16xf32>,
        %parallel_loop3A_541 = arith.constant 1 : i32
        %parallel_loop3A_542 = arith.constant 0 : i32
        %parallel_loop3A_543 = arith.constant 0 : i32
        %parallel_loop3A_544 = tpu.memref_slice %arg5[%parallel_loop3A_541, %parallel_loop3A_542, %parallel_loop3A_543] : memref<2x128x33xf32, #tpu.memory_space<vmem>> -> memref<1x128x33xf32, #tpu.memory_space<vmem>>
        %parallel_loop3A_545 = tpu.memref_squeeze %parallel_loop3A_544 : memref<1x128x33xf32, #tpu.memory_space<vmem>> -> memref<128x33xf32, #tpu.memory_space<vmem>>
        tpu.vector_store_idx %parallel_loop3A_545[%add3A_15, %parallel_loop3A_450], %parallel_loop3A_540 : memref<128x33xf32, #tpu.memory_space<vmem>>[vector<16xi32>, vector<16xi32>], vector<16xf32>,
        %parallel_loop3A_546 = arith.constant 1 : i32
        %parallel_loop3A_547 = arith.index_cast %parallel_loop3A_546 : i32 to index
        %parallel_loop3A_548 = arith.index_cast %parallel_loop3A_474 : i32 to index
        %parallel_loop3A_549 = arith.index_cast %parallel_loop3A_490 : i32 to index
        %parallel_loop3A_550 = arith.constant 80 : index
        %parallel_loop3A_551 = tpu.vector_load %arg4[%parallel_loop3A_547, %parallel_loop3A_548, %parallel_loop3A_549, %parallel_loop3A_550] {strides = array<i32>} : memref<2x4x8x128xf32, #tpu.memory_space<vmem>>, vector<16xf32>,
        %parallel_loop3A_552 = arith.constant 1 : i32
        %parallel_loop3A_553 = arith.constant 0 : i32
        %parallel_loop3A_554 = arith.constant 0 : i32
        %parallel_loop3A_555 = tpu.memref_slice %arg5[%parallel_loop3A_552, %parallel_loop3A_553, %parallel_loop3A_554] : memref<2x128x33xf32, #tpu.memory_space<vmem>> -> memref<1x128x33xf32, #tpu.memory_space<vmem>>
        %parallel_loop3A_556 = tpu.memref_squeeze %parallel_loop3A_555 : memref<1x128x33xf32, #tpu.memory_space<vmem>> -> memref<128x33xf32, #tpu.memory_space<vmem>>
        tpu.vector_store_idx %parallel_loop3A_556[%add3A_18, %parallel_loop3A_450], %parallel_loop3A_551 : memref<128x33xf32, #tpu.memory_space<vmem>>[vector<16xi32>, vector<16xi32>], vector<16xf32>,
        %parallel_loop3A_557 = arith.constant 1 : i32
        %parallel_loop3A_558 = arith.index_cast %parallel_loop3A_557 : i32 to index
        %parallel_loop3A_559 = arith.index_cast %parallel_loop3A_474 : i32 to index
        %parallel_loop3A_560 = arith.index_cast %parallel_loop3A_490 : i32 to index
        %parallel_loop3A_561 = arith.constant 96 : index
        %parallel_loop3A_562 = tpu.vector_load %arg4[%parallel_loop3A_558, %parallel_loop3A_559, %parallel_loop3A_560, %parallel_loop3A_561] {strides = array<i32>} : memref<2x4x8x128xf32, #tpu.memory_space<vmem>>, vector<16xf32>,
        %parallel_loop3A_563 = arith.constant 1 : i32
        %parallel_loop3A_564 = arith.constant 0 : i32
        %parallel_loop3A_565 = arith.constant 0 : i32
        %parallel_loop3A_566 = tpu.memref_slice %arg5[%parallel_loop3A_563, %parallel_loop3A_564, %parallel_loop3A_565] : memref<2x128x33xf32, #tpu.memory_space<vmem>> -> memref<1x128x33xf32, #tpu.memory_space<vmem>>
        %parallel_loop3A_567 = tpu.memref_squeeze %parallel_loop3A_566 : memref<1x128x33xf32, #tpu.memory_space<vmem>> -> memref<128x33xf32, #tpu.memory_space<vmem>>
        tpu.vector_store_idx %parallel_loop3A_567[%add3A_21, %parallel_loop3A_450], %parallel_loop3A_562 : memref<128x33xf32, #tpu.memory_space<vmem>>[vector<16xi32>, vector<16xi32>], vector<16xf32>,
        %parallel_loop3A_568 = arith.constant 1 : i32
        %parallel_loop3A_569 = arith.index_cast %parallel_loop3A_568 : i32 to index
        %parallel_loop3A_570 = arith.index_cast %parallel_loop3A_474 : i32 to index
        %parallel_loop3A_571 = arith.index_cast %parallel_loop3A_490 : i32 to index
        %parallel_loop3A_572 = arith.constant 112 : index
        %parallel_loop3A_573 = tpu.vector_load %arg4[%parallel_loop3A_569, %parallel_loop3A_570, %parallel_loop3A_571, %parallel_loop3A_572] {strides = array<i32>} : memref<2x4x8x128xf32, #tpu.memory_space<vmem>>, vector<16xf32>,
        %parallel_loop3A_574 = arith.constant 1 : i32
        %parallel_loop3A_575 = arith.constant 0 : i32
        %parallel_loop3A_576 = arith.constant 0 : i32
        %parallel_loop3A_577 = tpu.memref_slice %arg5[%parallel_loop3A_574, %parallel_loop3A_575, %parallel_loop3A_576] : memref<2x128x33xf32, #tpu.memory_space<vmem>> -> memref<1x128x33xf32, #tpu.memory_space<vmem>>
        %parallel_loop3A_578 = tpu.memref_squeeze %parallel_loop3A_577 : memref<1x128x33xf32, #tpu.memory_space<vmem>> -> memref<128x33xf32, #tpu.memory_space<vmem>>
        tpu.vector_store_idx %parallel_loop3A_578[%add3A_24, %parallel_loop3A_450], %parallel_loop3A_573 : memref<128x33xf32, #tpu.memory_space<vmem>>[vector<16xi32>, vector<16xi32>], vector<16xf32>,
      } {sc.loop_unroll_factor = 4 : i64, sc.parallel_access}
      %add3A_424 = arith.constant 2 : i32
      %add3A_425 = arith.addi %add3A_335, %add3A_424 : i32
      %lt3A_426 = arith.constant 244 : i32
      %lt3A_427 = arith.cmpi slt, %add3A_425, %lt3A_426 : i32
      %convert_element_type3A_428 = arith.extui %lt3A_427 : i1 to i32
      %cond3A_429 = arith.constant 0 : i32
      %cond3A_430 = arith.cmpi ne, %convert_element_type3A_428, %cond3A_429 : i32
      scf.if %cond3A_430 {
        %add3A_449 = arith.constant 2 : i32
        %add3A_450 = arith.addi %add3A_335, %add3A_449 : i32
        %mul3A_451 = arith.constant 32 : i32
        %mul3A_452 = arith.muli %add3A_450, %mul3A_451 : i32
        %add3A_453 = arith.addi %add3A, %mul3A_452 : i32
        %dma_start3A_454 = arith.constant 0 : i32
        %dma_start3A_455 = arith.constant 1 : i32
        %dma_start3A_456 = arith.constant 0 : i32
        %dma_start3A_457 = arith.constant 0 : i32
        %dma_start3A_458 = arith.constant 0 : i32
        %dma_start3A_459 = tpu.memref_slice %arg4[%dma_start3A_455, %dma_start3A_456, %dma_start3A_457, %dma_start3A_458] : memref<2x4x8x128xf32, #tpu.memory_space<vmem>> -> memref<1x1x8x128xf32, #tpu.memory_space<vmem>>
        %dma_start3A_460 = tpu.memref_squeeze %dma_start3A_459 : memref<1x1x8x128xf32, #tpu.memory_space<vmem>> -> memref<8x128xf32, #tpu.memory_space<vmem>>
        %dma_start3A_461 = arith.constant 0 : i32
        %dma_start3A_462 = arith.constant 0 : i32
        %dma_start3A_463 = tpu.memref_slice %arg2[%dma_start3A_454, %add3A_453, %dma_start3A_461, %dma_start3A_462] : memref<4x7813x8x128xf32, #tpu.memory_space<hbm>> -> memref<1x1x8x128xf32, #tpu.memory_space<hbm>>
        %dma_start3A_464 = tpu.memref_squeeze %dma_start3A_463 : memref<1x1x8x128xf32, #tpu.memory_space<hbm>> -> memref<8x128xf32, #tpu.memory_space<hbm>>
        %dma_start3A_465 = arith.constant 0 : i32
        %dma_start3A_466 = arith.constant 0 : i32
        %dma_start3A_467 = tpu.memref_slice %arg4[%dma_start3A_455, %dma_start3A_456, %dma_start3A_465, %dma_start3A_466] : memref<2x4x8x128xf32, #tpu.memory_space<vmem>> -> memref<1x1x8x128xf32, #tpu.memory_space<vmem>>
        %dma_start3A_468 = tpu.memref_squeeze %dma_start3A_467 : memref<1x1x8x128xf32, #tpu.memory_space<vmem>> -> memref<8x128xf32, #tpu.memory_space<vmem>>
        %dma_start3A_469 = arith.constant 0 : i32
        %dma_start3A_470 = arith.constant 0 : i32
        %dma_start3A_471 = tpu.memref_slice %arg2[%dma_start3A_454, %add3A_453, %dma_start3A_469, %dma_start3A_470] : memref<4x7813x8x128xf32, #tpu.memory_space<hbm>> -> memref<1x1x8x128xf32, #tpu.memory_space<hbm>>
        %dma_start3A_472 = tpu.memref_squeeze %dma_start3A_471 : memref<1x1x8x128xf32, #tpu.memory_space<hbm>> -> memref<8x128xf32, #tpu.memory_space<hbm>>
        tpu.enqueue_dma source(%dma_start3A_472 : memref<8x128xf32, #tpu.memory_space<hbm>>) target(%dma_start3A_468 : memref<8x128xf32, #tpu.memory_space<vmem>>) target_semaphore(%arg7 : memref<!tpu.dma_semaphore, #tpu.memory_space<semaphore_mem>>)
        %dma_start3A_473 = arith.constant 1 : i32
        %dma_start3A_474 = arith.constant 1 : i32
        %dma_start3A_475 = arith.constant 1 : i32
        %dma_start3A_476 = arith.constant 0 : i32
        %dma_start3A_477 = arith.constant 0 : i32
        %dma_start3A_478 = tpu.memref_slice %arg4[%dma_start3A_474, %dma_start3A_475, %dma_start3A_476, %dma_start3A_477] : memref<2x4x8x128xf32, #tpu.memory_space<vmem>> -> memref<1x1x8x128xf32, #tpu.memory_space<vmem>>
        %dma_start3A_479 = tpu.memref_squeeze %dma_start3A_478 : memref<1x1x8x128xf32, #tpu.memory_space<vmem>> -> memref<8x128xf32, #tpu.memory_space<vmem>>
        %dma_start3A_480 = arith.constant 0 : i32
        %dma_start3A_481 = arith.constant 0 : i32
        %dma_start3A_482 = tpu.memref_slice %arg2[%dma_start3A_473, %add3A_453, %dma_start3A_480, %dma_start3A_481] : memref<4x7813x8x128xf32, #tpu.memory_space<hbm>> -> memref<1x1x8x128xf32, #tpu.memory_space<hbm>>
        %dma_start3A_483 = tpu.memref_squeeze %dma_start3A_482 : memref<1x1x8x128xf32, #tpu.memory_space<hbm>> -> memref<8x128xf32, #tpu.memory_space<hbm>>
        %dma_start3A_484 = arith.constant 0 : i32
        %dma_start3A_485 = arith.constant 0 : i32
        %dma_start3A_486 = tpu.memref_slice %arg4[%dma_start3A_474, %dma_start3A_475, %dma_start3A_484, %dma_start3A_485] : memref<2x4x8x128xf32, #tpu.memory_space<vmem>> -> memref<1x1x8x128xf32, #tpu.memory_space<vmem>>
        %dma_start3A_487 = tpu.memref_squeeze %dma_start3A_486 : memref<1x1x8x128xf32, #tpu.memory_space<vmem>> -> memref<8x128xf32, #tpu.memory_space<vmem>>
        %dma_start3A_488 = arith.constant 0 : i32
        %dma_start3A_489 = arith.constant 0 : i32
        %dma_start3A_490 = tpu.memref_slice %arg2[%dma_start3A_473, %add3A_453, %dma_start3A_488, %dma_start3A_489] : memref<4x7813x8x128xf32, #tpu.memory_space<hbm>> -> memref<1x1x8x128xf32, #tpu.memory_space<hbm>>
        %dma_start3A_491 = tpu.memref_squeeze %dma_start3A_490 : memref<1x1x8x128xf32, #tpu.memory_space<hbm>> -> memref<8x128xf32, #tpu.memory_space<hbm>>
        tpu.enqueue_dma source(%dma_start3A_491 : memref<8x128xf32, #tpu.memory_space<hbm>>) target(%dma_start3A_487 : memref<8x128xf32, #tpu.memory_space<vmem>>) target_semaphore(%arg7 : memref<!tpu.dma_semaphore, #tpu.memory_space<semaphore_mem>>)
        %dma_start3A_492 = arith.constant 2 : i32
        %dma_start3A_493 = arith.constant 1 : i32
        %dma_start3A_494 = arith.constant 2 : i32
        %dma_start3A_495 = arith.constant 0 : i32
        %dma_start3A_496 = arith.constant 0 : i32
        %dma_start3A_497 = tpu.memref_slice %arg4[%dma_start3A_493, %dma_start3A_494, %dma_start3A_495, %dma_start3A_496] : memref<2x4x8x128xf32, #tpu.memory_space<vmem>> -> memref<1x1x8x128xf32, #tpu.memory_space<vmem>>
        %dma_start3A_498 = tpu.memref_squeeze %dma_start3A_497 : memref<1x1x8x128xf32, #tpu.memory_space<vmem>> -> memref<8x128xf32, #tpu.memory_space<vmem>>
        %dma_start3A_499 = arith.constant 0 : i32
        %dma_start3A_500 = arith.constant 0 : i32
        %dma_start3A_501 = tpu.memref_slice %arg2[%dma_start3A_492, %add3A_453, %dma_start3A_499, %dma_start3A_500] : memref<4x7813x8x128xf32, #tpu.memory_space<hbm>> -> memref<1x1x8x128xf32, #tpu.memory_space<hbm>>
        %dma_start3A_502 = tpu.memref_squeeze %dma_start3A_501 : memref<1x1x8x128xf32, #tpu.memory_space<hbm>> -> memref<8x128xf32, #tpu.memory_space<hbm>>
        %dma_start3A_503 = arith.constant 0 : i32
        %dma_start3A_504 = arith.constant 0 : i32
        %dma_start3A_505 = tpu.memref_slice %arg4[%dma_start3A_493, %dma_start3A_494, %dma_start3A_503, %dma_start3A_504] : memref<2x4x8x128xf32, #tpu.memory_space<vmem>> -> memref<1x1x8x128xf32, #tpu.memory_space<vmem>>
        %dma_start3A_506 = tpu.memref_squeeze %dma_start3A_505 : memref<1x1x8x128xf32, #tpu.memory_space<vmem>> -> memref<8x128xf32, #tpu.memory_space<vmem>>
        %dma_start3A_507 = arith.constant 0 : i32
        %dma_start3A_508 = arith.constant 0 : i32
        %dma_start3A_509 = tpu.memref_slice %arg2[%dma_start3A_492, %add3A_453, %dma_start3A_507, %dma_start3A_508] : memref<4x7813x8x128xf32, #tpu.memory_space<hbm>> -> memref<1x1x8x128xf32, #tpu.memory_space<hbm>>
        %dma_start3A_510 = tpu.memref_squeeze %dma_start3A_509 : memref<1x1x8x128xf32, #tpu.memory_space<hbm>> -> memref<8x128xf32, #tpu.memory_space<hbm>>
        tpu.enqueue_dma source(%dma_start3A_510 : memref<8x128xf32, #tpu.memory_space<hbm>>) target(%dma_start3A_506 : memref<8x128xf32, #tpu.memory_space<vmem>>) target_semaphore(%arg7 : memref<!tpu.dma_semaphore, #tpu.memory_space<semaphore_mem>>)
        %dma_start3A_511 = arith.constant 3 : i32
        %dma_start3A_512 = arith.constant 1 : i32
        %dma_start3A_513 = arith.constant 3 : i32
        %dma_start3A_514 = arith.constant 0 : i32
        %dma_start3A_515 = arith.constant 0 : i32
        %dma_start3A_516 = tpu.memref_slice %arg4[%dma_start3A_512, %dma_start3A_513, %dma_start3A_514, %dma_start3A_515] : memref<2x4x8x128xf32, #tpu.memory_space<vmem>> -> memref<1x1x8x128xf32, #tpu.memory_space<vmem>>
        %dma_start3A_517 = tpu.memref_squeeze %dma_start3A_516 : memref<1x1x8x128xf32, #tpu.memory_space<vmem>> -> memref<8x128xf32, #tpu.memory_space<vmem>>
        %dma_start3A_518 = arith.constant 0 : i32
        %dma_start3A_519 = arith.constant 0 : i32
        %dma_start3A_520 = tpu.memref_slice %arg2[%dma_start3A_511, %add3A_453, %dma_start3A_518, %dma_start3A_519] : memref<4x7813x8x128xf32, #tpu.memory_space<hbm>> -> memref<1x1x8x128xf32, #tpu.memory_space<hbm>>
        %dma_start3A_521 = tpu.memref_squeeze %dma_start3A_520 : memref<1x1x8x128xf32, #tpu.memory_space<hbm>> -> memref<8x128xf32, #tpu.memory_space<hbm>>
        %dma_start3A_522 = arith.constant 0 : i32
        %dma_start3A_523 = arith.constant 0 : i32
        %dma_start3A_524 = tpu.memref_slice %arg4[%dma_start3A_512, %dma_start3A_513, %dma_start3A_522, %dma_start3A_523] : memref<2x4x8x128xf32, #tpu.memory_space<vmem>> -> memref<1x1x8x128xf32, #tpu.memory_space<vmem>>
        %dma_start3A_525 = tpu.memref_squeeze %dma_start3A_524 : memref<1x1x8x128xf32, #tpu.memory_space<vmem>> -> memref<8x128xf32, #tpu.memory_space<vmem>>
        %dma_start3A_526 = arith.constant 0 : i32
        %dma_start3A_527 = arith.constant 0 : i32
        %dma_start3A_528 = tpu.memref_slice %arg2[%dma_start3A_511, %add3A_453, %dma_start3A_526, %dma_start3A_527] : memref<4x7813x8x128xf32, #tpu.memory_space<hbm>> -> memref<1x1x8x128xf32, #tpu.memory_space<hbm>>
        %dma_start3A_529 = tpu.memref_squeeze %dma_start3A_528 : memref<1x1x8x128xf32, #tpu.memory_space<hbm>> -> memref<8x128xf32, #tpu.memory_space<hbm>>
        tpu.enqueue_dma source(%dma_start3A_529 : memref<8x128xf32, #tpu.memory_space<hbm>>) target(%dma_start3A_525 : memref<8x128xf32, #tpu.memory_space<vmem>>) target_semaphore(%arg7 : memref<!tpu.dma_semaphore, #tpu.memory_space<semaphore_mem>>)
      } else {
      }
      %mul3A_431 = arith.constant 32 : i32
      %mul3A_432 = arith.muli %add3A_335, %mul3A_431 : i32
      %add3A_433 = arith.addi %add3A, %mul3A_432 : i32
      %mul3A_434 = arith.constant 128 : i32
      %mul3A_435 = arith.muli %add3A_433, %mul3A_434 : i32
      %dma_start3A_436 = arith.constant 1 : i32
      %dma_start3A_437 = arith.constant 0 : i32
      %dma_start3A_438 = arith.constant 0 : i32
      %dma_start3A_439 = tpu.memref_slice %arg5[%dma_start3A_436, %dma_start3A_437, %dma_start3A_438] : memref<2x128x33xf32, #tpu.memory_space<vmem>> -> memref<1x128x32xf32, #tpu.memory_space<vmem>>
      %dma_start3A_440 = tpu.memref_squeeze %dma_start3A_439 : memref<1x128x32xf32, #tpu.memory_space<vmem>> -> memref<128x32xf32, #tpu.memory_space<vmem>>
      %dma_start3A_441 = arith.constant 0 : i32
      %dma_start3A_442 = tpu.memref_slice %arg3[%mul3A_435, %dma_start3A_441] : memref<1000064x32xf32, #tpu.memory_space<hbm>> -> memref<128x32xf32, #tpu.memory_space<hbm>>
      %dma_start3A_443 = arith.constant 0 : i32
      %dma_start3A_444 = tpu.memref_slice %arg3[%mul3A_435, %dma_start3A_443] : memref<1000064x32xf32, #tpu.memory_space<hbm>> -> memref<128x32xf32, #tpu.memory_space<hbm>>
      %dma_start3A_445 = arith.constant 0 : i32
      %dma_start3A_446 = arith.constant 0 : i32
      %dma_start3A_447 = tpu.memref_slice %arg5[%dma_start3A_436, %dma_start3A_445, %dma_start3A_446] : memref<2x128x33xf32, #tpu.memory_space<vmem>> -> memref<1x128x32xf32, #tpu.memory_space<vmem>>
      %dma_start3A_448 = tpu.memref_squeeze %dma_start3A_447 : memref<1x128x32xf32, #tpu.memory_space<vmem>> -> memref<128x32xf32, #tpu.memory_space<vmem>>
      tpu.enqueue_dma source(%dma_start3A_448 : memref<128x32xf32, #tpu.memory_space<vmem>>) target(%dma_start3A_444 : memref<128x32xf32, #tpu.memory_space<hbm>>) target_semaphore(%arg9 : memref<!tpu.dma_semaphore, #tpu.memory_space<semaphore_mem>>)
    }
    %scan3A_184 = arith.constant 122 : i32
    %dma_wait3A = arith.constant 0 : i32
    %dma_wait3A_185 = arith.constant 0 : i32
    %dma_wait3A_186 = arith.constant 0 : i32
    %dma_wait3A_187 = tpu.memref_slice %arg5[%dma_wait3A, %dma_wait3A_185, %dma_wait3A_186] : memref<2x128x33xf32, #tpu.memory_space<vmem>> -> memref<1x128x32xf32, #tpu.memory_space<vmem>>
    %dma_wait3A_188 = tpu.memref_squeeze %dma_wait3A_187 : memref<1x128x32xf32, #tpu.memory_space<vmem>> -> memref<128x32xf32, #tpu.memory_space<vmem>>
    %dma_wait3A_189 = arith.constant 0 : i32
    %dma_wait3A_190 = arith.constant 0 : i32
    %dma_wait3A_191 = tpu.memref_slice %arg3[%dma_wait3A_189, %dma_wait3A_190] : memref<1000064x32xf32, #tpu.memory_space<hbm>> -> memref<128x32xf32, #tpu.memory_space<hbm>>
    %dma_wait3A_192 = arith.constant 0 : i32
    %dma_wait3A_193 = arith.constant 0 : i32
    %dma_wait3A_194 = tpu.memref_slice %arg3[%dma_wait3A_192, %dma_wait3A_193] : memref<1000064x32xf32, #tpu.memory_space<hbm>> -> memref<128x32xf32, #tpu.memory_space<hbm>>
    %dma_wait3A_195 = arith.constant 0 : i32
    %dma_wait3A_196 = arith.constant 0 : i32
    %dma_wait3A_197 = tpu.memref_slice %arg5[%dma_wait3A, %dma_wait3A_195, %dma_wait3A_196] : memref<2x128x33xf32, #tpu.memory_space<vmem>> -> memref<1x128x32xf32, #tpu.memory_space<vmem>>
    %dma_wait3A_198 = tpu.memref_squeeze %dma_wait3A_197 : memref<1x128x32xf32, #tpu.memory_space<vmem>> -> memref<128x32xf32, #tpu.memory_space<vmem>>
    tpu.wait_dma2 semaphore(%arg8 : memref<!tpu.dma_semaphore, #tpu.memory_space<semaphore_mem>>) src(%dma_wait3A_198 : memref<128x32xf32, #tpu.memory_space<vmem>>) dst(%dma_wait3A_194 : memref<128x32xf32, #tpu.memory_space<hbm>>)
    %dma_wait3A_199 = arith.constant 1 : i32
    %dma_wait3A_200 = arith.constant 0 : i32
    %dma_wait3A_201 = arith.constant 0 : i32
    %dma_wait3A_202 = tpu.memref_slice %arg5[%dma_wait3A_199, %dma_wait3A_200, %dma_wait3A_201] : memref<2x128x33xf32, #tpu.memory_space<vmem>> -> memref<1x128x32xf32, #tpu.memory_space<vmem>>
    %dma_wait3A_203 = tpu.memref_squeeze %dma_wait3A_202 : memref<1x128x32xf32, #tpu.memory_space<vmem>> -> memref<128x32xf32, #tpu.memory_space<vmem>>
    %dma_wait3A_204 = arith.constant 0 : i32
    %dma_wait3A_205 = arith.constant 0 : i32
    %dma_wait3A_206 = tpu.memref_slice %arg3[%dma_wait3A_204, %dma_wait3A_205] : memref<1000064x32xf32, #tpu.memory_space<hbm>> -> memref<128x32xf32, #tpu.memory_space<hbm>>
    %dma_wait3A_207 = arith.constant 0 : i32
    %dma_wait3A_208 = arith.constant 0 : i32
    %dma_wait3A_209 = tpu.memref_slice %arg3[%dma_wait3A_207, %dma_wait3A_208] : memref<1000064x32xf32, #tpu.memory_space<hbm>> -> memref<128x32xf32, #tpu.memory_space<hbm>>
    %dma_wait3A_210 = arith.constant 0 : i32
    %dma_wait3A_211 = arith.constant 0 : i32
    %dma_wait3A_212 = tpu.memref_slice %arg5[%dma_wait3A_199, %dma_wait3A_210, %dma_wait3A_211] : memref<2x128x33xf32, #tpu.memory_space<vmem>> -> memref<1x128x32xf32, #tpu.memory_space<vmem>>
    %dma_wait3A_213 = tpu.memref_squeeze %dma_wait3A_212 : memref<1x128x32xf32, #tpu.memory_space<vmem>> -> memref<128x32xf32, #tpu.memory_space<vmem>>
    tpu.wait_dma2 semaphore(%arg9 : memref<!tpu.dma_semaphore, #tpu.memory_space<semaphore_mem>>) src(%dma_wait3A_213 : memref<128x32xf32, #tpu.memory_space<vmem>>) dst(%dma_wait3A_209 : memref<128x32xf32, #tpu.memory_space<hbm>>)
    %lt3A = arith.constant 5 : i32
    %lt3A_214 = arith.cmpi slt, %add3A, %lt3A : i32
    %convert_element_type3A = arith.extui %lt3A_214 : i1 to i32
    %cond3A = arith.constant 0 : i32
    %cond3A_215 = arith.cmpi ne, %convert_element_type3A, %cond3A : i32
    scf.if %cond3A_215 {
      %add3A_216 = arith.constant 7808 : i32
      %add3A_217 = arith.addi %add3A_216, %add3A : i32
      %run_scoped3A = arith.constant 0 : i32
      %run_scoped3A_218 = arith.constant 0 : i32
      %run_scoped3A_219 = arith.constant 0 : i32
      "tpu.region"() ({
        %run_scoped3A_234 = tpu.sem_alloc : memref<!tpu.dma_semaphore, #tpu.memory_space<semaphore_mem>>
        %dma_start3A_235 = arith.constant 0 : i32
        %dma_start3A_236 = arith.constant 0 : i32
        %dma_start3A_237 = tpu.memref_slice %arg4[%run_scoped3A_218, %run_scoped3A_219, %dma_start3A_235, %dma_start3A_236] : memref<2x4x8x128xf32, #tpu.memory_space<vmem>> -> memref<1x1x8x128xf32, #tpu.memory_space<vmem>>
        %dma_start3A_238 = tpu.memref_squeeze %dma_start3A_237 : memref<1x1x8x128xf32, #tpu.memory_space<vmem>> -> memref<8x128xf32, #tpu.memory_space<vmem>>
        %dma_start3A_239 = arith.constant 0 : i32
        %dma_start3A_240 = arith.constant 0 : i32
        %dma_start3A_241 = tpu.memref_slice %arg2[%run_scoped3A, %add3A_217, %dma_start3A_239, %dma_start3A_240] : memref<4x7813x8x128xf32, #tpu.memory_space<hbm>> -> memref<1x1x8x128xf32, #tpu.memory_space<hbm>>
        %dma_start3A_242 = tpu.memref_squeeze %dma_start3A_241 : memref<1x1x8x128xf32, #tpu.memory_space<hbm>> -> memref<8x128xf32, #tpu.memory_space<hbm>>
        %dma_start3A_243 = arith.constant 0 : i32
        %dma_start3A_244 = arith.constant 0 : i32
        %dma_start3A_245 = tpu.memref_slice %arg4[%run_scoped3A_218, %run_scoped3A_219, %dma_start3A_243, %dma_start3A_244] : memref<2x4x8x128xf32, #tpu.memory_space<vmem>> -> memref<1x1x8x128xf32, #tpu.memory_space<vmem>>
        %dma_start3A_246 = tpu.memref_squeeze %dma_start3A_245 : memref<1x1x8x128xf32, #tpu.memory_space<vmem>> -> memref<8x128xf32, #tpu.memory_space<vmem>>
        %dma_start3A_247 = arith.constant 0 : i32
        %dma_start3A_248 = arith.constant 0 : i32
        %dma_start3A_249 = tpu.memref_slice %arg2[%run_scoped3A, %add3A_217, %dma_start3A_247, %dma_start3A_248] : memref<4x7813x8x128xf32, #tpu.memory_space<hbm>> -> memref<1x1x8x128xf32, #tpu.memory_space<hbm>>
        %dma_start3A_250 = tpu.memref_squeeze %dma_start3A_249 : memref<1x1x8x128xf32, #tpu.memory_space<hbm>> -> memref<8x128xf32, #tpu.memory_space<hbm>>
        tpu.enqueue_dma source(%dma_start3A_250 : memref<8x128xf32, #tpu.memory_space<hbm>>) target(%dma_start3A_246 : memref<8x128xf32, #tpu.memory_space<vmem>>) target_semaphore(%run_scoped3A_234 : memref<!tpu.dma_semaphore, #tpu.memory_space<semaphore_mem>>)
        %dma_wait3A_251 = arith.constant 0 : i32
        %dma_wait3A_252 = arith.constant 0 : i32
        %dma_wait3A_253 = tpu.memref_slice %arg4[%run_scoped3A_218, %run_scoped3A_219, %dma_wait3A_251, %dma_wait3A_252] : memref<2x4x8x128xf32, #tpu.memory_space<vmem>> -> memref<1x1x8x128xf32, #tpu.memory_space<vmem>>
        %dma_wait3A_254 = tpu.memref_squeeze %dma_wait3A_253 : memref<1x1x8x128xf32, #tpu.memory_space<vmem>> -> memref<8x128xf32, #tpu.memory_space<vmem>>
        %dma_wait3A_255 = arith.constant 0 : i32
        %dma_wait3A_256 = arith.constant 0 : i32
        %dma_wait3A_257 = tpu.memref_slice %arg2[%run_scoped3A, %add3A_217, %dma_wait3A_255, %dma_wait3A_256] : memref<4x7813x8x128xf32, #tpu.memory_space<hbm>> -> memref<1x1x8x128xf32, #tpu.memory_space<hbm>>
        %dma_wait3A_258 = tpu.memref_squeeze %dma_wait3A_257 : memref<1x1x8x128xf32, #tpu.memory_space<hbm>> -> memref<8x128xf32, #tpu.memory_space<hbm>>
        %dma_wait3A_259 = arith.constant 0 : i32
        %dma_wait3A_260 = arith.constant 0 : i32
        %dma_wait3A_261 = tpu.memref_slice %arg4[%run_scoped3A_218, %run_scoped3A_219, %dma_wait3A_259, %dma_wait3A_260] : memref<2x4x8x128xf32, #tpu.memory_space<vmem>> -> memref<1x1x8x128xf32, #tpu.memory_space<vmem>>
        %dma_wait3A_262 = tpu.memref_squeeze %dma_wait3A_261 : memref<1x1x8x128xf32, #tpu.memory_space<vmem>> -> memref<8x128xf32, #tpu.memory_space<vmem>>
        %dma_wait3A_263 = arith.constant 0 : i32
        %dma_wait3A_264 = arith.constant 0 : i32
        %dma_wait3A_265 = tpu.memref_slice %arg2[%run_scoped3A, %add3A_217, %dma_wait3A_263, %dma_wait3A_264] : memref<4x7813x8x128xf32, #tpu.memory_space<hbm>> -> memref<1x1x8x128xf32, #tpu.memory_space<hbm>>
        %dma_wait3A_266 = tpu.memref_squeeze %dma_wait3A_265 : memref<1x1x8x128xf32, #tpu.memory_space<hbm>> -> memref<8x128xf32, #tpu.memory_space<hbm>>
        tpu.wait_dma2 semaphore(%run_scoped3A_234 : memref<!tpu.dma_semaphore, #tpu.memory_space<semaphore_mem>>) src(%dma_wait3A_266 : memref<8x128xf32, #tpu.memory_space<hbm>>) dst(%dma_wait3A_262 : memref<8x128xf32, #tpu.memory_space<vmem>>)
        tpu.yield
      }) : () -> ()
      %run_scoped3A_220 = arith.constant 1 : i32
      %run_scoped3A_221 = arith.constant 0 : i32
      %run_scoped3A_222 = arith.constant 1 : i32
      "tpu.region"() ({
        %run_scoped3A_234 = tpu.sem_alloc : memref<!tpu.dma_semaphore, #tpu.memory_space<semaphore_mem>>
        %dma_start3A_235 = arith.constant 0 : i32
        %dma_start3A_236 = arith.constant 0 : i32
        %dma_start3A_237 = tpu.memref_slice %arg4[%run_scoped3A_221, %run_scoped3A_222, %dma_start3A_235, %dma_start3A_236] : memref<2x4x8x128xf32, #tpu.memory_space<vmem>> -> memref<1x1x8x128xf32, #tpu.memory_space<vmem>>
        %dma_start3A_238 = tpu.memref_squeeze %dma_start3A_237 : memref<1x1x8x128xf32, #tpu.memory_space<vmem>> -> memref<8x128xf32, #tpu.memory_space<vmem>>
        %dma_start3A_239 = arith.constant 0 : i32
        %dma_start3A_240 = arith.constant 0 : i32
        %dma_start3A_241 = tpu.memref_slice %arg2[%run_scoped3A_220, %add3A_217, %dma_start3A_239, %dma_start3A_240] : memref<4x7813x8x128xf32, #tpu.memory_space<hbm>> -> memref<1x1x8x128xf32, #tpu.memory_space<hbm>>
        %dma_start3A_242 = tpu.memref_squeeze %dma_start3A_241 : memref<1x1x8x128xf32, #tpu.memory_space<hbm>> -> memref<8x128xf32, #tpu.memory_space<hbm>>
        %dma_start3A_243 = arith.constant 0 : i32
        %dma_start3A_244 = arith.constant 0 : i32
        %dma_start3A_245 = tpu.memref_slice %arg4[%run_scoped3A_221, %run_scoped3A_222, %dma_start3A_243, %dma_start3A_244] : memref<2x4x8x128xf32, #tpu.memory_space<vmem>> -> memref<1x1x8x128xf32, #tpu.memory_space<vmem>>
        %dma_start3A_246 = tpu.memref_squeeze %dma_start3A_245 : memref<1x1x8x128xf32, #tpu.memory_space<vmem>> -> memref<8x128xf32, #tpu.memory_space<vmem>>
        %dma_start3A_247 = arith.constant 0 : i32
        %dma_start3A_248 = arith.constant 0 : i32
        %dma_start3A_249 = tpu.memref_slice %arg2[%run_scoped3A_220, %add3A_217, %dma_start3A_247, %dma_start3A_248] : memref<4x7813x8x128xf32, #tpu.memory_space<hbm>> -> memref<1x1x8x128xf32, #tpu.memory_space<hbm>>
        %dma_start3A_250 = tpu.memref_squeeze %dma_start3A_249 : memref<1x1x8x128xf32, #tpu.memory_space<hbm>> -> memref<8x128xf32, #tpu.memory_space<hbm>>
        tpu.enqueue_dma source(%dma_start3A_250 : memref<8x128xf32, #tpu.memory_space<hbm>>) target(%dma_start3A_246 : memref<8x128xf32, #tpu.memory_space<vmem>>) target_semaphore(%run_scoped3A_234 : memref<!tpu.dma_semaphore, #tpu.memory_space<semaphore_mem>>)
        %dma_wait3A_251 = arith.constant 0 : i32
        %dma_wait3A_252 = arith.constant 0 : i32
        %dma_wait3A_253 = tpu.memref_slice %arg4[%run_scoped3A_221, %run_scoped3A_222, %dma_wait3A_251, %dma_wait3A_252] : memref<2x4x8x128xf32, #tpu.memory_space<vmem>> -> memref<1x1x8x128xf32, #tpu.memory_space<vmem>>
        %dma_wait3A_254 = tpu.memref_squeeze %dma_wait3A_253 : memref<1x1x8x128xf32, #tpu.memory_space<vmem>> -> memref<8x128xf32, #tpu.memory_space<vmem>>
        %dma_wait3A_255 = arith.constant 0 : i32
        %dma_wait3A_256 = arith.constant 0 : i32
        %dma_wait3A_257 = tpu.memref_slice %arg2[%run_scoped3A_220, %add3A_217, %dma_wait3A_255, %dma_wait3A_256] : memref<4x7813x8x128xf32, #tpu.memory_space<hbm>> -> memref<1x1x8x128xf32, #tpu.memory_space<hbm>>
        %dma_wait3A_258 = tpu.memref_squeeze %dma_wait3A_257 : memref<1x1x8x128xf32, #tpu.memory_space<hbm>> -> memref<8x128xf32, #tpu.memory_space<hbm>>
        %dma_wait3A_259 = arith.constant 0 : i32
        %dma_wait3A_260 = arith.constant 0 : i32
        %dma_wait3A_261 = tpu.memref_slice %arg4[%run_scoped3A_221, %run_scoped3A_222, %dma_wait3A_259, %dma_wait3A_260] : memref<2x4x8x128xf32, #tpu.memory_space<vmem>> -> memref<1x1x8x128xf32, #tpu.memory_space<vmem>>
        %dma_wait3A_262 = tpu.memref_squeeze %dma_wait3A_261 : memref<1x1x8x128xf32, #tpu.memory_space<vmem>> -> memref<8x128xf32, #tpu.memory_space<vmem>>
        %dma_wait3A_263 = arith.constant 0 : i32
        %dma_wait3A_264 = arith.constant 0 : i32
        %dma_wait3A_265 = tpu.memref_slice %arg2[%run_scoped3A_220, %add3A_217, %dma_wait3A_263, %dma_wait3A_264] : memref<4x7813x8x128xf32, #tpu.memory_space<hbm>> -> memref<1x1x8x128xf32, #tpu.memory_space<hbm>>
        %dma_wait3A_266 = tpu.memref_squeeze %dma_wait3A_265 : memref<1x1x8x128xf32, #tpu.memory_space<hbm>> -> memref<8x128xf32, #tpu.memory_space<hbm>>
        tpu.wait_dma2 semaphore(%run_scoped3A_234 : memref<!tpu.dma_semaphore, #tpu.memory_space<semaphore_mem>>) src(%dma_wait3A_266 : memref<8x128xf32, #tpu.memory_space<hbm>>) dst(%dma_wait3A_262 : memref<8x128xf32, #tpu.memory_space<vmem>>)
        tpu.yield
      }) : () -> ()
      %run_scoped3A_223 = arith.constant 2 : i32
      %run_scoped3A_224 = arith.constant 0 : i32
      %run_scoped3A_225 = arith.constant 2 : i32
      "tpu.region"() ({
        %run_scoped3A_234 = tpu.sem_alloc : memref<!tpu.dma_semaphore, #tpu.memory_space<semaphore_mem>>
        %dma_start3A_235 = arith.constant 0 : i32
        %dma_start3A_236 = arith.constant 0 : i32
        %dma_start3A_237 = tpu.memref_slice %arg4[%run_scoped3A_224, %run_scoped3A_225, %dma_start3A_235, %dma_start3A_236] : memref<2x4x8x128xf32, #tpu.memory_space<vmem>> -> memref<1x1x8x128xf32, #tpu.memory_space<vmem>>
        %dma_start3A_238 = tpu.memref_squeeze %dma_start3A_237 : memref<1x1x8x128xf32, #tpu.memory_space<vmem>> -> memref<8x128xf32, #tpu.memory_space<vmem>>
        %dma_start3A_239 = arith.constant 0 : i32
        %dma_start3A_240 = arith.constant 0 : i32
        %dma_start3A_241 = tpu.memref_slice %arg2[%run_scoped3A_223, %add3A_217, %dma_start3A_239, %dma_start3A_240] : memref<4x7813x8x128xf32, #tpu.memory_space<hbm>> -> memref<1x1x8x128xf32, #tpu.memory_space<hbm>>
        %dma_start3A_242 = tpu.memref_squeeze %dma_start3A_241 : memref<1x1x8x128xf32, #tpu.memory_space<hbm>> -> memref<8x128xf32, #tpu.memory_space<hbm>>
        %dma_start3A_243 = arith.constant 0 : i32
        %dma_start3A_244 = arith.constant 0 : i32
        %dma_start3A_245 = tpu.memref_slice %arg4[%run_scoped3A_224, %run_scoped3A_225, %dma_start3A_243, %dma_start3A_244] : memref<2x4x8x128xf32, #tpu.memory_space<vmem>> -> memref<1x1x8x128xf32, #tpu.memory_space<vmem>>
        %dma_start3A_246 = tpu.memref_squeeze %dma_start3A_245 : memref<1x1x8x128xf32, #tpu.memory_space<vmem>> -> memref<8x128xf32, #tpu.memory_space<vmem>>
        %dma_start3A_247 = arith.constant 0 : i32
        %dma_start3A_248 = arith.constant 0 : i32
        %dma_start3A_249 = tpu.memref_slice %arg2[%run_scoped3A_223, %add3A_217, %dma_start3A_247, %dma_start3A_248] : memref<4x7813x8x128xf32, #tpu.memory_space<hbm>> -> memref<1x1x8x128xf32, #tpu.memory_space<hbm>>
        %dma_start3A_250 = tpu.memref_squeeze %dma_start3A_249 : memref<1x1x8x128xf32, #tpu.memory_space<hbm>> -> memref<8x128xf32, #tpu.memory_space<hbm>>
        tpu.enqueue_dma source(%dma_start3A_250 : memref<8x128xf32, #tpu.memory_space<hbm>>) target(%dma_start3A_246 : memref<8x128xf32, #tpu.memory_space<vmem>>) target_semaphore(%run_scoped3A_234 : memref<!tpu.dma_semaphore, #tpu.memory_space<semaphore_mem>>)
        %dma_wait3A_251 = arith.constant 0 : i32
        %dma_wait3A_252 = arith.constant 0 : i32
        %dma_wait3A_253 = tpu.memref_slice %arg4[%run_scoped3A_224, %run_scoped3A_225, %dma_wait3A_251, %dma_wait3A_252] : memref<2x4x8x128xf32, #tpu.memory_space<vmem>> -> memref<1x1x8x128xf32, #tpu.memory_space<vmem>>
        %dma_wait3A_254 = tpu.memref_squeeze %dma_wait3A_253 : memref<1x1x8x128xf32, #tpu.memory_space<vmem>> -> memref<8x128xf32, #tpu.memory_space<vmem>>
        %dma_wait3A_255 = arith.constant 0 : i32
        %dma_wait3A_256 = arith.constant 0 : i32
        %dma_wait3A_257 = tpu.memref_slice %arg2[%run_scoped3A_223, %add3A_217, %dma_wait3A_255, %dma_wait3A_256] : memref<4x7813x8x128xf32, #tpu.memory_space<hbm>> -> memref<1x1x8x128xf32, #tpu.memory_space<hbm>>
        %dma_wait3A_258 = tpu.memref_squeeze %dma_wait3A_257 : memref<1x1x8x128xf32, #tpu.memory_space<hbm>> -> memref<8x128xf32, #tpu.memory_space<hbm>>
        %dma_wait3A_259 = arith.constant 0 : i32
        %dma_wait3A_260 = arith.constant 0 : i32
        %dma_wait3A_261 = tpu.memref_slice %arg4[%run_scoped3A_224, %run_scoped3A_225, %dma_wait3A_259, %dma_wait3A_260] : memref<2x4x8x128xf32, #tpu.memory_space<vmem>> -> memref<1x1x8x128xf32, #tpu.memory_space<vmem>>
        %dma_wait3A_262 = tpu.memref_squeeze %dma_wait3A_261 : memref<1x1x8x128xf32, #tpu.memory_space<vmem>> -> memref<8x128xf32, #tpu.memory_space<vmem>>
        %dma_wait3A_263 = arith.constant 0 : i32
        %dma_wait3A_264 = arith.constant 0 : i32
        %dma_wait3A_265 = tpu.memref_slice %arg2[%run_scoped3A_223, %add3A_217, %dma_wait3A_263, %dma_wait3A_264] : memref<4x7813x8x128xf32, #tpu.memory_space<hbm>> -> memref<1x1x8x128xf32, #tpu.memory_space<hbm>>
        %dma_wait3A_266 = tpu.memref_squeeze %dma_wait3A_265 : memref<1x1x8x128xf32, #tpu.memory_space<hbm>> -> memref<8x128xf32, #tpu.memory_space<hbm>>
        tpu.wait_dma2 semaphore(%run_scoped3A_234 : memref<!tpu.dma_semaphore, #tpu.memory_space<semaphore_mem>>) src(%dma_wait3A_266 : memref<8x128xf32, #tpu.memory_space<hbm>>) dst(%dma_wait3A_262 : memref<8x128xf32, #tpu.memory_space<vmem>>)
        tpu.yield
      }) : () -> ()
      %run_scoped3A_226 = arith.constant 3 : i32
      %run_scoped3A_227 = arith.constant 0 : i32
      %run_scoped3A_228 = arith.constant 3 : i32
      "tpu.region"() ({
        %run_scoped3A_234 = tpu.sem_alloc : memref<!tpu.dma_semaphore, #tpu.memory_space<semaphore_mem>>
        %dma_start3A_235 = arith.constant 0 : i32
        %dma_start3A_236 = arith.constant 0 : i32
        %dma_start3A_237 = tpu.memref_slice %arg4[%run_scoped3A_227, %run_scoped3A_228, %dma_start3A_235, %dma_start3A_236] : memref<2x4x8x128xf32, #tpu.memory_space<vmem>> -> memref<1x1x8x128xf32, #tpu.memory_space<vmem>>
        %dma_start3A_238 = tpu.memref_squeeze %dma_start3A_237 : memref<1x1x8x128xf32, #tpu.memory_space<vmem>> -> memref<8x128xf32, #tpu.memory_space<vmem>>
        %dma_start3A_239 = arith.constant 0 : i32
        %dma_start3A_240 = arith.constant 0 : i32
        %dma_start3A_241 = tpu.memref_slice %arg2[%run_scoped3A_226, %add3A_217, %dma_start3A_239, %dma_start3A_240] : memref<4x7813x8x128xf32, #tpu.memory_space<hbm>> -> memref<1x1x8x128xf32, #tpu.memory_space<hbm>>
        %dma_start3A_242 = tpu.memref_squeeze %dma_start3A_241 : memref<1x1x8x128xf32, #tpu.memory_space<hbm>> -> memref<8x128xf32, #tpu.memory_space<hbm>>
        %dma_start3A_243 = arith.constant 0 : i32
        %dma_start3A_244 = arith.constant 0 : i32
        %dma_start3A_245 = tpu.memref_slice %arg4[%run_scoped3A_227, %run_scoped3A_228, %dma_start3A_243, %dma_start3A_244] : memref<2x4x8x128xf32, #tpu.memory_space<vmem>> -> memref<1x1x8x128xf32, #tpu.memory_space<vmem>>
        %dma_start3A_246 = tpu.memref_squeeze %dma_start3A_245 : memref<1x1x8x128xf32, #tpu.memory_space<vmem>> -> memref<8x128xf32, #tpu.memory_space<vmem>>
        %dma_start3A_247 = arith.constant 0 : i32
        %dma_start3A_248 = arith.constant 0 : i32
        %dma_start3A_249 = tpu.memref_slice %arg2[%run_scoped3A_226, %add3A_217, %dma_start3A_247, %dma_start3A_248] : memref<4x7813x8x128xf32, #tpu.memory_space<hbm>> -> memref<1x1x8x128xf32, #tpu.memory_space<hbm>>
        %dma_start3A_250 = tpu.memref_squeeze %dma_start3A_249 : memref<1x1x8x128xf32, #tpu.memory_space<hbm>> -> memref<8x128xf32, #tpu.memory_space<hbm>>
        tpu.enqueue_dma source(%dma_start3A_250 : memref<8x128xf32, #tpu.memory_space<hbm>>) target(%dma_start3A_246 : memref<8x128xf32, #tpu.memory_space<vmem>>) target_semaphore(%run_scoped3A_234 : memref<!tpu.dma_semaphore, #tpu.memory_space<semaphore_mem>>)
        %dma_wait3A_251 = arith.constant 0 : i32
        %dma_wait3A_252 = arith.constant 0 : i32
        %dma_wait3A_253 = tpu.memref_slice %arg4[%run_scoped3A_227, %run_scoped3A_228, %dma_wait3A_251, %dma_wait3A_252] : memref<2x4x8x128xf32, #tpu.memory_space<vmem>> -> memref<1x1x8x128xf32, #tpu.memory_space<vmem>>
        %dma_wait3A_254 = tpu.memref_squeeze %dma_wait3A_253 : memref<1x1x8x128xf32, #tpu.memory_space<vmem>> -> memref<8x128xf32, #tpu.memory_space<vmem>>
        %dma_wait3A_255 = arith.constant 0 : i32
        %dma_wait3A_256 = arith.constant 0 : i32
        %dma_wait3A_257 = tpu.memref_slice %arg2[%run_scoped3A_226, %add3A_217, %dma_wait3A_255, %dma_wait3A_256] : memref<4x7813x8x128xf32, #tpu.memory_space<hbm>> -> memref<1x1x8x128xf32, #tpu.memory_space<hbm>>
        %dma_wait3A_258 = tpu.memref_squeeze %dma_wait3A_257 : memref<1x1x8x128xf32, #tpu.memory_space<hbm>> -> memref<8x128xf32, #tpu.memory_space<hbm>>
        %dma_wait3A_259 = arith.constant 0 : i32
        %dma_wait3A_260 = arith.constant 0 : i32
        %dma_wait3A_261 = tpu.memref_slice %arg4[%run_scoped3A_227, %run_scoped3A_228, %dma_wait3A_259, %dma_wait3A_260] : memref<2x4x8x128xf32, #tpu.memory_space<vmem>> -> memref<1x1x8x128xf32, #tpu.memory_space<vmem>>
        %dma_wait3A_262 = tpu.memref_squeeze %dma_wait3A_261 : memref<1x1x8x128xf32, #tpu.memory_space<vmem>> -> memref<8x128xf32, #tpu.memory_space<vmem>>
        %dma_wait3A_263 = arith.constant 0 : i32
        %dma_wait3A_264 = arith.constant 0 : i32
        %dma_wait3A_265 = tpu.memref_slice %arg2[%run_scoped3A_226, %add3A_217, %dma_wait3A_263, %dma_wait3A_264] : memref<4x7813x8x128xf32, #tpu.memory_space<hbm>> -> memref<1x1x8x128xf32, #tpu.memory_space<hbm>>
        %dma_wait3A_266 = tpu.memref_squeeze %dma_wait3A_265 : memref<1x1x8x128xf32, #tpu.memory_space<hbm>> -> memref<8x128xf32, #tpu.memory_space<hbm>>
        tpu.wait_dma2 semaphore(%run_scoped3A_234 : memref<!tpu.dma_semaphore, #tpu.memory_space<semaphore_mem>>) src(%dma_wait3A_266 : memref<8x128xf32, #tpu.memory_space<hbm>>) dst(%dma_wait3A_262 : memref<8x128xf32, #tpu.memory_space<vmem>>)
        tpu.yield
      }) : () -> ()
      %parallel_loop3A = arith.constant 0 : i32
      %parallel_loop3A_229 = arith.constant 32 : i32
      %parallel_loop3A_230 = arith.constant 1 : i32
      scf.for %parallel_loop3A_234 = %parallel_loop3A to %parallel_loop3A_229 step %parallel_loop3A_230  : i32 {
        %parallel_loop3A_235 = vector.broadcast %parallel_loop3A_234 : i32 to vector<16xi32>
        %parallel_loop3A_236 = arith.constant 8 : i32
        %parallel_loop3A_237 = arith.divsi %parallel_loop3A_234, %parallel_loop3A_236 : i32
        %parallel_loop3A_238 = arith.constant 0 : i32
        %parallel_loop3A_239 = arith.cmpi sgt, %parallel_loop3A_234, %parallel_loop3A_238 : i32
        %parallel_loop3A_240 = arith.extui %parallel_loop3A_239 : i1 to i32
        %parallel_loop3A_241 = arith.constant 0 : i32
        %parallel_loop3A_242 = arith.cmpi slt, %parallel_loop3A_234, %parallel_loop3A_241 : i32
        %parallel_loop3A_243 = arith.extui %parallel_loop3A_242 : i1 to i32
        %parallel_loop3A_244 = arith.subi %parallel_loop3A_240, %parallel_loop3A_243 : i32
        %parallel_loop3A_245 = arith.constant 0 : i32
        %parallel_loop3A_246 = arith.cmpi sgt, %parallel_loop3A_236, %parallel_loop3A_245 : i32
        %parallel_loop3A_247 = arith.extui %parallel_loop3A_246 : i1 to i32
        %parallel_loop3A_248 = arith.constant 0 : i32
        %parallel_loop3A_249 = arith.cmpi slt, %parallel_loop3A_236, %parallel_loop3A_248 : i32
        %parallel_loop3A_250 = arith.extui %parallel_loop3A_249 : i1 to i32
        %parallel_loop3A_251 = arith.subi %parallel_loop3A_247, %parallel_loop3A_250 : i32
        %parallel_loop3A_252 = arith.cmpi ne, %parallel_loop3A_244, %parallel_loop3A_251 : i32
        %parallel_loop3A_253 = arith.remsi %parallel_loop3A_234, %parallel_loop3A_236 : i32
        %parallel_loop3A_254 = arith.constant 0 : i32
        %parallel_loop3A_255 = arith.cmpi ne, %parallel_loop3A_253, %parallel_loop3A_254 : i32
        %parallel_loop3A_256 = arith.andi %parallel_loop3A_252, %parallel_loop3A_255 : i1
        %parallel_loop3A_257 = arith.constant 1 : i32
        %parallel_loop3A_258 = arith.subi %parallel_loop3A_237, %parallel_loop3A_257 : i32
        %parallel_loop3A_259 = arith.select %parallel_loop3A_256, %parallel_loop3A_258, %parallel_loop3A_237 : i32
        %parallel_loop3A_260 = arith.constant 8 : i32
        %parallel_loop3A_261 = arith.constant 0 : i32
        %parallel_loop3A_262 = arith.cmpi eq, %parallel_loop3A_260, %parallel_loop3A_261 : i32
        %parallel_loop3A_263 = arith.constant 1 : i32
        %parallel_loop3A_264 = arith.select %parallel_loop3A_262, %parallel_loop3A_263, %parallel_loop3A_260 : i32
        %parallel_loop3A_265 = arith.remsi %parallel_loop3A_234, %parallel_loop3A_264 : i32
        %parallel_loop3A_266 = arith.constant 0 : i32
        %parallel_loop3A_267 = arith.cmpi ne, %parallel_loop3A_265, %parallel_loop3A_266 : i32
        %parallel_loop3A_268 = arith.constant 0 : i32
        %parallel_loop3A_269 = arith.cmpi slt, %parallel_loop3A_265, %parallel_loop3A_268 : i32
        %parallel_loop3A_270 = arith.constant 0 : i32
        %parallel_loop3A_271 = arith.cmpi slt, %parallel_loop3A_264, %parallel_loop3A_270 : i32
        %parallel_loop3A_272 = arith.xori %parallel_loop3A_269, %parallel_loop3A_271 : i1
        %parallel_loop3A_273 = arith.andi %parallel_loop3A_272, %parallel_loop3A_267 : i1
        %parallel_loop3A_274 = arith.addi %parallel_loop3A_265, %parallel_loop3A_264 : i32
        %parallel_loop3A_275 = arith.select %parallel_loop3A_273, %parallel_loop3A_274, %parallel_loop3A_265 : i32
        %parallel_loop3A_276 = arith.constant 0 : i32
        %parallel_loop3A_277 = arith.index_cast %parallel_loop3A_276 : i32 to index
        %parallel_loop3A_278 = arith.index_cast %parallel_loop3A_259 : i32 to index
        %parallel_loop3A_279 = arith.index_cast %parallel_loop3A_275 : i32 to index
        %parallel_loop3A_280 = arith.constant 0 : index
        %parallel_loop3A_281 = tpu.vector_load %arg4[%parallel_loop3A_277, %parallel_loop3A_278, %parallel_loop3A_279, %parallel_loop3A_280] {strides = array<i32>} : memref<2x4x8x128xf32, #tpu.memory_space<vmem>>, vector<16xf32>,
        %parallel_loop3A_282 = arith.constant 0 : i32
        %parallel_loop3A_283 = arith.constant 0 : i32
        %parallel_loop3A_284 = arith.constant 0 : i32
        %parallel_loop3A_285 = tpu.memref_slice %arg5[%parallel_loop3A_282, %parallel_loop3A_283, %parallel_loop3A_284] : memref<2x128x33xf32, #tpu.memory_space<vmem>> -> memref<1x128x33xf32, #tpu.memory_space<vmem>>
        %parallel_loop3A_286 = tpu.memref_squeeze %parallel_loop3A_285 : memref<1x128x33xf32, #tpu.memory_space<vmem>> -> memref<128x33xf32, #tpu.memory_space<vmem>>
        tpu.vector_store_idx %parallel_loop3A_286[%add3A_3, %parallel_loop3A_235], %parallel_loop3A_281 : memref<128x33xf32, #tpu.memory_space<vmem>>[vector<16xi32>, vector<16xi32>], vector<16xf32>,
        %parallel_loop3A_287 = arith.constant 0 : i32
        %parallel_loop3A_288 = arith.index_cast %parallel_loop3A_287 : i32 to index
        %parallel_loop3A_289 = arith.index_cast %parallel_loop3A_259 : i32 to index
        %parallel_loop3A_290 = arith.index_cast %parallel_loop3A_275 : i32 to index
        %parallel_loop3A_291 = arith.constant 16 : index
        %parallel_loop3A_292 = tpu.vector_load %arg4[%parallel_loop3A_288, %parallel_loop3A_289, %parallel_loop3A_290, %parallel_loop3A_291] {strides = array<i32>} : memref<2x4x8x128xf32, #tpu.memory_space<vmem>>, vector<16xf32>,
        %parallel_loop3A_293 = arith.constant 0 : i32
        %parallel_loop3A_294 = arith.constant 0 : i32
        %parallel_loop3A_295 = arith.constant 0 : i32
        %parallel_loop3A_296 = tpu.memref_slice %arg5[%parallel_loop3A_293, %parallel_loop3A_294, %parallel_loop3A_295] : memref<2x128x33xf32, #tpu.memory_space<vmem>> -> memref<1x128x33xf32, #tpu.memory_space<vmem>>
        %parallel_loop3A_297 = tpu.memref_squeeze %parallel_loop3A_296 : memref<1x128x33xf32, #tpu.memory_space<vmem>> -> memref<128x33xf32, #tpu.memory_space<vmem>>
        tpu.vector_store_idx %parallel_loop3A_297[%add3A_6, %parallel_loop3A_235], %parallel_loop3A_292 : memref<128x33xf32, #tpu.memory_space<vmem>>[vector<16xi32>, vector<16xi32>], vector<16xf32>,
        %parallel_loop3A_298 = arith.constant 0 : i32
        %parallel_loop3A_299 = arith.index_cast %parallel_loop3A_298 : i32 to index
        %parallel_loop3A_300 = arith.index_cast %parallel_loop3A_259 : i32 to index
        %parallel_loop3A_301 = arith.index_cast %parallel_loop3A_275 : i32 to index
        %parallel_loop3A_302 = arith.constant 32 : index
        %parallel_loop3A_303 = tpu.vector_load %arg4[%parallel_loop3A_299, %parallel_loop3A_300, %parallel_loop3A_301, %parallel_loop3A_302] {strides = array<i32>} : memref<2x4x8x128xf32, #tpu.memory_space<vmem>>, vector<16xf32>,
        %parallel_loop3A_304 = arith.constant 0 : i32
        %parallel_loop3A_305 = arith.constant 0 : i32
        %parallel_loop3A_306 = arith.constant 0 : i32
        %parallel_loop3A_307 = tpu.memref_slice %arg5[%parallel_loop3A_304, %parallel_loop3A_305, %parallel_loop3A_306] : memref<2x128x33xf32, #tpu.memory_space<vmem>> -> memref<1x128x33xf32, #tpu.memory_space<vmem>>
        %parallel_loop3A_308 = tpu.memref_squeeze %parallel_loop3A_307 : memref<1x128x33xf32, #tpu.memory_space<vmem>> -> memref<128x33xf32, #tpu.memory_space<vmem>>
        tpu.vector_store_idx %parallel_loop3A_308[%add3A_9, %parallel_loop3A_235], %parallel_loop3A_303 : memref<128x33xf32, #tpu.memory_space<vmem>>[vector<16xi32>, vector<16xi32>], vector<16xf32>,
        %parallel_loop3A_309 = arith.constant 0 : i32
        %parallel_loop3A_310 = arith.index_cast %parallel_loop3A_309 : i32 to index
        %parallel_loop3A_311 = arith.index_cast %parallel_loop3A_259 : i32 to index
        %parallel_loop3A_312 = arith.index_cast %parallel_loop3A_275 : i32 to index
        %parallel_loop3A_313 = arith.constant 48 : index
        %parallel_loop3A_314 = tpu.vector_load %arg4[%parallel_loop3A_310, %parallel_loop3A_311, %parallel_loop3A_312, %parallel_loop3A_313] {strides = array<i32>} : memref<2x4x8x128xf32, #tpu.memory_space<vmem>>, vector<16xf32>,
        %parallel_loop3A_315 = arith.constant 0 : i32
        %parallel_loop3A_316 = arith.constant 0 : i32
        %parallel_loop3A_317 = arith.constant 0 : i32
        %parallel_loop3A_318 = tpu.memref_slice %arg5[%parallel_loop3A_315, %parallel_loop3A_316, %parallel_loop3A_317] : memref<2x128x33xf32, #tpu.memory_space<vmem>> -> memref<1x128x33xf32, #tpu.memory_space<vmem>>
        %parallel_loop3A_319 = tpu.memref_squeeze %parallel_loop3A_318 : memref<1x128x33xf32, #tpu.memory_space<vmem>> -> memref<128x33xf32, #tpu.memory_space<vmem>>
        tpu.vector_store_idx %parallel_loop3A_319[%add3A_12, %parallel_loop3A_235], %parallel_loop3A_314 : memref<128x33xf32, #tpu.memory_space<vmem>>[vector<16xi32>, vector<16xi32>], vector<16xf32>,
        %parallel_loop3A_320 = arith.constant 0 : i32
        %parallel_loop3A_321 = arith.index_cast %parallel_loop3A_320 : i32 to index
        %parallel_loop3A_322 = arith.index_cast %parallel_loop3A_259 : i32 to index
        %parallel_loop3A_323 = arith.index_cast %parallel_loop3A_275 : i32 to index
        %parallel_loop3A_324 = arith.constant 64 : index
        %parallel_loop3A_325 = tpu.vector_load %arg4[%parallel_loop3A_321, %parallel_loop3A_322, %parallel_loop3A_323, %parallel_loop3A_324] {strides = array<i32>} : memref<2x4x8x128xf32, #tpu.memory_space<vmem>>, vector<16xf32>,
        %parallel_loop3A_326 = arith.constant 0 : i32
        %parallel_loop3A_327 = arith.constant 0 : i32
        %parallel_loop3A_328 = arith.constant 0 : i32
        %parallel_loop3A_329 = tpu.memref_slice %arg5[%parallel_loop3A_326, %parallel_loop3A_327, %parallel_loop3A_328] : memref<2x128x33xf32, #tpu.memory_space<vmem>> -> memref<1x128x33xf32, #tpu.memory_space<vmem>>
        %parallel_loop3A_330 = tpu.memref_squeeze %parallel_loop3A_329 : memref<1x128x33xf32, #tpu.memory_space<vmem>> -> memref<128x33xf32, #tpu.memory_space<vmem>>
        tpu.vector_store_idx %parallel_loop3A_330[%add3A_15, %parallel_loop3A_235], %parallel_loop3A_325 : memref<128x33xf32, #tpu.memory_space<vmem>>[vector<16xi32>, vector<16xi32>], vector<16xf32>,
        %parallel_loop3A_331 = arith.constant 0 : i32
        %parallel_loop3A_332 = arith.index_cast %parallel_loop3A_331 : i32 to index
        %parallel_loop3A_333 = arith.index_cast %parallel_loop3A_259 : i32 to index
        %parallel_loop3A_334 = arith.index_cast %parallel_loop3A_275 : i32 to index
        %parallel_loop3A_335 = arith.constant 80 : index
        %parallel_loop3A_336 = tpu.vector_load %arg4[%parallel_loop3A_332, %parallel_loop3A_333, %parallel_loop3A_334, %parallel_loop3A_335] {strides = array<i32>} : memref<2x4x8x128xf32, #tpu.memory_space<vmem>>, vector<16xf32>,
        %parallel_loop3A_337 = arith.constant 0 : i32
        %parallel_loop3A_338 = arith.constant 0 : i32
        %parallel_loop3A_339 = arith.constant 0 : i32
        %parallel_loop3A_340 = tpu.memref_slice %arg5[%parallel_loop3A_337, %parallel_loop3A_338, %parallel_loop3A_339] : memref<2x128x33xf32, #tpu.memory_space<vmem>> -> memref<1x128x33xf32, #tpu.memory_space<vmem>>
        %parallel_loop3A_341 = tpu.memref_squeeze %parallel_loop3A_340 : memref<1x128x33xf32, #tpu.memory_space<vmem>> -> memref<128x33xf32, #tpu.memory_space<vmem>>
        tpu.vector_store_idx %parallel_loop3A_341[%add3A_18, %parallel_loop3A_235], %parallel_loop3A_336 : memref<128x33xf32, #tpu.memory_space<vmem>>[vector<16xi32>, vector<16xi32>], vector<16xf32>,
        %parallel_loop3A_342 = arith.constant 0 : i32
        %parallel_loop3A_343 = arith.index_cast %parallel_loop3A_342 : i32 to index
        %parallel_loop3A_344 = arith.index_cast %parallel_loop3A_259 : i32 to index
        %parallel_loop3A_345 = arith.index_cast %parallel_loop3A_275 : i32 to index
        %parallel_loop3A_346 = arith.constant 96 : index
        %parallel_loop3A_347 = tpu.vector_load %arg4[%parallel_loop3A_343, %parallel_loop3A_344, %parallel_loop3A_345, %parallel_loop3A_346] {strides = array<i32>} : memref<2x4x8x128xf32, #tpu.memory_space<vmem>>, vector<16xf32>,
        %parallel_loop3A_348 = arith.constant 0 : i32
        %parallel_loop3A_349 = arith.constant 0 : i32
        %parallel_loop3A_350 = arith.constant 0 : i32
        %parallel_loop3A_351 = tpu.memref_slice %arg5[%parallel_loop3A_348, %parallel_loop3A_349, %parallel_loop3A_350] : memref<2x128x33xf32, #tpu.memory_space<vmem>> -> memref<1x128x33xf32, #tpu.memory_space<vmem>>
        %parallel_loop3A_352 = tpu.memref_squeeze %parallel_loop3A_351 : memref<1x128x33xf32, #tpu.memory_space<vmem>> -> memref<128x33xf32, #tpu.memory_space<vmem>>
        tpu.vector_store_idx %parallel_loop3A_352[%add3A_21, %parallel_loop3A_235], %parallel_loop3A_347 : memref<128x33xf32, #tpu.memory_space<vmem>>[vector<16xi32>, vector<16xi32>], vector<16xf32>,
        %parallel_loop3A_353 = arith.constant 0 : i32
        %parallel_loop3A_354 = arith.index_cast %parallel_loop3A_353 : i32 to index
        %parallel_loop3A_355 = arith.index_cast %parallel_loop3A_259 : i32 to index
        %parallel_loop3A_356 = arith.index_cast %parallel_loop3A_275 : i32 to index
        %parallel_loop3A_357 = arith.constant 112 : index
        %parallel_loop3A_358 = tpu.vector_load %arg4[%parallel_loop3A_354, %parallel_loop3A_355, %parallel_loop3A_356, %parallel_loop3A_357] {strides = array<i32>} : memref<2x4x8x128xf32, #tpu.memory_space<vmem>>, vector<16xf32>,
        %parallel_loop3A_359 = arith.constant 0 : i32
        %parallel_loop3A_360 = arith.constant 0 : i32
        %parallel_loop3A_361 = arith.constant 0 : i32
        %parallel_loop3A_362 = tpu.memref_slice %arg5[%parallel_loop3A_359, %parallel_loop3A_360, %parallel_loop3A_361] : memref<2x128x33xf32, #tpu.memory_space<vmem>> -> memref<1x128x33xf32, #tpu.memory_space<vmem>>
        %parallel_loop3A_363 = tpu.memref_squeeze %parallel_loop3A_362 : memref<1x128x33xf32, #tpu.memory_space<vmem>> -> memref<128x33xf32, #tpu.memory_space<vmem>>
        tpu.vector_store_idx %parallel_loop3A_363[%add3A_24, %parallel_loop3A_235], %parallel_loop3A_358 : memref<128x33xf32, #tpu.memory_space<vmem>>[vector<16xi32>, vector<16xi32>], vector<16xf32>,
      } {sc.loop_unroll_factor = 4 : i64, sc.parallel_access}
      %mul3A_231 = arith.constant 128 : i32
      %mul3A_232 = arith.muli %add3A_217, %mul3A_231 : i32
      %run_scoped3A_233 = arith.constant 0 : i32
      "tpu.region"() ({
        %run_scoped3A_234 = tpu.sem_alloc : memref<!tpu.dma_semaphore, #tpu.memory_space<semaphore_mem>>
        %dma_start3A_235 = arith.constant 0 : i32
        %dma_start3A_236 = arith.constant 0 : i32
        %dma_start3A_237 = tpu.memref_slice %arg5[%run_scoped3A_233, %dma_start3A_235, %dma_start3A_236] : memref<2x128x33xf32, #tpu.memory_space<vmem>> -> memref<1x128x32xf32, #tpu.memory_space<vmem>>
        %dma_start3A_238 = tpu.memref_squeeze %dma_start3A_237 : memref<1x128x32xf32, #tpu.memory_space<vmem>> -> memref<128x32xf32, #tpu.memory_space<vmem>>
        %dma_start3A_239 = arith.constant 0 : i32
        %dma_start3A_240 = tpu.memref_slice %arg3[%mul3A_232, %dma_start3A_239] : memref<1000064x32xf32, #tpu.memory_space<hbm>> -> memref<128x32xf32, #tpu.memory_space<hbm>>
        %dma_start3A_241 = arith.constant 0 : i32
        %dma_start3A_242 = tpu.memref_slice %arg3[%mul3A_232, %dma_start3A_241] : memref<1000064x32xf32, #tpu.memory_space<hbm>> -> memref<128x32xf32, #tpu.memory_space<hbm>>
        %dma_start3A_243 = arith.constant 0 : i32
        %dma_start3A_244 = arith.constant 0 : i32
        %dma_start3A_245 = tpu.memref_slice %arg5[%run_scoped3A_233, %dma_start3A_243, %dma_start3A_244] : memref<2x128x33xf32, #tpu.memory_space<vmem>> -> memref<1x128x32xf32, #tpu.memory_space<vmem>>
        %dma_start3A_246 = tpu.memref_squeeze %dma_start3A_245 : memref<1x128x32xf32, #tpu.memory_space<vmem>> -> memref<128x32xf32, #tpu.memory_space<vmem>>
        tpu.enqueue_dma source(%dma_start3A_246 : memref<128x32xf32, #tpu.memory_space<vmem>>) target(%dma_start3A_242 : memref<128x32xf32, #tpu.memory_space<hbm>>) target_semaphore(%run_scoped3A_234 : memref<!tpu.dma_semaphore, #tpu.memory_space<semaphore_mem>>)
        %dma_wait3A_247 = arith.constant 0 : i32
        %dma_wait3A_248 = arith.constant 0 : i32
        %dma_wait3A_249 = tpu.memref_slice %arg5[%run_scoped3A_233, %dma_wait3A_247, %dma_wait3A_248] : memref<2x128x33xf32, #tpu.memory_space<vmem>> -> memref<1x128x32xf32, #tpu.memory_space<vmem>>
        %dma_wait3A_250 = tpu.memref_squeeze %dma_wait3A_249 : memref<1x128x32xf32, #tpu.memory_space<vmem>> -> memref<128x32xf32, #tpu.memory_space<vmem>>
        %dma_wait3A_251 = arith.constant 0 : i32
        %dma_wait3A_252 = tpu.memref_slice %arg3[%mul3A_232, %dma_wait3A_251] : memref<1000064x32xf32, #tpu.memory_space<hbm>> -> memref<128x32xf32, #tpu.memory_space<hbm>>
        %dma_wait3A_253 = arith.constant 0 : i32
        %dma_wait3A_254 = tpu.memref_slice %arg3[%mul3A_232, %dma_wait3A_253] : memref<1000064x32xf32, #tpu.memory_space<hbm>> -> memref<128x32xf32, #tpu.memory_space<hbm>>
        %dma_wait3A_255 = arith.constant 0 : i32
        %dma_wait3A_256 = arith.constant 0 : i32
        %dma_wait3A_257 = tpu.memref_slice %arg5[%run_scoped3A_233, %dma_wait3A_255, %dma_wait3A_256] : memref<2x128x33xf32, #tpu.memory_space<vmem>> -> memref<1x128x32xf32, #tpu.memory_space<vmem>>
        %dma_wait3A_258 = tpu.memref_squeeze %dma_wait3A_257 : memref<1x128x32xf32, #tpu.memory_space<vmem>> -> memref<128x32xf32, #tpu.memory_space<vmem>>
        tpu.wait_dma2 semaphore(%run_scoped3A_234 : memref<!tpu.dma_semaphore, #tpu.memory_space<semaphore_mem>>) src(%dma_wait3A_258 : memref<128x32xf32, #tpu.memory_space<vmem>>) dst(%dma_wait3A_254 : memref<128x32xf32, #tpu.memory_space<hbm>>)
        tpu.yield
      }) : () -> ()
    } else {
    }
    return
  }
}

#map = affine_map<(d0, d1) -> (0)>
#map1 = affine_map<(d0, d1) -> (0, 0)>
#map2 = affine_map<(d0, d1) -> (0, 0, 0, 0, 0)>
module attributes {stable_mosaic.version = 14 : i64} {
  func.func @emb_kernel(%arg0: i32, %arg1: i32, %arg2: memref<819200xi32, #tpu.memory_space<hbm>>, %arg3: memref<1000064x32xf32, #tpu.memory_space<hbm>>, %arg4: memref<200x4x32x8x128xf32, #tpu.memory_space<hbm>>, %arg5: memref<25600xi32, #tpu.memory_space<vmem>>, %arg6: memref<4x128x32xf32, #tpu.memory_space<vmem>>, %arg7: memref<4x32x129xf32, #tpu.memory_space<vmem>>, %arg8: memref<!tpu.dma_semaphore, #tpu.memory_space<semaphore_mem>>, %arg9: memref<!tpu.dma_semaphore, #tpu.memory_space<semaphore_mem>>, %arg10: memref<!tpu.dma_semaphore, #tpu.memory_space<semaphore_mem>>, %arg11: memref<!tpu.dma_semaphore, #tpu.memory_space<semaphore_mem>>, %arg12: memref<!tpu.dma_semaphore, #tpu.memory_space<semaphore_mem>>, %arg13: memref<!tpu.dma_semaphore, #tpu.memory_space<semaphore_mem>>, %arg14: memref<!tpu.dma_semaphore, #tpu.memory_space<semaphore_mem>>, %arg15: memref<!tpu.dma_semaphore, #tpu.memory_space<semaphore_mem>>) attributes {dimension_semantics = [#tpu.dimension_semantics<core_parallel>, #tpu.dimension_semantics<subcore_parallel>], iteration_bounds = array<i64: 2, 16>, scalar_prefetch = 0 : i64, scratch_operands = 11 : i64, tpu.core_type = #tpu.core_type<sc_vector_subcore>, window_params = [{transform_indices = #map}, {transform_indices = #map1}, {transform_indices = #map2}]} {
    %mul3A = arith.constant 2 : i32
    %mul3A_0 = arith.muli %arg1, %mul3A : i32
    %add3A = arith.addi %mul3A_0, %arg0 : i32
    %mul3A_1 = arith.constant 25600 : i32
    %mul3A_2 = arith.muli %add3A, %mul3A_1 : i32
    "tpu.region"() ({
      %run_scoped3A = tpu.sem_alloc : memref<!tpu.dma_semaphore, #tpu.memory_space<semaphore_mem>>
      %dma_start3A_366 = tpu.memref_slice %arg2[%mul3A_2] : memref<819200xi32, #tpu.memory_space<hbm>> -> memref<25600xi32, #tpu.memory_space<hbm>>
      %dma_start3A_367 = tpu.memref_slice %arg2[%mul3A_2] : memref<819200xi32, #tpu.memory_space<hbm>> -> memref<25600xi32, #tpu.memory_space<hbm>>
      tpu.enqueue_dma source(%dma_start3A_367 : memref<25600xi32, #tpu.memory_space<hbm>>) target(%arg5 : memref<25600xi32, #tpu.memory_space<vmem>>) target_semaphore(%run_scoped3A : memref<!tpu.dma_semaphore, #tpu.memory_space<semaphore_mem>>)
      %dma_wait3A_368 = tpu.memref_slice %arg2[%mul3A_2] : memref<819200xi32, #tpu.memory_space<hbm>> -> memref<25600xi32, #tpu.memory_space<hbm>>
      %dma_wait3A_369 = tpu.memref_slice %arg2[%mul3A_2] : memref<819200xi32, #tpu.memory_space<hbm>> -> memref<25600xi32, #tpu.memory_space<hbm>>
      tpu.wait_dma2 semaphore(%run_scoped3A : memref<!tpu.dma_semaphore, #tpu.memory_space<semaphore_mem>>) src(%dma_wait3A_369 : memref<25600xi32, #tpu.memory_space<hbm>>) dst(%arg5 : memref<25600xi32, #tpu.memory_space<vmem>>)
      tpu.yield
    }) : () -> ()
    %iota3A = tpu.iota {dimensions = array<i32: 0>} : vector<16xi32>
    %dma_start3A = arith.constant 0 : i32
    %dma_start3A_3 = arith.constant 0 : i32
    %dma_start3A_4 = arith.constant 0 : i32
    %dma_start3A_5 = tpu.memref_slice %arg6[%dma_start3A, %dma_start3A_3, %dma_start3A_4] : memref<4x128x32xf32, #tpu.memory_space<vmem>> -> memref<1x128x32xf32, #tpu.memory_space<vmem>>
    %dma_start3A_6 = tpu.memref_squeeze %dma_start3A_5 : memref<1x128x32xf32, #tpu.memory_space<vmem>> -> memref<128x32xf32, #tpu.memory_space<vmem>>
    %dma_start3A_7 = arith.constant 0 : i32
    %dma_start3A_8 = tpu.memref_slice %arg5[%dma_start3A_7] : memref<25600xi32, #tpu.memory_space<vmem>> -> memref<128xi32, #tpu.memory_space<vmem>>
    %dma_start3A_9 = arith.constant 0 : i32
    %dma_start3A_10 = arith.constant 0 : i32
    %dma_start3A_11 = tpu.memref_slice %arg3[%dma_start3A_9, %dma_start3A_10] : memref<1000064x32xf32, #tpu.memory_space<hbm>> -> memref<1000064x32xf32, #tpu.memory_space<hbm>>
    tpu.enqueue_indirect_dma source(%dma_start3A_11 : memref<1000064x32xf32, #tpu.memory_space<hbm>>) target(%dma_start3A_6 : memref<128x32xf32, #tpu.memory_space<vmem>>) offsets(%dma_start3A_8 : memref<128xi32, #tpu.memory_space<vmem>>) semaphore(%arg8 : memref<!tpu.dma_semaphore, #tpu.memory_space<semaphore_mem>>)
    %dma_start3A_12 = arith.constant 1 : i32
    %dma_start3A_13 = arith.constant 0 : i32
    %dma_start3A_14 = arith.constant 0 : i32
    %dma_start3A_15 = tpu.memref_slice %arg6[%dma_start3A_12, %dma_start3A_13, %dma_start3A_14] : memref<4x128x32xf32, #tpu.memory_space<vmem>> -> memref<1x128x32xf32, #tpu.memory_space<vmem>>
    %dma_start3A_16 = tpu.memref_squeeze %dma_start3A_15 : memref<1x128x32xf32, #tpu.memory_space<vmem>> -> memref<128x32xf32, #tpu.memory_space<vmem>>
    %dma_start3A_17 = arith.constant 128 : i32
    %dma_start3A_18 = tpu.memref_slice %arg5[%dma_start3A_17] : memref<25600xi32, #tpu.memory_space<vmem>> -> memref<128xi32, #tpu.memory_space<vmem>>
    %dma_start3A_19 = arith.constant 0 : i32
    %dma_start3A_20 = arith.constant 0 : i32
    %dma_start3A_21 = tpu.memref_slice %arg3[%dma_start3A_19, %dma_start3A_20] : memref<1000064x32xf32, #tpu.memory_space<hbm>> -> memref<1000064x32xf32, #tpu.memory_space<hbm>>
    tpu.enqueue_indirect_dma source(%dma_start3A_21 : memref<1000064x32xf32, #tpu.memory_space<hbm>>) target(%dma_start3A_16 : memref<128x32xf32, #tpu.memory_space<vmem>>) offsets(%dma_start3A_18 : memref<128xi32, #tpu.memory_space<vmem>>) semaphore(%arg9 : memref<!tpu.dma_semaphore, #tpu.memory_space<semaphore_mem>>)
    %dma_start3A_22 = arith.constant 2 : i32
    %dma_start3A_23 = arith.constant 0 : i32
    %dma_start3A_24 = arith.constant 0 : i32
    %dma_start3A_25 = tpu.memref_slice %arg6[%dma_start3A_22, %dma_start3A_23, %dma_start3A_24] : memref<4x128x32xf32, #tpu.memory_space<vmem>> -> memref<1x128x32xf32, #tpu.memory_space<vmem>>
    %dma_start3A_26 = tpu.memref_squeeze %dma_start3A_25 : memref<1x128x32xf32, #tpu.memory_space<vmem>> -> memref<128x32xf32, #tpu.memory_space<vmem>>
    %dma_start3A_27 = arith.constant 256 : i32
    %dma_start3A_28 = tpu.memref_slice %arg5[%dma_start3A_27] : memref<25600xi32, #tpu.memory_space<vmem>> -> memref<128xi32, #tpu.memory_space<vmem>>
    %dma_start3A_29 = arith.constant 0 : i32
    %dma_start3A_30 = arith.constant 0 : i32
    %dma_start3A_31 = tpu.memref_slice %arg3[%dma_start3A_29, %dma_start3A_30] : memref<1000064x32xf32, #tpu.memory_space<hbm>> -> memref<1000064x32xf32, #tpu.memory_space<hbm>>
    tpu.enqueue_indirect_dma source(%dma_start3A_31 : memref<1000064x32xf32, #tpu.memory_space<hbm>>) target(%dma_start3A_26 : memref<128x32xf32, #tpu.memory_space<vmem>>) offsets(%dma_start3A_28 : memref<128xi32, #tpu.memory_space<vmem>>) semaphore(%arg10 : memref<!tpu.dma_semaphore, #tpu.memory_space<semaphore_mem>>)
    %dma_start3A_32 = arith.constant 3 : i32
    %dma_start3A_33 = arith.constant 0 : i32
    %dma_start3A_34 = arith.constant 0 : i32
    %dma_start3A_35 = tpu.memref_slice %arg6[%dma_start3A_32, %dma_start3A_33, %dma_start3A_34] : memref<4x128x32xf32, #tpu.memory_space<vmem>> -> memref<1x128x32xf32, #tpu.memory_space<vmem>>
    %dma_start3A_36 = tpu.memref_squeeze %dma_start3A_35 : memref<1x128x32xf32, #tpu.memory_space<vmem>> -> memref<128x32xf32, #tpu.memory_space<vmem>>
    %dma_start3A_37 = arith.constant 384 : i32
    %dma_start3A_38 = tpu.memref_slice %arg5[%dma_start3A_37] : memref<25600xi32, #tpu.memory_space<vmem>> -> memref<128xi32, #tpu.memory_space<vmem>>
    %dma_start3A_39 = arith.constant 0 : i32
    %dma_start3A_40 = arith.constant 0 : i32
    %dma_start3A_41 = tpu.memref_slice %arg3[%dma_start3A_39, %dma_start3A_40] : memref<1000064x32xf32, #tpu.memory_space<hbm>> -> memref<1000064x32xf32, #tpu.memory_space<hbm>>
    tpu.enqueue_indirect_dma source(%dma_start3A_41 : memref<1000064x32xf32, #tpu.memory_space<hbm>>) target(%dma_start3A_36 : memref<128x32xf32, #tpu.memory_space<vmem>>) offsets(%dma_start3A_38 : memref<128xi32, #tpu.memory_space<vmem>>) semaphore(%arg11 : memref<!tpu.dma_semaphore, #tpu.memory_space<semaphore_mem>>)
    %scan3A = arith.constant 0 : i32
    %scan3A_42 = arith.constant 0 : i32
    %scan3A_43 = arith.constant 50 : i32
    %scan3A_44 = arith.addi %scan3A_42, %scan3A_43 : i32
    %scan3A_45 = arith.constant 1 : i32
    scf.for %scan3A_366 = %scan3A_42 to %scan3A_44 step %scan3A_45  : i32 {
      %mul3A_367 = arith.constant 4 : i32
      %mul3A_368 = arith.muli %scan3A_366, %mul3A_367 : i32
      %add3A_369 = arith.constant 0 : i32
      %add3A_370 = arith.addi %mul3A_368, %add3A_369 : i32
      %dma_wait3A_371 = arith.constant 0 : i32
      %dma_wait3A_372 = arith.constant 0 : i32
      %dma_wait3A_373 = arith.constant 0 : i32
      %dma_wait3A_374 = tpu.memref_slice %arg6[%dma_wait3A_371, %dma_wait3A_372, %dma_wait3A_373] : memref<4x128x32xf32, #tpu.memory_space<vmem>> -> memref<1x128x32xf32, #tpu.memory_space<vmem>>
      %dma_wait3A_375 = tpu.memref_squeeze %dma_wait3A_374 : memref<1x128x32xf32, #tpu.memory_space<vmem>> -> memref<128x32xf32, #tpu.memory_space<vmem>>
      %dma_wait3A_376 = arith.constant 0 : i32
      %dma_wait3A_377 = arith.constant 0 : i32
      %dma_wait3A_378 = tpu.memref_slice %arg3[%dma_wait3A_376, %dma_wait3A_377] : memref<1000064x32xf32, #tpu.memory_space<hbm>> -> memref<128x32xf32, #tpu.memory_space<hbm>>
      %dma_wait3A_379 = arith.constant 0 : i32
      %dma_wait3A_380 = arith.constant 0 : i32
      %dma_wait3A_381 = tpu.memref_slice %arg6[%dma_wait3A_371, %dma_wait3A_379, %dma_wait3A_380] : memref<4x128x32xf32, #tpu.memory_space<vmem>> -> memref<1x128x32xf32, #tpu.memory_space<vmem>>
      %dma_wait3A_382 = tpu.memref_squeeze %dma_wait3A_381 : memref<1x128x32xf32, #tpu.memory_space<vmem>> -> memref<128x32xf32, #tpu.memory_space<vmem>>
      %dma_wait3A_383 = arith.constant 0 : i32
      %dma_wait3A_384 = arith.constant 0 : i32
      %dma_wait3A_385 = tpu.memref_slice %arg3[%dma_wait3A_383, %dma_wait3A_384] : memref<1000064x32xf32, #tpu.memory_space<hbm>> -> memref<128x32xf32, #tpu.memory_space<hbm>>
      tpu.wait_dma2 semaphore(%arg8 : memref<!tpu.dma_semaphore, #tpu.memory_space<semaphore_mem>>) src(%dma_wait3A_385 : memref<128x32xf32, #tpu.memory_space<hbm>>) dst(%dma_wait3A_382 : memref<128x32xf32, #tpu.memory_space<vmem>>)
      %ge3A = arith.constant 4 : i32
      %ge3A_386 = arith.cmpi sge, %add3A_370, %ge3A : i32
      %convert_element_type3A = arith.extui %ge3A_386 : i1 to i32
      %cond3A = arith.constant 0 : i32
      %cond3A_387 = arith.cmpi ne, %convert_element_type3A, %cond3A : i32
      scf.if %cond3A_387 {
        %dma_wait3A_1209 = arith.constant 0 : i32
        %dma_wait3A_1210 = arith.constant 0 : i32
        %dma_wait3A_1211 = arith.constant 0 : i32
        %dma_wait3A_1212 = arith.constant 0 : i32
        %dma_wait3A_1213 = arith.constant 0 : i32
        %dma_wait3A_1214 = arith.constant 0 : i32
        %dma_wait3A_1215 = tpu.memref_slice %arg7[%dma_wait3A_1209, %dma_wait3A_1213, %dma_wait3A_1214] : memref<4x32x129xf32, #tpu.memory_space<vmem>> -> memref<1x8x128xf32, #tpu.memory_space<vmem>>
        %dma_wait3A_1216 = tpu.memref_squeeze %dma_wait3A_1215 : memref<1x8x128xf32, #tpu.memory_space<vmem>> -> memref<8x128xf32, #tpu.memory_space<vmem>>
        %dma_wait3A_1217 = arith.constant 0 : i32
        %dma_wait3A_1218 = arith.constant 0 : i32
        %dma_wait3A_1219 = tpu.memref_slice %arg4[%dma_wait3A_1210, %dma_wait3A_1211, %dma_wait3A_1212, %dma_wait3A_1217, %dma_wait3A_1218] : memref<200x4x32x8x128xf32, #tpu.memory_space<hbm>> -> memref<1x1x1x8x128xf32, #tpu.memory_space<hbm>>
        %dma_wait3A_1220 = tpu.memref_squeeze %dma_wait3A_1219 : memref<1x1x1x8x128xf32, #tpu.memory_space<hbm>> -> memref<8x128xf32, #tpu.memory_space<hbm>>
        %dma_wait3A_1221 = arith.constant 0 : i32
        %dma_wait3A_1222 = arith.constant 0 : i32
        %dma_wait3A_1223 = tpu.memref_slice %arg4[%dma_wait3A_1210, %dma_wait3A_1211, %dma_wait3A_1212, %dma_wait3A_1221, %dma_wait3A_1222] : memref<200x4x32x8x128xf32, #tpu.memory_space<hbm>> -> memref<1x1x1x8x128xf32, #tpu.memory_space<hbm>>
        %dma_wait3A_1224 = tpu.memref_squeeze %dma_wait3A_1223 : memref<1x1x1x8x128xf32, #tpu.memory_space<hbm>> -> memref<8x128xf32, #tpu.memory_space<hbm>>
        %dma_wait3A_1225 = arith.constant 0 : i32
        %dma_wait3A_1226 = arith.constant 0 : i32
        %dma_wait3A_1227 = tpu.memref_slice %arg7[%dma_wait3A_1209, %dma_wait3A_1225, %dma_wait3A_1226] : memref<4x32x129xf32, #tpu.memory_space<vmem>> -> memref<1x8x128xf32, #tpu.memory_space<vmem>>
        %dma_wait3A_1228 = tpu.memref_squeeze %dma_wait3A_1227 : memref<1x8x128xf32, #tpu.memory_space<vmem>> -> memref<8x128xf32, #tpu.memory_space<vmem>>
        tpu.wait_dma2 semaphore(%arg12 : memref<!tpu.dma_semaphore, #tpu.memory_space<semaphore_mem>>) src(%dma_wait3A_1228 : memref<8x128xf32, #tpu.memory_space<vmem>>) dst(%dma_wait3A_1224 : memref<8x128xf32, #tpu.memory_space<hbm>>)
        %dma_wait3A_1229 = arith.constant 0 : i32
        %dma_wait3A_1230 = arith.constant 0 : i32
        %dma_wait3A_1231 = arith.constant 0 : i32
        %dma_wait3A_1232 = arith.constant 0 : i32
        %dma_wait3A_1233 = arith.constant 8 : i32
        %dma_wait3A_1234 = arith.constant 0 : i32
        %dma_wait3A_1235 = tpu.memref_slice %arg7[%dma_wait3A_1229, %dma_wait3A_1233, %dma_wait3A_1234] : memref<4x32x129xf32, #tpu.memory_space<vmem>> -> memref<1x8x128xf32, #tpu.memory_space<vmem>>
        %dma_wait3A_1236 = tpu.memref_squeeze %dma_wait3A_1235 : memref<1x8x128xf32, #tpu.memory_space<vmem>> -> memref<8x128xf32, #tpu.memory_space<vmem>>
        %dma_wait3A_1237 = arith.constant 0 : i32
        %dma_wait3A_1238 = arith.constant 0 : i32
        %dma_wait3A_1239 = tpu.memref_slice %arg4[%dma_wait3A_1230, %dma_wait3A_1231, %dma_wait3A_1232, %dma_wait3A_1237, %dma_wait3A_1238] : memref<200x4x32x8x128xf32, #tpu.memory_space<hbm>> -> memref<1x1x1x8x128xf32, #tpu.memory_space<hbm>>
        %dma_wait3A_1240 = tpu.memref_squeeze %dma_wait3A_1239 : memref<1x1x1x8x128xf32, #tpu.memory_space<hbm>> -> memref<8x128xf32, #tpu.memory_space<hbm>>
        %dma_wait3A_1241 = arith.constant 0 : i32
        %dma_wait3A_1242 = arith.constant 0 : i32
        %dma_wait3A_1243 = tpu.memref_slice %arg4[%dma_wait3A_1230, %dma_wait3A_1231, %dma_wait3A_1232, %dma_wait3A_1241, %dma_wait3A_1242] : memref<200x4x32x8x128xf32, #tpu.memory_space<hbm>> -> memref<1x1x1x8x128xf32, #tpu.memory_space<hbm>>
        %dma_wait3A_1244 = tpu.memref_squeeze %dma_wait3A_1243 : memref<1x1x1x8x128xf32, #tpu.memory_space<hbm>> -> memref<8x128xf32, #tpu.memory_space<hbm>>
        %dma_wait3A_1245 = arith.constant 8 : i32
        %dma_wait3A_1246 = arith.constant 0 : i32
        %dma_wait3A_1247 = tpu.memref_slice %arg7[%dma_wait3A_1229, %dma_wait3A_1245, %dma_wait3A_1246] : memref<4x32x129xf32, #tpu.memory_space<vmem>> -> memref<1x8x128xf32, #tpu.memory_space<vmem>>
        %dma_wait3A_1248 = tpu.memref_squeeze %dma_wait3A_1247 : memref<1x8x128xf32, #tpu.memory_space<vmem>> -> memref<8x128xf32, #tpu.memory_space<vmem>>
        tpu.wait_dma2 semaphore(%arg12 : memref<!tpu.dma_semaphore, #tpu.memory_space<semaphore_mem>>) src(%dma_wait3A_1248 : memref<8x128xf32, #tpu.memory_space<vmem>>) dst(%dma_wait3A_1244 : memref<8x128xf32, #tpu.memory_space<hbm>>)
        %dma_wait3A_1249 = arith.constant 0 : i32
        %dma_wait3A_1250 = arith.constant 0 : i32
        %dma_wait3A_1251 = arith.constant 0 : i32
        %dma_wait3A_1252 = arith.constant 0 : i32
        %dma_wait3A_1253 = arith.constant 16 : i32
        %dma_wait3A_1254 = arith.constant 0 : i32
        %dma_wait3A_1255 = tpu.memref_slice %arg7[%dma_wait3A_1249, %dma_wait3A_1253, %dma_wait3A_1254] : memref<4x32x129xf32, #tpu.memory_space<vmem>> -> memref<1x8x128xf32, #tpu.memory_space<vmem>>
        %dma_wait3A_1256 = tpu.memref_squeeze %dma_wait3A_1255 : memref<1x8x128xf32, #tpu.memory_space<vmem>> -> memref<8x128xf32, #tpu.memory_space<vmem>>
        %dma_wait3A_1257 = arith.constant 0 : i32
        %dma_wait3A_1258 = arith.constant 0 : i32
        %dma_wait3A_1259 = tpu.memref_slice %arg4[%dma_wait3A_1250, %dma_wait3A_1251, %dma_wait3A_1252, %dma_wait3A_1257, %dma_wait3A_1258] : memref<200x4x32x8x128xf32, #tpu.memory_space<hbm>> -> memref<1x1x1x8x128xf32, #tpu.memory_space<hbm>>
        %dma_wait3A_1260 = tpu.memref_squeeze %dma_wait3A_1259 : memref<1x1x1x8x128xf32, #tpu.memory_space<hbm>> -> memref<8x128xf32, #tpu.memory_space<hbm>>
        %dma_wait3A_1261 = arith.constant 0 : i32
        %dma_wait3A_1262 = arith.constant 0 : i32
        %dma_wait3A_1263 = tpu.memref_slice %arg4[%dma_wait3A_1250, %dma_wait3A_1251, %dma_wait3A_1252, %dma_wait3A_1261, %dma_wait3A_1262] : memref<200x4x32x8x128xf32, #tpu.memory_space<hbm>> -> memref<1x1x1x8x128xf32, #tpu.memory_space<hbm>>
        %dma_wait3A_1264 = tpu.memref_squeeze %dma_wait3A_1263 : memref<1x1x1x8x128xf32, #tpu.memory_space<hbm>> -> memref<8x128xf32, #tpu.memory_space<hbm>>
        %dma_wait3A_1265 = arith.constant 16 : i32
        %dma_wait3A_1266 = arith.constant 0 : i32
        %dma_wait3A_1267 = tpu.memref_slice %arg7[%dma_wait3A_1249, %dma_wait3A_1265, %dma_wait3A_1266] : memref<4x32x129xf32, #tpu.memory_space<vmem>> -> memref<1x8x128xf32, #tpu.memory_space<vmem>>
        %dma_wait3A_1268 = tpu.memref_squeeze %dma_wait3A_1267 : memref<1x8x128xf32, #tpu.memory_space<vmem>> -> memref<8x128xf32, #tpu.memory_space<vmem>>
        tpu.wait_dma2 semaphore(%arg12 : memref<!tpu.dma_semaphore, #tpu.memory_space<semaphore_mem>>) src(%dma_wait3A_1268 : memref<8x128xf32, #tpu.memory_space<vmem>>) dst(%dma_wait3A_1264 : memref<8x128xf32, #tpu.memory_space<hbm>>)
        %dma_wait3A_1269 = arith.constant 0 : i32
        %dma_wait3A_1270 = arith.constant 0 : i32
        %dma_wait3A_1271 = arith.constant 0 : i32
        %dma_wait3A_1272 = arith.constant 0 : i32
        %dma_wait3A_1273 = arith.constant 24 : i32
        %dma_wait3A_1274 = arith.constant 0 : i32
        %dma_wait3A_1275 = tpu.memref_slice %arg7[%dma_wait3A_1269, %dma_wait3A_1273, %dma_wait3A_1274] : memref<4x32x129xf32, #tpu.memory_space<vmem>> -> memref<1x8x128xf32, #tpu.memory_space<vmem>>
        %dma_wait3A_1276 = tpu.memref_squeeze %dma_wait3A_1275 : memref<1x8x128xf32, #tpu.memory_space<vmem>> -> memref<8x128xf32, #tpu.memory_space<vmem>>
        %dma_wait3A_1277 = arith.constant 0 : i32
        %dma_wait3A_1278 = arith.constant 0 : i32
        %dma_wait3A_1279 = tpu.memref_slice %arg4[%dma_wait3A_1270, %dma_wait3A_1271, %dma_wait3A_1272, %dma_wait3A_1277, %dma_wait3A_1278] : memref<200x4x32x8x128xf32, #tpu.memory_space<hbm>> -> memref<1x1x1x8x128xf32, #tpu.memory_space<hbm>>
        %dma_wait3A_1280 = tpu.memref_squeeze %dma_wait3A_1279 : memref<1x1x1x8x128xf32, #tpu.memory_space<hbm>> -> memref<8x128xf32, #tpu.memory_space<hbm>>
        %dma_wait3A_1281 = arith.constant 0 : i32
        %dma_wait3A_1282 = arith.constant 0 : i32
        %dma_wait3A_1283 = tpu.memref_slice %arg4[%dma_wait3A_1270, %dma_wait3A_1271, %dma_wait3A_1272, %dma_wait3A_1281, %dma_wait3A_1282] : memref<200x4x32x8x128xf32, #tpu.memory_space<hbm>> -> memref<1x1x1x8x128xf32, #tpu.memory_space<hbm>>
        %dma_wait3A_1284 = tpu.memref_squeeze %dma_wait3A_1283 : memref<1x1x1x8x128xf32, #tpu.memory_space<hbm>> -> memref<8x128xf32, #tpu.memory_space<hbm>>
        %dma_wait3A_1285 = arith.constant 24 : i32
        %dma_wait3A_1286 = arith.constant 0 : i32
        %dma_wait3A_1287 = tpu.memref_slice %arg7[%dma_wait3A_1269, %dma_wait3A_1285, %dma_wait3A_1286] : memref<4x32x129xf32, #tpu.memory_space<vmem>> -> memref<1x8x128xf32, #tpu.memory_space<vmem>>
        %dma_wait3A_1288 = tpu.memref_squeeze %dma_wait3A_1287 : memref<1x8x128xf32, #tpu.memory_space<vmem>> -> memref<8x128xf32, #tpu.memory_space<vmem>>
        tpu.wait_dma2 semaphore(%arg12 : memref<!tpu.dma_semaphore, #tpu.memory_space<semaphore_mem>>) src(%dma_wait3A_1288 : memref<8x128xf32, #tpu.memory_space<vmem>>) dst(%dma_wait3A_1284 : memref<8x128xf32, #tpu.memory_space<hbm>>)
      } else {
      }
      %parallel_loop3A = arith.constant 0 : i32
      %parallel_loop3A_388 = arith.constant 128 : i32
      %parallel_loop3A_389 = arith.constant 1 : i32
      scf.for %parallel_loop3A_1209 = %parallel_loop3A to %parallel_loop3A_388 step %parallel_loop3A_389  : i32 {
        %parallel_loop3A_1210 = vector.broadcast %parallel_loop3A_1209 : i32 to vector<16xi32>
        %parallel_loop3A_1211 = arith.constant 0 : i32
        %parallel_loop3A_1212 = arith.index_cast %parallel_loop3A_1211 : i32 to index
        %parallel_loop3A_1213 = arith.index_cast %parallel_loop3A_1209 : i32 to index
        %parallel_loop3A_1214 = arith.constant 0 : index
        %parallel_loop3A_1215 = tpu.vector_load %arg6[%parallel_loop3A_1212, %parallel_loop3A_1213, %parallel_loop3A_1214] {strides = array<i32>} : memref<4x128x32xf32, #tpu.memory_space<vmem>>, vector<16xf32>,
        %parallel_loop3A_1216 = arith.constant 5.65685415 : f32
        %parallel_loop3A_1217 = vector.broadcast %parallel_loop3A_1216 : f32 to vector<16xf32>
        %parallel_loop3A_1218 = arith.mulf %parallel_loop3A_1215, %parallel_loop3A_1217 : vector<16xf32>
        %parallel_loop3A_1219 = arith.constant 0 : i32
        %parallel_loop3A_1220 = vector.broadcast %parallel_loop3A_1219 : i32 to vector<16xi32>
        %parallel_loop3A_1221 = arith.addi %iota3A, %parallel_loop3A_1220 : vector<16xi32>
        %parallel_loop3A_1222 = arith.constant 0 : i32
        %parallel_loop3A_1223 = arith.constant 0 : i32
        %parallel_loop3A_1224 = arith.constant 0 : i32
        %parallel_loop3A_1225 = tpu.memref_slice %arg7[%parallel_loop3A_1222, %parallel_loop3A_1223, %parallel_loop3A_1224] : memref<4x32x129xf32, #tpu.memory_space<vmem>> -> memref<1x32x129xf32, #tpu.memory_space<vmem>>
        %parallel_loop3A_1226 = tpu.memref_squeeze %parallel_loop3A_1225 : memref<1x32x129xf32, #tpu.memory_space<vmem>> -> memref<32x129xf32, #tpu.memory_space<vmem>>
        tpu.vector_store_idx %parallel_loop3A_1226[%parallel_loop3A_1221, %parallel_loop3A_1210], %parallel_loop3A_1218 : memref<32x129xf32, #tpu.memory_space<vmem>>[vector<16xi32>, vector<16xi32>], vector<16xf32>,
        %parallel_loop3A_1227 = arith.constant 0 : i32
        %parallel_loop3A_1228 = arith.index_cast %parallel_loop3A_1227 : i32 to index
        %parallel_loop3A_1229 = arith.index_cast %parallel_loop3A_1209 : i32 to index
        %parallel_loop3A_1230 = arith.constant 16 : index
        %parallel_loop3A_1231 = tpu.vector_load %arg6[%parallel_loop3A_1228, %parallel_loop3A_1229, %parallel_loop3A_1230] {strides = array<i32>} : memref<4x128x32xf32, #tpu.memory_space<vmem>>, vector<16xf32>,
        %parallel_loop3A_1232 = arith.constant 5.65685415 : f32
        %parallel_loop3A_1233 = vector.broadcast %parallel_loop3A_1232 : f32 to vector<16xf32>
        %parallel_loop3A_1234 = arith.mulf %parallel_loop3A_1231, %parallel_loop3A_1233 : vector<16xf32>
        %parallel_loop3A_1235 = arith.constant 16 : i32
        %parallel_loop3A_1236 = vector.broadcast %parallel_loop3A_1235 : i32 to vector<16xi32>
        %parallel_loop3A_1237 = arith.addi %iota3A, %parallel_loop3A_1236 : vector<16xi32>
        %parallel_loop3A_1238 = arith.constant 0 : i32
        %parallel_loop3A_1239 = arith.constant 0 : i32
        %parallel_loop3A_1240 = arith.constant 0 : i32
        %parallel_loop3A_1241 = tpu.memref_slice %arg7[%parallel_loop3A_1238, %parallel_loop3A_1239, %parallel_loop3A_1240] : memref<4x32x129xf32, #tpu.memory_space<vmem>> -> memref<1x32x129xf32, #tpu.memory_space<vmem>>
        %parallel_loop3A_1242 = tpu.memref_squeeze %parallel_loop3A_1241 : memref<1x32x129xf32, #tpu.memory_space<vmem>> -> memref<32x129xf32, #tpu.memory_space<vmem>>
        tpu.vector_store_idx %parallel_loop3A_1242[%parallel_loop3A_1237, %parallel_loop3A_1210], %parallel_loop3A_1234 : memref<32x129xf32, #tpu.memory_space<vmem>>[vector<16xi32>, vector<16xi32>], vector<16xf32>,
      } {sc.loop_unroll_factor = 8 : i64, sc.parallel_access}
      %add3A_390 = arith.constant 4 : i32
      %add3A_391 = arith.addi %add3A_370, %add3A_390 : i32
      %lt3A = arith.constant 200 : i32
      %lt3A_392 = arith.cmpi slt, %add3A_391, %lt3A : i32
      %convert_element_type3A_393 = arith.extui %lt3A_392 : i1 to i32
      %cond3A_394 = arith.constant 0 : i32
      %cond3A_395 = arith.cmpi ne, %convert_element_type3A_393, %cond3A_394 : i32
      scf.if %cond3A_395 {
        %add3A_1209 = arith.constant 4 : i32
        %add3A_1210 = arith.addi %add3A_370, %add3A_1209 : i32
        %mul3A_1211 = arith.constant 128 : i32
        %mul3A_1212 = arith.muli %add3A_1210, %mul3A_1211 : i32
        %dma_start3A_1213 = arith.constant 0 : i32
        %dma_start3A_1214 = arith.constant 0 : i32
        %dma_start3A_1215 = arith.constant 0 : i32
        %dma_start3A_1216 = tpu.memref_slice %arg6[%dma_start3A_1213, %dma_start3A_1214, %dma_start3A_1215] : memref<4x128x32xf32, #tpu.memory_space<vmem>> -> memref<1x128x32xf32, #tpu.memory_space<vmem>>
        %dma_start3A_1217 = tpu.memref_squeeze %dma_start3A_1216 : memref<1x128x32xf32, #tpu.memory_space<vmem>> -> memref<128x32xf32, #tpu.memory_space<vmem>>
        %dma_start3A_1218 = tpu.memref_slice %arg5[%mul3A_1212] : memref<25600xi32, #tpu.memory_space<vmem>> -> memref<128xi32, #tpu.memory_space<vmem>>
        %dma_start3A_1219 = arith.constant 0 : i32
        %dma_start3A_1220 = arith.constant 0 : i32
        %dma_start3A_1221 = tpu.memref_slice %arg3[%dma_start3A_1219, %dma_start3A_1220] : memref<1000064x32xf32, #tpu.memory_space<hbm>> -> memref<1000064x32xf32, #tpu.memory_space<hbm>>
        tpu.enqueue_indirect_dma source(%dma_start3A_1221 : memref<1000064x32xf32, #tpu.memory_space<hbm>>) target(%dma_start3A_1217 : memref<128x32xf32, #tpu.memory_space<vmem>>) offsets(%dma_start3A_1218 : memref<128xi32, #tpu.memory_space<vmem>>) semaphore(%arg8 : memref<!tpu.dma_semaphore, #tpu.memory_space<semaphore_mem>>)
      } else {
      }
      %jit3A = arith.constant 128 : i32
      %div3A = arith.divsi %mul3A_2, %jit3A : i32
      %sign3A = arith.constant 0 : i32
      %sign3A_396 = arith.cmpi sgt, %mul3A_2, %sign3A : i32
      %sign3A_397 = arith.extui %sign3A_396 : i1 to i32
      %sign3A_398 = arith.constant 0 : i32
      %sign3A_399 = arith.cmpi slt, %mul3A_2, %sign3A_398 : i32
      %sign3A_400 = arith.extui %sign3A_399 : i1 to i32
      %sign3A_401 = arith.subi %sign3A_397, %sign3A_400 : i32
      %sign3A_402 = arith.constant 0 : i32
      %sign3A_403 = arith.cmpi sgt, %jit3A, %sign3A_402 : i32
      %sign3A_404 = arith.extui %sign3A_403 : i1 to i32
      %sign3A_405 = arith.constant 0 : i32
      %sign3A_406 = arith.cmpi slt, %jit3A, %sign3A_405 : i32
      %sign3A_407 = arith.extui %sign3A_406 : i1 to i32
      %sign3A_408 = arith.subi %sign3A_404, %sign3A_407 : i32
      %ne3A = arith.cmpi ne, %sign3A_401, %sign3A_408 : i32
      %rem3A = arith.remsi %mul3A_2, %jit3A : i32
      %ne3A_409 = arith.constant 0 : i32
      %ne3A_410 = arith.cmpi ne, %rem3A, %ne3A_409 : i32
      %and3A = arith.andi %ne3A, %ne3A_410 : i1
      %sub3A = arith.constant 1 : i32
      %sub3A_411 = arith.subi %div3A, %sub3A : i32
      %select_n3A = arith.select %and3A, %sub3A_411, %div3A : i32
      %add3A_412 = arith.addi %select_n3A, %add3A_370 : i32
      %jit3A_413 = arith.constant 256 : i32
      %div3A_414 = arith.divsi %add3A_412, %jit3A_413 : i32
      %sign3A_415 = arith.constant 0 : i32
      %sign3A_416 = arith.cmpi sgt, %add3A_412, %sign3A_415 : i32
      %sign3A_417 = arith.extui %sign3A_416 : i1 to i32
      %sign3A_418 = arith.constant 0 : i32
      %sign3A_419 = arith.cmpi slt, %add3A_412, %sign3A_418 : i32
      %sign3A_420 = arith.extui %sign3A_419 : i1 to i32
      %sign3A_421 = arith.subi %sign3A_417, %sign3A_420 : i32
      %sign3A_422 = arith.constant 0 : i32
      %sign3A_423 = arith.cmpi sgt, %jit3A_413, %sign3A_422 : i32
      %sign3A_424 = arith.extui %sign3A_423 : i1 to i32
      %sign3A_425 = arith.constant 0 : i32
      %sign3A_426 = arith.cmpi slt, %jit3A_413, %sign3A_425 : i32
      %sign3A_427 = arith.extui %sign3A_426 : i1 to i32
      %sign3A_428 = arith.subi %sign3A_424, %sign3A_427 : i32
      %ne3A_429 = arith.cmpi ne, %sign3A_421, %sign3A_428 : i32
      %rem3A_430 = arith.remsi %add3A_412, %jit3A_413 : i32
      %ne3A_431 = arith.constant 0 : i32
      %ne3A_432 = arith.cmpi ne, %rem3A_430, %ne3A_431 : i32
      %and3A_433 = arith.andi %ne3A_429, %ne3A_432 : i1
      %sub3A_434 = arith.constant 1 : i32
      %sub3A_435 = arith.subi %div3A_414, %sub3A_434 : i32
      %select_n3A_436 = arith.select %and3A_433, %sub3A_435, %div3A_414 : i32
      %jit3A_437 = arith.constant 256 : i32
      %eq3A = arith.constant 0 : i32
      %eq3A_438 = arith.cmpi eq, %jit3A_437, %eq3A : i32
      %jit3A_439 = arith.constant 1 : i32
      %select_n3A_440 = arith.select %eq3A_438, %jit3A_439, %jit3A_437 : i32
      %rem3A_441 = arith.remsi %add3A_412, %select_n3A_440 : i32
      %ne3A_442 = arith.constant 0 : i32
      %ne3A_443 = arith.cmpi ne, %rem3A_441, %ne3A_442 : i32
      %lt3A_444 = arith.constant 0 : i32
      %lt3A_445 = arith.cmpi slt, %rem3A_441, %lt3A_444 : i32
      %lt3A_446 = arith.constant 0 : i32
      %lt3A_447 = arith.cmpi slt, %select_n3A_440, %lt3A_446 : i32
      %ne3A_448 = arith.xori %lt3A_445, %lt3A_447 : i1
      %and3A_449 = arith.andi %ne3A_448, %ne3A_443 : i1
      %add3A_450 = arith.addi %rem3A_441, %select_n3A_440 : i32
      %select_n3A_451 = arith.select %and3A_449, %add3A_450, %rem3A_441 : i32
      %jit3A_452 = arith.constant 8 : i32
      %div3A_453 = arith.divsi %select_n3A_451, %jit3A_452 : i32
      %sign3A_454 = arith.constant 0 : i32
      %sign3A_455 = arith.cmpi sgt, %select_n3A_451, %sign3A_454 : i32
      %sign3A_456 = arith.extui %sign3A_455 : i1 to i32
      %sign3A_457 = arith.constant 0 : i32
      %sign3A_458 = arith.cmpi slt, %select_n3A_451, %sign3A_457 : i32
      %sign3A_459 = arith.extui %sign3A_458 : i1 to i32
      %sign3A_460 = arith.subi %sign3A_456, %sign3A_459 : i32
      %sign3A_461 = arith.constant 0 : i32
      %sign3A_462 = arith.cmpi sgt, %jit3A_452, %sign3A_461 : i32
      %sign3A_463 = arith.extui %sign3A_462 : i1 to i32
      %sign3A_464 = arith.constant 0 : i32
      %sign3A_465 = arith.cmpi slt, %jit3A_452, %sign3A_464 : i32
      %sign3A_466 = arith.extui %sign3A_465 : i1 to i32
      %sign3A_467 = arith.subi %sign3A_463, %sign3A_466 : i32
      %ne3A_468 = arith.cmpi ne, %sign3A_460, %sign3A_467 : i32
      %rem3A_469 = arith.remsi %select_n3A_451, %jit3A_452 : i32
      %ne3A_470 = arith.constant 0 : i32
      %ne3A_471 = arith.cmpi ne, %rem3A_469, %ne3A_470 : i32
      %and3A_472 = arith.andi %ne3A_468, %ne3A_471 : i1
      %sub3A_473 = arith.constant 1 : i32
      %sub3A_474 = arith.subi %div3A_453, %sub3A_473 : i32
      %select_n3A_475 = arith.select %and3A_472, %sub3A_474, %div3A_453 : i32
      %jit3A_476 = arith.constant 8 : i32
      %eq3A_477 = arith.constant 0 : i32
      %eq3A_478 = arith.cmpi eq, %jit3A_476, %eq3A_477 : i32
      %jit3A_479 = arith.constant 1 : i32
      %select_n3A_480 = arith.select %eq3A_478, %jit3A_479, %jit3A_476 : i32
      %rem3A_481 = arith.remsi %select_n3A_451, %select_n3A_480 : i32
      %ne3A_482 = arith.constant 0 : i32
      %ne3A_483 = arith.cmpi ne, %rem3A_481, %ne3A_482 : i32
      %lt3A_484 = arith.constant 0 : i32
      %lt3A_485 = arith.cmpi slt, %rem3A_481, %lt3A_484 : i32
      %lt3A_486 = arith.constant 0 : i32
      %lt3A_487 = arith.cmpi slt, %select_n3A_480, %lt3A_486 : i32
      %ne3A_488 = arith.xori %lt3A_485, %lt3A_487 : i1
      %and3A_489 = arith.andi %ne3A_488, %ne3A_483 : i1
      %add3A_490 = arith.addi %rem3A_481, %select_n3A_480 : i32
      %select_n3A_491 = arith.select %and3A_489, %add3A_490, %rem3A_481 : i32
      %mul3A_492 = arith.constant 8 : i32
      %mul3A_493 = arith.muli %select_n3A_436, %mul3A_492 : i32
      %add3A_494 = arith.addi %mul3A_493, %select_n3A_491 : i32
      %dma_start3A_495 = arith.constant 0 : i32
      %dma_start3A_496 = arith.constant 0 : i32
      %dma_start3A_497 = arith.constant 0 : i32
      %dma_start3A_498 = arith.constant 0 : i32
      %dma_start3A_499 = tpu.memref_slice %arg7[%dma_start3A_495, %dma_start3A_497, %dma_start3A_498] : memref<4x32x129xf32, #tpu.memory_space<vmem>> -> memref<1x8x128xf32, #tpu.memory_space<vmem>>
      %dma_start3A_500 = tpu.memref_squeeze %dma_start3A_499 : memref<1x8x128xf32, #tpu.memory_space<vmem>> -> memref<8x128xf32, #tpu.memory_space<vmem>>
      %dma_start3A_501 = arith.constant 0 : i32
      %dma_start3A_502 = arith.constant 0 : i32
      %dma_start3A_503 = tpu.memref_slice %arg4[%add3A_494, %dma_start3A_496, %select_n3A_475, %dma_start3A_501, %dma_start3A_502] : memref<200x4x32x8x128xf32, #tpu.memory_space<hbm>> -> memref<1x1x1x8x128xf32, #tpu.memory_space<hbm>>
      %dma_start3A_504 = tpu.memref_squeeze %dma_start3A_503 : memref<1x1x1x8x128xf32, #tpu.memory_space<hbm>> -> memref<8x128xf32, #tpu.memory_space<hbm>>
      %dma_start3A_505 = arith.constant 0 : i32
      %dma_start3A_506 = arith.constant 0 : i32
      %dma_start3A_507 = tpu.memref_slice %arg4[%add3A_494, %dma_start3A_496, %select_n3A_475, %dma_start3A_505, %dma_start3A_506] : memref<200x4x32x8x128xf32, #tpu.memory_space<hbm>> -> memref<1x1x1x8x128xf32, #tpu.memory_space<hbm>>
      %dma_start3A_508 = tpu.memref_squeeze %dma_start3A_507 : memref<1x1x1x8x128xf32, #tpu.memory_space<hbm>> -> memref<8x128xf32, #tpu.memory_space<hbm>>
      %dma_start3A_509 = arith.constant 0 : i32
      %dma_start3A_510 = arith.constant 0 : i32
      %dma_start3A_511 = tpu.memref_slice %arg7[%dma_start3A_495, %dma_start3A_509, %dma_start3A_510] : memref<4x32x129xf32, #tpu.memory_space<vmem>> -> memref<1x8x128xf32, #tpu.memory_space<vmem>>
      %dma_start3A_512 = tpu.memref_squeeze %dma_start3A_511 : memref<1x8x128xf32, #tpu.memory_space<vmem>> -> memref<8x128xf32, #tpu.memory_space<vmem>>
      tpu.enqueue_dma source(%dma_start3A_512 : memref<8x128xf32, #tpu.memory_space<vmem>>) target(%dma_start3A_508 : memref<8x128xf32, #tpu.memory_space<hbm>>) target_semaphore(%arg12 : memref<!tpu.dma_semaphore, #tpu.memory_space<semaphore_mem>>)
      %dma_start3A_513 = arith.constant 0 : i32
      %dma_start3A_514 = arith.constant 1 : i32
      %dma_start3A_515 = arith.constant 8 : i32
      %dma_start3A_516 = arith.constant 0 : i32
      %dma_start3A_517 = tpu.memref_slice %arg7[%dma_start3A_513, %dma_start3A_515, %dma_start3A_516] : memref<4x32x129xf32, #tpu.memory_space<vmem>> -> memref<1x8x128xf32, #tpu.memory_space<vmem>>
      %dma_start3A_518 = tpu.memref_squeeze %dma_start3A_517 : memref<1x8x128xf32, #tpu.memory_space<vmem>> -> memref<8x128xf32, #tpu.memory_space<vmem>>
      %dma_start3A_519 = arith.constant 0 : i32
      %dma_start3A_520 = arith.constant 0 : i32
      %dma_start3A_521 = tpu.memref_slice %arg4[%add3A_494, %dma_start3A_514, %select_n3A_475, %dma_start3A_519, %dma_start3A_520] : memref<200x4x32x8x128xf32, #tpu.memory_space<hbm>> -> memref<1x1x1x8x128xf32, #tpu.memory_space<hbm>>
      %dma_start3A_522 = tpu.memref_squeeze %dma_start3A_521 : memref<1x1x1x8x128xf32, #tpu.memory_space<hbm>> -> memref<8x128xf32, #tpu.memory_space<hbm>>
      %dma_start3A_523 = arith.constant 0 : i32
      %dma_start3A_524 = arith.constant 0 : i32
      %dma_start3A_525 = tpu.memref_slice %arg4[%add3A_494, %dma_start3A_514, %select_n3A_475, %dma_start3A_523, %dma_start3A_524] : memref<200x4x32x8x128xf32, #tpu.memory_space<hbm>> -> memref<1x1x1x8x128xf32, #tpu.memory_space<hbm>>
      %dma_start3A_526 = tpu.memref_squeeze %dma_start3A_525 : memref<1x1x1x8x128xf32, #tpu.memory_space<hbm>> -> memref<8x128xf32, #tpu.memory_space<hbm>>
      %dma_start3A_527 = arith.constant 8 : i32
      %dma_start3A_528 = arith.constant 0 : i32
      %dma_start3A_529 = tpu.memref_slice %arg7[%dma_start3A_513, %dma_start3A_527, %dma_start3A_528] : memref<4x32x129xf32, #tpu.memory_space<vmem>> -> memref<1x8x128xf32, #tpu.memory_space<vmem>>
      %dma_start3A_530 = tpu.memref_squeeze %dma_start3A_529 : memref<1x8x128xf32, #tpu.memory_space<vmem>> -> memref<8x128xf32, #tpu.memory_space<vmem>>
      tpu.enqueue_dma source(%dma_start3A_530 : memref<8x128xf32, #tpu.memory_space<vmem>>) target(%dma_start3A_526 : memref<8x128xf32, #tpu.memory_space<hbm>>) target_semaphore(%arg12 : memref<!tpu.dma_semaphore, #tpu.memory_space<semaphore_mem>>)
      %dma_start3A_531 = arith.constant 0 : i32
      %dma_start3A_532 = arith.constant 2 : i32
      %dma_start3A_533 = arith.constant 16 : i32
      %dma_start3A_534 = arith.constant 0 : i32
      %dma_start3A_535 = tpu.memref_slice %arg7[%dma_start3A_531, %dma_start3A_533, %dma_start3A_534] : memref<4x32x129xf32, #tpu.memory_space<vmem>> -> memref<1x8x128xf32, #tpu.memory_space<vmem>>
      %dma_start3A_536 = tpu.memref_squeeze %dma_start3A_535 : memref<1x8x128xf32, #tpu.memory_space<vmem>> -> memref<8x128xf32, #tpu.memory_space<vmem>>
      %dma_start3A_537 = arith.constant 0 : i32
      %dma_start3A_538 = arith.constant 0 : i32
      %dma_start3A_539 = tpu.memref_slice %arg4[%add3A_494, %dma_start3A_532, %select_n3A_475, %dma_start3A_537, %dma_start3A_538] : memref<200x4x32x8x128xf32, #tpu.memory_space<hbm>> -> memref<1x1x1x8x128xf32, #tpu.memory_space<hbm>>
      %dma_start3A_540 = tpu.memref_squeeze %dma_start3A_539 : memref<1x1x1x8x128xf32, #tpu.memory_space<hbm>> -> memref<8x128xf32, #tpu.memory_space<hbm>>
      %dma_start3A_541 = arith.constant 0 : i32
      %dma_start3A_542 = arith.constant 0 : i32
      %dma_start3A_543 = tpu.memref_slice %arg4[%add3A_494, %dma_start3A_532, %select_n3A_475, %dma_start3A_541, %dma_start3A_542] : memref<200x4x32x8x128xf32, #tpu.memory_space<hbm>> -> memref<1x1x1x8x128xf32, #tpu.memory_space<hbm>>
      %dma_start3A_544 = tpu.memref_squeeze %dma_start3A_543 : memref<1x1x1x8x128xf32, #tpu.memory_space<hbm>> -> memref<8x128xf32, #tpu.memory_space<hbm>>
      %dma_start3A_545 = arith.constant 16 : i32
      %dma_start3A_546 = arith.constant 0 : i32
      %dma_start3A_547 = tpu.memref_slice %arg7[%dma_start3A_531, %dma_start3A_545, %dma_start3A_546] : memref<4x32x129xf32, #tpu.memory_space<vmem>> -> memref<1x8x128xf32, #tpu.memory_space<vmem>>
      %dma_start3A_548 = tpu.memref_squeeze %dma_start3A_547 : memref<1x8x128xf32, #tpu.memory_space<vmem>> -> memref<8x128xf32, #tpu.memory_space<vmem>>
      tpu.enqueue_dma source(%dma_start3A_548 : memref<8x128xf32, #tpu.memory_space<vmem>>) target(%dma_start3A_544 : memref<8x128xf32, #tpu.memory_space<hbm>>) target_semaphore(%arg12 : memref<!tpu.dma_semaphore, #tpu.memory_space<semaphore_mem>>)
      %dma_start3A_549 = arith.constant 0 : i32
      %dma_start3A_550 = arith.constant 3 : i32
      %dma_start3A_551 = arith.constant 24 : i32
      %dma_start3A_552 = arith.constant 0 : i32
      %dma_start3A_553 = tpu.memref_slice %arg7[%dma_start3A_549, %dma_start3A_551, %dma_start3A_552] : memref<4x32x129xf32, #tpu.memory_space<vmem>> -> memref<1x8x128xf32, #tpu.memory_space<vmem>>
      %dma_start3A_554 = tpu.memref_squeeze %dma_start3A_553 : memref<1x8x128xf32, #tpu.memory_space<vmem>> -> memref<8x128xf32, #tpu.memory_space<vmem>>
      %dma_start3A_555 = arith.constant 0 : i32
      %dma_start3A_556 = arith.constant 0 : i32
      %dma_start3A_557 = tpu.memref_slice %arg4[%add3A_494, %dma_start3A_550, %select_n3A_475, %dma_start3A_555, %dma_start3A_556] : memref<200x4x32x8x128xf32, #tpu.memory_space<hbm>> -> memref<1x1x1x8x128xf32, #tpu.memory_space<hbm>>
      %dma_start3A_558 = tpu.memref_squeeze %dma_start3A_557 : memref<1x1x1x8x128xf32, #tpu.memory_space<hbm>> -> memref<8x128xf32, #tpu.memory_space<hbm>>
      %dma_start3A_559 = arith.constant 0 : i32
      %dma_start3A_560 = arith.constant 0 : i32
      %dma_start3A_561 = tpu.memref_slice %arg4[%add3A_494, %dma_start3A_550, %select_n3A_475, %dma_start3A_559, %dma_start3A_560] : memref<200x4x32x8x128xf32, #tpu.memory_space<hbm>> -> memref<1x1x1x8x128xf32, #tpu.memory_space<hbm>>
      %dma_start3A_562 = tpu.memref_squeeze %dma_start3A_561 : memref<1x1x1x8x128xf32, #tpu.memory_space<hbm>> -> memref<8x128xf32, #tpu.memory_space<hbm>>
      %dma_start3A_563 = arith.constant 24 : i32
      %dma_start3A_564 = arith.constant 0 : i32
      %dma_start3A_565 = tpu.memref_slice %arg7[%dma_start3A_549, %dma_start3A_563, %dma_start3A_564] : memref<4x32x129xf32, #tpu.memory_space<vmem>> -> memref<1x8x128xf32, #tpu.memory_space<vmem>>
      %dma_start3A_566 = tpu.memref_squeeze %dma_start3A_565 : memref<1x8x128xf32, #tpu.memory_space<vmem>> -> memref<8x128xf32, #tpu.memory_space<vmem>>
      tpu.enqueue_dma source(%dma_start3A_566 : memref<8x128xf32, #tpu.memory_space<vmem>>) target(%dma_start3A_562 : memref<8x128xf32, #tpu.memory_space<hbm>>) target_semaphore(%arg12 : memref<!tpu.dma_semaphore, #tpu.memory_space<semaphore_mem>>)
      %mul3A_567 = arith.constant 4 : i32
      %mul3A_568 = arith.muli %scan3A_366, %mul3A_567 : i32
      %add3A_569 = arith.constant 1 : i32
      %add3A_570 = arith.addi %mul3A_568, %add3A_569 : i32
      %dma_wait3A_571 = arith.constant 1 : i32
      %dma_wait3A_572 = arith.constant 0 : i32
      %dma_wait3A_573 = arith.constant 0 : i32
      %dma_wait3A_574 = tpu.memref_slice %arg6[%dma_wait3A_571, %dma_wait3A_572, %dma_wait3A_573] : memref<4x128x32xf32, #tpu.memory_space<vmem>> -> memref<1x128x32xf32, #tpu.memory_space<vmem>>
      %dma_wait3A_575 = tpu.memref_squeeze %dma_wait3A_574 : memref<1x128x32xf32, #tpu.memory_space<vmem>> -> memref<128x32xf32, #tpu.memory_space<vmem>>
      %dma_wait3A_576 = arith.constant 0 : i32
      %dma_wait3A_577 = arith.constant 0 : i32
      %dma_wait3A_578 = tpu.memref_slice %arg3[%dma_wait3A_576, %dma_wait3A_577] : memref<1000064x32xf32, #tpu.memory_space<hbm>> -> memref<128x32xf32, #tpu.memory_space<hbm>>
      %dma_wait3A_579 = arith.constant 0 : i32
      %dma_wait3A_580 = arith.constant 0 : i32
      %dma_wait3A_581 = tpu.memref_slice %arg6[%dma_wait3A_571, %dma_wait3A_579, %dma_wait3A_580] : memref<4x128x32xf32, #tpu.memory_space<vmem>> -> memref<1x128x32xf32, #tpu.memory_space<vmem>>
      %dma_wait3A_582 = tpu.memref_squeeze %dma_wait3A_581 : memref<1x128x32xf32, #tpu.memory_space<vmem>> -> memref<128x32xf32, #tpu.memory_space<vmem>>
      %dma_wait3A_583 = arith.constant 0 : i32
      %dma_wait3A_584 = arith.constant 0 : i32
      %dma_wait3A_585 = tpu.memref_slice %arg3[%dma_wait3A_583, %dma_wait3A_584] : memref<1000064x32xf32, #tpu.memory_space<hbm>> -> memref<128x32xf32, #tpu.memory_space<hbm>>
      tpu.wait_dma2 semaphore(%arg9 : memref<!tpu.dma_semaphore, #tpu.memory_space<semaphore_mem>>) src(%dma_wait3A_585 : memref<128x32xf32, #tpu.memory_space<hbm>>) dst(%dma_wait3A_582 : memref<128x32xf32, #tpu.memory_space<vmem>>)
      %ge3A_586 = arith.constant 4 : i32
      %ge3A_587 = arith.cmpi sge, %add3A_570, %ge3A_586 : i32
      %convert_element_type3A_588 = arith.extui %ge3A_587 : i1 to i32
      %cond3A_589 = arith.constant 0 : i32
      %cond3A_590 = arith.cmpi ne, %convert_element_type3A_588, %cond3A_589 : i32
      scf.if %cond3A_590 {
        %dma_wait3A_1209 = arith.constant 1 : i32
        %dma_wait3A_1210 = arith.constant 0 : i32
        %dma_wait3A_1211 = arith.constant 0 : i32
        %dma_wait3A_1212 = arith.constant 0 : i32
        %dma_wait3A_1213 = arith.constant 0 : i32
        %dma_wait3A_1214 = arith.constant 0 : i32
        %dma_wait3A_1215 = tpu.memref_slice %arg7[%dma_wait3A_1209, %dma_wait3A_1213, %dma_wait3A_1214] : memref<4x32x129xf32, #tpu.memory_space<vmem>> -> memref<1x8x128xf32, #tpu.memory_space<vmem>>
        %dma_wait3A_1216 = tpu.memref_squeeze %dma_wait3A_1215 : memref<1x8x128xf32, #tpu.memory_space<vmem>> -> memref<8x128xf32, #tpu.memory_space<vmem>>
        %dma_wait3A_1217 = arith.constant 0 : i32
        %dma_wait3A_1218 = arith.constant 0 : i32
        %dma_wait3A_1219 = tpu.memref_slice %arg4[%dma_wait3A_1210, %dma_wait3A_1211, %dma_wait3A_1212, %dma_wait3A_1217, %dma_wait3A_1218] : memref<200x4x32x8x128xf32, #tpu.memory_space<hbm>> -> memref<1x1x1x8x128xf32, #tpu.memory_space<hbm>>
        %dma_wait3A_1220 = tpu.memref_squeeze %dma_wait3A_1219 : memref<1x1x1x8x128xf32, #tpu.memory_space<hbm>> -> memref<8x128xf32, #tpu.memory_space<hbm>>
        %dma_wait3A_1221 = arith.constant 0 : i32
        %dma_wait3A_1222 = arith.constant 0 : i32
        %dma_wait3A_1223 = tpu.memref_slice %arg4[%dma_wait3A_1210, %dma_wait3A_1211, %dma_wait3A_1212, %dma_wait3A_1221, %dma_wait3A_1222] : memref<200x4x32x8x128xf32, #tpu.memory_space<hbm>> -> memref<1x1x1x8x128xf32, #tpu.memory_space<hbm>>
        %dma_wait3A_1224 = tpu.memref_squeeze %dma_wait3A_1223 : memref<1x1x1x8x128xf32, #tpu.memory_space<hbm>> -> memref<8x128xf32, #tpu.memory_space<hbm>>
        %dma_wait3A_1225 = arith.constant 0 : i32
        %dma_wait3A_1226 = arith.constant 0 : i32
        %dma_wait3A_1227 = tpu.memref_slice %arg7[%dma_wait3A_1209, %dma_wait3A_1225, %dma_wait3A_1226] : memref<4x32x129xf32, #tpu.memory_space<vmem>> -> memref<1x8x128xf32, #tpu.memory_space<vmem>>
        %dma_wait3A_1228 = tpu.memref_squeeze %dma_wait3A_1227 : memref<1x8x128xf32, #tpu.memory_space<vmem>> -> memref<8x128xf32, #tpu.memory_space<vmem>>
        tpu.wait_dma2 semaphore(%arg13 : memref<!tpu.dma_semaphore, #tpu.memory_space<semaphore_mem>>) src(%dma_wait3A_1228 : memref<8x128xf32, #tpu.memory_space<vmem>>) dst(%dma_wait3A_1224 : memref<8x128xf32, #tpu.memory_space<hbm>>)
        %dma_wait3A_1229 = arith.constant 1 : i32
        %dma_wait3A_1230 = arith.constant 0 : i32
        %dma_wait3A_1231 = arith.constant 0 : i32
        %dma_wait3A_1232 = arith.constant 0 : i32
        %dma_wait3A_1233 = arith.constant 8 : i32
        %dma_wait3A_1234 = arith.constant 0 : i32
        %dma_wait3A_1235 = tpu.memref_slice %arg7[%dma_wait3A_1229, %dma_wait3A_1233, %dma_wait3A_1234] : memref<4x32x129xf32, #tpu.memory_space<vmem>> -> memref<1x8x128xf32, #tpu.memory_space<vmem>>
        %dma_wait3A_1236 = tpu.memref_squeeze %dma_wait3A_1235 : memref<1x8x128xf32, #tpu.memory_space<vmem>> -> memref<8x128xf32, #tpu.memory_space<vmem>>
        %dma_wait3A_1237 = arith.constant 0 : i32
        %dma_wait3A_1238 = arith.constant 0 : i32
        %dma_wait3A_1239 = tpu.memref_slice %arg4[%dma_wait3A_1230, %dma_wait3A_1231, %dma_wait3A_1232, %dma_wait3A_1237, %dma_wait3A_1238] : memref<200x4x32x8x128xf32, #tpu.memory_space<hbm>> -> memref<1x1x1x8x128xf32, #tpu.memory_space<hbm>>
        %dma_wait3A_1240 = tpu.memref_squeeze %dma_wait3A_1239 : memref<1x1x1x8x128xf32, #tpu.memory_space<hbm>> -> memref<8x128xf32, #tpu.memory_space<hbm>>
        %dma_wait3A_1241 = arith.constant 0 : i32
        %dma_wait3A_1242 = arith.constant 0 : i32
        %dma_wait3A_1243 = tpu.memref_slice %arg4[%dma_wait3A_1230, %dma_wait3A_1231, %dma_wait3A_1232, %dma_wait3A_1241, %dma_wait3A_1242] : memref<200x4x32x8x128xf32, #tpu.memory_space<hbm>> -> memref<1x1x1x8x128xf32, #tpu.memory_space<hbm>>
        %dma_wait3A_1244 = tpu.memref_squeeze %dma_wait3A_1243 : memref<1x1x1x8x128xf32, #tpu.memory_space<hbm>> -> memref<8x128xf32, #tpu.memory_space<hbm>>
        %dma_wait3A_1245 = arith.constant 8 : i32
        %dma_wait3A_1246 = arith.constant 0 : i32
        %dma_wait3A_1247 = tpu.memref_slice %arg7[%dma_wait3A_1229, %dma_wait3A_1245, %dma_wait3A_1246] : memref<4x32x129xf32, #tpu.memory_space<vmem>> -> memref<1x8x128xf32, #tpu.memory_space<vmem>>
        %dma_wait3A_1248 = tpu.memref_squeeze %dma_wait3A_1247 : memref<1x8x128xf32, #tpu.memory_space<vmem>> -> memref<8x128xf32, #tpu.memory_space<vmem>>
        tpu.wait_dma2 semaphore(%arg13 : memref<!tpu.dma_semaphore, #tpu.memory_space<semaphore_mem>>) src(%dma_wait3A_1248 : memref<8x128xf32, #tpu.memory_space<vmem>>) dst(%dma_wait3A_1244 : memref<8x128xf32, #tpu.memory_space<hbm>>)
        %dma_wait3A_1249 = arith.constant 1 : i32
        %dma_wait3A_1250 = arith.constant 0 : i32
        %dma_wait3A_1251 = arith.constant 0 : i32
        %dma_wait3A_1252 = arith.constant 0 : i32
        %dma_wait3A_1253 = arith.constant 16 : i32
        %dma_wait3A_1254 = arith.constant 0 : i32
        %dma_wait3A_1255 = tpu.memref_slice %arg7[%dma_wait3A_1249, %dma_wait3A_1253, %dma_wait3A_1254] : memref<4x32x129xf32, #tpu.memory_space<vmem>> -> memref<1x8x128xf32, #tpu.memory_space<vmem>>
        %dma_wait3A_1256 = tpu.memref_squeeze %dma_wait3A_1255 : memref<1x8x128xf32, #tpu.memory_space<vmem>> -> memref<8x128xf32, #tpu.memory_space<vmem>>
        %dma_wait3A_1257 = arith.constant 0 : i32
        %dma_wait3A_1258 = arith.constant 0 : i32
        %dma_wait3A_1259 = tpu.memref_slice %arg4[%dma_wait3A_1250, %dma_wait3A_1251, %dma_wait3A_1252, %dma_wait3A_1257, %dma_wait3A_1258] : memref<200x4x32x8x128xf32, #tpu.memory_space<hbm>> -> memref<1x1x1x8x128xf32, #tpu.memory_space<hbm>>
        %dma_wait3A_1260 = tpu.memref_squeeze %dma_wait3A_1259 : memref<1x1x1x8x128xf32, #tpu.memory_space<hbm>> -> memref<8x128xf32, #tpu.memory_space<hbm>>
        %dma_wait3A_1261 = arith.constant 0 : i32
        %dma_wait3A_1262 = arith.constant 0 : i32
        %dma_wait3A_1263 = tpu.memref_slice %arg4[%dma_wait3A_1250, %dma_wait3A_1251, %dma_wait3A_1252, %dma_wait3A_1261, %dma_wait3A_1262] : memref<200x4x32x8x128xf32, #tpu.memory_space<hbm>> -> memref<1x1x1x8x128xf32, #tpu.memory_space<hbm>>
        %dma_wait3A_1264 = tpu.memref_squeeze %dma_wait3A_1263 : memref<1x1x1x8x128xf32, #tpu.memory_space<hbm>> -> memref<8x128xf32, #tpu.memory_space<hbm>>
        %dma_wait3A_1265 = arith.constant 16 : i32
        %dma_wait3A_1266 = arith.constant 0 : i32
        %dma_wait3A_1267 = tpu.memref_slice %arg7[%dma_wait3A_1249, %dma_wait3A_1265, %dma_wait3A_1266] : memref<4x32x129xf32, #tpu.memory_space<vmem>> -> memref<1x8x128xf32, #tpu.memory_space<vmem>>
        %dma_wait3A_1268 = tpu.memref_squeeze %dma_wait3A_1267 : memref<1x8x128xf32, #tpu.memory_space<vmem>> -> memref<8x128xf32, #tpu.memory_space<vmem>>
        tpu.wait_dma2 semaphore(%arg13 : memref<!tpu.dma_semaphore, #tpu.memory_space<semaphore_mem>>) src(%dma_wait3A_1268 : memref<8x128xf32, #tpu.memory_space<vmem>>) dst(%dma_wait3A_1264 : memref<8x128xf32, #tpu.memory_space<hbm>>)
        %dma_wait3A_1269 = arith.constant 1 : i32
        %dma_wait3A_1270 = arith.constant 0 : i32
        %dma_wait3A_1271 = arith.constant 0 : i32
        %dma_wait3A_1272 = arith.constant 0 : i32
        %dma_wait3A_1273 = arith.constant 24 : i32
        %dma_wait3A_1274 = arith.constant 0 : i32
        %dma_wait3A_1275 = tpu.memref_slice %arg7[%dma_wait3A_1269, %dma_wait3A_1273, %dma_wait3A_1274] : memref<4x32x129xf32, #tpu.memory_space<vmem>> -> memref<1x8x128xf32, #tpu.memory_space<vmem>>
        %dma_wait3A_1276 = tpu.memref_squeeze %dma_wait3A_1275 : memref<1x8x128xf32, #tpu.memory_space<vmem>> -> memref<8x128xf32, #tpu.memory_space<vmem>>
        %dma_wait3A_1277 = arith.constant 0 : i32
        %dma_wait3A_1278 = arith.constant 0 : i32
        %dma_wait3A_1279 = tpu.memref_slice %arg4[%dma_wait3A_1270, %dma_wait3A_1271, %dma_wait3A_1272, %dma_wait3A_1277, %dma_wait3A_1278] : memref<200x4x32x8x128xf32, #tpu.memory_space<hbm>> -> memref<1x1x1x8x128xf32, #tpu.memory_space<hbm>>
        %dma_wait3A_1280 = tpu.memref_squeeze %dma_wait3A_1279 : memref<1x1x1x8x128xf32, #tpu.memory_space<hbm>> -> memref<8x128xf32, #tpu.memory_space<hbm>>
        %dma_wait3A_1281 = arith.constant 0 : i32
        %dma_wait3A_1282 = arith.constant 0 : i32
        %dma_wait3A_1283 = tpu.memref_slice %arg4[%dma_wait3A_1270, %dma_wait3A_1271, %dma_wait3A_1272, %dma_wait3A_1281, %dma_wait3A_1282] : memref<200x4x32x8x128xf32, #tpu.memory_space<hbm>> -> memref<1x1x1x8x128xf32, #tpu.memory_space<hbm>>
        %dma_wait3A_1284 = tpu.memref_squeeze %dma_wait3A_1283 : memref<1x1x1x8x128xf32, #tpu.memory_space<hbm>> -> memref<8x128xf32, #tpu.memory_space<hbm>>
        %dma_wait3A_1285 = arith.constant 24 : i32
        %dma_wait3A_1286 = arith.constant 0 : i32
        %dma_wait3A_1287 = tpu.memref_slice %arg7[%dma_wait3A_1269, %dma_wait3A_1285, %dma_wait3A_1286] : memref<4x32x129xf32, #tpu.memory_space<vmem>> -> memref<1x8x128xf32, #tpu.memory_space<vmem>>
        %dma_wait3A_1288 = tpu.memref_squeeze %dma_wait3A_1287 : memref<1x8x128xf32, #tpu.memory_space<vmem>> -> memref<8x128xf32, #tpu.memory_space<vmem>>
        tpu.wait_dma2 semaphore(%arg13 : memref<!tpu.dma_semaphore, #tpu.memory_space<semaphore_mem>>) src(%dma_wait3A_1288 : memref<8x128xf32, #tpu.memory_space<vmem>>) dst(%dma_wait3A_1284 : memref<8x128xf32, #tpu.memory_space<hbm>>)
      } else {
      }
      %parallel_loop3A_591 = arith.constant 0 : i32
      %parallel_loop3A_592 = arith.constant 128 : i32
      %parallel_loop3A_593 = arith.constant 1 : i32
      scf.for %parallel_loop3A_1209 = %parallel_loop3A_591 to %parallel_loop3A_592 step %parallel_loop3A_593  : i32 {
        %parallel_loop3A_1210 = vector.broadcast %parallel_loop3A_1209 : i32 to vector<16xi32>
        %parallel_loop3A_1211 = arith.constant 1 : i32
        %parallel_loop3A_1212 = arith.index_cast %parallel_loop3A_1211 : i32 to index
        %parallel_loop3A_1213 = arith.index_cast %parallel_loop3A_1209 : i32 to index
        %parallel_loop3A_1214 = arith.constant 0 : index
        %parallel_loop3A_1215 = tpu.vector_load %arg6[%parallel_loop3A_1212, %parallel_loop3A_1213, %parallel_loop3A_1214] {strides = array<i32>} : memref<4x128x32xf32, #tpu.memory_space<vmem>>, vector<16xf32>,
        %parallel_loop3A_1216 = arith.constant 5.65685415 : f32
        %parallel_loop3A_1217 = vector.broadcast %parallel_loop3A_1216 : f32 to vector<16xf32>
        %parallel_loop3A_1218 = arith.mulf %parallel_loop3A_1215, %parallel_loop3A_1217 : vector<16xf32>
        %parallel_loop3A_1219 = arith.constant 0 : i32
        %parallel_loop3A_1220 = vector.broadcast %parallel_loop3A_1219 : i32 to vector<16xi32>
        %parallel_loop3A_1221 = arith.addi %iota3A, %parallel_loop3A_1220 : vector<16xi32>
        %parallel_loop3A_1222 = arith.constant 1 : i32
        %parallel_loop3A_1223 = arith.constant 0 : i32
        %parallel_loop3A_1224 = arith.constant 0 : i32
        %parallel_loop3A_1225 = tpu.memref_slice %arg7[%parallel_loop3A_1222, %parallel_loop3A_1223, %parallel_loop3A_1224] : memref<4x32x129xf32, #tpu.memory_space<vmem>> -> memref<1x32x129xf32, #tpu.memory_space<vmem>>
        %parallel_loop3A_1226 = tpu.memref_squeeze %parallel_loop3A_1225 : memref<1x32x129xf32, #tpu.memory_space<vmem>> -> memref<32x129xf32, #tpu.memory_space<vmem>>
        tpu.vector_store_idx %parallel_loop3A_1226[%parallel_loop3A_1221, %parallel_loop3A_1210], %parallel_loop3A_1218 : memref<32x129xf32, #tpu.memory_space<vmem>>[vector<16xi32>, vector<16xi32>], vector<16xf32>,
        %parallel_loop3A_1227 = arith.constant 1 : i32
        %parallel_loop3A_1228 = arith.index_cast %parallel_loop3A_1227 : i32 to index
        %parallel_loop3A_1229 = arith.index_cast %parallel_loop3A_1209 : i32 to index
        %parallel_loop3A_1230 = arith.constant 16 : index
        %parallel_loop3A_1231 = tpu.vector_load %arg6[%parallel_loop3A_1228, %parallel_loop3A_1229, %parallel_loop3A_1230] {strides = array<i32>} : memref<4x128x32xf32, #tpu.memory_space<vmem>>, vector<16xf32>,
        %parallel_loop3A_1232 = arith.constant 5.65685415 : f32
        %parallel_loop3A_1233 = vector.broadcast %parallel_loop3A_1232 : f32 to vector<16xf32>
        %parallel_loop3A_1234 = arith.mulf %parallel_loop3A_1231, %parallel_loop3A_1233 : vector<16xf32>
        %parallel_loop3A_1235 = arith.constant 16 : i32
        %parallel_loop3A_1236 = vector.broadcast %parallel_loop3A_1235 : i32 to vector<16xi32>
        %parallel_loop3A_1237 = arith.addi %iota3A, %parallel_loop3A_1236 : vector<16xi32>
        %parallel_loop3A_1238 = arith.constant 1 : i32
        %parallel_loop3A_1239 = arith.constant 0 : i32
        %parallel_loop3A_1240 = arith.constant 0 : i32
        %parallel_loop3A_1241 = tpu.memref_slice %arg7[%parallel_loop3A_1238, %parallel_loop3A_1239, %parallel_loop3A_1240] : memref<4x32x129xf32, #tpu.memory_space<vmem>> -> memref<1x32x129xf32, #tpu.memory_space<vmem>>
        %parallel_loop3A_1242 = tpu.memref_squeeze %parallel_loop3A_1241 : memref<1x32x129xf32, #tpu.memory_space<vmem>> -> memref<32x129xf32, #tpu.memory_space<vmem>>
        tpu.vector_store_idx %parallel_loop3A_1242[%parallel_loop3A_1237, %parallel_loop3A_1210], %parallel_loop3A_1234 : memref<32x129xf32, #tpu.memory_space<vmem>>[vector<16xi32>, vector<16xi32>], vector<16xf32>,
      } {sc.loop_unroll_factor = 8 : i64, sc.parallel_access}
      %add3A_594 = arith.constant 4 : i32
      %add3A_595 = arith.addi %add3A_570, %add3A_594 : i32
      %lt3A_596 = arith.constant 200 : i32
      %lt3A_597 = arith.cmpi slt, %add3A_595, %lt3A_596 : i32
      %convert_element_type3A_598 = arith.extui %lt3A_597 : i1 to i32
      %cond3A_599 = arith.constant 0 : i32
      %cond3A_600 = arith.cmpi ne, %convert_element_type3A_598, %cond3A_599 : i32
      scf.if %cond3A_600 {
        %add3A_1209 = arith.constant 4 : i32
        %add3A_1210 = arith.addi %add3A_570, %add3A_1209 : i32
        %mul3A_1211 = arith.constant 128 : i32
        %mul3A_1212 = arith.muli %add3A_1210, %mul3A_1211 : i32
        %dma_start3A_1213 = arith.constant 1 : i32
        %dma_start3A_1214 = arith.constant 0 : i32
        %dma_start3A_1215 = arith.constant 0 : i32
        %dma_start3A_1216 = tpu.memref_slice %arg6[%dma_start3A_1213, %dma_start3A_1214, %dma_start3A_1215] : memref<4x128x32xf32, #tpu.memory_space<vmem>> -> memref<1x128x32xf32, #tpu.memory_space<vmem>>
        %dma_start3A_1217 = tpu.memref_squeeze %dma_start3A_1216 : memref<1x128x32xf32, #tpu.memory_space<vmem>> -> memref<128x32xf32, #tpu.memory_space<vmem>>
        %dma_start3A_1218 = tpu.memref_slice %arg5[%mul3A_1212] : memref<25600xi32, #tpu.memory_space<vmem>> -> memref<128xi32, #tpu.memory_space<vmem>>
        %dma_start3A_1219 = arith.constant 0 : i32
        %dma_start3A_1220 = arith.constant 0 : i32
        %dma_start3A_1221 = tpu.memref_slice %arg3[%dma_start3A_1219, %dma_start3A_1220] : memref<1000064x32xf32, #tpu.memory_space<hbm>> -> memref<1000064x32xf32, #tpu.memory_space<hbm>>
        tpu.enqueue_indirect_dma source(%dma_start3A_1221 : memref<1000064x32xf32, #tpu.memory_space<hbm>>) target(%dma_start3A_1217 : memref<128x32xf32, #tpu.memory_space<vmem>>) offsets(%dma_start3A_1218 : memref<128xi32, #tpu.memory_space<vmem>>) semaphore(%arg9 : memref<!tpu.dma_semaphore, #tpu.memory_space<semaphore_mem>>)
      } else {
      }
      %jit3A_601 = arith.constant 128 : i32
      %div3A_602 = arith.divsi %mul3A_2, %jit3A_601 : i32
      %sign3A_603 = arith.constant 0 : i32
      %sign3A_604 = arith.cmpi sgt, %mul3A_2, %sign3A_603 : i32
      %sign3A_605 = arith.extui %sign3A_604 : i1 to i32
      %sign3A_606 = arith.constant 0 : i32
      %sign3A_607 = arith.cmpi slt, %mul3A_2, %sign3A_606 : i32
      %sign3A_608 = arith.extui %sign3A_607 : i1 to i32
      %sign3A_609 = arith.subi %sign3A_605, %sign3A_608 : i32
      %sign3A_610 = arith.constant 0 : i32
      %sign3A_611 = arith.cmpi sgt, %jit3A_601, %sign3A_610 : i32
      %sign3A_612 = arith.extui %sign3A_611 : i1 to i32
      %sign3A_613 = arith.constant 0 : i32
      %sign3A_614 = arith.cmpi slt, %jit3A_601, %sign3A_613 : i32
      %sign3A_615 = arith.extui %sign3A_614 : i1 to i32
      %sign3A_616 = arith.subi %sign3A_612, %sign3A_615 : i32
      %ne3A_617 = arith.cmpi ne, %sign3A_609, %sign3A_616 : i32
      %rem3A_618 = arith.remsi %mul3A_2, %jit3A_601 : i32
      %ne3A_619 = arith.constant 0 : i32
      %ne3A_620 = arith.cmpi ne, %rem3A_618, %ne3A_619 : i32
      %and3A_621 = arith.andi %ne3A_617, %ne3A_620 : i1
      %sub3A_622 = arith.constant 1 : i32
      %sub3A_623 = arith.subi %div3A_602, %sub3A_622 : i32
      %select_n3A_624 = arith.select %and3A_621, %sub3A_623, %div3A_602 : i32
      %add3A_625 = arith.addi %select_n3A_624, %add3A_570 : i32
      %jit3A_626 = arith.constant 256 : i32
      %div3A_627 = arith.divsi %add3A_625, %jit3A_626 : i32
      %sign3A_628 = arith.constant 0 : i32
      %sign3A_629 = arith.cmpi sgt, %add3A_625, %sign3A_628 : i32
      %sign3A_630 = arith.extui %sign3A_629 : i1 to i32
      %sign3A_631 = arith.constant 0 : i32
      %sign3A_632 = arith.cmpi slt, %add3A_625, %sign3A_631 : i32
      %sign3A_633 = arith.extui %sign3A_632 : i1 to i32
      %sign3A_634 = arith.subi %sign3A_630, %sign3A_633 : i32
      %sign3A_635 = arith.constant 0 : i32
      %sign3A_636 = arith.cmpi sgt, %jit3A_626, %sign3A_635 : i32
      %sign3A_637 = arith.extui %sign3A_636 : i1 to i32
      %sign3A_638 = arith.constant 0 : i32
      %sign3A_639 = arith.cmpi slt, %jit3A_626, %sign3A_638 : i32
      %sign3A_640 = arith.extui %sign3A_639 : i1 to i32
      %sign3A_641 = arith.subi %sign3A_637, %sign3A_640 : i32
      %ne3A_642 = arith.cmpi ne, %sign3A_634, %sign3A_641 : i32
      %rem3A_643 = arith.remsi %add3A_625, %jit3A_626 : i32
      %ne3A_644 = arith.constant 0 : i32
      %ne3A_645 = arith.cmpi ne, %rem3A_643, %ne3A_644 : i32
      %and3A_646 = arith.andi %ne3A_642, %ne3A_645 : i1
      %sub3A_647 = arith.constant 1 : i32
      %sub3A_648 = arith.subi %div3A_627, %sub3A_647 : i32
      %select_n3A_649 = arith.select %and3A_646, %sub3A_648, %div3A_627 : i32
      %jit3A_650 = arith.constant 256 : i32
      %eq3A_651 = arith.constant 0 : i32
      %eq3A_652 = arith.cmpi eq, %jit3A_650, %eq3A_651 : i32
      %jit3A_653 = arith.constant 1 : i32
      %select_n3A_654 = arith.select %eq3A_652, %jit3A_653, %jit3A_650 : i32
      %rem3A_655 = arith.remsi %add3A_625, %select_n3A_654 : i32
      %ne3A_656 = arith.constant 0 : i32
      %ne3A_657 = arith.cmpi ne, %rem3A_655, %ne3A_656 : i32
      %lt3A_658 = arith.constant 0 : i32
      %lt3A_659 = arith.cmpi slt, %rem3A_655, %lt3A_658 : i32
      %lt3A_660 = arith.constant 0 : i32
      %lt3A_661 = arith.cmpi slt, %select_n3A_654, %lt3A_660 : i32
      %ne3A_662 = arith.xori %lt3A_659, %lt3A_661 : i1
      %and3A_663 = arith.andi %ne3A_662, %ne3A_657 : i1
      %add3A_664 = arith.addi %rem3A_655, %select_n3A_654 : i32
      %select_n3A_665 = arith.select %and3A_663, %add3A_664, %rem3A_655 : i32
      %jit3A_666 = arith.constant 8 : i32
      %div3A_667 = arith.divsi %select_n3A_665, %jit3A_666 : i32
      %sign3A_668 = arith.constant 0 : i32
      %sign3A_669 = arith.cmpi sgt, %select_n3A_665, %sign3A_668 : i32
      %sign3A_670 = arith.extui %sign3A_669 : i1 to i32
      %sign3A_671 = arith.constant 0 : i32
      %sign3A_672 = arith.cmpi slt, %select_n3A_665, %sign3A_671 : i32
      %sign3A_673 = arith.extui %sign3A_672 : i1 to i32
      %sign3A_674 = arith.subi %sign3A_670, %sign3A_673 : i32
      %sign3A_675 = arith.constant 0 : i32
      %sign3A_676 = arith.cmpi sgt, %jit3A_666, %sign3A_675 : i32
      %sign3A_677 = arith.extui %sign3A_676 : i1 to i32
      %sign3A_678 = arith.constant 0 : i32
      %sign3A_679 = arith.cmpi slt, %jit3A_666, %sign3A_678 : i32
      %sign3A_680 = arith.extui %sign3A_679 : i1 to i32
      %sign3A_681 = arith.subi %sign3A_677, %sign3A_680 : i32
      %ne3A_682 = arith.cmpi ne, %sign3A_674, %sign3A_681 : i32
      %rem3A_683 = arith.remsi %select_n3A_665, %jit3A_666 : i32
      %ne3A_684 = arith.constant 0 : i32
      %ne3A_685 = arith.cmpi ne, %rem3A_683, %ne3A_684 : i32
      %and3A_686 = arith.andi %ne3A_682, %ne3A_685 : i1
      %sub3A_687 = arith.constant 1 : i32
      %sub3A_688 = arith.subi %div3A_667, %sub3A_687 : i32
      %select_n3A_689 = arith.select %and3A_686, %sub3A_688, %div3A_667 : i32
      %jit3A_690 = arith.constant 8 : i32
      %eq3A_691 = arith.constant 0 : i32
      %eq3A_692 = arith.cmpi eq, %jit3A_690, %eq3A_691 : i32
      %jit3A_693 = arith.constant 1 : i32
      %select_n3A_694 = arith.select %eq3A_692, %jit3A_693, %jit3A_690 : i32
      %rem3A_695 = arith.remsi %select_n3A_665, %select_n3A_694 : i32
      %ne3A_696 = arith.constant 0 : i32
      %ne3A_697 = arith.cmpi ne, %rem3A_695, %ne3A_696 : i32
      %lt3A_698 = arith.constant 0 : i32
      %lt3A_699 = arith.cmpi slt, %rem3A_695, %lt3A_698 : i32
      %lt3A_700 = arith.constant 0 : i32
      %lt3A_701 = arith.cmpi slt, %select_n3A_694, %lt3A_700 : i32
      %ne3A_702 = arith.xori %lt3A_699, %lt3A_701 : i1
      %and3A_703 = arith.andi %ne3A_702, %ne3A_697 : i1
      %add3A_704 = arith.addi %rem3A_695, %select_n3A_694 : i32
      %select_n3A_705 = arith.select %and3A_703, %add3A_704, %rem3A_695 : i32
      %mul3A_706 = arith.constant 8 : i32
      %mul3A_707 = arith.muli %select_n3A_649, %mul3A_706 : i32
      %add3A_708 = arith.addi %mul3A_707, %select_n3A_705 : i32
      %dma_start3A_709 = arith.constant 1 : i32
      %dma_start3A_710 = arith.constant 0 : i32
      %dma_start3A_711 = arith.constant 0 : i32
      %dma_start3A_712 = arith.constant 0 : i32
      %dma_start3A_713 = tpu.memref_slice %arg7[%dma_start3A_709, %dma_start3A_711, %dma_start3A_712] : memref<4x32x129xf32, #tpu.memory_space<vmem>> -> memref<1x8x128xf32, #tpu.memory_space<vmem>>
      %dma_start3A_714 = tpu.memref_squeeze %dma_start3A_713 : memref<1x8x128xf32, #tpu.memory_space<vmem>> -> memref<8x128xf32, #tpu.memory_space<vmem>>
      %dma_start3A_715 = arith.constant 0 : i32
      %dma_start3A_716 = arith.constant 0 : i32
      %dma_start3A_717 = tpu.memref_slice %arg4[%add3A_708, %dma_start3A_710, %select_n3A_689, %dma_start3A_715, %dma_start3A_716] : memref<200x4x32x8x128xf32, #tpu.memory_space<hbm>> -> memref<1x1x1x8x128xf32, #tpu.memory_space<hbm>>
      %dma_start3A_718 = tpu.memref_squeeze %dma_start3A_717 : memref<1x1x1x8x128xf32, #tpu.memory_space<hbm>> -> memref<8x128xf32, #tpu.memory_space<hbm>>
      %dma_start3A_719 = arith.constant 0 : i32
      %dma_start3A_720 = arith.constant 0 : i32
      %dma_start3A_721 = tpu.memref_slice %arg4[%add3A_708, %dma_start3A_710, %select_n3A_689, %dma_start3A_719, %dma_start3A_720] : memref<200x4x32x8x128xf32, #tpu.memory_space<hbm>> -> memref<1x1x1x8x128xf32, #tpu.memory_space<hbm>>
      %dma_start3A_722 = tpu.memref_squeeze %dma_start3A_721 : memref<1x1x1x8x128xf32, #tpu.memory_space<hbm>> -> memref<8x128xf32, #tpu.memory_space<hbm>>
      %dma_start3A_723 = arith.constant 0 : i32
      %dma_start3A_724 = arith.constant 0 : i32
      %dma_start3A_725 = tpu.memref_slice %arg7[%dma_start3A_709, %dma_start3A_723, %dma_start3A_724] : memref<4x32x129xf32, #tpu.memory_space<vmem>> -> memref<1x8x128xf32, #tpu.memory_space<vmem>>
      %dma_start3A_726 = tpu.memref_squeeze %dma_start3A_725 : memref<1x8x128xf32, #tpu.memory_space<vmem>> -> memref<8x128xf32, #tpu.memory_space<vmem>>
      tpu.enqueue_dma source(%dma_start3A_726 : memref<8x128xf32, #tpu.memory_space<vmem>>) target(%dma_start3A_722 : memref<8x128xf32, #tpu.memory_space<hbm>>) target_semaphore(%arg13 : memref<!tpu.dma_semaphore, #tpu.memory_space<semaphore_mem>>)
      %dma_start3A_727 = arith.constant 1 : i32
      %dma_start3A_728 = arith.constant 1 : i32
      %dma_start3A_729 = arith.constant 8 : i32
      %dma_start3A_730 = arith.constant 0 : i32
      %dma_start3A_731 = tpu.memref_slice %arg7[%dma_start3A_727, %dma_start3A_729, %dma_start3A_730] : memref<4x32x129xf32, #tpu.memory_space<vmem>> -> memref<1x8x128xf32, #tpu.memory_space<vmem>>
      %dma_start3A_732 = tpu.memref_squeeze %dma_start3A_731 : memref<1x8x128xf32, #tpu.memory_space<vmem>> -> memref<8x128xf32, #tpu.memory_space<vmem>>
      %dma_start3A_733 = arith.constant 0 : i32
      %dma_start3A_734 = arith.constant 0 : i32
      %dma_start3A_735 = tpu.memref_slice %arg4[%add3A_708, %dma_start3A_728, %select_n3A_689, %dma_start3A_733, %dma_start3A_734] : memref<200x4x32x8x128xf32, #tpu.memory_space<hbm>> -> memref<1x1x1x8x128xf32, #tpu.memory_space<hbm>>
      %dma_start3A_736 = tpu.memref_squeeze %dma_start3A_735 : memref<1x1x1x8x128xf32, #tpu.memory_space<hbm>> -> memref<8x128xf32, #tpu.memory_space<hbm>>
      %dma_start3A_737 = arith.constant 0 : i32
      %dma_start3A_738 = arith.constant 0 : i32
      %dma_start3A_739 = tpu.memref_slice %arg4[%add3A_708, %dma_start3A_728, %select_n3A_689, %dma_start3A_737, %dma_start3A_738] : memref<200x4x32x8x128xf32, #tpu.memory_space<hbm>> -> memref<1x1x1x8x128xf32, #tpu.memory_space<hbm>>
      %dma_start3A_740 = tpu.memref_squeeze %dma_start3A_739 : memref<1x1x1x8x128xf32, #tpu.memory_space<hbm>> -> memref<8x128xf32, #tpu.memory_space<hbm>>
      %dma_start3A_741 = arith.constant 8 : i32
      %dma_start3A_742 = arith.constant 0 : i32
      %dma_start3A_743 = tpu.memref_slice %arg7[%dma_start3A_727, %dma_start3A_741, %dma_start3A_742] : memref<4x32x129xf32, #tpu.memory_space<vmem>> -> memref<1x8x128xf32, #tpu.memory_space<vmem>>
      %dma_start3A_744 = tpu.memref_squeeze %dma_start3A_743 : memref<1x8x128xf32, #tpu.memory_space<vmem>> -> memref<8x128xf32, #tpu.memory_space<vmem>>
      tpu.enqueue_dma source(%dma_start3A_744 : memref<8x128xf32, #tpu.memory_space<vmem>>) target(%dma_start3A_740 : memref<8x128xf32, #tpu.memory_space<hbm>>) target_semaphore(%arg13 : memref<!tpu.dma_semaphore, #tpu.memory_space<semaphore_mem>>)
      %dma_start3A_745 = arith.constant 1 : i32
      %dma_start3A_746 = arith.constant 2 : i32
      %dma_start3A_747 = arith.constant 16 : i32
      %dma_start3A_748 = arith.constant 0 : i32
      %dma_start3A_749 = tpu.memref_slice %arg7[%dma_start3A_745, %dma_start3A_747, %dma_start3A_748] : memref<4x32x129xf32, #tpu.memory_space<vmem>> -> memref<1x8x128xf32, #tpu.memory_space<vmem>>
      %dma_start3A_750 = tpu.memref_squeeze %dma_start3A_749 : memref<1x8x128xf32, #tpu.memory_space<vmem>> -> memref<8x128xf32, #tpu.memory_space<vmem>>
      %dma_start3A_751 = arith.constant 0 : i32
      %dma_start3A_752 = arith.constant 0 : i32
      %dma_start3A_753 = tpu.memref_slice %arg4[%add3A_708, %dma_start3A_746, %select_n3A_689, %dma_start3A_751, %dma_start3A_752] : memref<200x4x32x8x128xf32, #tpu.memory_space<hbm>> -> memref<1x1x1x8x128xf32, #tpu.memory_space<hbm>>
      %dma_start3A_754 = tpu.memref_squeeze %dma_start3A_753 : memref<1x1x1x8x128xf32, #tpu.memory_space<hbm>> -> memref<8x128xf32, #tpu.memory_space<hbm>>
      %dma_start3A_755 = arith.constant 0 : i32
      %dma_start3A_756 = arith.constant 0 : i32
      %dma_start3A_757 = tpu.memref_slice %arg4[%add3A_708, %dma_start3A_746, %select_n3A_689, %dma_start3A_755, %dma_start3A_756] : memref<200x4x32x8x128xf32, #tpu.memory_space<hbm>> -> memref<1x1x1x8x128xf32, #tpu.memory_space<hbm>>
      %dma_start3A_758 = tpu.memref_squeeze %dma_start3A_757 : memref<1x1x1x8x128xf32, #tpu.memory_space<hbm>> -> memref<8x128xf32, #tpu.memory_space<hbm>>
      %dma_start3A_759 = arith.constant 16 : i32
      %dma_start3A_760 = arith.constant 0 : i32
      %dma_start3A_761 = tpu.memref_slice %arg7[%dma_start3A_745, %dma_start3A_759, %dma_start3A_760] : memref<4x32x129xf32, #tpu.memory_space<vmem>> -> memref<1x8x128xf32, #tpu.memory_space<vmem>>
      %dma_start3A_762 = tpu.memref_squeeze %dma_start3A_761 : memref<1x8x128xf32, #tpu.memory_space<vmem>> -> memref<8x128xf32, #tpu.memory_space<vmem>>
      tpu.enqueue_dma source(%dma_start3A_762 : memref<8x128xf32, #tpu.memory_space<vmem>>) target(%dma_start3A_758 : memref<8x128xf32, #tpu.memory_space<hbm>>) target_semaphore(%arg13 : memref<!tpu.dma_semaphore, #tpu.memory_space<semaphore_mem>>)
      %dma_start3A_763 = arith.constant 1 : i32
      %dma_start3A_764 = arith.constant 3 : i32
      %dma_start3A_765 = arith.constant 24 : i32
      %dma_start3A_766 = arith.constant 0 : i32
      %dma_start3A_767 = tpu.memref_slice %arg7[%dma_start3A_763, %dma_start3A_765, %dma_start3A_766] : memref<4x32x129xf32, #tpu.memory_space<vmem>> -> memref<1x8x128xf32, #tpu.memory_space<vmem>>
      %dma_start3A_768 = tpu.memref_squeeze %dma_start3A_767 : memref<1x8x128xf32, #tpu.memory_space<vmem>> -> memref<8x128xf32, #tpu.memory_space<vmem>>
      %dma_start3A_769 = arith.constant 0 : i32
      %dma_start3A_770 = arith.constant 0 : i32
      %dma_start3A_771 = tpu.memref_slice %arg4[%add3A_708, %dma_start3A_764, %select_n3A_689, %dma_start3A_769, %dma_start3A_770] : memref<200x4x32x8x128xf32, #tpu.memory_space<hbm>> -> memref<1x1x1x8x128xf32, #tpu.memory_space<hbm>>
      %dma_start3A_772 = tpu.memref_squeeze %dma_start3A_771 : memref<1x1x1x8x128xf32, #tpu.memory_space<hbm>> -> memref<8x128xf32, #tpu.memory_space<hbm>>
      %dma_start3A_773 = arith.constant 0 : i32
      %dma_start3A_774 = arith.constant 0 : i32
      %dma_start3A_775 = tpu.memref_slice %arg4[%add3A_708, %dma_start3A_764, %select_n3A_689, %dma_start3A_773, %dma_start3A_774] : memref<200x4x32x8x128xf32, #tpu.memory_space<hbm>> -> memref<1x1x1x8x128xf32, #tpu.memory_space<hbm>>
      %dma_start3A_776 = tpu.memref_squeeze %dma_start3A_775 : memref<1x1x1x8x128xf32, #tpu.memory_space<hbm>> -> memref<8x128xf32, #tpu.memory_space<hbm>>
      %dma_start3A_777 = arith.constant 24 : i32
      %dma_start3A_778 = arith.constant 0 : i32
      %dma_start3A_779 = tpu.memref_slice %arg7[%dma_start3A_763, %dma_start3A_777, %dma_start3A_778] : memref<4x32x129xf32, #tpu.memory_space<vmem>> -> memref<1x8x128xf32, #tpu.memory_space<vmem>>
      %dma_start3A_780 = tpu.memref_squeeze %dma_start3A_779 : memref<1x8x128xf32, #tpu.memory_space<vmem>> -> memref<8x128xf32, #tpu.memory_space<vmem>>
      tpu.enqueue_dma source(%dma_start3A_780 : memref<8x128xf32, #tpu.memory_space<vmem>>) target(%dma_start3A_776 : memref<8x128xf32, #tpu.memory_space<hbm>>) target_semaphore(%arg13 : memref<!tpu.dma_semaphore, #tpu.memory_space<semaphore_mem>>)
      %mul3A_781 = arith.constant 4 : i32
      %mul3A_782 = arith.muli %scan3A_366, %mul3A_781 : i32
      %add3A_783 = arith.constant 2 : i32
      %add3A_784 = arith.addi %mul3A_782, %add3A_783 : i32
      %dma_wait3A_785 = arith.constant 2 : i32
      %dma_wait3A_786 = arith.constant 0 : i32
      %dma_wait3A_787 = arith.constant 0 : i32
      %dma_wait3A_788 = tpu.memref_slice %arg6[%dma_wait3A_785, %dma_wait3A_786, %dma_wait3A_787] : memref<4x128x32xf32, #tpu.memory_space<vmem>> -> memref<1x128x32xf32, #tpu.memory_space<vmem>>
      %dma_wait3A_789 = tpu.memref_squeeze %dma_wait3A_788 : memref<1x128x32xf32, #tpu.memory_space<vmem>> -> memref<128x32xf32, #tpu.memory_space<vmem>>
      %dma_wait3A_790 = arith.constant 0 : i32
      %dma_wait3A_791 = arith.constant 0 : i32
      %dma_wait3A_792 = tpu.memref_slice %arg3[%dma_wait3A_790, %dma_wait3A_791] : memref<1000064x32xf32, #tpu.memory_space<hbm>> -> memref<128x32xf32, #tpu.memory_space<hbm>>
      %dma_wait3A_793 = arith.constant 0 : i32
      %dma_wait3A_794 = arith.constant 0 : i32
      %dma_wait3A_795 = tpu.memref_slice %arg6[%dma_wait3A_785, %dma_wait3A_793, %dma_wait3A_794] : memref<4x128x32xf32, #tpu.memory_space<vmem>> -> memref<1x128x32xf32, #tpu.memory_space<vmem>>
      %dma_wait3A_796 = tpu.memref_squeeze %dma_wait3A_795 : memref<1x128x32xf32, #tpu.memory_space<vmem>> -> memref<128x32xf32, #tpu.memory_space<vmem>>
      %dma_wait3A_797 = arith.constant 0 : i32
      %dma_wait3A_798 = arith.constant 0 : i32
      %dma_wait3A_799 = tpu.memref_slice %arg3[%dma_wait3A_797, %dma_wait3A_798] : memref<1000064x32xf32, #tpu.memory_space<hbm>> -> memref<128x32xf32, #tpu.memory_space<hbm>>
      tpu.wait_dma2 semaphore(%arg10 : memref<!tpu.dma_semaphore, #tpu.memory_space<semaphore_mem>>) src(%dma_wait3A_799 : memref<128x32xf32, #tpu.memory_space<hbm>>) dst(%dma_wait3A_796 : memref<128x32xf32, #tpu.memory_space<vmem>>)
      %ge3A_800 = arith.constant 4 : i32
      %ge3A_801 = arith.cmpi sge, %add3A_784, %ge3A_800 : i32
      %convert_element_type3A_802 = arith.extui %ge3A_801 : i1 to i32
      %cond3A_803 = arith.constant 0 : i32
      %cond3A_804 = arith.cmpi ne, %convert_element_type3A_802, %cond3A_803 : i32
      scf.if %cond3A_804 {
        %dma_wait3A_1209 = arith.constant 2 : i32
        %dma_wait3A_1210 = arith.constant 0 : i32
        %dma_wait3A_1211 = arith.constant 0 : i32
        %dma_wait3A_1212 = arith.constant 0 : i32
        %dma_wait3A_1213 = arith.constant 0 : i32
        %dma_wait3A_1214 = arith.constant 0 : i32
        %dma_wait3A_1215 = tpu.memref_slice %arg7[%dma_wait3A_1209, %dma_wait3A_1213, %dma_wait3A_1214] : memref<4x32x129xf32, #tpu.memory_space<vmem>> -> memref<1x8x128xf32, #tpu.memory_space<vmem>>
        %dma_wait3A_1216 = tpu.memref_squeeze %dma_wait3A_1215 : memref<1x8x128xf32, #tpu.memory_space<vmem>> -> memref<8x128xf32, #tpu.memory_space<vmem>>
        %dma_wait3A_1217 = arith.constant 0 : i32
        %dma_wait3A_1218 = arith.constant 0 : i32
        %dma_wait3A_1219 = tpu.memref_slice %arg4[%dma_wait3A_1210, %dma_wait3A_1211, %dma_wait3A_1212, %dma_wait3A_1217, %dma_wait3A_1218] : memref<200x4x32x8x128xf32, #tpu.memory_space<hbm>> -> memref<1x1x1x8x128xf32, #tpu.memory_space<hbm>>
        %dma_wait3A_1220 = tpu.memref_squeeze %dma_wait3A_1219 : memref<1x1x1x8x128xf32, #tpu.memory_space<hbm>> -> memref<8x128xf32, #tpu.memory_space<hbm>>
        %dma_wait3A_1221 = arith.constant 0 : i32
        %dma_wait3A_1222 = arith.constant 0 : i32
        %dma_wait3A_1223 = tpu.memref_slice %arg4[%dma_wait3A_1210, %dma_wait3A_1211, %dma_wait3A_1212, %dma_wait3A_1221, %dma_wait3A_1222] : memref<200x4x32x8x128xf32, #tpu.memory_space<hbm>> -> memref<1x1x1x8x128xf32, #tpu.memory_space<hbm>>
        %dma_wait3A_1224 = tpu.memref_squeeze %dma_wait3A_1223 : memref<1x1x1x8x128xf32, #tpu.memory_space<hbm>> -> memref<8x128xf32, #tpu.memory_space<hbm>>
        %dma_wait3A_1225 = arith.constant 0 : i32
        %dma_wait3A_1226 = arith.constant 0 : i32
        %dma_wait3A_1227 = tpu.memref_slice %arg7[%dma_wait3A_1209, %dma_wait3A_1225, %dma_wait3A_1226] : memref<4x32x129xf32, #tpu.memory_space<vmem>> -> memref<1x8x128xf32, #tpu.memory_space<vmem>>
        %dma_wait3A_1228 = tpu.memref_squeeze %dma_wait3A_1227 : memref<1x8x128xf32, #tpu.memory_space<vmem>> -> memref<8x128xf32, #tpu.memory_space<vmem>>
        tpu.wait_dma2 semaphore(%arg14 : memref<!tpu.dma_semaphore, #tpu.memory_space<semaphore_mem>>) src(%dma_wait3A_1228 : memref<8x128xf32, #tpu.memory_space<vmem>>) dst(%dma_wait3A_1224 : memref<8x128xf32, #tpu.memory_space<hbm>>)
        %dma_wait3A_1229 = arith.constant 2 : i32
        %dma_wait3A_1230 = arith.constant 0 : i32
        %dma_wait3A_1231 = arith.constant 0 : i32
        %dma_wait3A_1232 = arith.constant 0 : i32
        %dma_wait3A_1233 = arith.constant 8 : i32
        %dma_wait3A_1234 = arith.constant 0 : i32
        %dma_wait3A_1235 = tpu.memref_slice %arg7[%dma_wait3A_1229, %dma_wait3A_1233, %dma_wait3A_1234] : memref<4x32x129xf32, #tpu.memory_space<vmem>> -> memref<1x8x128xf32, #tpu.memory_space<vmem>>
        %dma_wait3A_1236 = tpu.memref_squeeze %dma_wait3A_1235 : memref<1x8x128xf32, #tpu.memory_space<vmem>> -> memref<8x128xf32, #tpu.memory_space<vmem>>
        %dma_wait3A_1237 = arith.constant 0 : i32
        %dma_wait3A_1238 = arith.constant 0 : i32
        %dma_wait3A_1239 = tpu.memref_slice %arg4[%dma_wait3A_1230, %dma_wait3A_1231, %dma_wait3A_1232, %dma_wait3A_1237, %dma_wait3A_1238] : memref<200x4x32x8x128xf32, #tpu.memory_space<hbm>> -> memref<1x1x1x8x128xf32, #tpu.memory_space<hbm>>
        %dma_wait3A_1240 = tpu.memref_squeeze %dma_wait3A_1239 : memref<1x1x1x8x128xf32, #tpu.memory_space<hbm>> -> memref<8x128xf32, #tpu.memory_space<hbm>>
        %dma_wait3A_1241 = arith.constant 0 : i32
        %dma_wait3A_1242 = arith.constant 0 : i32
        %dma_wait3A_1243 = tpu.memref_slice %arg4[%dma_wait3A_1230, %dma_wait3A_1231, %dma_wait3A_1232, %dma_wait3A_1241, %dma_wait3A_1242] : memref<200x4x32x8x128xf32, #tpu.memory_space<hbm>> -> memref<1x1x1x8x128xf32, #tpu.memory_space<hbm>>
        %dma_wait3A_1244 = tpu.memref_squeeze %dma_wait3A_1243 : memref<1x1x1x8x128xf32, #tpu.memory_space<hbm>> -> memref<8x128xf32, #tpu.memory_space<hbm>>
        %dma_wait3A_1245 = arith.constant 8 : i32
        %dma_wait3A_1246 = arith.constant 0 : i32
        %dma_wait3A_1247 = tpu.memref_slice %arg7[%dma_wait3A_1229, %dma_wait3A_1245, %dma_wait3A_1246] : memref<4x32x129xf32, #tpu.memory_space<vmem>> -> memref<1x8x128xf32, #tpu.memory_space<vmem>>
        %dma_wait3A_1248 = tpu.memref_squeeze %dma_wait3A_1247 : memref<1x8x128xf32, #tpu.memory_space<vmem>> -> memref<8x128xf32, #tpu.memory_space<vmem>>
        tpu.wait_dma2 semaphore(%arg14 : memref<!tpu.dma_semaphore, #tpu.memory_space<semaphore_mem>>) src(%dma_wait3A_1248 : memref<8x128xf32, #tpu.memory_space<vmem>>) dst(%dma_wait3A_1244 : memref<8x128xf32, #tpu.memory_space<hbm>>)
        %dma_wait3A_1249 = arith.constant 2 : i32
        %dma_wait3A_1250 = arith.constant 0 : i32
        %dma_wait3A_1251 = arith.constant 0 : i32
        %dma_wait3A_1252 = arith.constant 0 : i32
        %dma_wait3A_1253 = arith.constant 16 : i32
        %dma_wait3A_1254 = arith.constant 0 : i32
        %dma_wait3A_1255 = tpu.memref_slice %arg7[%dma_wait3A_1249, %dma_wait3A_1253, %dma_wait3A_1254] : memref<4x32x129xf32, #tpu.memory_space<vmem>> -> memref<1x8x128xf32, #tpu.memory_space<vmem>>
        %dma_wait3A_1256 = tpu.memref_squeeze %dma_wait3A_1255 : memref<1x8x128xf32, #tpu.memory_space<vmem>> -> memref<8x128xf32, #tpu.memory_space<vmem>>
        %dma_wait3A_1257 = arith.constant 0 : i32
        %dma_wait3A_1258 = arith.constant 0 : i32
        %dma_wait3A_1259 = tpu.memref_slice %arg4[%dma_wait3A_1250, %dma_wait3A_1251, %dma_wait3A_1252, %dma_wait3A_1257, %dma_wait3A_1258] : memref<200x4x32x8x128xf32, #tpu.memory_space<hbm>> -> memref<1x1x1x8x128xf32, #tpu.memory_space<hbm>>
        %dma_wait3A_1260 = tpu.memref_squeeze %dma_wait3A_1259 : memref<1x1x1x8x128xf32, #tpu.memory_space<hbm>> -> memref<8x128xf32, #tpu.memory_space<hbm>>
        %dma_wait3A_1261 = arith.constant 0 : i32
        %dma_wait3A_1262 = arith.constant 0 : i32
        %dma_wait3A_1263 = tpu.memref_slice %arg4[%dma_wait3A_1250, %dma_wait3A_1251, %dma_wait3A_1252, %dma_wait3A_1261, %dma_wait3A_1262] : memref<200x4x32x8x128xf32, #tpu.memory_space<hbm>> -> memref<1x1x1x8x128xf32, #tpu.memory_space<hbm>>
        %dma_wait3A_1264 = tpu.memref_squeeze %dma_wait3A_1263 : memref<1x1x1x8x128xf32, #tpu.memory_space<hbm>> -> memref<8x128xf32, #tpu.memory_space<hbm>>
        %dma_wait3A_1265 = arith.constant 16 : i32
        %dma_wait3A_1266 = arith.constant 0 : i32
        %dma_wait3A_1267 = tpu.memref_slice %arg7[%dma_wait3A_1249, %dma_wait3A_1265, %dma_wait3A_1266] : memref<4x32x129xf32, #tpu.memory_space<vmem>> -> memref<1x8x128xf32, #tpu.memory_space<vmem>>
        %dma_wait3A_1268 = tpu.memref_squeeze %dma_wait3A_1267 : memref<1x8x128xf32, #tpu.memory_space<vmem>> -> memref<8x128xf32, #tpu.memory_space<vmem>>
        tpu.wait_dma2 semaphore(%arg14 : memref<!tpu.dma_semaphore, #tpu.memory_space<semaphore_mem>>) src(%dma_wait3A_1268 : memref<8x128xf32, #tpu.memory_space<vmem>>) dst(%dma_wait3A_1264 : memref<8x128xf32, #tpu.memory_space<hbm>>)
        %dma_wait3A_1269 = arith.constant 2 : i32
        %dma_wait3A_1270 = arith.constant 0 : i32
        %dma_wait3A_1271 = arith.constant 0 : i32
        %dma_wait3A_1272 = arith.constant 0 : i32
        %dma_wait3A_1273 = arith.constant 24 : i32
        %dma_wait3A_1274 = arith.constant 0 : i32
        %dma_wait3A_1275 = tpu.memref_slice %arg7[%dma_wait3A_1269, %dma_wait3A_1273, %dma_wait3A_1274] : memref<4x32x129xf32, #tpu.memory_space<vmem>> -> memref<1x8x128xf32, #tpu.memory_space<vmem>>
        %dma_wait3A_1276 = tpu.memref_squeeze %dma_wait3A_1275 : memref<1x8x128xf32, #tpu.memory_space<vmem>> -> memref<8x128xf32, #tpu.memory_space<vmem>>
        %dma_wait3A_1277 = arith.constant 0 : i32
        %dma_wait3A_1278 = arith.constant 0 : i32
        %dma_wait3A_1279 = tpu.memref_slice %arg4[%dma_wait3A_1270, %dma_wait3A_1271, %dma_wait3A_1272, %dma_wait3A_1277, %dma_wait3A_1278] : memref<200x4x32x8x128xf32, #tpu.memory_space<hbm>> -> memref<1x1x1x8x128xf32, #tpu.memory_space<hbm>>
        %dma_wait3A_1280 = tpu.memref_squeeze %dma_wait3A_1279 : memref<1x1x1x8x128xf32, #tpu.memory_space<hbm>> -> memref<8x128xf32, #tpu.memory_space<hbm>>
        %dma_wait3A_1281 = arith.constant 0 : i32
        %dma_wait3A_1282 = arith.constant 0 : i32
        %dma_wait3A_1283 = tpu.memref_slice %arg4[%dma_wait3A_1270, %dma_wait3A_1271, %dma_wait3A_1272, %dma_wait3A_1281, %dma_wait3A_1282] : memref<200x4x32x8x128xf32, #tpu.memory_space<hbm>> -> memref<1x1x1x8x128xf32, #tpu.memory_space<hbm>>
        %dma_wait3A_1284 = tpu.memref_squeeze %dma_wait3A_1283 : memref<1x1x1x8x128xf32, #tpu.memory_space<hbm>> -> memref<8x128xf32, #tpu.memory_space<hbm>>
        %dma_wait3A_1285 = arith.constant 24 : i32
        %dma_wait3A_1286 = arith.constant 0 : i32
        %dma_wait3A_1287 = tpu.memref_slice %arg7[%dma_wait3A_1269, %dma_wait3A_1285, %dma_wait3A_1286] : memref<4x32x129xf32, #tpu.memory_space<vmem>> -> memref<1x8x128xf32, #tpu.memory_space<vmem>>
        %dma_wait3A_1288 = tpu.memref_squeeze %dma_wait3A_1287 : memref<1x8x128xf32, #tpu.memory_space<vmem>> -> memref<8x128xf32, #tpu.memory_space<vmem>>
        tpu.wait_dma2 semaphore(%arg14 : memref<!tpu.dma_semaphore, #tpu.memory_space<semaphore_mem>>) src(%dma_wait3A_1288 : memref<8x128xf32, #tpu.memory_space<vmem>>) dst(%dma_wait3A_1284 : memref<8x128xf32, #tpu.memory_space<hbm>>)
      } else {
      }
      %parallel_loop3A_805 = arith.constant 0 : i32
      %parallel_loop3A_806 = arith.constant 128 : i32
      %parallel_loop3A_807 = arith.constant 1 : i32
      scf.for %parallel_loop3A_1209 = %parallel_loop3A_805 to %parallel_loop3A_806 step %parallel_loop3A_807  : i32 {
        %parallel_loop3A_1210 = vector.broadcast %parallel_loop3A_1209 : i32 to vector<16xi32>
        %parallel_loop3A_1211 = arith.constant 2 : i32
        %parallel_loop3A_1212 = arith.index_cast %parallel_loop3A_1211 : i32 to index
        %parallel_loop3A_1213 = arith.index_cast %parallel_loop3A_1209 : i32 to index
        %parallel_loop3A_1214 = arith.constant 0 : index
        %parallel_loop3A_1215 = tpu.vector_load %arg6[%parallel_loop3A_1212, %parallel_loop3A_1213, %parallel_loop3A_1214] {strides = array<i32>} : memref<4x128x32xf32, #tpu.memory_space<vmem>>, vector<16xf32>,
        %parallel_loop3A_1216 = arith.constant 5.65685415 : f32
        %parallel_loop3A_1217 = vector.broadcast %parallel_loop3A_1216 : f32 to vector<16xf32>
        %parallel_loop3A_1218 = arith.mulf %parallel_loop3A_1215, %parallel_loop3A_1217 : vector<16xf32>
        %parallel_loop3A_1219 = arith.constant 0 : i32
        %parallel_loop3A_1220 = vector.broadcast %parallel_loop3A_1219 : i32 to vector<16xi32>
        %parallel_loop3A_1221 = arith.addi %iota3A, %parallel_loop3A_1220 : vector<16xi32>
        %parallel_loop3A_1222 = arith.constant 2 : i32
        %parallel_loop3A_1223 = arith.constant 0 : i32
        %parallel_loop3A_1224 = arith.constant 0 : i32
        %parallel_loop3A_1225 = tpu.memref_slice %arg7[%parallel_loop3A_1222, %parallel_loop3A_1223, %parallel_loop3A_1224] : memref<4x32x129xf32, #tpu.memory_space<vmem>> -> memref<1x32x129xf32, #tpu.memory_space<vmem>>
        %parallel_loop3A_1226 = tpu.memref_squeeze %parallel_loop3A_1225 : memref<1x32x129xf32, #tpu.memory_space<vmem>> -> memref<32x129xf32, #tpu.memory_space<vmem>>
        tpu.vector_store_idx %parallel_loop3A_1226[%parallel_loop3A_1221, %parallel_loop3A_1210], %parallel_loop3A_1218 : memref<32x129xf32, #tpu.memory_space<vmem>>[vector<16xi32>, vector<16xi32>], vector<16xf32>,
        %parallel_loop3A_1227 = arith.constant 2 : i32
        %parallel_loop3A_1228 = arith.index_cast %parallel_loop3A_1227 : i32 to index
        %parallel_loop3A_1229 = arith.index_cast %parallel_loop3A_1209 : i32 to index
        %parallel_loop3A_1230 = arith.constant 16 : index
        %parallel_loop3A_1231 = tpu.vector_load %arg6[%parallel_loop3A_1228, %parallel_loop3A_1229, %parallel_loop3A_1230] {strides = array<i32>} : memref<4x128x32xf32, #tpu.memory_space<vmem>>, vector<16xf32>,
        %parallel_loop3A_1232 = arith.constant 5.65685415 : f32
        %parallel_loop3A_1233 = vector.broadcast %parallel_loop3A_1232 : f32 to vector<16xf32>
        %parallel_loop3A_1234 = arith.mulf %parallel_loop3A_1231, %parallel_loop3A_1233 : vector<16xf32>
        %parallel_loop3A_1235 = arith.constant 16 : i32
        %parallel_loop3A_1236 = vector.broadcast %parallel_loop3A_1235 : i32 to vector<16xi32>
        %parallel_loop3A_1237 = arith.addi %iota3A, %parallel_loop3A_1236 : vector<16xi32>
        %parallel_loop3A_1238 = arith.constant 2 : i32
        %parallel_loop3A_1239 = arith.constant 0 : i32
        %parallel_loop3A_1240 = arith.constant 0 : i32
        %parallel_loop3A_1241 = tpu.memref_slice %arg7[%parallel_loop3A_1238, %parallel_loop3A_1239, %parallel_loop3A_1240] : memref<4x32x129xf32, #tpu.memory_space<vmem>> -> memref<1x32x129xf32, #tpu.memory_space<vmem>>
        %parallel_loop3A_1242 = tpu.memref_squeeze %parallel_loop3A_1241 : memref<1x32x129xf32, #tpu.memory_space<vmem>> -> memref<32x129xf32, #tpu.memory_space<vmem>>
        tpu.vector_store_idx %parallel_loop3A_1242[%parallel_loop3A_1237, %parallel_loop3A_1210], %parallel_loop3A_1234 : memref<32x129xf32, #tpu.memory_space<vmem>>[vector<16xi32>, vector<16xi32>], vector<16xf32>,
      } {sc.loop_unroll_factor = 8 : i64, sc.parallel_access}
      %add3A_808 = arith.constant 4 : i32
      %add3A_809 = arith.addi %add3A_784, %add3A_808 : i32
      %lt3A_810 = arith.constant 200 : i32
      %lt3A_811 = arith.cmpi slt, %add3A_809, %lt3A_810 : i32
      %convert_element_type3A_812 = arith.extui %lt3A_811 : i1 to i32
      %cond3A_813 = arith.constant 0 : i32
      %cond3A_814 = arith.cmpi ne, %convert_element_type3A_812, %cond3A_813 : i32
      scf.if %cond3A_814 {
        %add3A_1209 = arith.constant 4 : i32
        %add3A_1210 = arith.addi %add3A_784, %add3A_1209 : i32
        %mul3A_1211 = arith.constant 128 : i32
        %mul3A_1212 = arith.muli %add3A_1210, %mul3A_1211 : i32
        %dma_start3A_1213 = arith.constant 2 : i32
        %dma_start3A_1214 = arith.constant 0 : i32
        %dma_start3A_1215 = arith.constant 0 : i32
        %dma_start3A_1216 = tpu.memref_slice %arg6[%dma_start3A_1213, %dma_start3A_1214, %dma_start3A_1215] : memref<4x128x32xf32, #tpu.memory_space<vmem>> -> memref<1x128x32xf32, #tpu.memory_space<vmem>>
        %dma_start3A_1217 = tpu.memref_squeeze %dma_start3A_1216 : memref<1x128x32xf32, #tpu.memory_space<vmem>> -> memref<128x32xf32, #tpu.memory_space<vmem>>
        %dma_start3A_1218 = tpu.memref_slice %arg5[%mul3A_1212] : memref<25600xi32, #tpu.memory_space<vmem>> -> memref<128xi32, #tpu.memory_space<vmem>>
        %dma_start3A_1219 = arith.constant 0 : i32
        %dma_start3A_1220 = arith.constant 0 : i32
        %dma_start3A_1221 = tpu.memref_slice %arg3[%dma_start3A_1219, %dma_start3A_1220] : memref<1000064x32xf32, #tpu.memory_space<hbm>> -> memref<1000064x32xf32, #tpu.memory_space<hbm>>
        tpu.enqueue_indirect_dma source(%dma_start3A_1221 : memref<1000064x32xf32, #tpu.memory_space<hbm>>) target(%dma_start3A_1217 : memref<128x32xf32, #tpu.memory_space<vmem>>) offsets(%dma_start3A_1218 : memref<128xi32, #tpu.memory_space<vmem>>) semaphore(%arg10 : memref<!tpu.dma_semaphore, #tpu.memory_space<semaphore_mem>>)
      } else {
      }
      %jit3A_815 = arith.constant 128 : i32
      %div3A_816 = arith.divsi %mul3A_2, %jit3A_815 : i32
      %sign3A_817 = arith.constant 0 : i32
      %sign3A_818 = arith.cmpi sgt, %mul3A_2, %sign3A_817 : i32
      %sign3A_819 = arith.extui %sign3A_818 : i1 to i32
      %sign3A_820 = arith.constant 0 : i32
      %sign3A_821 = arith.cmpi slt, %mul3A_2, %sign3A_820 : i32
      %sign3A_822 = arith.extui %sign3A_821 : i1 to i32
      %sign3A_823 = arith.subi %sign3A_819, %sign3A_822 : i32
      %sign3A_824 = arith.constant 0 : i32
      %sign3A_825 = arith.cmpi sgt, %jit3A_815, %sign3A_824 : i32
      %sign3A_826 = arith.extui %sign3A_825 : i1 to i32
      %sign3A_827 = arith.constant 0 : i32
      %sign3A_828 = arith.cmpi slt, %jit3A_815, %sign3A_827 : i32
      %sign3A_829 = arith.extui %sign3A_828 : i1 to i32
      %sign3A_830 = arith.subi %sign3A_826, %sign3A_829 : i32
      %ne3A_831 = arith.cmpi ne, %sign3A_823, %sign3A_830 : i32
      %rem3A_832 = arith.remsi %mul3A_2, %jit3A_815 : i32
      %ne3A_833 = arith.constant 0 : i32
      %ne3A_834 = arith.cmpi ne, %rem3A_832, %ne3A_833 : i32
      %and3A_835 = arith.andi %ne3A_831, %ne3A_834 : i1
      %sub3A_836 = arith.constant 1 : i32
      %sub3A_837 = arith.subi %div3A_816, %sub3A_836 : i32
      %select_n3A_838 = arith.select %and3A_835, %sub3A_837, %div3A_816 : i32
      %add3A_839 = arith.addi %select_n3A_838, %add3A_784 : i32
      %jit3A_840 = arith.constant 256 : i32
      %div3A_841 = arith.divsi %add3A_839, %jit3A_840 : i32
      %sign3A_842 = arith.constant 0 : i32
      %sign3A_843 = arith.cmpi sgt, %add3A_839, %sign3A_842 : i32
      %sign3A_844 = arith.extui %sign3A_843 : i1 to i32
      %sign3A_845 = arith.constant 0 : i32
      %sign3A_846 = arith.cmpi slt, %add3A_839, %sign3A_845 : i32
      %sign3A_847 = arith.extui %sign3A_846 : i1 to i32
      %sign3A_848 = arith.subi %sign3A_844, %sign3A_847 : i32
      %sign3A_849 = arith.constant 0 : i32
      %sign3A_850 = arith.cmpi sgt, %jit3A_840, %sign3A_849 : i32
      %sign3A_851 = arith.extui %sign3A_850 : i1 to i32
      %sign3A_852 = arith.constant 0 : i32
      %sign3A_853 = arith.cmpi slt, %jit3A_840, %sign3A_852 : i32
      %sign3A_854 = arith.extui %sign3A_853 : i1 to i32
      %sign3A_855 = arith.subi %sign3A_851, %sign3A_854 : i32
      %ne3A_856 = arith.cmpi ne, %sign3A_848, %sign3A_855 : i32
      %rem3A_857 = arith.remsi %add3A_839, %jit3A_840 : i32
      %ne3A_858 = arith.constant 0 : i32
      %ne3A_859 = arith.cmpi ne, %rem3A_857, %ne3A_858 : i32
      %and3A_860 = arith.andi %ne3A_856, %ne3A_859 : i1
      %sub3A_861 = arith.constant 1 : i32
      %sub3A_862 = arith.subi %div3A_841, %sub3A_861 : i32
      %select_n3A_863 = arith.select %and3A_860, %sub3A_862, %div3A_841 : i32
      %jit3A_864 = arith.constant 256 : i32
      %eq3A_865 = arith.constant 0 : i32
      %eq3A_866 = arith.cmpi eq, %jit3A_864, %eq3A_865 : i32
      %jit3A_867 = arith.constant 1 : i32
      %select_n3A_868 = arith.select %eq3A_866, %jit3A_867, %jit3A_864 : i32
      %rem3A_869 = arith.remsi %add3A_839, %select_n3A_868 : i32
      %ne3A_870 = arith.constant 0 : i32
      %ne3A_871 = arith.cmpi ne, %rem3A_869, %ne3A_870 : i32
      %lt3A_872 = arith.constant 0 : i32
      %lt3A_873 = arith.cmpi slt, %rem3A_869, %lt3A_872 : i32
      %lt3A_874 = arith.constant 0 : i32
      %lt3A_875 = arith.cmpi slt, %select_n3A_868, %lt3A_874 : i32
      %ne3A_876 = arith.xori %lt3A_873, %lt3A_875 : i1
      %and3A_877 = arith.andi %ne3A_876, %ne3A_871 : i1
      %add3A_878 = arith.addi %rem3A_869, %select_n3A_868 : i32
      %select_n3A_879 = arith.select %and3A_877, %add3A_878, %rem3A_869 : i32
      %jit3A_880 = arith.constant 8 : i32
      %div3A_881 = arith.divsi %select_n3A_879, %jit3A_880 : i32
      %sign3A_882 = arith.constant 0 : i32
      %sign3A_883 = arith.cmpi sgt, %select_n3A_879, %sign3A_882 : i32
      %sign3A_884 = arith.extui %sign3A_883 : i1 to i32
      %sign3A_885 = arith.constant 0 : i32
      %sign3A_886 = arith.cmpi slt, %select_n3A_879, %sign3A_885 : i32
      %sign3A_887 = arith.extui %sign3A_886 : i1 to i32
      %sign3A_888 = arith.subi %sign3A_884, %sign3A_887 : i32
      %sign3A_889 = arith.constant 0 : i32
      %sign3A_890 = arith.cmpi sgt, %jit3A_880, %sign3A_889 : i32
      %sign3A_891 = arith.extui %sign3A_890 : i1 to i32
      %sign3A_892 = arith.constant 0 : i32
      %sign3A_893 = arith.cmpi slt, %jit3A_880, %sign3A_892 : i32
      %sign3A_894 = arith.extui %sign3A_893 : i1 to i32
      %sign3A_895 = arith.subi %sign3A_891, %sign3A_894 : i32
      %ne3A_896 = arith.cmpi ne, %sign3A_888, %sign3A_895 : i32
      %rem3A_897 = arith.remsi %select_n3A_879, %jit3A_880 : i32
      %ne3A_898 = arith.constant 0 : i32
      %ne3A_899 = arith.cmpi ne, %rem3A_897, %ne3A_898 : i32
      %and3A_900 = arith.andi %ne3A_896, %ne3A_899 : i1
      %sub3A_901 = arith.constant 1 : i32
      %sub3A_902 = arith.subi %div3A_881, %sub3A_901 : i32
      %select_n3A_903 = arith.select %and3A_900, %sub3A_902, %div3A_881 : i32
      %jit3A_904 = arith.constant 8 : i32
      %eq3A_905 = arith.constant 0 : i32
      %eq3A_906 = arith.cmpi eq, %jit3A_904, %eq3A_905 : i32
      %jit3A_907 = arith.constant 1 : i32
      %select_n3A_908 = arith.select %eq3A_906, %jit3A_907, %jit3A_904 : i32
      %rem3A_909 = arith.remsi %select_n3A_879, %select_n3A_908 : i32
      %ne3A_910 = arith.constant 0 : i32
      %ne3A_911 = arith.cmpi ne, %rem3A_909, %ne3A_910 : i32
      %lt3A_912 = arith.constant 0 : i32
      %lt3A_913 = arith.cmpi slt, %rem3A_909, %lt3A_912 : i32
      %lt3A_914 = arith.constant 0 : i32
      %lt3A_915 = arith.cmpi slt, %select_n3A_908, %lt3A_914 : i32
      %ne3A_916 = arith.xori %lt3A_913, %lt3A_915 : i1
      %and3A_917 = arith.andi %ne3A_916, %ne3A_911 : i1
      %add3A_918 = arith.addi %rem3A_909, %select_n3A_908 : i32
      %select_n3A_919 = arith.select %and3A_917, %add3A_918, %rem3A_909 : i32
      %mul3A_920 = arith.constant 8 : i32
      %mul3A_921 = arith.muli %select_n3A_863, %mul3A_920 : i32
      %add3A_922 = arith.addi %mul3A_921, %select_n3A_919 : i32
      %dma_start3A_923 = arith.constant 2 : i32
      %dma_start3A_924 = arith.constant 0 : i32
      %dma_start3A_925 = arith.constant 0 : i32
      %dma_start3A_926 = arith.constant 0 : i32
      %dma_start3A_927 = tpu.memref_slice %arg7[%dma_start3A_923, %dma_start3A_925, %dma_start3A_926] : memref<4x32x129xf32, #tpu.memory_space<vmem>> -> memref<1x8x128xf32, #tpu.memory_space<vmem>>
      %dma_start3A_928 = tpu.memref_squeeze %dma_start3A_927 : memref<1x8x128xf32, #tpu.memory_space<vmem>> -> memref<8x128xf32, #tpu.memory_space<vmem>>
      %dma_start3A_929 = arith.constant 0 : i32
      %dma_start3A_930 = arith.constant 0 : i32
      %dma_start3A_931 = tpu.memref_slice %arg4[%add3A_922, %dma_start3A_924, %select_n3A_903, %dma_start3A_929, %dma_start3A_930] : memref<200x4x32x8x128xf32, #tpu.memory_space<hbm>> -> memref<1x1x1x8x128xf32, #tpu.memory_space<hbm>>
      %dma_start3A_932 = tpu.memref_squeeze %dma_start3A_931 : memref<1x1x1x8x128xf32, #tpu.memory_space<hbm>> -> memref<8x128xf32, #tpu.memory_space<hbm>>
      %dma_start3A_933 = arith.constant 0 : i32
      %dma_start3A_934 = arith.constant 0 : i32
      %dma_start3A_935 = tpu.memref_slice %arg4[%add3A_922, %dma_start3A_924, %select_n3A_903, %dma_start3A_933, %dma_start3A_934] : memref<200x4x32x8x128xf32, #tpu.memory_space<hbm>> -> memref<1x1x1x8x128xf32, #tpu.memory_space<hbm>>
      %dma_start3A_936 = tpu.memref_squeeze %dma_start3A_935 : memref<1x1x1x8x128xf32, #tpu.memory_space<hbm>> -> memref<8x128xf32, #tpu.memory_space<hbm>>
      %dma_start3A_937 = arith.constant 0 : i32
      %dma_start3A_938 = arith.constant 0 : i32
      %dma_start3A_939 = tpu.memref_slice %arg7[%dma_start3A_923, %dma_start3A_937, %dma_start3A_938] : memref<4x32x129xf32, #tpu.memory_space<vmem>> -> memref<1x8x128xf32, #tpu.memory_space<vmem>>
      %dma_start3A_940 = tpu.memref_squeeze %dma_start3A_939 : memref<1x8x128xf32, #tpu.memory_space<vmem>> -> memref<8x128xf32, #tpu.memory_space<vmem>>
      tpu.enqueue_dma source(%dma_start3A_940 : memref<8x128xf32, #tpu.memory_space<vmem>>) target(%dma_start3A_936 : memref<8x128xf32, #tpu.memory_space<hbm>>) target_semaphore(%arg14 : memref<!tpu.dma_semaphore, #tpu.memory_space<semaphore_mem>>)
      %dma_start3A_941 = arith.constant 2 : i32
      %dma_start3A_942 = arith.constant 1 : i32
      %dma_start3A_943 = arith.constant 8 : i32
      %dma_start3A_944 = arith.constant 0 : i32
      %dma_start3A_945 = tpu.memref_slice %arg7[%dma_start3A_941, %dma_start3A_943, %dma_start3A_944] : memref<4x32x129xf32, #tpu.memory_space<vmem>> -> memref<1x8x128xf32, #tpu.memory_space<vmem>>
      %dma_start3A_946 = tpu.memref_squeeze %dma_start3A_945 : memref<1x8x128xf32, #tpu.memory_space<vmem>> -> memref<8x128xf32, #tpu.memory_space<vmem>>
      %dma_start3A_947 = arith.constant 0 : i32
      %dma_start3A_948 = arith.constant 0 : i32
      %dma_start3A_949 = tpu.memref_slice %arg4[%add3A_922, %dma_start3A_942, %select_n3A_903, %dma_start3A_947, %dma_start3A_948] : memref<200x4x32x8x128xf32, #tpu.memory_space<hbm>> -> memref<1x1x1x8x128xf32, #tpu.memory_space<hbm>>
      %dma_start3A_950 = tpu.memref_squeeze %dma_start3A_949 : memref<1x1x1x8x128xf32, #tpu.memory_space<hbm>> -> memref<8x128xf32, #tpu.memory_space<hbm>>
      %dma_start3A_951 = arith.constant 0 : i32
      %dma_start3A_952 = arith.constant 0 : i32
      %dma_start3A_953 = tpu.memref_slice %arg4[%add3A_922, %dma_start3A_942, %select_n3A_903, %dma_start3A_951, %dma_start3A_952] : memref<200x4x32x8x128xf32, #tpu.memory_space<hbm>> -> memref<1x1x1x8x128xf32, #tpu.memory_space<hbm>>
      %dma_start3A_954 = tpu.memref_squeeze %dma_start3A_953 : memref<1x1x1x8x128xf32, #tpu.memory_space<hbm>> -> memref<8x128xf32, #tpu.memory_space<hbm>>
      %dma_start3A_955 = arith.constant 8 : i32
      %dma_start3A_956 = arith.constant 0 : i32
      %dma_start3A_957 = tpu.memref_slice %arg7[%dma_start3A_941, %dma_start3A_955, %dma_start3A_956] : memref<4x32x129xf32, #tpu.memory_space<vmem>> -> memref<1x8x128xf32, #tpu.memory_space<vmem>>
      %dma_start3A_958 = tpu.memref_squeeze %dma_start3A_957 : memref<1x8x128xf32, #tpu.memory_space<vmem>> -> memref<8x128xf32, #tpu.memory_space<vmem>>
      tpu.enqueue_dma source(%dma_start3A_958 : memref<8x128xf32, #tpu.memory_space<vmem>>) target(%dma_start3A_954 : memref<8x128xf32, #tpu.memory_space<hbm>>) target_semaphore(%arg14 : memref<!tpu.dma_semaphore, #tpu.memory_space<semaphore_mem>>)
      %dma_start3A_959 = arith.constant 2 : i32
      %dma_start3A_960 = arith.constant 2 : i32
      %dma_start3A_961 = arith.constant 16 : i32
      %dma_start3A_962 = arith.constant 0 : i32
      %dma_start3A_963 = tpu.memref_slice %arg7[%dma_start3A_959, %dma_start3A_961, %dma_start3A_962] : memref<4x32x129xf32, #tpu.memory_space<vmem>> -> memref<1x8x128xf32, #tpu.memory_space<vmem>>
      %dma_start3A_964 = tpu.memref_squeeze %dma_start3A_963 : memref<1x8x128xf32, #tpu.memory_space<vmem>> -> memref<8x128xf32, #tpu.memory_space<vmem>>
      %dma_start3A_965 = arith.constant 0 : i32
      %dma_start3A_966 = arith.constant 0 : i32
      %dma_start3A_967 = tpu.memref_slice %arg4[%add3A_922, %dma_start3A_960, %select_n3A_903, %dma_start3A_965, %dma_start3A_966] : memref<200x4x32x8x128xf32, #tpu.memory_space<hbm>> -> memref<1x1x1x8x128xf32, #tpu.memory_space<hbm>>
      %dma_start3A_968 = tpu.memref_squeeze %dma_start3A_967 : memref<1x1x1x8x128xf32, #tpu.memory_space<hbm>> -> memref<8x128xf32, #tpu.memory_space<hbm>>
      %dma_start3A_969 = arith.constant 0 : i32
      %dma_start3A_970 = arith.constant 0 : i32
      %dma_start3A_971 = tpu.memref_slice %arg4[%add3A_922, %dma_start3A_960, %select_n3A_903, %dma_start3A_969, %dma_start3A_970] : memref<200x4x32x8x128xf32, #tpu.memory_space<hbm>> -> memref<1x1x1x8x128xf32, #tpu.memory_space<hbm>>
      %dma_start3A_972 = tpu.memref_squeeze %dma_start3A_971 : memref<1x1x1x8x128xf32, #tpu.memory_space<hbm>> -> memref<8x128xf32, #tpu.memory_space<hbm>>
      %dma_start3A_973 = arith.constant 16 : i32
      %dma_start3A_974 = arith.constant 0 : i32
      %dma_start3A_975 = tpu.memref_slice %arg7[%dma_start3A_959, %dma_start3A_973, %dma_start3A_974] : memref<4x32x129xf32, #tpu.memory_space<vmem>> -> memref<1x8x128xf32, #tpu.memory_space<vmem>>
      %dma_start3A_976 = tpu.memref_squeeze %dma_start3A_975 : memref<1x8x128xf32, #tpu.memory_space<vmem>> -> memref<8x128xf32, #tpu.memory_space<vmem>>
      tpu.enqueue_dma source(%dma_start3A_976 : memref<8x128xf32, #tpu.memory_space<vmem>>) target(%dma_start3A_972 : memref<8x128xf32, #tpu.memory_space<hbm>>) target_semaphore(%arg14 : memref<!tpu.dma_semaphore, #tpu.memory_space<semaphore_mem>>)
      %dma_start3A_977 = arith.constant 2 : i32
      %dma_start3A_978 = arith.constant 3 : i32
      %dma_start3A_979 = arith.constant 24 : i32
      %dma_start3A_980 = arith.constant 0 : i32
      %dma_start3A_981 = tpu.memref_slice %arg7[%dma_start3A_977, %dma_start3A_979, %dma_start3A_980] : memref<4x32x129xf32, #tpu.memory_space<vmem>> -> memref<1x8x128xf32, #tpu.memory_space<vmem>>
      %dma_start3A_982 = tpu.memref_squeeze %dma_start3A_981 : memref<1x8x128xf32, #tpu.memory_space<vmem>> -> memref<8x128xf32, #tpu.memory_space<vmem>>
      %dma_start3A_983 = arith.constant 0 : i32
      %dma_start3A_984 = arith.constant 0 : i32
      %dma_start3A_985 = tpu.memref_slice %arg4[%add3A_922, %dma_start3A_978, %select_n3A_903, %dma_start3A_983, %dma_start3A_984] : memref<200x4x32x8x128xf32, #tpu.memory_space<hbm>> -> memref<1x1x1x8x128xf32, #tpu.memory_space<hbm>>
      %dma_start3A_986 = tpu.memref_squeeze %dma_start3A_985 : memref<1x1x1x8x128xf32, #tpu.memory_space<hbm>> -> memref<8x128xf32, #tpu.memory_space<hbm>>
      %dma_start3A_987 = arith.constant 0 : i32
      %dma_start3A_988 = arith.constant 0 : i32
      %dma_start3A_989 = tpu.memref_slice %arg4[%add3A_922, %dma_start3A_978, %select_n3A_903, %dma_start3A_987, %dma_start3A_988] : memref<200x4x32x8x128xf32, #tpu.memory_space<hbm>> -> memref<1x1x1x8x128xf32, #tpu.memory_space<hbm>>
      %dma_start3A_990 = tpu.memref_squeeze %dma_start3A_989 : memref<1x1x1x8x128xf32, #tpu.memory_space<hbm>> -> memref<8x128xf32, #tpu.memory_space<hbm>>
      %dma_start3A_991 = arith.constant 24 : i32
      %dma_start3A_992 = arith.constant 0 : i32
      %dma_start3A_993 = tpu.memref_slice %arg7[%dma_start3A_977, %dma_start3A_991, %dma_start3A_992] : memref<4x32x129xf32, #tpu.memory_space<vmem>> -> memref<1x8x128xf32, #tpu.memory_space<vmem>>
      %dma_start3A_994 = tpu.memref_squeeze %dma_start3A_993 : memref<1x8x128xf32, #tpu.memory_space<vmem>> -> memref<8x128xf32, #tpu.memory_space<vmem>>
      tpu.enqueue_dma source(%dma_start3A_994 : memref<8x128xf32, #tpu.memory_space<vmem>>) target(%dma_start3A_990 : memref<8x128xf32, #tpu.memory_space<hbm>>) target_semaphore(%arg14 : memref<!tpu.dma_semaphore, #tpu.memory_space<semaphore_mem>>)
      %mul3A_995 = arith.constant 4 : i32
      %mul3A_996 = arith.muli %scan3A_366, %mul3A_995 : i32
      %add3A_997 = arith.constant 3 : i32
      %add3A_998 = arith.addi %mul3A_996, %add3A_997 : i32
      %dma_wait3A_999 = arith.constant 3 : i32
      %dma_wait3A_1000 = arith.constant 0 : i32
      %dma_wait3A_1001 = arith.constant 0 : i32
      %dma_wait3A_1002 = tpu.memref_slice %arg6[%dma_wait3A_999, %dma_wait3A_1000, %dma_wait3A_1001] : memref<4x128x32xf32, #tpu.memory_space<vmem>> -> memref<1x128x32xf32, #tpu.memory_space<vmem>>
      %dma_wait3A_1003 = tpu.memref_squeeze %dma_wait3A_1002 : memref<1x128x32xf32, #tpu.memory_space<vmem>> -> memref<128x32xf32, #tpu.memory_space<vmem>>
      %dma_wait3A_1004 = arith.constant 0 : i32
      %dma_wait3A_1005 = arith.constant 0 : i32
      %dma_wait3A_1006 = tpu.memref_slice %arg3[%dma_wait3A_1004, %dma_wait3A_1005] : memref<1000064x32xf32, #tpu.memory_space<hbm>> -> memref<128x32xf32, #tpu.memory_space<hbm>>
      %dma_wait3A_1007 = arith.constant 0 : i32
      %dma_wait3A_1008 = arith.constant 0 : i32
      %dma_wait3A_1009 = tpu.memref_slice %arg6[%dma_wait3A_999, %dma_wait3A_1007, %dma_wait3A_1008] : memref<4x128x32xf32, #tpu.memory_space<vmem>> -> memref<1x128x32xf32, #tpu.memory_space<vmem>>
      %dma_wait3A_1010 = tpu.memref_squeeze %dma_wait3A_1009 : memref<1x128x32xf32, #tpu.memory_space<vmem>> -> memref<128x32xf32, #tpu.memory_space<vmem>>
      %dma_wait3A_1011 = arith.constant 0 : i32
      %dma_wait3A_1012 = arith.constant 0 : i32
      %dma_wait3A_1013 = tpu.memref_slice %arg3[%dma_wait3A_1011, %dma_wait3A_1012] : memref<1000064x32xf32, #tpu.memory_space<hbm>> -> memref<128x32xf32, #tpu.memory_space<hbm>>
      tpu.wait_dma2 semaphore(%arg11 : memref<!tpu.dma_semaphore, #tpu.memory_space<semaphore_mem>>) src(%dma_wait3A_1013 : memref<128x32xf32, #tpu.memory_space<hbm>>) dst(%dma_wait3A_1010 : memref<128x32xf32, #tpu.memory_space<vmem>>)
      %ge3A_1014 = arith.constant 4 : i32
      %ge3A_1015 = arith.cmpi sge, %add3A_998, %ge3A_1014 : i32
      %convert_element_type3A_1016 = arith.extui %ge3A_1015 : i1 to i32
      %cond3A_1017 = arith.constant 0 : i32
      %cond3A_1018 = arith.cmpi ne, %convert_element_type3A_1016, %cond3A_1017 : i32
      scf.if %cond3A_1018 {
        %dma_wait3A_1209 = arith.constant 3 : i32
        %dma_wait3A_1210 = arith.constant 0 : i32
        %dma_wait3A_1211 = arith.constant 0 : i32
        %dma_wait3A_1212 = arith.constant 0 : i32
        %dma_wait3A_1213 = arith.constant 0 : i32
        %dma_wait3A_1214 = arith.constant 0 : i32
        %dma_wait3A_1215 = tpu.memref_slice %arg7[%dma_wait3A_1209, %dma_wait3A_1213, %dma_wait3A_1214] : memref<4x32x129xf32, #tpu.memory_space<vmem>> -> memref<1x8x128xf32, #tpu.memory_space<vmem>>
        %dma_wait3A_1216 = tpu.memref_squeeze %dma_wait3A_1215 : memref<1x8x128xf32, #tpu.memory_space<vmem>> -> memref<8x128xf32, #tpu.memory_space<vmem>>
        %dma_wait3A_1217 = arith.constant 0 : i32
        %dma_wait3A_1218 = arith.constant 0 : i32
        %dma_wait3A_1219 = tpu.memref_slice %arg4[%dma_wait3A_1210, %dma_wait3A_1211, %dma_wait3A_1212, %dma_wait3A_1217, %dma_wait3A_1218] : memref<200x4x32x8x128xf32, #tpu.memory_space<hbm>> -> memref<1x1x1x8x128xf32, #tpu.memory_space<hbm>>
        %dma_wait3A_1220 = tpu.memref_squeeze %dma_wait3A_1219 : memref<1x1x1x8x128xf32, #tpu.memory_space<hbm>> -> memref<8x128xf32, #tpu.memory_space<hbm>>
        %dma_wait3A_1221 = arith.constant 0 : i32
        %dma_wait3A_1222 = arith.constant 0 : i32
        %dma_wait3A_1223 = tpu.memref_slice %arg4[%dma_wait3A_1210, %dma_wait3A_1211, %dma_wait3A_1212, %dma_wait3A_1221, %dma_wait3A_1222] : memref<200x4x32x8x128xf32, #tpu.memory_space<hbm>> -> memref<1x1x1x8x128xf32, #tpu.memory_space<hbm>>
        %dma_wait3A_1224 = tpu.memref_squeeze %dma_wait3A_1223 : memref<1x1x1x8x128xf32, #tpu.memory_space<hbm>> -> memref<8x128xf32, #tpu.memory_space<hbm>>
        %dma_wait3A_1225 = arith.constant 0 : i32
        %dma_wait3A_1226 = arith.constant 0 : i32
        %dma_wait3A_1227 = tpu.memref_slice %arg7[%dma_wait3A_1209, %dma_wait3A_1225, %dma_wait3A_1226] : memref<4x32x129xf32, #tpu.memory_space<vmem>> -> memref<1x8x128xf32, #tpu.memory_space<vmem>>
        %dma_wait3A_1228 = tpu.memref_squeeze %dma_wait3A_1227 : memref<1x8x128xf32, #tpu.memory_space<vmem>> -> memref<8x128xf32, #tpu.memory_space<vmem>>
        tpu.wait_dma2 semaphore(%arg15 : memref<!tpu.dma_semaphore, #tpu.memory_space<semaphore_mem>>) src(%dma_wait3A_1228 : memref<8x128xf32, #tpu.memory_space<vmem>>) dst(%dma_wait3A_1224 : memref<8x128xf32, #tpu.memory_space<hbm>>)
        %dma_wait3A_1229 = arith.constant 3 : i32
        %dma_wait3A_1230 = arith.constant 0 : i32
        %dma_wait3A_1231 = arith.constant 0 : i32
        %dma_wait3A_1232 = arith.constant 0 : i32
        %dma_wait3A_1233 = arith.constant 8 : i32
        %dma_wait3A_1234 = arith.constant 0 : i32
        %dma_wait3A_1235 = tpu.memref_slice %arg7[%dma_wait3A_1229, %dma_wait3A_1233, %dma_wait3A_1234] : memref<4x32x129xf32, #tpu.memory_space<vmem>> -> memref<1x8x128xf32, #tpu.memory_space<vmem>>
        %dma_wait3A_1236 = tpu.memref_squeeze %dma_wait3A_1235 : memref<1x8x128xf32, #tpu.memory_space<vmem>> -> memref<8x128xf32, #tpu.memory_space<vmem>>
        %dma_wait3A_1237 = arith.constant 0 : i32
        %dma_wait3A_1238 = arith.constant 0 : i32
        %dma_wait3A_1239 = tpu.memref_slice %arg4[%dma_wait3A_1230, %dma_wait3A_1231, %dma_wait3A_1232, %dma_wait3A_1237, %dma_wait3A_1238] : memref<200x4x32x8x128xf32, #tpu.memory_space<hbm>> -> memref<1x1x1x8x128xf32, #tpu.memory_space<hbm>>
        %dma_wait3A_1240 = tpu.memref_squeeze %dma_wait3A_1239 : memref<1x1x1x8x128xf32, #tpu.memory_space<hbm>> -> memref<8x128xf32, #tpu.memory_space<hbm>>
        %dma_wait3A_1241 = arith.constant 0 : i32
        %dma_wait3A_1242 = arith.constant 0 : i32
        %dma_wait3A_1243 = tpu.memref_slice %arg4[%dma_wait3A_1230, %dma_wait3A_1231, %dma_wait3A_1232, %dma_wait3A_1241, %dma_wait3A_1242] : memref<200x4x32x8x128xf32, #tpu.memory_space<hbm>> -> memref<1x1x1x8x128xf32, #tpu.memory_space<hbm>>
        %dma_wait3A_1244 = tpu.memref_squeeze %dma_wait3A_1243 : memref<1x1x1x8x128xf32, #tpu.memory_space<hbm>> -> memref<8x128xf32, #tpu.memory_space<hbm>>
        %dma_wait3A_1245 = arith.constant 8 : i32
        %dma_wait3A_1246 = arith.constant 0 : i32
        %dma_wait3A_1247 = tpu.memref_slice %arg7[%dma_wait3A_1229, %dma_wait3A_1245, %dma_wait3A_1246] : memref<4x32x129xf32, #tpu.memory_space<vmem>> -> memref<1x8x128xf32, #tpu.memory_space<vmem>>
        %dma_wait3A_1248 = tpu.memref_squeeze %dma_wait3A_1247 : memref<1x8x128xf32, #tpu.memory_space<vmem>> -> memref<8x128xf32, #tpu.memory_space<vmem>>
        tpu.wait_dma2 semaphore(%arg15 : memref<!tpu.dma_semaphore, #tpu.memory_space<semaphore_mem>>) src(%dma_wait3A_1248 : memref<8x128xf32, #tpu.memory_space<vmem>>) dst(%dma_wait3A_1244 : memref<8x128xf32, #tpu.memory_space<hbm>>)
        %dma_wait3A_1249 = arith.constant 3 : i32
        %dma_wait3A_1250 = arith.constant 0 : i32
        %dma_wait3A_1251 = arith.constant 0 : i32
        %dma_wait3A_1252 = arith.constant 0 : i32
        %dma_wait3A_1253 = arith.constant 16 : i32
        %dma_wait3A_1254 = arith.constant 0 : i32
        %dma_wait3A_1255 = tpu.memref_slice %arg7[%dma_wait3A_1249, %dma_wait3A_1253, %dma_wait3A_1254] : memref<4x32x129xf32, #tpu.memory_space<vmem>> -> memref<1x8x128xf32, #tpu.memory_space<vmem>>
        %dma_wait3A_1256 = tpu.memref_squeeze %dma_wait3A_1255 : memref<1x8x128xf32, #tpu.memory_space<vmem>> -> memref<8x128xf32, #tpu.memory_space<vmem>>
        %dma_wait3A_1257 = arith.constant 0 : i32
        %dma_wait3A_1258 = arith.constant 0 : i32
        %dma_wait3A_1259 = tpu.memref_slice %arg4[%dma_wait3A_1250, %dma_wait3A_1251, %dma_wait3A_1252, %dma_wait3A_1257, %dma_wait3A_1258] : memref<200x4x32x8x128xf32, #tpu.memory_space<hbm>> -> memref<1x1x1x8x128xf32, #tpu.memory_space<hbm>>
        %dma_wait3A_1260 = tpu.memref_squeeze %dma_wait3A_1259 : memref<1x1x1x8x128xf32, #tpu.memory_space<hbm>> -> memref<8x128xf32, #tpu.memory_space<hbm>>
        %dma_wait3A_1261 = arith.constant 0 : i32
        %dma_wait3A_1262 = arith.constant 0 : i32
        %dma_wait3A_1263 = tpu.memref_slice %arg4[%dma_wait3A_1250, %dma_wait3A_1251, %dma_wait3A_1252, %dma_wait3A_1261, %dma_wait3A_1262] : memref<200x4x32x8x128xf32, #tpu.memory_space<hbm>> -> memref<1x1x1x8x128xf32, #tpu.memory_space<hbm>>
        %dma_wait3A_1264 = tpu.memref_squeeze %dma_wait3A_1263 : memref<1x1x1x8x128xf32, #tpu.memory_space<hbm>> -> memref<8x128xf32, #tpu.memory_space<hbm>>
        %dma_wait3A_1265 = arith.constant 16 : i32
        %dma_wait3A_1266 = arith.constant 0 : i32
        %dma_wait3A_1267 = tpu.memref_slice %arg7[%dma_wait3A_1249, %dma_wait3A_1265, %dma_wait3A_1266] : memref<4x32x129xf32, #tpu.memory_space<vmem>> -> memref<1x8x128xf32, #tpu.memory_space<vmem>>
        %dma_wait3A_1268 = tpu.memref_squeeze %dma_wait3A_1267 : memref<1x8x128xf32, #tpu.memory_space<vmem>> -> memref<8x128xf32, #tpu.memory_space<vmem>>
        tpu.wait_dma2 semaphore(%arg15 : memref<!tpu.dma_semaphore, #tpu.memory_space<semaphore_mem>>) src(%dma_wait3A_1268 : memref<8x128xf32, #tpu.memory_space<vmem>>) dst(%dma_wait3A_1264 : memref<8x128xf32, #tpu.memory_space<hbm>>)
        %dma_wait3A_1269 = arith.constant 3 : i32
        %dma_wait3A_1270 = arith.constant 0 : i32
        %dma_wait3A_1271 = arith.constant 0 : i32
        %dma_wait3A_1272 = arith.constant 0 : i32
        %dma_wait3A_1273 = arith.constant 24 : i32
        %dma_wait3A_1274 = arith.constant 0 : i32
        %dma_wait3A_1275 = tpu.memref_slice %arg7[%dma_wait3A_1269, %dma_wait3A_1273, %dma_wait3A_1274] : memref<4x32x129xf32, #tpu.memory_space<vmem>> -> memref<1x8x128xf32, #tpu.memory_space<vmem>>
        %dma_wait3A_1276 = tpu.memref_squeeze %dma_wait3A_1275 : memref<1x8x128xf32, #tpu.memory_space<vmem>> -> memref<8x128xf32, #tpu.memory_space<vmem>>
        %dma_wait3A_1277 = arith.constant 0 : i32
        %dma_wait3A_1278 = arith.constant 0 : i32
        %dma_wait3A_1279 = tpu.memref_slice %arg4[%dma_wait3A_1270, %dma_wait3A_1271, %dma_wait3A_1272, %dma_wait3A_1277, %dma_wait3A_1278] : memref<200x4x32x8x128xf32, #tpu.memory_space<hbm>> -> memref<1x1x1x8x128xf32, #tpu.memory_space<hbm>>
        %dma_wait3A_1280 = tpu.memref_squeeze %dma_wait3A_1279 : memref<1x1x1x8x128xf32, #tpu.memory_space<hbm>> -> memref<8x128xf32, #tpu.memory_space<hbm>>
        %dma_wait3A_1281 = arith.constant 0 : i32
        %dma_wait3A_1282 = arith.constant 0 : i32
        %dma_wait3A_1283 = tpu.memref_slice %arg4[%dma_wait3A_1270, %dma_wait3A_1271, %dma_wait3A_1272, %dma_wait3A_1281, %dma_wait3A_1282] : memref<200x4x32x8x128xf32, #tpu.memory_space<hbm>> -> memref<1x1x1x8x128xf32, #tpu.memory_space<hbm>>
        %dma_wait3A_1284 = tpu.memref_squeeze %dma_wait3A_1283 : memref<1x1x1x8x128xf32, #tpu.memory_space<hbm>> -> memref<8x128xf32, #tpu.memory_space<hbm>>
        %dma_wait3A_1285 = arith.constant 24 : i32
        %dma_wait3A_1286 = arith.constant 0 : i32
        %dma_wait3A_1287 = tpu.memref_slice %arg7[%dma_wait3A_1269, %dma_wait3A_1285, %dma_wait3A_1286] : memref<4x32x129xf32, #tpu.memory_space<vmem>> -> memref<1x8x128xf32, #tpu.memory_space<vmem>>
        %dma_wait3A_1288 = tpu.memref_squeeze %dma_wait3A_1287 : memref<1x8x128xf32, #tpu.memory_space<vmem>> -> memref<8x128xf32, #tpu.memory_space<vmem>>
        tpu.wait_dma2 semaphore(%arg15 : memref<!tpu.dma_semaphore, #tpu.memory_space<semaphore_mem>>) src(%dma_wait3A_1288 : memref<8x128xf32, #tpu.memory_space<vmem>>) dst(%dma_wait3A_1284 : memref<8x128xf32, #tpu.memory_space<hbm>>)
      } else {
      }
      %parallel_loop3A_1019 = arith.constant 0 : i32
      %parallel_loop3A_1020 = arith.constant 128 : i32
      %parallel_loop3A_1021 = arith.constant 1 : i32
      scf.for %parallel_loop3A_1209 = %parallel_loop3A_1019 to %parallel_loop3A_1020 step %parallel_loop3A_1021  : i32 {
        %parallel_loop3A_1210 = vector.broadcast %parallel_loop3A_1209 : i32 to vector<16xi32>
        %parallel_loop3A_1211 = arith.constant 3 : i32
        %parallel_loop3A_1212 = arith.index_cast %parallel_loop3A_1211 : i32 to index
        %parallel_loop3A_1213 = arith.index_cast %parallel_loop3A_1209 : i32 to index
        %parallel_loop3A_1214 = arith.constant 0 : index
        %parallel_loop3A_1215 = tpu.vector_load %arg6[%parallel_loop3A_1212, %parallel_loop3A_1213, %parallel_loop3A_1214] {strides = array<i32>} : memref<4x128x32xf32, #tpu.memory_space<vmem>>, vector<16xf32>,
        %parallel_loop3A_1216 = arith.constant 5.65685415 : f32
        %parallel_loop3A_1217 = vector.broadcast %parallel_loop3A_1216 : f32 to vector<16xf32>
        %parallel_loop3A_1218 = arith.mulf %parallel_loop3A_1215, %parallel_loop3A_1217 : vector<16xf32>
        %parallel_loop3A_1219 = arith.constant 0 : i32
        %parallel_loop3A_1220 = vector.broadcast %parallel_loop3A_1219 : i32 to vector<16xi32>
        %parallel_loop3A_1221 = arith.addi %iota3A, %parallel_loop3A_1220 : vector<16xi32>
        %parallel_loop3A_1222 = arith.constant 3 : i32
        %parallel_loop3A_1223 = arith.constant 0 : i32
        %parallel_loop3A_1224 = arith.constant 0 : i32
        %parallel_loop3A_1225 = tpu.memref_slice %arg7[%parallel_loop3A_1222, %parallel_loop3A_1223, %parallel_loop3A_1224] : memref<4x32x129xf32, #tpu.memory_space<vmem>> -> memref<1x32x129xf32, #tpu.memory_space<vmem>>
        %parallel_loop3A_1226 = tpu.memref_squeeze %parallel_loop3A_1225 : memref<1x32x129xf32, #tpu.memory_space<vmem>> -> memref<32x129xf32, #tpu.memory_space<vmem>>
        tpu.vector_store_idx %parallel_loop3A_1226[%parallel_loop3A_1221, %parallel_loop3A_1210], %parallel_loop3A_1218 : memref<32x129xf32, #tpu.memory_space<vmem>>[vector<16xi32>, vector<16xi32>], vector<16xf32>,
        %parallel_loop3A_1227 = arith.constant 3 : i32
        %parallel_loop3A_1228 = arith.index_cast %parallel_loop3A_1227 : i32 to index
        %parallel_loop3A_1229 = arith.index_cast %parallel_loop3A_1209 : i32 to index
        %parallel_loop3A_1230 = arith.constant 16 : index
        %parallel_loop3A_1231 = tpu.vector_load %arg6[%parallel_loop3A_1228, %parallel_loop3A_1229, %parallel_loop3A_1230] {strides = array<i32>} : memref<4x128x32xf32, #tpu.memory_space<vmem>>, vector<16xf32>,
        %parallel_loop3A_1232 = arith.constant 5.65685415 : f32
        %parallel_loop3A_1233 = vector.broadcast %parallel_loop3A_1232 : f32 to vector<16xf32>
        %parallel_loop3A_1234 = arith.mulf %parallel_loop3A_1231, %parallel_loop3A_1233 : vector<16xf32>
        %parallel_loop3A_1235 = arith.constant 16 : i32
        %parallel_loop3A_1236 = vector.broadcast %parallel_loop3A_1235 : i32 to vector<16xi32>
        %parallel_loop3A_1237 = arith.addi %iota3A, %parallel_loop3A_1236 : vector<16xi32>
        %parallel_loop3A_1238 = arith.constant 3 : i32
        %parallel_loop3A_1239 = arith.constant 0 : i32
        %parallel_loop3A_1240 = arith.constant 0 : i32
        %parallel_loop3A_1241 = tpu.memref_slice %arg7[%parallel_loop3A_1238, %parallel_loop3A_1239, %parallel_loop3A_1240] : memref<4x32x129xf32, #tpu.memory_space<vmem>> -> memref<1x32x129xf32, #tpu.memory_space<vmem>>
        %parallel_loop3A_1242 = tpu.memref_squeeze %parallel_loop3A_1241 : memref<1x32x129xf32, #tpu.memory_space<vmem>> -> memref<32x129xf32, #tpu.memory_space<vmem>>
        tpu.vector_store_idx %parallel_loop3A_1242[%parallel_loop3A_1237, %parallel_loop3A_1210], %parallel_loop3A_1234 : memref<32x129xf32, #tpu.memory_space<vmem>>[vector<16xi32>, vector<16xi32>], vector<16xf32>,
      } {sc.loop_unroll_factor = 8 : i64, sc.parallel_access}
      %add3A_1022 = arith.constant 4 : i32
      %add3A_1023 = arith.addi %add3A_998, %add3A_1022 : i32
      %lt3A_1024 = arith.constant 200 : i32
      %lt3A_1025 = arith.cmpi slt, %add3A_1023, %lt3A_1024 : i32
      %convert_element_type3A_1026 = arith.extui %lt3A_1025 : i1 to i32
      %cond3A_1027 = arith.constant 0 : i32
      %cond3A_1028 = arith.cmpi ne, %convert_element_type3A_1026, %cond3A_1027 : i32
      scf.if %cond3A_1028 {
        %add3A_1209 = arith.constant 4 : i32
        %add3A_1210 = arith.addi %add3A_998, %add3A_1209 : i32
        %mul3A_1211 = arith.constant 128 : i32
        %mul3A_1212 = arith.muli %add3A_1210, %mul3A_1211 : i32
        %dma_start3A_1213 = arith.constant 3 : i32
        %dma_start3A_1214 = arith.constant 0 : i32
        %dma_start3A_1215 = arith.constant 0 : i32
        %dma_start3A_1216 = tpu.memref_slice %arg6[%dma_start3A_1213, %dma_start3A_1214, %dma_start3A_1215] : memref<4x128x32xf32, #tpu.memory_space<vmem>> -> memref<1x128x32xf32, #tpu.memory_space<vmem>>
        %dma_start3A_1217 = tpu.memref_squeeze %dma_start3A_1216 : memref<1x128x32xf32, #tpu.memory_space<vmem>> -> memref<128x32xf32, #tpu.memory_space<vmem>>
        %dma_start3A_1218 = tpu.memref_slice %arg5[%mul3A_1212] : memref<25600xi32, #tpu.memory_space<vmem>> -> memref<128xi32, #tpu.memory_space<vmem>>
        %dma_start3A_1219 = arith.constant 0 : i32
        %dma_start3A_1220 = arith.constant 0 : i32
        %dma_start3A_1221 = tpu.memref_slice %arg3[%dma_start3A_1219, %dma_start3A_1220] : memref<1000064x32xf32, #tpu.memory_space<hbm>> -> memref<1000064x32xf32, #tpu.memory_space<hbm>>
        tpu.enqueue_indirect_dma source(%dma_start3A_1221 : memref<1000064x32xf32, #tpu.memory_space<hbm>>) target(%dma_start3A_1217 : memref<128x32xf32, #tpu.memory_space<vmem>>) offsets(%dma_start3A_1218 : memref<128xi32, #tpu.memory_space<vmem>>) semaphore(%arg11 : memref<!tpu.dma_semaphore, #tpu.memory_space<semaphore_mem>>)
      } else {
      }
      %jit3A_1029 = arith.constant 128 : i32
      %div3A_1030 = arith.divsi %mul3A_2, %jit3A_1029 : i32
      %sign3A_1031 = arith.constant 0 : i32
      %sign3A_1032 = arith.cmpi sgt, %mul3A_2, %sign3A_1031 : i32
      %sign3A_1033 = arith.extui %sign3A_1032 : i1 to i32
      %sign3A_1034 = arith.constant 0 : i32
      %sign3A_1035 = arith.cmpi slt, %mul3A_2, %sign3A_1034 : i32
      %sign3A_1036 = arith.extui %sign3A_1035 : i1 to i32
      %sign3A_1037 = arith.subi %sign3A_1033, %sign3A_1036 : i32
      %sign3A_1038 = arith.constant 0 : i32
      %sign3A_1039 = arith.cmpi sgt, %jit3A_1029, %sign3A_1038 : i32
      %sign3A_1040 = arith.extui %sign3A_1039 : i1 to i32
      %sign3A_1041 = arith.constant 0 : i32
      %sign3A_1042 = arith.cmpi slt, %jit3A_1029, %sign3A_1041 : i32
      %sign3A_1043 = arith.extui %sign3A_1042 : i1 to i32
      %sign3A_1044 = arith.subi %sign3A_1040, %sign3A_1043 : i32
      %ne3A_1045 = arith.cmpi ne, %sign3A_1037, %sign3A_1044 : i32
      %rem3A_1046 = arith.remsi %mul3A_2, %jit3A_1029 : i32
      %ne3A_1047 = arith.constant 0 : i32
      %ne3A_1048 = arith.cmpi ne, %rem3A_1046, %ne3A_1047 : i32
      %and3A_1049 = arith.andi %ne3A_1045, %ne3A_1048 : i1
      %sub3A_1050 = arith.constant 1 : i32
      %sub3A_1051 = arith.subi %div3A_1030, %sub3A_1050 : i32
      %select_n3A_1052 = arith.select %and3A_1049, %sub3A_1051, %div3A_1030 : i32
      %add3A_1053 = arith.addi %select_n3A_1052, %add3A_998 : i32
      %jit3A_1054 = arith.constant 256 : i32
      %div3A_1055 = arith.divsi %add3A_1053, %jit3A_1054 : i32
      %sign3A_1056 = arith.constant 0 : i32
      %sign3A_1057 = arith.cmpi sgt, %add3A_1053, %sign3A_1056 : i32
      %sign3A_1058 = arith.extui %sign3A_1057 : i1 to i32
      %sign3A_1059 = arith.constant 0 : i32
      %sign3A_1060 = arith.cmpi slt, %add3A_1053, %sign3A_1059 : i32
      %sign3A_1061 = arith.extui %sign3A_1060 : i1 to i32
      %sign3A_1062 = arith.subi %sign3A_1058, %sign3A_1061 : i32
      %sign3A_1063 = arith.constant 0 : i32
      %sign3A_1064 = arith.cmpi sgt, %jit3A_1054, %sign3A_1063 : i32
      %sign3A_1065 = arith.extui %sign3A_1064 : i1 to i32
      %sign3A_1066 = arith.constant 0 : i32
      %sign3A_1067 = arith.cmpi slt, %jit3A_1054, %sign3A_1066 : i32
      %sign3A_1068 = arith.extui %sign3A_1067 : i1 to i32
      %sign3A_1069 = arith.subi %sign3A_1065, %sign3A_1068 : i32
      %ne3A_1070 = arith.cmpi ne, %sign3A_1062, %sign3A_1069 : i32
      %rem3A_1071 = arith.remsi %add3A_1053, %jit3A_1054 : i32
      %ne3A_1072 = arith.constant 0 : i32
      %ne3A_1073 = arith.cmpi ne, %rem3A_1071, %ne3A_1072 : i32
      %and3A_1074 = arith.andi %ne3A_1070, %ne3A_1073 : i1
      %sub3A_1075 = arith.constant 1 : i32
      %sub3A_1076 = arith.subi %div3A_1055, %sub3A_1075 : i32
      %select_n3A_1077 = arith.select %and3A_1074, %sub3A_1076, %div3A_1055 : i32
      %jit3A_1078 = arith.constant 256 : i32
      %eq3A_1079 = arith.constant 0 : i32
      %eq3A_1080 = arith.cmpi eq, %jit3A_1078, %eq3A_1079 : i32
      %jit3A_1081 = arith.constant 1 : i32
      %select_n3A_1082 = arith.select %eq3A_1080, %jit3A_1081, %jit3A_1078 : i32
      %rem3A_1083 = arith.remsi %add3A_1053, %select_n3A_1082 : i32
      %ne3A_1084 = arith.constant 0 : i32
      %ne3A_1085 = arith.cmpi ne, %rem3A_1083, %ne3A_1084 : i32
      %lt3A_1086 = arith.constant 0 : i32
      %lt3A_1087 = arith.cmpi slt, %rem3A_1083, %lt3A_1086 : i32
      %lt3A_1088 = arith.constant 0 : i32
      %lt3A_1089 = arith.cmpi slt, %select_n3A_1082, %lt3A_1088 : i32
      %ne3A_1090 = arith.xori %lt3A_1087, %lt3A_1089 : i1
      %and3A_1091 = arith.andi %ne3A_1090, %ne3A_1085 : i1
      %add3A_1092 = arith.addi %rem3A_1083, %select_n3A_1082 : i32
      %select_n3A_1093 = arith.select %and3A_1091, %add3A_1092, %rem3A_1083 : i32
      %jit3A_1094 = arith.constant 8 : i32
      %div3A_1095 = arith.divsi %select_n3A_1093, %jit3A_1094 : i32
      %sign3A_1096 = arith.constant 0 : i32
      %sign3A_1097 = arith.cmpi sgt, %select_n3A_1093, %sign3A_1096 : i32
      %sign3A_1098 = arith.extui %sign3A_1097 : i1 to i32
      %sign3A_1099 = arith.constant 0 : i32
      %sign3A_1100 = arith.cmpi slt, %select_n3A_1093, %sign3A_1099 : i32
      %sign3A_1101 = arith.extui %sign3A_1100 : i1 to i32
      %sign3A_1102 = arith.subi %sign3A_1098, %sign3A_1101 : i32
      %sign3A_1103 = arith.constant 0 : i32
      %sign3A_1104 = arith.cmpi sgt, %jit3A_1094, %sign3A_1103 : i32
      %sign3A_1105 = arith.extui %sign3A_1104 : i1 to i32
      %sign3A_1106 = arith.constant 0 : i32
      %sign3A_1107 = arith.cmpi slt, %jit3A_1094, %sign3A_1106 : i32
      %sign3A_1108 = arith.extui %sign3A_1107 : i1 to i32
      %sign3A_1109 = arith.subi %sign3A_1105, %sign3A_1108 : i32
      %ne3A_1110 = arith.cmpi ne, %sign3A_1102, %sign3A_1109 : i32
      %rem3A_1111 = arith.remsi %select_n3A_1093, %jit3A_1094 : i32
      %ne3A_1112 = arith.constant 0 : i32
      %ne3A_1113 = arith.cmpi ne, %rem3A_1111, %ne3A_1112 : i32
      %and3A_1114 = arith.andi %ne3A_1110, %ne3A_1113 : i1
      %sub3A_1115 = arith.constant 1 : i32
      %sub3A_1116 = arith.subi %div3A_1095, %sub3A_1115 : i32
      %select_n3A_1117 = arith.select %and3A_1114, %sub3A_1116, %div3A_1095 : i32
      %jit3A_1118 = arith.constant 8 : i32
      %eq3A_1119 = arith.constant 0 : i32
      %eq3A_1120 = arith.cmpi eq, %jit3A_1118, %eq3A_1119 : i32
      %jit3A_1121 = arith.constant 1 : i32
      %select_n3A_1122 = arith.select %eq3A_1120, %jit3A_1121, %jit3A_1118 : i32
      %rem3A_1123 = arith.remsi %select_n3A_1093, %select_n3A_1122 : i32
      %ne3A_1124 = arith.constant 0 : i32
      %ne3A_1125 = arith.cmpi ne, %rem3A_1123, %ne3A_1124 : i32
      %lt3A_1126 = arith.constant 0 : i32
      %lt3A_1127 = arith.cmpi slt, %rem3A_1123, %lt3A_1126 : i32
      %lt3A_1128 = arith.constant 0 : i32
      %lt3A_1129 = arith.cmpi slt, %select_n3A_1122, %lt3A_1128 : i32
      %ne3A_1130 = arith.xori %lt3A_1127, %lt3A_1129 : i1
      %and3A_1131 = arith.andi %ne3A_1130, %ne3A_1125 : i1
      %add3A_1132 = arith.addi %rem3A_1123, %select_n3A_1122 : i32
      %select_n3A_1133 = arith.select %and3A_1131, %add3A_1132, %rem3A_1123 : i32
      %mul3A_1134 = arith.constant 8 : i32
      %mul3A_1135 = arith.muli %select_n3A_1077, %mul3A_1134 : i32
      %add3A_1136 = arith.addi %mul3A_1135, %select_n3A_1133 : i32
      %dma_start3A_1137 = arith.constant 3 : i32
      %dma_start3A_1138 = arith.constant 0 : i32
      %dma_start3A_1139 = arith.constant 0 : i32
      %dma_start3A_1140 = arith.constant 0 : i32
      %dma_start3A_1141 = tpu.memref_slice %arg7[%dma_start3A_1137, %dma_start3A_1139, %dma_start3A_1140] : memref<4x32x129xf32, #tpu.memory_space<vmem>> -> memref<1x8x128xf32, #tpu.memory_space<vmem>>
      %dma_start3A_1142 = tpu.memref_squeeze %dma_start3A_1141 : memref<1x8x128xf32, #tpu.memory_space<vmem>> -> memref<8x128xf32, #tpu.memory_space<vmem>>
      %dma_start3A_1143 = arith.constant 0 : i32
      %dma_start3A_1144 = arith.constant 0 : i32
      %dma_start3A_1145 = tpu.memref_slice %arg4[%add3A_1136, %dma_start3A_1138, %select_n3A_1117, %dma_start3A_1143, %dma_start3A_1144] : memref<200x4x32x8x128xf32, #tpu.memory_space<hbm>> -> memref<1x1x1x8x128xf32, #tpu.memory_space<hbm>>
      %dma_start3A_1146 = tpu.memref_squeeze %dma_start3A_1145 : memref<1x1x1x8x128xf32, #tpu.memory_space<hbm>> -> memref<8x128xf32, #tpu.memory_space<hbm>>
      %dma_start3A_1147 = arith.constant 0 : i32
      %dma_start3A_1148 = arith.constant 0 : i32
      %dma_start3A_1149 = tpu.memref_slice %arg4[%add3A_1136, %dma_start3A_1138, %select_n3A_1117, %dma_start3A_1147, %dma_start3A_1148] : memref<200x4x32x8x128xf32, #tpu.memory_space<hbm>> -> memref<1x1x1x8x128xf32, #tpu.memory_space<hbm>>
      %dma_start3A_1150 = tpu.memref_squeeze %dma_start3A_1149 : memref<1x1x1x8x128xf32, #tpu.memory_space<hbm>> -> memref<8x128xf32, #tpu.memory_space<hbm>>
      %dma_start3A_1151 = arith.constant 0 : i32
      %dma_start3A_1152 = arith.constant 0 : i32
      %dma_start3A_1153 = tpu.memref_slice %arg7[%dma_start3A_1137, %dma_start3A_1151, %dma_start3A_1152] : memref<4x32x129xf32, #tpu.memory_space<vmem>> -> memref<1x8x128xf32, #tpu.memory_space<vmem>>
      %dma_start3A_1154 = tpu.memref_squeeze %dma_start3A_1153 : memref<1x8x128xf32, #tpu.memory_space<vmem>> -> memref<8x128xf32, #tpu.memory_space<vmem>>
      tpu.enqueue_dma source(%dma_start3A_1154 : memref<8x128xf32, #tpu.memory_space<vmem>>) target(%dma_start3A_1150 : memref<8x128xf32, #tpu.memory_space<hbm>>) target_semaphore(%arg15 : memref<!tpu.dma_semaphore, #tpu.memory_space<semaphore_mem>>)
      %dma_start3A_1155 = arith.constant 3 : i32
      %dma_start3A_1156 = arith.constant 1 : i32
      %dma_start3A_1157 = arith.constant 8 : i32
      %dma_start3A_1158 = arith.constant 0 : i32
      %dma_start3A_1159 = tpu.memref_slice %arg7[%dma_start3A_1155, %dma_start3A_1157, %dma_start3A_1158] : memref<4x32x129xf32, #tpu.memory_space<vmem>> -> memref<1x8x128xf32, #tpu.memory_space<vmem>>
      %dma_start3A_1160 = tpu.memref_squeeze %dma_start3A_1159 : memref<1x8x128xf32, #tpu.memory_space<vmem>> -> memref<8x128xf32, #tpu.memory_space<vmem>>
      %dma_start3A_1161 = arith.constant 0 : i32
      %dma_start3A_1162 = arith.constant 0 : i32
      %dma_start3A_1163 = tpu.memref_slice %arg4[%add3A_1136, %dma_start3A_1156, %select_n3A_1117, %dma_start3A_1161, %dma_start3A_1162] : memref<200x4x32x8x128xf32, #tpu.memory_space<hbm>> -> memref<1x1x1x8x128xf32, #tpu.memory_space<hbm>>
      %dma_start3A_1164 = tpu.memref_squeeze %dma_start3A_1163 : memref<1x1x1x8x128xf32, #tpu.memory_space<hbm>> -> memref<8x128xf32, #tpu.memory_space<hbm>>
      %dma_start3A_1165 = arith.constant 0 : i32
      %dma_start3A_1166 = arith.constant 0 : i32
      %dma_start3A_1167 = tpu.memref_slice %arg4[%add3A_1136, %dma_start3A_1156, %select_n3A_1117, %dma_start3A_1165, %dma_start3A_1166] : memref<200x4x32x8x128xf32, #tpu.memory_space<hbm>> -> memref<1x1x1x8x128xf32, #tpu.memory_space<hbm>>
      %dma_start3A_1168 = tpu.memref_squeeze %dma_start3A_1167 : memref<1x1x1x8x128xf32, #tpu.memory_space<hbm>> -> memref<8x128xf32, #tpu.memory_space<hbm>>
      %dma_start3A_1169 = arith.constant 8 : i32
      %dma_start3A_1170 = arith.constant 0 : i32
      %dma_start3A_1171 = tpu.memref_slice %arg7[%dma_start3A_1155, %dma_start3A_1169, %dma_start3A_1170] : memref<4x32x129xf32, #tpu.memory_space<vmem>> -> memref<1x8x128xf32, #tpu.memory_space<vmem>>
      %dma_start3A_1172 = tpu.memref_squeeze %dma_start3A_1171 : memref<1x8x128xf32, #tpu.memory_space<vmem>> -> memref<8x128xf32, #tpu.memory_space<vmem>>
      tpu.enqueue_dma source(%dma_start3A_1172 : memref<8x128xf32, #tpu.memory_space<vmem>>) target(%dma_start3A_1168 : memref<8x128xf32, #tpu.memory_space<hbm>>) target_semaphore(%arg15 : memref<!tpu.dma_semaphore, #tpu.memory_space<semaphore_mem>>)
      %dma_start3A_1173 = arith.constant 3 : i32
      %dma_start3A_1174 = arith.constant 2 : i32
      %dma_start3A_1175 = arith.constant 16 : i32
      %dma_start3A_1176 = arith.constant 0 : i32
      %dma_start3A_1177 = tpu.memref_slice %arg7[%dma_start3A_1173, %dma_start3A_1175, %dma_start3A_1176] : memref<4x32x129xf32, #tpu.memory_space<vmem>> -> memref<1x8x128xf32, #tpu.memory_space<vmem>>
      %dma_start3A_1178 = tpu.memref_squeeze %dma_start3A_1177 : memref<1x8x128xf32, #tpu.memory_space<vmem>> -> memref<8x128xf32, #tpu.memory_space<vmem>>
      %dma_start3A_1179 = arith.constant 0 : i32
      %dma_start3A_1180 = arith.constant 0 : i32
      %dma_start3A_1181 = tpu.memref_slice %arg4[%add3A_1136, %dma_start3A_1174, %select_n3A_1117, %dma_start3A_1179, %dma_start3A_1180] : memref<200x4x32x8x128xf32, #tpu.memory_space<hbm>> -> memref<1x1x1x8x128xf32, #tpu.memory_space<hbm>>
      %dma_start3A_1182 = tpu.memref_squeeze %dma_start3A_1181 : memref<1x1x1x8x128xf32, #tpu.memory_space<hbm>> -> memref<8x128xf32, #tpu.memory_space<hbm>>
      %dma_start3A_1183 = arith.constant 0 : i32
      %dma_start3A_1184 = arith.constant 0 : i32
      %dma_start3A_1185 = tpu.memref_slice %arg4[%add3A_1136, %dma_start3A_1174, %select_n3A_1117, %dma_start3A_1183, %dma_start3A_1184] : memref<200x4x32x8x128xf32, #tpu.memory_space<hbm>> -> memref<1x1x1x8x128xf32, #tpu.memory_space<hbm>>
      %dma_start3A_1186 = tpu.memref_squeeze %dma_start3A_1185 : memref<1x1x1x8x128xf32, #tpu.memory_space<hbm>> -> memref<8x128xf32, #tpu.memory_space<hbm>>
      %dma_start3A_1187 = arith.constant 16 : i32
      %dma_start3A_1188 = arith.constant 0 : i32
      %dma_start3A_1189 = tpu.memref_slice %arg7[%dma_start3A_1173, %dma_start3A_1187, %dma_start3A_1188] : memref<4x32x129xf32, #tpu.memory_space<vmem>> -> memref<1x8x128xf32, #tpu.memory_space<vmem>>
      %dma_start3A_1190 = tpu.memref_squeeze %dma_start3A_1189 : memref<1x8x128xf32, #tpu.memory_space<vmem>> -> memref<8x128xf32, #tpu.memory_space<vmem>>
      tpu.enqueue_dma source(%dma_start3A_1190 : memref<8x128xf32, #tpu.memory_space<vmem>>) target(%dma_start3A_1186 : memref<8x128xf32, #tpu.memory_space<hbm>>) target_semaphore(%arg15 : memref<!tpu.dma_semaphore, #tpu.memory_space<semaphore_mem>>)
      %dma_start3A_1191 = arith.constant 3 : i32
      %dma_start3A_1192 = arith.constant 3 : i32
      %dma_start3A_1193 = arith.constant 24 : i32
      %dma_start3A_1194 = arith.constant 0 : i32
      %dma_start3A_1195 = tpu.memref_slice %arg7[%dma_start3A_1191, %dma_start3A_1193, %dma_start3A_1194] : memref<4x32x129xf32, #tpu.memory_space<vmem>> -> memref<1x8x128xf32, #tpu.memory_space<vmem>>
      %dma_start3A_1196 = tpu.memref_squeeze %dma_start3A_1195 : memref<1x8x128xf32, #tpu.memory_space<vmem>> -> memref<8x128xf32, #tpu.memory_space<vmem>>
      %dma_start3A_1197 = arith.constant 0 : i32
      %dma_start3A_1198 = arith.constant 0 : i32
      %dma_start3A_1199 = tpu.memref_slice %arg4[%add3A_1136, %dma_start3A_1192, %select_n3A_1117, %dma_start3A_1197, %dma_start3A_1198] : memref<200x4x32x8x128xf32, #tpu.memory_space<hbm>> -> memref<1x1x1x8x128xf32, #tpu.memory_space<hbm>>
      %dma_start3A_1200 = tpu.memref_squeeze %dma_start3A_1199 : memref<1x1x1x8x128xf32, #tpu.memory_space<hbm>> -> memref<8x128xf32, #tpu.memory_space<hbm>>
      %dma_start3A_1201 = arith.constant 0 : i32
      %dma_start3A_1202 = arith.constant 0 : i32
      %dma_start3A_1203 = tpu.memref_slice %arg4[%add3A_1136, %dma_start3A_1192, %select_n3A_1117, %dma_start3A_1201, %dma_start3A_1202] : memref<200x4x32x8x128xf32, #tpu.memory_space<hbm>> -> memref<1x1x1x8x128xf32, #tpu.memory_space<hbm>>
      %dma_start3A_1204 = tpu.memref_squeeze %dma_start3A_1203 : memref<1x1x1x8x128xf32, #tpu.memory_space<hbm>> -> memref<8x128xf32, #tpu.memory_space<hbm>>
      %dma_start3A_1205 = arith.constant 24 : i32
      %dma_start3A_1206 = arith.constant 0 : i32
      %dma_start3A_1207 = tpu.memref_slice %arg7[%dma_start3A_1191, %dma_start3A_1205, %dma_start3A_1206] : memref<4x32x129xf32, #tpu.memory_space<vmem>> -> memref<1x8x128xf32, #tpu.memory_space<vmem>>
      %dma_start3A_1208 = tpu.memref_squeeze %dma_start3A_1207 : memref<1x8x128xf32, #tpu.memory_space<vmem>> -> memref<8x128xf32, #tpu.memory_space<vmem>>
      tpu.enqueue_dma source(%dma_start3A_1208 : memref<8x128xf32, #tpu.memory_space<vmem>>) target(%dma_start3A_1204 : memref<8x128xf32, #tpu.memory_space<hbm>>) target_semaphore(%arg15 : memref<!tpu.dma_semaphore, #tpu.memory_space<semaphore_mem>>)
    }
    %scan3A_46 = arith.constant 50 : i32
    %dma_wait3A = arith.constant 0 : i32
    %dma_wait3A_47 = arith.constant 0 : i32
    %dma_wait3A_48 = arith.constant 0 : i32
    %dma_wait3A_49 = arith.constant 0 : i32
    %dma_wait3A_50 = arith.constant 0 : i32
    %dma_wait3A_51 = arith.constant 0 : i32
    %dma_wait3A_52 = tpu.memref_slice %arg7[%dma_wait3A, %dma_wait3A_50, %dma_wait3A_51] : memref<4x32x129xf32, #tpu.memory_space<vmem>> -> memref<1x8x128xf32, #tpu.memory_space<vmem>>
    %dma_wait3A_53 = tpu.memref_squeeze %dma_wait3A_52 : memref<1x8x128xf32, #tpu.memory_space<vmem>> -> memref<8x128xf32, #tpu.memory_space<vmem>>
    %dma_wait3A_54 = arith.constant 0 : i32
    %dma_wait3A_55 = arith.constant 0 : i32
    %dma_wait3A_56 = tpu.memref_slice %arg4[%dma_wait3A_47, %dma_wait3A_48, %dma_wait3A_49, %dma_wait3A_54, %dma_wait3A_55] : memref<200x4x32x8x128xf32, #tpu.memory_space<hbm>> -> memref<1x1x1x8x128xf32, #tpu.memory_space<hbm>>
    %dma_wait3A_57 = tpu.memref_squeeze %dma_wait3A_56 : memref<1x1x1x8x128xf32, #tpu.memory_space<hbm>> -> memref<8x128xf32, #tpu.memory_space<hbm>>
    %dma_wait3A_58 = arith.constant 0 : i32
    %dma_wait3A_59 = arith.constant 0 : i32
    %dma_wait3A_60 = tpu.memref_slice %arg4[%dma_wait3A_47, %dma_wait3A_48, %dma_wait3A_49, %dma_wait3A_58, %dma_wait3A_59] : memref<200x4x32x8x128xf32, #tpu.memory_space<hbm>> -> memref<1x1x1x8x128xf32, #tpu.memory_space<hbm>>
    %dma_wait3A_61 = tpu.memref_squeeze %dma_wait3A_60 : memref<1x1x1x8x128xf32, #tpu.memory_space<hbm>> -> memref<8x128xf32, #tpu.memory_space<hbm>>
    %dma_wait3A_62 = arith.constant 0 : i32
    %dma_wait3A_63 = arith.constant 0 : i32
    %dma_wait3A_64 = tpu.memref_slice %arg7[%dma_wait3A, %dma_wait3A_62, %dma_wait3A_63] : memref<4x32x129xf32, #tpu.memory_space<vmem>> -> memref<1x8x128xf32, #tpu.memory_space<vmem>>
    %dma_wait3A_65 = tpu.memref_squeeze %dma_wait3A_64 : memref<1x8x128xf32, #tpu.memory_space<vmem>> -> memref<8x128xf32, #tpu.memory_space<vmem>>
    tpu.wait_dma2 semaphore(%arg12 : memref<!tpu.dma_semaphore, #tpu.memory_space<semaphore_mem>>) src(%dma_wait3A_65 : memref<8x128xf32, #tpu.memory_space<vmem>>) dst(%dma_wait3A_61 : memref<8x128xf32, #tpu.memory_space<hbm>>)
    %dma_wait3A_66 = arith.constant 0 : i32
    %dma_wait3A_67 = arith.constant 0 : i32
    %dma_wait3A_68 = arith.constant 0 : i32
    %dma_wait3A_69 = arith.constant 0 : i32
    %dma_wait3A_70 = arith.constant 8 : i32
    %dma_wait3A_71 = arith.constant 0 : i32
    %dma_wait3A_72 = tpu.memref_slice %arg7[%dma_wait3A_66, %dma_wait3A_70, %dma_wait3A_71] : memref<4x32x129xf32, #tpu.memory_space<vmem>> -> memref<1x8x128xf32, #tpu.memory_space<vmem>>
    %dma_wait3A_73 = tpu.memref_squeeze %dma_wait3A_72 : memref<1x8x128xf32, #tpu.memory_space<vmem>> -> memref<8x128xf32, #tpu.memory_space<vmem>>
    %dma_wait3A_74 = arith.constant 0 : i32
    %dma_wait3A_75 = arith.constant 0 : i32
    %dma_wait3A_76 = tpu.memref_slice %arg4[%dma_wait3A_67, %dma_wait3A_68, %dma_wait3A_69, %dma_wait3A_74, %dma_wait3A_75] : memref<200x4x32x8x128xf32, #tpu.memory_space<hbm>> -> memref<1x1x1x8x128xf32, #tpu.memory_space<hbm>>
    %dma_wait3A_77 = tpu.memref_squeeze %dma_wait3A_76 : memref<1x1x1x8x128xf32, #tpu.memory_space<hbm>> -> memref<8x128xf32, #tpu.memory_space<hbm>>
    %dma_wait3A_78 = arith.constant 0 : i32
    %dma_wait3A_79 = arith.constant 0 : i32
    %dma_wait3A_80 = tpu.memref_slice %arg4[%dma_wait3A_67, %dma_wait3A_68, %dma_wait3A_69, %dma_wait3A_78, %dma_wait3A_79] : memref<200x4x32x8x128xf32, #tpu.memory_space<hbm>> -> memref<1x1x1x8x128xf32, #tpu.memory_space<hbm>>
    %dma_wait3A_81 = tpu.memref_squeeze %dma_wait3A_80 : memref<1x1x1x8x128xf32, #tpu.memory_space<hbm>> -> memref<8x128xf32, #tpu.memory_space<hbm>>
    %dma_wait3A_82 = arith.constant 8 : i32
    %dma_wait3A_83 = arith.constant 0 : i32
    %dma_wait3A_84 = tpu.memref_slice %arg7[%dma_wait3A_66, %dma_wait3A_82, %dma_wait3A_83] : memref<4x32x129xf32, #tpu.memory_space<vmem>> -> memref<1x8x128xf32, #tpu.memory_space<vmem>>
    %dma_wait3A_85 = tpu.memref_squeeze %dma_wait3A_84 : memref<1x8x128xf32, #tpu.memory_space<vmem>> -> memref<8x128xf32, #tpu.memory_space<vmem>>
    tpu.wait_dma2 semaphore(%arg12 : memref<!tpu.dma_semaphore, #tpu.memory_space<semaphore_mem>>) src(%dma_wait3A_85 : memref<8x128xf32, #tpu.memory_space<vmem>>) dst(%dma_wait3A_81 : memref<8x128xf32, #tpu.memory_space<hbm>>)
    %dma_wait3A_86 = arith.constant 0 : i32
    %dma_wait3A_87 = arith.constant 0 : i32
    %dma_wait3A_88 = arith.constant 0 : i32
    %dma_wait3A_89 = arith.constant 0 : i32
    %dma_wait3A_90 = arith.constant 16 : i32
    %dma_wait3A_91 = arith.constant 0 : i32
    %dma_wait3A_92 = tpu.memref_slice %arg7[%dma_wait3A_86, %dma_wait3A_90, %dma_wait3A_91] : memref<4x32x129xf32, #tpu.memory_space<vmem>> -> memref<1x8x128xf32, #tpu.memory_space<vmem>>
    %dma_wait3A_93 = tpu.memref_squeeze %dma_wait3A_92 : memref<1x8x128xf32, #tpu.memory_space<vmem>> -> memref<8x128xf32, #tpu.memory_space<vmem>>
    %dma_wait3A_94 = arith.constant 0 : i32
    %dma_wait3A_95 = arith.constant 0 : i32
    %dma_wait3A_96 = tpu.memref_slice %arg4[%dma_wait3A_87, %dma_wait3A_88, %dma_wait3A_89, %dma_wait3A_94, %dma_wait3A_95] : memref<200x4x32x8x128xf32, #tpu.memory_space<hbm>> -> memref<1x1x1x8x128xf32, #tpu.memory_space<hbm>>
    %dma_wait3A_97 = tpu.memref_squeeze %dma_wait3A_96 : memref<1x1x1x8x128xf32, #tpu.memory_space<hbm>> -> memref<8x128xf32, #tpu.memory_space<hbm>>
    %dma_wait3A_98 = arith.constant 0 : i32
    %dma_wait3A_99 = arith.constant 0 : i32
    %dma_wait3A_100 = tpu.memref_slice %arg4[%dma_wait3A_87, %dma_wait3A_88, %dma_wait3A_89, %dma_wait3A_98, %dma_wait3A_99] : memref<200x4x32x8x128xf32, #tpu.memory_space<hbm>> -> memref<1x1x1x8x128xf32, #tpu.memory_space<hbm>>
    %dma_wait3A_101 = tpu.memref_squeeze %dma_wait3A_100 : memref<1x1x1x8x128xf32, #tpu.memory_space<hbm>> -> memref<8x128xf32, #tpu.memory_space<hbm>>
    %dma_wait3A_102 = arith.constant 16 : i32
    %dma_wait3A_103 = arith.constant 0 : i32
    %dma_wait3A_104 = tpu.memref_slice %arg7[%dma_wait3A_86, %dma_wait3A_102, %dma_wait3A_103] : memref<4x32x129xf32, #tpu.memory_space<vmem>> -> memref<1x8x128xf32, #tpu.memory_space<vmem>>
    %dma_wait3A_105 = tpu.memref_squeeze %dma_wait3A_104 : memref<1x8x128xf32, #tpu.memory_space<vmem>> -> memref<8x128xf32, #tpu.memory_space<vmem>>
    tpu.wait_dma2 semaphore(%arg12 : memref<!tpu.dma_semaphore, #tpu.memory_space<semaphore_mem>>) src(%dma_wait3A_105 : memref<8x128xf32, #tpu.memory_space<vmem>>) dst(%dma_wait3A_101 : memref<8x128xf32, #tpu.memory_space<hbm>>)
    %dma_wait3A_106 = arith.constant 0 : i32
    %dma_wait3A_107 = arith.constant 0 : i32
    %dma_wait3A_108 = arith.constant 0 : i32
    %dma_wait3A_109 = arith.constant 0 : i32
    %dma_wait3A_110 = arith.constant 24 : i32
    %dma_wait3A_111 = arith.constant 0 : i32
    %dma_wait3A_112 = tpu.memref_slice %arg7[%dma_wait3A_106, %dma_wait3A_110, %dma_wait3A_111] : memref<4x32x129xf32, #tpu.memory_space<vmem>> -> memref<1x8x128xf32, #tpu.memory_space<vmem>>
    %dma_wait3A_113 = tpu.memref_squeeze %dma_wait3A_112 : memref<1x8x128xf32, #tpu.memory_space<vmem>> -> memref<8x128xf32, #tpu.memory_space<vmem>>
    %dma_wait3A_114 = arith.constant 0 : i32
    %dma_wait3A_115 = arith.constant 0 : i32
    %dma_wait3A_116 = tpu.memref_slice %arg4[%dma_wait3A_107, %dma_wait3A_108, %dma_wait3A_109, %dma_wait3A_114, %dma_wait3A_115] : memref<200x4x32x8x128xf32, #tpu.memory_space<hbm>> -> memref<1x1x1x8x128xf32, #tpu.memory_space<hbm>>
    %dma_wait3A_117 = tpu.memref_squeeze %dma_wait3A_116 : memref<1x1x1x8x128xf32, #tpu.memory_space<hbm>> -> memref<8x128xf32, #tpu.memory_space<hbm>>
    %dma_wait3A_118 = arith.constant 0 : i32
    %dma_wait3A_119 = arith.constant 0 : i32
    %dma_wait3A_120 = tpu.memref_slice %arg4[%dma_wait3A_107, %dma_wait3A_108, %dma_wait3A_109, %dma_wait3A_118, %dma_wait3A_119] : memref<200x4x32x8x128xf32, #tpu.memory_space<hbm>> -> memref<1x1x1x8x128xf32, #tpu.memory_space<hbm>>
    %dma_wait3A_121 = tpu.memref_squeeze %dma_wait3A_120 : memref<1x1x1x8x128xf32, #tpu.memory_space<hbm>> -> memref<8x128xf32, #tpu.memory_space<hbm>>
    %dma_wait3A_122 = arith.constant 24 : i32
    %dma_wait3A_123 = arith.constant 0 : i32
    %dma_wait3A_124 = tpu.memref_slice %arg7[%dma_wait3A_106, %dma_wait3A_122, %dma_wait3A_123] : memref<4x32x129xf32, #tpu.memory_space<vmem>> -> memref<1x8x128xf32, #tpu.memory_space<vmem>>
    %dma_wait3A_125 = tpu.memref_squeeze %dma_wait3A_124 : memref<1x8x128xf32, #tpu.memory_space<vmem>> -> memref<8x128xf32, #tpu.memory_space<vmem>>
    tpu.wait_dma2 semaphore(%arg12 : memref<!tpu.dma_semaphore, #tpu.memory_space<semaphore_mem>>) src(%dma_wait3A_125 : memref<8x128xf32, #tpu.memory_space<vmem>>) dst(%dma_wait3A_121 : memref<8x128xf32, #tpu.memory_space<hbm>>)
    %dma_wait3A_126 = arith.constant 1 : i32
    %dma_wait3A_127 = arith.constant 0 : i32
    %dma_wait3A_128 = arith.constant 0 : i32
    %dma_wait3A_129 = arith.constant 0 : i32
    %dma_wait3A_130 = arith.constant 0 : i32
    %dma_wait3A_131 = arith.constant 0 : i32
    %dma_wait3A_132 = tpu.memref_slice %arg7[%dma_wait3A_126, %dma_wait3A_130, %dma_wait3A_131] : memref<4x32x129xf32, #tpu.memory_space<vmem>> -> memref<1x8x128xf32, #tpu.memory_space<vmem>>
    %dma_wait3A_133 = tpu.memref_squeeze %dma_wait3A_132 : memref<1x8x128xf32, #tpu.memory_space<vmem>> -> memref<8x128xf32, #tpu.memory_space<vmem>>
    %dma_wait3A_134 = arith.constant 0 : i32
    %dma_wait3A_135 = arith.constant 0 : i32
    %dma_wait3A_136 = tpu.memref_slice %arg4[%dma_wait3A_127, %dma_wait3A_128, %dma_wait3A_129, %dma_wait3A_134, %dma_wait3A_135] : memref<200x4x32x8x128xf32, #tpu.memory_space<hbm>> -> memref<1x1x1x8x128xf32, #tpu.memory_space<hbm>>
    %dma_wait3A_137 = tpu.memref_squeeze %dma_wait3A_136 : memref<1x1x1x8x128xf32, #tpu.memory_space<hbm>> -> memref<8x128xf32, #tpu.memory_space<hbm>>
    %dma_wait3A_138 = arith.constant 0 : i32
    %dma_wait3A_139 = arith.constant 0 : i32
    %dma_wait3A_140 = tpu.memref_slice %arg4[%dma_wait3A_127, %dma_wait3A_128, %dma_wait3A_129, %dma_wait3A_138, %dma_wait3A_139] : memref<200x4x32x8x128xf32, #tpu.memory_space<hbm>> -> memref<1x1x1x8x128xf32, #tpu.memory_space<hbm>>
    %dma_wait3A_141 = tpu.memref_squeeze %dma_wait3A_140 : memref<1x1x1x8x128xf32, #tpu.memory_space<hbm>> -> memref<8x128xf32, #tpu.memory_space<hbm>>
    %dma_wait3A_142 = arith.constant 0 : i32
    %dma_wait3A_143 = arith.constant 0 : i32
    %dma_wait3A_144 = tpu.memref_slice %arg7[%dma_wait3A_126, %dma_wait3A_142, %dma_wait3A_143] : memref<4x32x129xf32, #tpu.memory_space<vmem>> -> memref<1x8x128xf32, #tpu.memory_space<vmem>>
    %dma_wait3A_145 = tpu.memref_squeeze %dma_wait3A_144 : memref<1x8x128xf32, #tpu.memory_space<vmem>> -> memref<8x128xf32, #tpu.memory_space<vmem>>
    tpu.wait_dma2 semaphore(%arg13 : memref<!tpu.dma_semaphore, #tpu.memory_space<semaphore_mem>>) src(%dma_wait3A_145 : memref<8x128xf32, #tpu.memory_space<vmem>>) dst(%dma_wait3A_141 : memref<8x128xf32, #tpu.memory_space<hbm>>)
    %dma_wait3A_146 = arith.constant 1 : i32
    %dma_wait3A_147 = arith.constant 0 : i32
    %dma_wait3A_148 = arith.constant 0 : i32
    %dma_wait3A_149 = arith.constant 0 : i32
    %dma_wait3A_150 = arith.constant 8 : i32
    %dma_wait3A_151 = arith.constant 0 : i32
    %dma_wait3A_152 = tpu.memref_slice %arg7[%dma_wait3A_146, %dma_wait3A_150, %dma_wait3A_151] : memref<4x32x129xf32, #tpu.memory_space<vmem>> -> memref<1x8x128xf32, #tpu.memory_space<vmem>>
    %dma_wait3A_153 = tpu.memref_squeeze %dma_wait3A_152 : memref<1x8x128xf32, #tpu.memory_space<vmem>> -> memref<8x128xf32, #tpu.memory_space<vmem>>
    %dma_wait3A_154 = arith.constant 0 : i32
    %dma_wait3A_155 = arith.constant 0 : i32
    %dma_wait3A_156 = tpu.memref_slice %arg4[%dma_wait3A_147, %dma_wait3A_148, %dma_wait3A_149, %dma_wait3A_154, %dma_wait3A_155] : memref<200x4x32x8x128xf32, #tpu.memory_space<hbm>> -> memref<1x1x1x8x128xf32, #tpu.memory_space<hbm>>
    %dma_wait3A_157 = tpu.memref_squeeze %dma_wait3A_156 : memref<1x1x1x8x128xf32, #tpu.memory_space<hbm>> -> memref<8x128xf32, #tpu.memory_space<hbm>>
    %dma_wait3A_158 = arith.constant 0 : i32
    %dma_wait3A_159 = arith.constant 0 : i32
    %dma_wait3A_160 = tpu.memref_slice %arg4[%dma_wait3A_147, %dma_wait3A_148, %dma_wait3A_149, %dma_wait3A_158, %dma_wait3A_159] : memref<200x4x32x8x128xf32, #tpu.memory_space<hbm>> -> memref<1x1x1x8x128xf32, #tpu.memory_space<hbm>>
    %dma_wait3A_161 = tpu.memref_squeeze %dma_wait3A_160 : memref<1x1x1x8x128xf32, #tpu.memory_space<hbm>> -> memref<8x128xf32, #tpu.memory_space<hbm>>
    %dma_wait3A_162 = arith.constant 8 : i32
    %dma_wait3A_163 = arith.constant 0 : i32
    %dma_wait3A_164 = tpu.memref_slice %arg7[%dma_wait3A_146, %dma_wait3A_162, %dma_wait3A_163] : memref<4x32x129xf32, #tpu.memory_space<vmem>> -> memref<1x8x128xf32, #tpu.memory_space<vmem>>
    %dma_wait3A_165 = tpu.memref_squeeze %dma_wait3A_164 : memref<1x8x128xf32, #tpu.memory_space<vmem>> -> memref<8x128xf32, #tpu.memory_space<vmem>>
    tpu.wait_dma2 semaphore(%arg13 : memref<!tpu.dma_semaphore, #tpu.memory_space<semaphore_mem>>) src(%dma_wait3A_165 : memref<8x128xf32, #tpu.memory_space<vmem>>) dst(%dma_wait3A_161 : memref<8x128xf32, #tpu.memory_space<hbm>>)
    %dma_wait3A_166 = arith.constant 1 : i32
    %dma_wait3A_167 = arith.constant 0 : i32
    %dma_wait3A_168 = arith.constant 0 : i32
    %dma_wait3A_169 = arith.constant 0 : i32
    %dma_wait3A_170 = arith.constant 16 : i32
    %dma_wait3A_171 = arith.constant 0 : i32
    %dma_wait3A_172 = tpu.memref_slice %arg7[%dma_wait3A_166, %dma_wait3A_170, %dma_wait3A_171] : memref<4x32x129xf32, #tpu.memory_space<vmem>> -> memref<1x8x128xf32, #tpu.memory_space<vmem>>
    %dma_wait3A_173 = tpu.memref_squeeze %dma_wait3A_172 : memref<1x8x128xf32, #tpu.memory_space<vmem>> -> memref<8x128xf32, #tpu.memory_space<vmem>>
    %dma_wait3A_174 = arith.constant 0 : i32
    %dma_wait3A_175 = arith.constant 0 : i32
    %dma_wait3A_176 = tpu.memref_slice %arg4[%dma_wait3A_167, %dma_wait3A_168, %dma_wait3A_169, %dma_wait3A_174, %dma_wait3A_175] : memref<200x4x32x8x128xf32, #tpu.memory_space<hbm>> -> memref<1x1x1x8x128xf32, #tpu.memory_space<hbm>>
    %dma_wait3A_177 = tpu.memref_squeeze %dma_wait3A_176 : memref<1x1x1x8x128xf32, #tpu.memory_space<hbm>> -> memref<8x128xf32, #tpu.memory_space<hbm>>
    %dma_wait3A_178 = arith.constant 0 : i32
    %dma_wait3A_179 = arith.constant 0 : i32
    %dma_wait3A_180 = tpu.memref_slice %arg4[%dma_wait3A_167, %dma_wait3A_168, %dma_wait3A_169, %dma_wait3A_178, %dma_wait3A_179] : memref<200x4x32x8x128xf32, #tpu.memory_space<hbm>> -> memref<1x1x1x8x128xf32, #tpu.memory_space<hbm>>
    %dma_wait3A_181 = tpu.memref_squeeze %dma_wait3A_180 : memref<1x1x1x8x128xf32, #tpu.memory_space<hbm>> -> memref<8x128xf32, #tpu.memory_space<hbm>>
    %dma_wait3A_182 = arith.constant 16 : i32
    %dma_wait3A_183 = arith.constant 0 : i32
    %dma_wait3A_184 = tpu.memref_slice %arg7[%dma_wait3A_166, %dma_wait3A_182, %dma_wait3A_183] : memref<4x32x129xf32, #tpu.memory_space<vmem>> -> memref<1x8x128xf32, #tpu.memory_space<vmem>>
    %dma_wait3A_185 = tpu.memref_squeeze %dma_wait3A_184 : memref<1x8x128xf32, #tpu.memory_space<vmem>> -> memref<8x128xf32, #tpu.memory_space<vmem>>
    tpu.wait_dma2 semaphore(%arg13 : memref<!tpu.dma_semaphore, #tpu.memory_space<semaphore_mem>>) src(%dma_wait3A_185 : memref<8x128xf32, #tpu.memory_space<vmem>>) dst(%dma_wait3A_181 : memref<8x128xf32, #tpu.memory_space<hbm>>)
    %dma_wait3A_186 = arith.constant 1 : i32
    %dma_wait3A_187 = arith.constant 0 : i32
    %dma_wait3A_188 = arith.constant 0 : i32
    %dma_wait3A_189 = arith.constant 0 : i32
    %dma_wait3A_190 = arith.constant 24 : i32
    %dma_wait3A_191 = arith.constant 0 : i32
    %dma_wait3A_192 = tpu.memref_slice %arg7[%dma_wait3A_186, %dma_wait3A_190, %dma_wait3A_191] : memref<4x32x129xf32, #tpu.memory_space<vmem>> -> memref<1x8x128xf32, #tpu.memory_space<vmem>>
    %dma_wait3A_193 = tpu.memref_squeeze %dma_wait3A_192 : memref<1x8x128xf32, #tpu.memory_space<vmem>> -> memref<8x128xf32, #tpu.memory_space<vmem>>
    %dma_wait3A_194 = arith.constant 0 : i32
    %dma_wait3A_195 = arith.constant 0 : i32
    %dma_wait3A_196 = tpu.memref_slice %arg4[%dma_wait3A_187, %dma_wait3A_188, %dma_wait3A_189, %dma_wait3A_194, %dma_wait3A_195] : memref<200x4x32x8x128xf32, #tpu.memory_space<hbm>> -> memref<1x1x1x8x128xf32, #tpu.memory_space<hbm>>
    %dma_wait3A_197 = tpu.memref_squeeze %dma_wait3A_196 : memref<1x1x1x8x128xf32, #tpu.memory_space<hbm>> -> memref<8x128xf32, #tpu.memory_space<hbm>>
    %dma_wait3A_198 = arith.constant 0 : i32
    %dma_wait3A_199 = arith.constant 0 : i32
    %dma_wait3A_200 = tpu.memref_slice %arg4[%dma_wait3A_187, %dma_wait3A_188, %dma_wait3A_189, %dma_wait3A_198, %dma_wait3A_199] : memref<200x4x32x8x128xf32, #tpu.memory_space<hbm>> -> memref<1x1x1x8x128xf32, #tpu.memory_space<hbm>>
    %dma_wait3A_201 = tpu.memref_squeeze %dma_wait3A_200 : memref<1x1x1x8x128xf32, #tpu.memory_space<hbm>> -> memref<8x128xf32, #tpu.memory_space<hbm>>
    %dma_wait3A_202 = arith.constant 24 : i32
    %dma_wait3A_203 = arith.constant 0 : i32
    %dma_wait3A_204 = tpu.memref_slice %arg7[%dma_wait3A_186, %dma_wait3A_202, %dma_wait3A_203] : memref<4x32x129xf32, #tpu.memory_space<vmem>> -> memref<1x8x128xf32, #tpu.memory_space<vmem>>
    %dma_wait3A_205 = tpu.memref_squeeze %dma_wait3A_204 : memref<1x8x128xf32, #tpu.memory_space<vmem>> -> memref<8x128xf32, #tpu.memory_space<vmem>>
    tpu.wait_dma2 semaphore(%arg13 : memref<!tpu.dma_semaphore, #tpu.memory_space<semaphore_mem>>) src(%dma_wait3A_205 : memref<8x128xf32, #tpu.memory_space<vmem>>) dst(%dma_wait3A_201 : memref<8x128xf32, #tpu.memory_space<hbm>>)
    %dma_wait3A_206 = arith.constant 2 : i32
    %dma_wait3A_207 = arith.constant 0 : i32
    %dma_wait3A_208 = arith.constant 0 : i32
    %dma_wait3A_209 = arith.constant 0 : i32
    %dma_wait3A_210 = arith.constant 0 : i32
    %dma_wait3A_211 = arith.constant 0 : i32
    %dma_wait3A_212 = tpu.memref_slice %arg7[%dma_wait3A_206, %dma_wait3A_210, %dma_wait3A_211] : memref<4x32x129xf32, #tpu.memory_space<vmem>> -> memref<1x8x128xf32, #tpu.memory_space<vmem>>
    %dma_wait3A_213 = tpu.memref_squeeze %dma_wait3A_212 : memref<1x8x128xf32, #tpu.memory_space<vmem>> -> memref<8x128xf32, #tpu.memory_space<vmem>>
    %dma_wait3A_214 = arith.constant 0 : i32
    %dma_wait3A_215 = arith.constant 0 : i32
    %dma_wait3A_216 = tpu.memref_slice %arg4[%dma_wait3A_207, %dma_wait3A_208, %dma_wait3A_209, %dma_wait3A_214, %dma_wait3A_215] : memref<200x4x32x8x128xf32, #tpu.memory_space<hbm>> -> memref<1x1x1x8x128xf32, #tpu.memory_space<hbm>>
    %dma_wait3A_217 = tpu.memref_squeeze %dma_wait3A_216 : memref<1x1x1x8x128xf32, #tpu.memory_space<hbm>> -> memref<8x128xf32, #tpu.memory_space<hbm>>
    %dma_wait3A_218 = arith.constant 0 : i32
    %dma_wait3A_219 = arith.constant 0 : i32
    %dma_wait3A_220 = tpu.memref_slice %arg4[%dma_wait3A_207, %dma_wait3A_208, %dma_wait3A_209, %dma_wait3A_218, %dma_wait3A_219] : memref<200x4x32x8x128xf32, #tpu.memory_space<hbm>> -> memref<1x1x1x8x128xf32, #tpu.memory_space<hbm>>
    %dma_wait3A_221 = tpu.memref_squeeze %dma_wait3A_220 : memref<1x1x1x8x128xf32, #tpu.memory_space<hbm>> -> memref<8x128xf32, #tpu.memory_space<hbm>>
    %dma_wait3A_222 = arith.constant 0 : i32
    %dma_wait3A_223 = arith.constant 0 : i32
    %dma_wait3A_224 = tpu.memref_slice %arg7[%dma_wait3A_206, %dma_wait3A_222, %dma_wait3A_223] : memref<4x32x129xf32, #tpu.memory_space<vmem>> -> memref<1x8x128xf32, #tpu.memory_space<vmem>>
    %dma_wait3A_225 = tpu.memref_squeeze %dma_wait3A_224 : memref<1x8x128xf32, #tpu.memory_space<vmem>> -> memref<8x128xf32, #tpu.memory_space<vmem>>
    tpu.wait_dma2 semaphore(%arg14 : memref<!tpu.dma_semaphore, #tpu.memory_space<semaphore_mem>>) src(%dma_wait3A_225 : memref<8x128xf32, #tpu.memory_space<vmem>>) dst(%dma_wait3A_221 : memref<8x128xf32, #tpu.memory_space<hbm>>)
    %dma_wait3A_226 = arith.constant 2 : i32
    %dma_wait3A_227 = arith.constant 0 : i32
    %dma_wait3A_228 = arith.constant 0 : i32
    %dma_wait3A_229 = arith.constant 0 : i32
    %dma_wait3A_230 = arith.constant 8 : i32
    %dma_wait3A_231 = arith.constant 0 : i32
    %dma_wait3A_232 = tpu.memref_slice %arg7[%dma_wait3A_226, %dma_wait3A_230, %dma_wait3A_231] : memref<4x32x129xf32, #tpu.memory_space<vmem>> -> memref<1x8x128xf32, #tpu.memory_space<vmem>>
    %dma_wait3A_233 = tpu.memref_squeeze %dma_wait3A_232 : memref<1x8x128xf32, #tpu.memory_space<vmem>> -> memref<8x128xf32, #tpu.memory_space<vmem>>
    %dma_wait3A_234 = arith.constant 0 : i32
    %dma_wait3A_235 = arith.constant 0 : i32
    %dma_wait3A_236 = tpu.memref_slice %arg4[%dma_wait3A_227, %dma_wait3A_228, %dma_wait3A_229, %dma_wait3A_234, %dma_wait3A_235] : memref<200x4x32x8x128xf32, #tpu.memory_space<hbm>> -> memref<1x1x1x8x128xf32, #tpu.memory_space<hbm>>
    %dma_wait3A_237 = tpu.memref_squeeze %dma_wait3A_236 : memref<1x1x1x8x128xf32, #tpu.memory_space<hbm>> -> memref<8x128xf32, #tpu.memory_space<hbm>>
    %dma_wait3A_238 = arith.constant 0 : i32
    %dma_wait3A_239 = arith.constant 0 : i32
    %dma_wait3A_240 = tpu.memref_slice %arg4[%dma_wait3A_227, %dma_wait3A_228, %dma_wait3A_229, %dma_wait3A_238, %dma_wait3A_239] : memref<200x4x32x8x128xf32, #tpu.memory_space<hbm>> -> memref<1x1x1x8x128xf32, #tpu.memory_space<hbm>>
    %dma_wait3A_241 = tpu.memref_squeeze %dma_wait3A_240 : memref<1x1x1x8x128xf32, #tpu.memory_space<hbm>> -> memref<8x128xf32, #tpu.memory_space<hbm>>
    %dma_wait3A_242 = arith.constant 8 : i32
    %dma_wait3A_243 = arith.constant 0 : i32
    %dma_wait3A_244 = tpu.memref_slice %arg7[%dma_wait3A_226, %dma_wait3A_242, %dma_wait3A_243] : memref<4x32x129xf32, #tpu.memory_space<vmem>> -> memref<1x8x128xf32, #tpu.memory_space<vmem>>
    %dma_wait3A_245 = tpu.memref_squeeze %dma_wait3A_244 : memref<1x8x128xf32, #tpu.memory_space<vmem>> -> memref<8x128xf32, #tpu.memory_space<vmem>>
    tpu.wait_dma2 semaphore(%arg14 : memref<!tpu.dma_semaphore, #tpu.memory_space<semaphore_mem>>) src(%dma_wait3A_245 : memref<8x128xf32, #tpu.memory_space<vmem>>) dst(%dma_wait3A_241 : memref<8x128xf32, #tpu.memory_space<hbm>>)
    %dma_wait3A_246 = arith.constant 2 : i32
    %dma_wait3A_247 = arith.constant 0 : i32
    %dma_wait3A_248 = arith.constant 0 : i32
    %dma_wait3A_249 = arith.constant 0 : i32
    %dma_wait3A_250 = arith.constant 16 : i32
    %dma_wait3A_251 = arith.constant 0 : i32
    %dma_wait3A_252 = tpu.memref_slice %arg7[%dma_wait3A_246, %dma_wait3A_250, %dma_wait3A_251] : memref<4x32x129xf32, #tpu.memory_space<vmem>> -> memref<1x8x128xf32, #tpu.memory_space<vmem>>
    %dma_wait3A_253 = tpu.memref_squeeze %dma_wait3A_252 : memref<1x8x128xf32, #tpu.memory_space<vmem>> -> memref<8x128xf32, #tpu.memory_space<vmem>>
    %dma_wait3A_254 = arith.constant 0 : i32
    %dma_wait3A_255 = arith.constant 0 : i32
    %dma_wait3A_256 = tpu.memref_slice %arg4[%dma_wait3A_247, %dma_wait3A_248, %dma_wait3A_249, %dma_wait3A_254, %dma_wait3A_255] : memref<200x4x32x8x128xf32, #tpu.memory_space<hbm>> -> memref<1x1x1x8x128xf32, #tpu.memory_space<hbm>>
    %dma_wait3A_257 = tpu.memref_squeeze %dma_wait3A_256 : memref<1x1x1x8x128xf32, #tpu.memory_space<hbm>> -> memref<8x128xf32, #tpu.memory_space<hbm>>
    %dma_wait3A_258 = arith.constant 0 : i32
    %dma_wait3A_259 = arith.constant 0 : i32
    %dma_wait3A_260 = tpu.memref_slice %arg4[%dma_wait3A_247, %dma_wait3A_248, %dma_wait3A_249, %dma_wait3A_258, %dma_wait3A_259] : memref<200x4x32x8x128xf32, #tpu.memory_space<hbm>> -> memref<1x1x1x8x128xf32, #tpu.memory_space<hbm>>
    %dma_wait3A_261 = tpu.memref_squeeze %dma_wait3A_260 : memref<1x1x1x8x128xf32, #tpu.memory_space<hbm>> -> memref<8x128xf32, #tpu.memory_space<hbm>>
    %dma_wait3A_262 = arith.constant 16 : i32
    %dma_wait3A_263 = arith.constant 0 : i32
    %dma_wait3A_264 = tpu.memref_slice %arg7[%dma_wait3A_246, %dma_wait3A_262, %dma_wait3A_263] : memref<4x32x129xf32, #tpu.memory_space<vmem>> -> memref<1x8x128xf32, #tpu.memory_space<vmem>>
    %dma_wait3A_265 = tpu.memref_squeeze %dma_wait3A_264 : memref<1x8x128xf32, #tpu.memory_space<vmem>> -> memref<8x128xf32, #tpu.memory_space<vmem>>
    tpu.wait_dma2 semaphore(%arg14 : memref<!tpu.dma_semaphore, #tpu.memory_space<semaphore_mem>>) src(%dma_wait3A_265 : memref<8x128xf32, #tpu.memory_space<vmem>>) dst(%dma_wait3A_261 : memref<8x128xf32, #tpu.memory_space<hbm>>)
    %dma_wait3A_266 = arith.constant 2 : i32
    %dma_wait3A_267 = arith.constant 0 : i32
    %dma_wait3A_268 = arith.constant 0 : i32
    %dma_wait3A_269 = arith.constant 0 : i32
    %dma_wait3A_270 = arith.constant 24 : i32
    %dma_wait3A_271 = arith.constant 0 : i32
    %dma_wait3A_272 = tpu.memref_slice %arg7[%dma_wait3A_266, %dma_wait3A_270, %dma_wait3A_271] : memref<4x32x129xf32, #tpu.memory_space<vmem>> -> memref<1x8x128xf32, #tpu.memory_space<vmem>>
    %dma_wait3A_273 = tpu.memref_squeeze %dma_wait3A_272 : memref<1x8x128xf32, #tpu.memory_space<vmem>> -> memref<8x128xf32, #tpu.memory_space<vmem>>
    %dma_wait3A_274 = arith.constant 0 : i32
    %dma_wait3A_275 = arith.constant 0 : i32
    %dma_wait3A_276 = tpu.memref_slice %arg4[%dma_wait3A_267, %dma_wait3A_268, %dma_wait3A_269, %dma_wait3A_274, %dma_wait3A_275] : memref<200x4x32x8x128xf32, #tpu.memory_space<hbm>> -> memref<1x1x1x8x128xf32, #tpu.memory_space<hbm>>
    %dma_wait3A_277 = tpu.memref_squeeze %dma_wait3A_276 : memref<1x1x1x8x128xf32, #tpu.memory_space<hbm>> -> memref<8x128xf32, #tpu.memory_space<hbm>>
    %dma_wait3A_278 = arith.constant 0 : i32
    %dma_wait3A_279 = arith.constant 0 : i32
    %dma_wait3A_280 = tpu.memref_slice %arg4[%dma_wait3A_267, %dma_wait3A_268, %dma_wait3A_269, %dma_wait3A_278, %dma_wait3A_279] : memref<200x4x32x8x128xf32, #tpu.memory_space<hbm>> -> memref<1x1x1x8x128xf32, #tpu.memory_space<hbm>>
    %dma_wait3A_281 = tpu.memref_squeeze %dma_wait3A_280 : memref<1x1x1x8x128xf32, #tpu.memory_space<hbm>> -> memref<8x128xf32, #tpu.memory_space<hbm>>
    %dma_wait3A_282 = arith.constant 24 : i32
    %dma_wait3A_283 = arith.constant 0 : i32
    %dma_wait3A_284 = tpu.memref_slice %arg7[%dma_wait3A_266, %dma_wait3A_282, %dma_wait3A_283] : memref<4x32x129xf32, #tpu.memory_space<vmem>> -> memref<1x8x128xf32, #tpu.memory_space<vmem>>
    %dma_wait3A_285 = tpu.memref_squeeze %dma_wait3A_284 : memref<1x8x128xf32, #tpu.memory_space<vmem>> -> memref<8x128xf32, #tpu.memory_space<vmem>>
    tpu.wait_dma2 semaphore(%arg14 : memref<!tpu.dma_semaphore, #tpu.memory_space<semaphore_mem>>) src(%dma_wait3A_285 : memref<8x128xf32, #tpu.memory_space<vmem>>) dst(%dma_wait3A_281 : memref<8x128xf32, #tpu.memory_space<hbm>>)
    %dma_wait3A_286 = arith.constant 3 : i32
    %dma_wait3A_287 = arith.constant 0 : i32
    %dma_wait3A_288 = arith.constant 0 : i32
    %dma_wait3A_289 = arith.constant 0 : i32
    %dma_wait3A_290 = arith.constant 0 : i32
    %dma_wait3A_291 = arith.constant 0 : i32
    %dma_wait3A_292 = tpu.memref_slice %arg7[%dma_wait3A_286, %dma_wait3A_290, %dma_wait3A_291] : memref<4x32x129xf32, #tpu.memory_space<vmem>> -> memref<1x8x128xf32, #tpu.memory_space<vmem>>
    %dma_wait3A_293 = tpu.memref_squeeze %dma_wait3A_292 : memref<1x8x128xf32, #tpu.memory_space<vmem>> -> memref<8x128xf32, #tpu.memory_space<vmem>>
    %dma_wait3A_294 = arith.constant 0 : i32
    %dma_wait3A_295 = arith.constant 0 : i32
    %dma_wait3A_296 = tpu.memref_slice %arg4[%dma_wait3A_287, %dma_wait3A_288, %dma_wait3A_289, %dma_wait3A_294, %dma_wait3A_295] : memref<200x4x32x8x128xf32, #tpu.memory_space<hbm>> -> memref<1x1x1x8x128xf32, #tpu.memory_space<hbm>>
    %dma_wait3A_297 = tpu.memref_squeeze %dma_wait3A_296 : memref<1x1x1x8x128xf32, #tpu.memory_space<hbm>> -> memref<8x128xf32, #tpu.memory_space<hbm>>
    %dma_wait3A_298 = arith.constant 0 : i32
    %dma_wait3A_299 = arith.constant 0 : i32
    %dma_wait3A_300 = tpu.memref_slice %arg4[%dma_wait3A_287, %dma_wait3A_288, %dma_wait3A_289, %dma_wait3A_298, %dma_wait3A_299] : memref<200x4x32x8x128xf32, #tpu.memory_space<hbm>> -> memref<1x1x1x8x128xf32, #tpu.memory_space<hbm>>
    %dma_wait3A_301 = tpu.memref_squeeze %dma_wait3A_300 : memref<1x1x1x8x128xf32, #tpu.memory_space<hbm>> -> memref<8x128xf32, #tpu.memory_space<hbm>>
    %dma_wait3A_302 = arith.constant 0 : i32
    %dma_wait3A_303 = arith.constant 0 : i32
    %dma_wait3A_304 = tpu.memref_slice %arg7[%dma_wait3A_286, %dma_wait3A_302, %dma_wait3A_303] : memref<4x32x129xf32, #tpu.memory_space<vmem>> -> memref<1x8x128xf32, #tpu.memory_space<vmem>>
    %dma_wait3A_305 = tpu.memref_squeeze %dma_wait3A_304 : memref<1x8x128xf32, #tpu.memory_space<vmem>> -> memref<8x128xf32, #tpu.memory_space<vmem>>
    tpu.wait_dma2 semaphore(%arg15 : memref<!tpu.dma_semaphore, #tpu.memory_space<semaphore_mem>>) src(%dma_wait3A_305 : memref<8x128xf32, #tpu.memory_space<vmem>>) dst(%dma_wait3A_301 : memref<8x128xf32, #tpu.memory_space<hbm>>)
    %dma_wait3A_306 = arith.constant 3 : i32
    %dma_wait3A_307 = arith.constant 0 : i32
    %dma_wait3A_308 = arith.constant 0 : i32
    %dma_wait3A_309 = arith.constant 0 : i32
    %dma_wait3A_310 = arith.constant 8 : i32
    %dma_wait3A_311 = arith.constant 0 : i32
    %dma_wait3A_312 = tpu.memref_slice %arg7[%dma_wait3A_306, %dma_wait3A_310, %dma_wait3A_311] : memref<4x32x129xf32, #tpu.memory_space<vmem>> -> memref<1x8x128xf32, #tpu.memory_space<vmem>>
    %dma_wait3A_313 = tpu.memref_squeeze %dma_wait3A_312 : memref<1x8x128xf32, #tpu.memory_space<vmem>> -> memref<8x128xf32, #tpu.memory_space<vmem>>
    %dma_wait3A_314 = arith.constant 0 : i32
    %dma_wait3A_315 = arith.constant 0 : i32
    %dma_wait3A_316 = tpu.memref_slice %arg4[%dma_wait3A_307, %dma_wait3A_308, %dma_wait3A_309, %dma_wait3A_314, %dma_wait3A_315] : memref<200x4x32x8x128xf32, #tpu.memory_space<hbm>> -> memref<1x1x1x8x128xf32, #tpu.memory_space<hbm>>
    %dma_wait3A_317 = tpu.memref_squeeze %dma_wait3A_316 : memref<1x1x1x8x128xf32, #tpu.memory_space<hbm>> -> memref<8x128xf32, #tpu.memory_space<hbm>>
    %dma_wait3A_318 = arith.constant 0 : i32
    %dma_wait3A_319 = arith.constant 0 : i32
    %dma_wait3A_320 = tpu.memref_slice %arg4[%dma_wait3A_307, %dma_wait3A_308, %dma_wait3A_309, %dma_wait3A_318, %dma_wait3A_319] : memref<200x4x32x8x128xf32, #tpu.memory_space<hbm>> -> memref<1x1x1x8x128xf32, #tpu.memory_space<hbm>>
    %dma_wait3A_321 = tpu.memref_squeeze %dma_wait3A_320 : memref<1x1x1x8x128xf32, #tpu.memory_space<hbm>> -> memref<8x128xf32, #tpu.memory_space<hbm>>
    %dma_wait3A_322 = arith.constant 8 : i32
    %dma_wait3A_323 = arith.constant 0 : i32
    %dma_wait3A_324 = tpu.memref_slice %arg7[%dma_wait3A_306, %dma_wait3A_322, %dma_wait3A_323] : memref<4x32x129xf32, #tpu.memory_space<vmem>> -> memref<1x8x128xf32, #tpu.memory_space<vmem>>
    %dma_wait3A_325 = tpu.memref_squeeze %dma_wait3A_324 : memref<1x8x128xf32, #tpu.memory_space<vmem>> -> memref<8x128xf32, #tpu.memory_space<vmem>>
    tpu.wait_dma2 semaphore(%arg15 : memref<!tpu.dma_semaphore, #tpu.memory_space<semaphore_mem>>) src(%dma_wait3A_325 : memref<8x128xf32, #tpu.memory_space<vmem>>) dst(%dma_wait3A_321 : memref<8x128xf32, #tpu.memory_space<hbm>>)
    %dma_wait3A_326 = arith.constant 3 : i32
    %dma_wait3A_327 = arith.constant 0 : i32
    %dma_wait3A_328 = arith.constant 0 : i32
    %dma_wait3A_329 = arith.constant 0 : i32
    %dma_wait3A_330 = arith.constant 16 : i32
    %dma_wait3A_331 = arith.constant 0 : i32
    %dma_wait3A_332 = tpu.memref_slice %arg7[%dma_wait3A_326, %dma_wait3A_330, %dma_wait3A_331] : memref<4x32x129xf32, #tpu.memory_space<vmem>> -> memref<1x8x128xf32, #tpu.memory_space<vmem>>
    %dma_wait3A_333 = tpu.memref_squeeze %dma_wait3A_332 : memref<1x8x128xf32, #tpu.memory_space<vmem>> -> memref<8x128xf32, #tpu.memory_space<vmem>>
    %dma_wait3A_334 = arith.constant 0 : i32
    %dma_wait3A_335 = arith.constant 0 : i32
    %dma_wait3A_336 = tpu.memref_slice %arg4[%dma_wait3A_327, %dma_wait3A_328, %dma_wait3A_329, %dma_wait3A_334, %dma_wait3A_335] : memref<200x4x32x8x128xf32, #tpu.memory_space<hbm>> -> memref<1x1x1x8x128xf32, #tpu.memory_space<hbm>>
    %dma_wait3A_337 = tpu.memref_squeeze %dma_wait3A_336 : memref<1x1x1x8x128xf32, #tpu.memory_space<hbm>> -> memref<8x128xf32, #tpu.memory_space<hbm>>
    %dma_wait3A_338 = arith.constant 0 : i32
    %dma_wait3A_339 = arith.constant 0 : i32
    %dma_wait3A_340 = tpu.memref_slice %arg4[%dma_wait3A_327, %dma_wait3A_328, %dma_wait3A_329, %dma_wait3A_338, %dma_wait3A_339] : memref<200x4x32x8x128xf32, #tpu.memory_space<hbm>> -> memref<1x1x1x8x128xf32, #tpu.memory_space<hbm>>
    %dma_wait3A_341 = tpu.memref_squeeze %dma_wait3A_340 : memref<1x1x1x8x128xf32, #tpu.memory_space<hbm>> -> memref<8x128xf32, #tpu.memory_space<hbm>>
    %dma_wait3A_342 = arith.constant 16 : i32
    %dma_wait3A_343 = arith.constant 0 : i32
    %dma_wait3A_344 = tpu.memref_slice %arg7[%dma_wait3A_326, %dma_wait3A_342, %dma_wait3A_343] : memref<4x32x129xf32, #tpu.memory_space<vmem>> -> memref<1x8x128xf32, #tpu.memory_space<vmem>>
    %dma_wait3A_345 = tpu.memref_squeeze %dma_wait3A_344 : memref<1x8x128xf32, #tpu.memory_space<vmem>> -> memref<8x128xf32, #tpu.memory_space<vmem>>
    tpu.wait_dma2 semaphore(%arg15 : memref<!tpu.dma_semaphore, #tpu.memory_space<semaphore_mem>>) src(%dma_wait3A_345 : memref<8x128xf32, #tpu.memory_space<vmem>>) dst(%dma_wait3A_341 : memref<8x128xf32, #tpu.memory_space<hbm>>)
    %dma_wait3A_346 = arith.constant 3 : i32
    %dma_wait3A_347 = arith.constant 0 : i32
    %dma_wait3A_348 = arith.constant 0 : i32
    %dma_wait3A_349 = arith.constant 0 : i32
    %dma_wait3A_350 = arith.constant 24 : i32
    %dma_wait3A_351 = arith.constant 0 : i32
    %dma_wait3A_352 = tpu.memref_slice %arg7[%dma_wait3A_346, %dma_wait3A_350, %dma_wait3A_351] : memref<4x32x129xf32, #tpu.memory_space<vmem>> -> memref<1x8x128xf32, #tpu.memory_space<vmem>>
    %dma_wait3A_353 = tpu.memref_squeeze %dma_wait3A_352 : memref<1x8x128xf32, #tpu.memory_space<vmem>> -> memref<8x128xf32, #tpu.memory_space<vmem>>
    %dma_wait3A_354 = arith.constant 0 : i32
    %dma_wait3A_355 = arith.constant 0 : i32
    %dma_wait3A_356 = tpu.memref_slice %arg4[%dma_wait3A_347, %dma_wait3A_348, %dma_wait3A_349, %dma_wait3A_354, %dma_wait3A_355] : memref<200x4x32x8x128xf32, #tpu.memory_space<hbm>> -> memref<1x1x1x8x128xf32, #tpu.memory_space<hbm>>
    %dma_wait3A_357 = tpu.memref_squeeze %dma_wait3A_356 : memref<1x1x1x8x128xf32, #tpu.memory_space<hbm>> -> memref<8x128xf32, #tpu.memory_space<hbm>>
    %dma_wait3A_358 = arith.constant 0 : i32
    %dma_wait3A_359 = arith.constant 0 : i32
    %dma_wait3A_360 = tpu.memref_slice %arg4[%dma_wait3A_347, %dma_wait3A_348, %dma_wait3A_349, %dma_wait3A_358, %dma_wait3A_359] : memref<200x4x32x8x128xf32, #tpu.memory_space<hbm>> -> memref<1x1x1x8x128xf32, #tpu.memory_space<hbm>>
    %dma_wait3A_361 = tpu.memref_squeeze %dma_wait3A_360 : memref<1x1x1x8x128xf32, #tpu.memory_space<hbm>> -> memref<8x128xf32, #tpu.memory_space<hbm>>
    %dma_wait3A_362 = arith.constant 24 : i32
    %dma_wait3A_363 = arith.constant 0 : i32
    %dma_wait3A_364 = tpu.memref_slice %arg7[%dma_wait3A_346, %dma_wait3A_362, %dma_wait3A_363] : memref<4x32x129xf32, #tpu.memory_space<vmem>> -> memref<1x8x128xf32, #tpu.memory_space<vmem>>
    %dma_wait3A_365 = tpu.memref_squeeze %dma_wait3A_364 : memref<1x8x128xf32, #tpu.memory_space<vmem>> -> memref<8x128xf32, #tpu.memory_space<vmem>>
    tpu.wait_dma2 semaphore(%arg15 : memref<!tpu.dma_semaphore, #tpu.memory_space<semaphore_mem>>) src(%dma_wait3A_365 : memref<8x128xf32, #tpu.memory_space<vmem>>) dst(%dma_wait3A_361 : memref<8x128xf32, #tpu.memory_space<hbm>>)
    return
  }
}

</mosaic_0001>

<sc_bundles>
// kernel: kernel.4.cloned.1.call-start
scs
__scs_entry_jumppad:
0x0: {  	(pc) =	sbr.rel $0x88, $3  }
0x1: {  	(tag) =	ssettag $0x0;
	lr =	simm.s32 $0x1  }
0x2: {  	[smem:$0x3F9F] =	sst lr;
	_ =	strace $0xD0000000  }
0x3: {  	_ = 	snop  }
0x4: {  	_ = 	snop  }
0x5: {  	_ = 	snop  }
0x6: {  	_ = 	snop  }
0x7: {  	_ = 	snop  }
__scs_overlays_trampoline_lowered:
0x8: {  	[smem:$0x3FAE] =	sst s0  }
0x9: {  	[smem:$0x3FAF] =	sst s1  }
0xa: {  	[smem:$0x3FB0] =	sst s2  }
0xb: {  	[smem:$0x3FB1] =	sst s3  }
0xc: {  	[smem:$0x3FB2] =	sst s4  }
0xd: {  	[smem:$0x3FB3] =	sst s5  }
0xe: {  	[smem:$0x3FB4] =	sst s6  }
0xf: {  	[smem:$0x3FB5] =	sst s7  }
0x10: {  	[smem:$0x3FB6] =	sst s8  }
0x11: {  	[smem:$0x3FB7] =	sst s9;
	s0 =	simm.s32 @!p0 $0x0  }
0x12: {  	s1 =	sld [smem:$0x3F9D];
	s0 =	simm.s32 @p0 $0x1  }
0x13: {  	[smem:$0x3FB8] =	sst s0;
	s0 =	simm.s32 @!p1 $0x0  }
0x14: {  	s2 =	sld [smem:$0x3F9C];
	s0 =	simm.s32 @p1 $0x1  }
0x15: {  	[smem:$0x3FB9] =	sst s0;
	s0 =	simm.s32 @!p2 $0x0  }
0x16: {  	s3 =	sld [smem:$0x3FDB];
	s0 =	simm.s32 @p2 $0x1  }
0x17: {  	s4 =	simm.s32 $0x1BF5;
	[smem:$0x3FBB] =	sst s0  }
0x18: {  	s0 =	sld [smem:$0x3F9E];
	_ =	swait.ge [sflag:s4], $0x0  }
0x19: {  	s7 =	sld [smem:$0x3F9F]  }
0x1a: {  	s8 =	sadd.s32 $0xFFFFE003, lr  }
0x1b: {  	s9 =	sadd.s32 $0xFFFFFEF7, lr;
	s5 =	simm.s32 $0xFFFFFFFF;
	p2 =	slt.u32 s8, $0xFFFFF086  }
0x1c: {  	p1 =	slt.u32 s9, $0xF7A;
	s5 =	simm.s32 @!p2 $0x0  }
0x1d: {  	s5 =	simm.s32 @p1 $0x1;
	p0 =	seq.s32 s7, s2  }
0x1e: {  	s7 =	smul.u32 @!p0 $0xF7A, s2;
	p2 =	seq.s32 @!p0 s5, $0x0  }
0x1f: {  	s9 =	smul.u32 $0xF7A, s1;
	s8 =	simm.s32 @!p0 $0x1BF5;
	p2 =	por !p2, p0  }
0x20: {  	[sflag:s8] =	ssyncset.s32 @!p0 $0xFFFFF086;
	s6 =	sadd.s32 @!p0 s3, s7;
	s7 =	simm.s32 @!p0 $0x108  }
0x21: {  	s3 =	sadd.s32 s3, s9;
	s6 =	sadd.s32 @!p0 $0x88, s6;
	s7 =	simm.s32 @p2 $0x1082  }
0x22: {  	[simem:s7], [sflag:s8] =	dma.local @!p0 [hbm:s6], $0xF7A  }
0x23: {  	s9 =	sor.u32 $0xD0000000, s2;
	s6 =	simm.s32 $0x108;
	_ =	swait.ge @!p0 [sflag:s8], $0x0  }
0x24: {  	s3 =	sadd.s32 $0x88, s3;
	s6 =	simm.s32 @!p1 $0x1082;
	[sflag:s4] =	ssyncset.s32 $0xFFFFF086  }
0x25: {  	[simem:s6], [sflag:s4] =	dma.local [hbm:s3], $0xF7A  }
0x26: {  	[smem:$0x3F9F] =	sst s1;
	(tag) =	ssettag s2;
	_ =	strace s9  }
0x27: {  	s1 =	sld [smem:$0x3FAF]  }
0x28: {  	s2 =	sld [smem:$0x3FB0]  }
0x29: {  	s4 =	sld [smem:$0x3FB2]  }
0x2a: {  	p0 =	seq.s32 s5, $0x0;
	s5 =	sld [smem:$0x3FB3]  }
0x2b: {  	s6 =	sld [smem:$0x3FB4]  }
0x2c: {  	s7 =	sld [smem:$0x3FB5]  }
0x2d: {  	s3 =	simm.s32 $0x108;
	s8 =	sld [smem:$0x3FB6]  }
0x2e: {  	s3 =	simm.s32 @!p0 $0x1082;
	s9 =	sld [smem:$0x3FB7]  }
0x2f: {  	lr =	sadd.s32 s0, s3;
	s0 =	sld [smem:$0x3FAE]  }
0x30: {  	s3 =	sld [smem:$0x3FB1]  }
0x31: {  	[smem:$0x3FBA] =	sst s10  }
0x32: {  	s10 =	sld [smem:$0x3FB8];
	_ =	sdelay $0x3  }
0x33: {  	p0 =	seq.s32 s10, $0x1;
	s10 =	sld [smem:$0x3FBA];
	_ =	sdelay $0x3  }
0x34: {  	[smem:$0x3FBA] =	sst s10  }
0x35: {  	s10 =	sld [smem:$0x3FB9];
	_ =	sdelay $0x3  }
0x36: {  	p1 =	seq.s32 s10, $0x1;
	s10 =	sld [smem:$0x3FBA];
	_ =	sdelay $0x3  }
0x37: {  	[smem:$0x3FBA] =	sst s10  }
0x38: {  	s10 =	sld [smem:$0x3FBB]  }
0x39: {  	_ = 	snop;
	(pc) =	sbr.ind lr, $3  }
0x3a: {  	_ = 	snop  }
0x3b: {  	_ = 	snop  }
0x3c: {  	p2 =	seq.s32 s10, $0x1;
	s10 =	sld [smem:$0x3FBA]  }
0x3d: {  	_ =	shalt  }
0x3e: {  	_ =	shalt  }
0x3f: {  	_ =	shalt  }
0x40: {  	_ =	shalt  }
0x41: {  	_ =	shalt  }
0x42: {  	_ =	shalt  }
0x43: {  	_ =	shalt  }
0x44: {  	_ =	shalt  }
0x45: {  	_ =	shalt  }
0x46: {  	_ =	shalt  }
0x47: {  	_ =	shalt  }
0x48: {  	_ =	shalt  }
0x49: {  	_ =	shalt  }
0x4a: {  	_ =	shalt  }
0x4b: {  	_ =	shalt  }
0x4c: {  	_ =	shalt  }
0x4d: {  	_ =	shalt  }
0x4e: {  	_ =	shalt  }
0x4f: {  	_ =	shalt  }
0x50: {  	_ =	shalt  }
0x51: {  	_ =	shalt  }
0x52: {  	_ =	shalt  }
0x53: {  	_ =	shalt  }
0x54: {  	_ =	shalt  }
0x55: {  	_ =	shalt  }
0x56: {  	_ =	shalt  }
0x57: {  	_ =	shalt  }
0x58: {  	_ =	shalt  }
0x59: {  	_ =	shalt  }
0x5a: {  	_ =	shalt  }
0x5b: {  	_ =	shalt  }
0x5c: {  	_ =	shalt  }
0x5d: {  	_ =	shalt  }
0x5e: {  	_ =	shalt  }
0x5f: {  	_ =	shalt  }
0x60: {  	_ =	shalt  }
0x61: {  	_ =	shalt  }
0x62: {  	_ =	shalt  }
0x63: {  	_ =	shalt  }
0x64: {  	_ =	shalt  }
0x65: {  	_ =	shalt  }
0x66: {  	_ =	shalt  }
0x67: {  	_ =	shalt  }
0x68: {  	_ =	shalt  }
0x69: {  	_ =	shalt  }
0x6a: {  	_ =	shalt  }
0x6b: {  	_ =	shalt  }
0x6c: {  	_ =	shalt  }
0x6d: {  	_ =	shalt  }
0x6e: {  	_ =	shalt  }
0x6f: {  	_ =	shalt  }
0x70: {  	_ =	shalt  }
0x71: {  	_ =	shalt  }
0x72: {  	_ =	shalt  }
0x73: {  	_ =	shalt  }
0x74: {  	_ =	shalt  }
0x75: {  	_ =	shalt  }
0x76: {  	_ =	shalt  }
0x77: {  	_ =	shalt  }
0x78: {  	_ =	shalt  }
0x79: {  	_ =	shalt  }
0x7a: {  	_ =	shalt  }
0x7b: {  	_ =	shalt  }
0x7c: {  	_ =	shalt  }
0x7d: {  	_ =	shalt  }
0x7e: {  	_ =	shalt  }
0x7f: {  	_ =	shalt  }
0x80: {  	_ =	shalt  }
0x81: {  	_ =	shalt  }
0x82: {  	_ =	shalt  }
0x83: {  	_ =	shalt  }
0x84: {  	_ =	shalt  }
0x85: {  	_ =	shalt  }
0x86: {  	_ =	shalt  }
0x87: {  	_ =	shalt  }
.Lfunc_end0:
.L_simem_size_0:
called_computation_lowered:
.L_overlay_start_0:
0x88: {  	s2 =	sld [smem:$0x3FD9]  }
0x89: {  	s3 =	sld [smem:$0x3FFE];
	_ =	sdelay $0x1  }
0x8a: {  	s1 =	srdreg.scid  }
0x8b: {  	s0 =	sand.u32 $0x1, s1  }
0x8c: {  	s16 =	sshll.u32 s0, $0xA;
	s2 =	sadd.s32 s3, s2  }
0x8d: {  	s2 =	sadd.s32 s2, s16  }
0x8e: {  	[smem:$0x3FC6] =	sst s2  }
0x8f: {  	_ = 	snop  }
0x90: {  	(tm) =	ssettm $0x1  }
0x91: {  	s17 =	sld [smem:$0x3FFB];
	_ =	sdelay $0x3  }
0x92: {  	_ =	strace s17  }
0x93: {  	s2 =	sld [smem:$0x3FFC];
	_ =	sdelay $0x3  }
0x94: {  	_ =	strace s2  }
0x95: {  	s2 =	sld [smem:$0x3FFD];
	_ =	sdelay $0x3  }
0x96: {  	_ =	strace s2  }
0x97: {  	_ =	strace $0x8FFFFFFF  }
0x98: {  	s18 =	sld [smem:$0x3FDB];
	_ =	sdelay $0x1  }
0x99: {  	s19 =	simm.s32 $_scs_section_size  }
0x9a: {  	s4 =	simm.s32 $_size__tile_overlayer_lowered;
	s5 =	simm.s32 $_tile_overlayer_lowered  }
0x9b: {  	s22 =	simm.s32 $0x1BFF;
	s21 =	sshll.u32 s5, $0x1;
	s2 =	sadd.s32 s19, s18  }
0x9c: {  	s6 =	simm.s32 $0x0;
	s20 =	sshll.u32 s4, $0x1;
	s4 =	sadd.s32 s21, s2  }
0x9d: {  	[timem:s6], [sflag:s22] =	dma.local [hbm:s4], s20  }
0x9e: {  	_ =	swait.ge [sflag:s22], s20  }
0x9f: {  	s3 =	ssub.s32 $0x0, s20;
	[sflag:s22] =	ssyncset.done $0x0  }
0xa0: {  	[sflag:s22] =	ssyncadd.s32 s3;
	_ =	sdelay $0x1  }
0xa1: {  	s23 =	simm.s32 $0x1B8B  }
0xa2: {  	_ =	swait.ge [sflag:s23], $0x1  }
0xa3: {  	[sflag:s23] =	ssyncset.done $0x0  }
0xa4: {  	s25 =	simm.s32 $0x1B8E;
	s24 =	sld [smem:$0x3FFE];
	[sflag:s23] =	ssyncadd.s32 $0xFFFFFFFF  }
0xa5: {  	s26 =	simm.s32 $execute0_lowered;
	[smem:$0x3FD2] =	sst s25  }
0xa6: {  	s4 =	sshll.u32 s26, $0x1;
	_ =	strace $0x80000046;
	[dreg:$0x1] =	wrdreg $0xFFFFFFFF  }
0xa7: {  	s28 =	simm.s32 $_size_execute0_lowered;
	s2 =	sadd.s32 s2, s4;
	[dreg:$0x0] =	wrdreg $0x0  }
0xa8: {  	s4 =	sshll.u32 s28, $0x1;
	[dreg:$0x2] =	wrdreg s2  }
0xa9: {  	[dreg:$0x3] =	wrdreg s4  }
0xaa: {  	[dreg:$0x4] =	wrdreg $0xC0  }
0xab: {  	_ =	task [dreg:s6], $0x5FFFF  }
0xac: {  	[dreg:$0x1] =	wrdreg $0xFFFFFFFF  }
0xad: {  	[dreg:$0x0] =	wrdreg $0x60  }
0xae: {  	[dreg:$0x2] =	wrdreg s24  }
0xaf: {  	[dreg:$0x3] =	wrdreg $0x9  }
0xb0: {  	_ =	task.clear_ibuf [dreg:s6], $0x4FFFF;
	_ =	strace $0x90000046  }
0xb1: {  	s29 =	simm.s32 $0x9;
	_ =	strace $0x80000048  }
0xb2: {  	_ =	swait.ge [sflag:s29], $0x1  }
0xb3: {  	[sflag:s29] =	ssyncadd.s32 $0xFFFFFFFF  }
0xb4: {  	_ =	strace $0x90000048  }
0xb5: {  	_ =	sfence  }
0xb6: {  	s30 =	sld [smem:$0x0];
	_ =	sdelay $0x2  }
0xb7: {  	s31 =	sshll.u32 s1, $0xD;
	s1 =	sshrl.u32 s1, $0x2  }
0xb8: {  	s3 =	sand.u32 $0x4000, s31;
	s1 =	sadd.s32 s1, s30  }
0xb9: {  	s0 =	sor.u32 s3, s0;
	s1 =	sshll.u32 s1, $0x11  }
0xba: {  	s0 =	sor.u32 s1, s0  }
0xbb: {  	s0 =	sadd.s32 $0x8F2B, s0  }
0xbc: {  	[sflag:s0] =	ssyncadd.remote.s32 $0x1  }
0xbd: {  	_ =	sfence.sel $0xFFFF  }
0xbe: {  	[dreg:$0x0] =	wrdreg $0xFFFFFFFF;
	(pc) =	sbr.abs _section_cstart, $3  }
0xbf: {  	[dreg:$0x1] =	wrdreg $0xFFFFFFFF  }
0xc0: {  	_ =	task.clear_ibuf [dreg:s6], $0x2FFFF;
	_ =	strace $0x9FFFFFFF  }
0xc1: {  	(tm) =	ssettm $0x7FFFFFFF  }
tec
execute0_lowered:
.L_overlay_start_1:
0x0: {  	(tag) =	ssettag $0x1  }
0x1: {  	s0 =	rddreg [dreg:$0x0]  }
0x2: {  	s1 =	srdreg.scid;
	s3 =	stileid.u32;
	s2 =	simm.s32 $0x0  }
0x3: {  	s31 =	simm.s32 $0x1;
	s30 =	simm.s32 $0x5;
	s1 =	sand.u32 $0x1, s1  }
0x4: {  	s3 =	sshll.u32 s3, $0x1;
	[smem:$0x7FF] =	sst s2;
	s4 =	sadd.s32 $0x3D1200, s0  }
0x5: {  	s6 =	sor.u32 s1, s3;
	_ =	strace $0x80000047;
	s15 =	ssub.s32 $0x2, s1  }
0x6: {  	s3 =	sadd.s32 $0x800, s0;
	s7 =	sshll.u32 s6, $0xA;
	s5 =	sshrl.u32 s15, $0x1  }
0x7: {  	s8 =	sshll.u32 s6, $0x7;
	s23 =	sor.u32 $0x1E80, s6;
	s25 =	sshll.u32 s6, $0x9  }
0x8: {  	p0 =	sgt.u32 s6, $0x4;
	s0 =	ssub.s32 s15, s5;
	s17 =	sadd.s32 s3, s8  }
0x9: {  	s24 =	sshll.u32 s23, $0x7;
	[dreg:$0x2] =	wrdreg s17;
	s5 =	sadd.s32 $0x1000, s17  }
0xa: {  	s16 =	sshrl.u32 s7, $0x3;
	s26 =	sadd.s32 s3, s24;
	[dreg:$0x6] =	wrdreg s5  }
0xb: {  	s1 =	sadd.s32 s3, s16;
	s0 =	smax.u32 s0, $0x1;
	[dreg:$0xa] =	wrdreg s26  }
0xc: {  	s13 =	sor.u32 $0x10000, s7;
	s18 =	sadd.s32 $0x1E8500, s1;
	[dreg:$0xe] =	wrdreg s0  }
0xd: {  	s14 =	sor.u32 $0x18000, s7;
	s19 =	sadd.s32 $0xF4280, s1;
	[dreg:$0x3] =	wrdreg s18  }
0xe: {  	s28 =	sshll.u32 s23, $0x9;
	s20 =	sadd.s32 $0x2DC780, s1;
	[dreg:$0x4] =	wrdreg s19  }
0xf: {  	s16 =	sadd.s32 s4, s25;
	s21 =	sadd.s32 $0xF5280, s1;
	[dreg:$0x5] =	wrdreg s20  }
0x10: {  	v0 =	vlaneseq.u32;
	s17 =	simm.s32 $0x0;
	s22 =	sadd.s32 $0x1E9500, s1;
	[dreg:$0x7] =	wrdreg s21  }
.Ltmp0:
0x11: {  	v0 =	vmul.u32 $0x28, v0;
	s1 =	sadd.s32 $0x2DD780, s1;
	[dreg:$0x8] =	wrdreg s22;
	(pc) =	sbr.rel .LBB2_1-.Ltmp0, $4  }
0x12: {  	s29 =	sadd.s32 $0x1E8500, s26;
	s5 =	sadd.s32 $0x2DC780, s26;
	[dreg:$0x9] =	wrdreg s1  }
0x13: {  	v1 =	vadd.s32 $0x280, v0;
	s0 =	simm.s32 $0x2000;
	s1 =	sadd.s32 $0xF4280, s26;
	[dreg:$0xc] =	wrdreg s29  }
0x14: {  	v2 =	vadd.s32 $0x500, v0;
	v3 =	vadd.s32 $0x780, v0;
	v4 =	vadd.s32 $0xA00, v0;
	[dreg:$0xd] =	wrdreg s5;
	s20 =	sadd.s32 s4, s28;
	s22 =	sor.u32 $0x4000, s25  }
0x15: {  	v5 =	vadd.s32 $0xC80, v0;
	v6 =	vadd.s32 $0xF00, v0;
	v7 =	vadd.s32 $0x1180, v0;
	s26 =	simm.s32 $0x3400;
	[dreg:$0xb] =	wrdreg s1;
	s1 =	simm.s32 $0x2  }
.LBB2_17:
0x16: {  	s17 =	sadd.s32 $0x1, s17;
	s5 =	rddreg [dreg:$0xe]  }
0x17: {  	p1 =	sne.s32 s17, s5  }
.Ltmp1:
0x18: {  	_ = 	snop;
	(pc) =	sbr.rel @!p1 .LBB2_18-.Ltmp1, $1  }
0x19: {  	_ =	sdelay $0x3  }
.LBB2_1:
0x1a: {  	s5 =	rddreg [dreg:$0x2]  }
0x1b: {  	[tilespmem:s2], [sflag:$0x1] =	stream.linear.gather [hbm4b:s5+s2], $0x400, $0x38;
	[tilespmem:$0x4800] =	vst v63  }
0x1c: {  	s9 =	rddreg [dreg:$0x4];
	s6 =	simm.s32 $0x400  }
0x1d: {  	[tilespmem:s6], [sflag:$0x1] =	stream.linear.gather [hbm4b:s9+s2], $0x400, $0x38;
	[tilespmem:$0x4800] =	vst v63  }
0x1e: {  	s10 =	rddreg [dreg:$0x3];
	s11 =	simm.s32 $0x800  }
0x1f: {  	[tilespmem:s11], [sflag:$0x1] =	stream.linear.gather [hbm4b:s10+s2], $0x400, $0x38;
	[tilespmem:$0x4800] =	vst v63  }
0x20: {  	s12 =	rddreg [dreg:$0x5];
	s15 =	simm.s32 $0xC00  }
0x21: {  	[tilespmem:s15], [sflag:$0x1] =	stream.linear.gather [hbm4b:s12+s2], $0x400, $0x38;
	[tilespmem:$0x4800] =	vst v63  }
0x22: {  	s18 =	rddreg [dreg:$0x6];
	s19 =	simm.s32 $0x1000  }
0x23: {  	[tilespmem:s19], [sflag:$0x2] =	stream.linear.gather [hbm4b:s18+s2], $0x400, $0x38;
	[tilespmem:$0x4800] =	vst v63  }
0x24: {  	s21 =	rddreg [dreg:$0x7];
	s23 =	simm.s32 $0x1400  }
0x25: {  	[tilespmem:s23], [sflag:$0x2] =	stream.linear.gather [hbm4b:s21+s2], $0x400, $0x38;
	[tilespmem:$0x4800] =	vst v63  }
0x26: {  	s24 =	rddreg [dreg:$0x8];
	s25 =	simm.s32 $0x1800  }
0x27: {  	[tilespmem:s25], [sflag:$0x2] =	stream.linear.gather [hbm4b:s24+s2], $0x400, $0x38;
	[tilespmem:$0x4800] =	vst v63  }
0x28: {  	s28 =	rddreg [dreg:$0x9];
	s29 =	simm.s32 $0x1C00;
	s18 =	simm.s32 $0x0  }
0x29: {  	[tilespmem:s29], [sflag:$0x2] =	stream.linear.gather [hbm4b:s28+s2], $0x400, $0x38;
	[tilespmem:$0x4800] =	vst v63  }
.LBB2_2:
0x2a: {  	_ =	swait.ge [sflag:s31], $0x400  }
0x2b: {  	[sflag:s31] =	ssyncset.done $0x0  }
0x2c: {  	[sflag:s31] =	ssyncadd.s32 $0xFFFFFC00  }
0x2d: {  	_ =	swait.ge [sflag:s31], $0x400  }
0x2e: {  	[sflag:s31] =	ssyncset.done $0x0  }
0x2f: {  	[sflag:s31] =	ssyncadd.s32 $0xFFFFFC00  }
0x30: {  	_ =	swait.ge [sflag:s31], $0x400  }
0x31: {  	[sflag:s31] =	ssyncset.done $0x0  }
0x32: {  	[sflag:s31] =	ssyncadd.s32 $0xFFFFFC00  }
0x33: {  	_ =	swait.ge [sflag:s31], $0x400  }
0x34: {  	p2 =	seq.s32 s18, $0x0;
	s7 =	simm.s32 $0x0;
	[sflag:s31] =	ssyncset.done $0x0  }
0x35: {  	s8 =	simm.s32 $0x2;
	s6 =	simm.s32 @!p2 $0x3;
	[sflag:s31] =	ssyncadd.s32 $0xFFFFFC00  }
0x36: {  	s9 =	simm.s32 $0x100;
	s10 =	simm.s32 $0x0;
	_ =	swait.ge @!p2 [sflag:s6], $0x1000  }
0x37: {  	s7 =	sand.u32 $0xC00, s7;
	v8 =	vmov s8;
	s15 =	sand.u32 $0x300, s9;
	[sflag:s6] =	ssyncset.done @!p2 $0x0  }
0x38: {  	v9 =	vmov s10;
	v17 =	vand.u32 $0x1E, v8;
	s8 =	sor.u32 s15, s7;
	[sflag:s6] =	ssyncadd.s32 @!p2 $0xFFFFF000  }
0x39: {  	s9 =	simm.s32 $0x40;
	v8 =	vand.u32 $0x1C, v9;
	v10 =	vadd.s32 v0, v17;
	v9 =	vld [tilespmem:s8+$0x0]  }
0x3a: {  	s19 =	simm.s32 $0x180;
	s21 =	simm.s32 $0x3;
	v13 =	vadd.s32 v0, v8;
	v11 =	vld [tilespmem:s9+$0xFFFFFFC0]  }
0x3b: {  	v12 =	vmov s21;
	s6 =	sand.u32 $0x380, s19  }
0x3c: {  	v19 =	vand.u32 $0x1F, v12;
	s15 =	sor.u32 s6, s7  }
0x3d: {  	v12 =	vadd.s32 v0, v19;
	v14 =	vld [tilespmem:s15+$0x0]  }
0x3e: {  	[tilespmem:v10+s0+$0x0] =	vst.idx.msk $0xffff, v9  }
0x3f: {  	[tilespmem:v13+s0+$0x0] =	vst.idx.msk $0xffff, v11;
	v11 =	vadd.s32 v1, v17;
	v10 =	vld [tilespmem:s8+$0x10]  }
0x40: {  	v13 =	vadd.s32 v1, v8;
	v15 =	vld [tilespmem:s9+$0xFFFFFFD0]  }
0x41: {  	s23 =	simm.s32 $0x1;
	s24 =	simm.s32 $0x80  }
0x42: {  	s25 =	sand.u32 $0x280, s24;
	v9 =	vmov s23;
	[tilespmem:v12+s0+$0x0] =	vst.idx.msk $0xffff, v14  }
0x43: {  	s23 =	sor.u32 s25, s7;
	v14 =	vadd.s32 v1, v19;
	v9 =	vand.u32 $0x1D, v9;
	v12 =	vld [tilespmem:s15+$0x10]  }
0x44: {  	v18 =	vld [tilespmem:s23+$0x0];
	v16 =	vadd.s32 v0, v9;
	[tilespmem:v11+s0+$0x0] =	vst.idx.msk $0xffff, v10  }
0x45: {  	[tilespmem:v13+s0+$0x0] =	vst.idx.msk $0xffff, v15;
	v11 =	vadd.s32 v2, v17;
	v10 =	vld [tilespmem:s8+$0x20]  }
0x46: {  	v15 =	vadd.s32 v2, v8;
	v13 =	vld [tilespmem:s9+$0xFFFFFFE0];
	_ =	sdelay $0x1  }
0x47: {  	[tilespmem:v14+s0+$0x0] =	vst.idx.msk $0xffff, v12  }
0x48: {  	v14 =	vadd.s32 v2, v19;
	[tilespmem:v16+s0+$0x0] =	vst.idx.msk $0xffff, v18;
	v12 =	vld [tilespmem:s15+$0x20]  }
0x49: {  	v16 =	vadd.s32 v1, v9;
	v18 =	vld [tilespmem:s23+$0x10];
	[tilespmem:v11+s0+$0x0] =	vst.idx.msk $0xffff, v10  }
0x4a: {  	[tilespmem:v15+s0+$0x0] =	vst.idx.msk $0xffff, v13;
	v11 =	vadd.s32 v3, v17;
	v10 =	vld [tilespmem:s8+$0x30]  }
0x4b: {  	v15 =	vadd.s32 v3, v8;
	v13 =	vld [tilespmem:s9+$0xFFFFFFF0];
	_ =	sdelay $0x1  }
0x4c: {  	[tilespmem:v14+s0+$0x0] =	vst.idx.msk $0xffff, v12  }
0x4d: {  	v14 =	vadd.s32 v3, v19;
	[tilespmem:v16+s0+$0x0] =	vst.idx.msk $0xffff, v18;
	v12 =	vld [tilespmem:s15+$0x30]  }
0x4e: {  	s28 =	simm.s32 $0x4;
	[tilespmem:v11+s0+$0x0] =	vst.idx.msk $0xffff, v10  }
0x4f: {  	s29 =	simm.s32 $0x200;
	s5 =	simm.s32 $0x5;
	s11 =	simm.s32 $0x7;
	v18 =	vadd.s32 v2, v9;
	v16 =	vld [tilespmem:s23+$0x20];
	[tilespmem:v15+s0+$0x0] =	vst.idx.msk $0xffff, v13;
	v10 =	vmov s28  }
0x50: {  	s12 =	simm.s32 $0x280;
	s24 =	simm.s32 $0x240;
	s21 =	simm.s32 $0x6;
	v20 =	vadd.s32 v4, v8;
	v21 =	vld [tilespmem:s9+$0x0];
	v10 =	vand.u32 $0x1C, v10  }
0x51: {  	s19 =	sand.u32 $0xC00, s29;
	v22 =	vld [tilespmem:s24+$0xFFFFFFC0];
	s7 =	simm.s32 $0x380;
	s25 =	sand.u32 $0x280, s12;
	v11 =	vmov s5;
	v23 =	vadd.s32 v0, v10  }
0x52: {  	s6 =	sor.u32 s25, s19;
	s7 =	sand.u32 $0x380, s7;
	s28 =	simm.s32 $0x300;
	v15 =	vld [tilespmem:s8+$0x40];
	[tilespmem:v14+s0+$0x0] =	vst.idx.msk $0xffff, v12;
	v14 =	vadd.s32 v4, v17;
	v12 =	vmov s11;
	v11 =	vand.u32 $0x1D, v11  }
0x53: {  	s25 =	sor.u32 s7, s19;
	v26 =	vld [tilespmem:s6+$0x0];
	s29 =	sand.u32 $0x300, s28;
	v13 =	vand.u32 $0x1F, v12;
	v25 =	vadd.s32 v0, v11;
	v12 =	vmov s21  }
0x54: {  	[tilespmem:v18+s0+$0x0] =	vst.idx.msk $0xffff, v16;
	v18 =	vld [tilespmem:s25+$0x0];
	s7 =	sor.u32 s29, s19;
	v12 =	vand.u32 $0x1E, v12;
	v16 =	vadd.s32 v0, v13  }
0x55: {  	[tilespmem:v20+s0+$0x0] =	vst.idx.msk $0xffff, v21;
	v20 =	vld [tilespmem:s7+$0x0];
	v21 =	vadd.s32 v0, v12  }
0x56: {  	v24 =	vld [tilespmem:s15+$0x40];
	[tilespmem:v23+s0+$0x0] =	vst.idx.msk $0xffff, v22;
	v23 =	vadd.s32 v4, v19  }
0x57: {  	[tilespmem:v14+s0+$0x0] =	vst.idx.msk $0xffff, v15;
	v14 =	vadd.s32 v1, v10;
	v15 =	vld [tilespmem:s24+$0xFFFFFFD0]  }
0x58: {  	[tilespmem:v25+s0+$0x0] =	vst.idx.msk $0xffff, v26;
	v25 =	vld [tilespmem:s23+$0x30];
	v26 =	vadd.s32 v3, v9  }
0x59: {  	v27 =	vadd.s32 v1, v11;
	v28 =	vld [tilespmem:s6+$0x10];
	[tilespmem:v16+s0+$0x0] =	vst.idx.msk $0xffff, v18  }
0x5a: {  	v18 =	vadd.s32 v1, v13;
	v16 =	vld [tilespmem:s25+$0x10];
	[tilespmem:v21+s0+$0x0] =	vst.idx.msk $0xffff, v20  }
0x5b: {  	v21 =	vadd.s32 v1, v12;
	v20 =	vld [tilespmem:s7+$0x10];
	[tilespmem:v23+s0+$0x0] =	vst.idx.msk $0xffff, v24  }
0x5c: {  	v22 =	vld [tilespmem:s9+$0x10];
	[tilespmem:v14+s0+$0x0] =	vst.idx.msk $0xffff, v15;
	v14 =	vadd.s32 v5, v8  }
0x5d: {  	[tilespmem:v26+s0+$0x0] =	vst.idx.msk $0xffff, v25;
	v24 =	vadd.s32 v5, v17;
	v15 =	vld [tilespmem:s8+$0x50]  }
0x5e: {  	v26 =	vadd.s32 v4, v9;
	[tilespmem:v27+s0+$0x0] =	vst.idx.msk $0xffff, v28;
	v25 =	vld [tilespmem:s23+$0x40]  }
0x5f: {  	v27 =	vadd.s32 v2, v10;
	v23 =	vld [tilespmem:s24+$0xFFFFFFE0];
	[tilespmem:v18+s0+$0x0] =	vst.idx.msk $0xffff, v16  }
0x60: {  	v29 =	vadd.s32 v5, v19;
	v30 =	vld [tilespmem:s15+$0x50];
	[tilespmem:v21+s0+$0x0] =	vst.idx.msk $0xffff, v20  }
0x61: {  	v18 =	vadd.s32 v2, v13;
	v16 =	vld [tilespmem:s25+$0x20];
	[tilespmem:v14+s0+$0x0] =	vst.idx.msk $0xffff, v22  }
0x62: {  	v21 =	vadd.s32 v2, v12;
	v20 =	vld [tilespmem:s7+$0x20];
	[tilespmem:v24+s0+$0x0] =	vst.idx.msk $0xffff, v15  }
0x63: {  	v22 =	vadd.s32 v6, v8;
	[tilespmem:v26+s0+$0x0] =	vst.idx.msk $0xffff, v25;
	v14 =	vld [tilespmem:s9+$0x20]  }
0x64: {  	v25 =	vadd.s32 v5, v9;
	[tilespmem:v27+s0+$0x0] =	vst.idx.msk $0xffff, v23;
	v23 =	vld [tilespmem:s23+$0x50]  }
0x65: {  	v24 =	vadd.s32 v6, v17;
	[tilespmem:v29+s0+$0x0] =	vst.idx.msk $0xffff, v30;
	v15 =	vld [tilespmem:s8+$0x60]  }
0x66: {  	v33 =	vadd.s32 v2, v11;
	v28 =	vld [tilespmem:s6+$0x20];
	[tilespmem:v18+s0+$0x0] =	vst.idx.msk $0xffff, v16  }
0x67: {  	v27 =	vadd.s32 v3, v10;
	v26 =	vld [tilespmem:s24+$0xFFFFFFF0];
	[tilespmem:v21+s0+$0x0] =	vst.idx.msk $0xffff, v20  }
0x68: {  	v32 =	vadd.s32 v3, v12;
	v31 =	vld [tilespmem:s7+$0x30];
	[tilespmem:v22+s0+$0x0] =	vst.idx.msk $0xffff, v14  }
0x69: {  	[tilespmem:v25+s0+$0x0] =	vst.idx.msk $0xffff, v23;
	v25 =	vadd.s32 v7, v17;
	v17 =	vld [tilespmem:s15+$0x60]  }
0x6a: {  	[tilespmem:v24+s0+$0x0] =	vst.idx.msk $0xffff, v15;
	v18 =	vld [tilespmem:s9+$0x30]  }
0x6b: {  	[tilespmem:v33+s0+$0x0] =	vst.idx.msk $0xffff, v28;
	v21 =	vld [tilespmem:s8+$0x70]  }
0x6c: {  	v16 =	vadd.s32 v4, v10;
	v22 =	vadd.s32 v6, v9;
	[tilespmem:v27+s0+$0x0] =	vst.idx.msk $0xffff, v26;
	v20 =	vld [tilespmem:s23+$0x60]  }
0x6d: {  	s11 =	simm.s32 $0x8;
	v15 =	vadd.s32 v7, v19;
	v26 =	vld [tilespmem:s25+$0x30];
	v27 =	vadd.s32 v3, v13;
	[tilespmem:v32+s0+$0x0] =	vst.idx.msk $0xffff, v31  }
0x6e: {  	s19 =	sshll.u32 s18, $0x10;
	v14 =	vadd.s32 v7, v13;
	v19 =	vadd.s32 v6, v19;
	v24 =	vadd.s32 v4, v12;
	s8 =	simm.s32 $0x580;
	s9 =	simm.s32 $0x440;
	v23 =	vld [tilespmem:s7+$0x40]  }
.LBB2_3:
0x6f: {  	s10 =	sadd.s32 $0xFFFFFE80, s8;
	v30 =	vadd.s32 v7, v8  }
0x70: {  	v28 =	vmov s11;
	s12 =	sadd.s32 $0x1, s11;
	s21 =	sadd.s32 $0x3, s11;
	v29 =	vld [tilespmem:s24+$0x0];
	v31 =	vadd.s32 v7, v9;
	[tilespmem:v25+s0+$0x0] =	vst.idx.msk $0xffff, v21;
	v8 =	vmovc v10;
	v9 =	vmov v11;
	s5 =	smov.u32 s11  }
0x71: {  	s5 =	sand.u32 $0xC00, s10;
	v21 =	vld [tilespmem:s9+$0xFFFFFFC0];
	v10 =	vand.u32 $0x1C, v28;
	v11 =	vmov s12;
	s10 =	sadd.s32 $0xFFFFFF00, s8;
	s12 =	sadd.s32 $0x2, s11;
	v25 =	vmov s21;
	[tilespmem:v22+s0+$0x0] =	vst.idx.msk $0xffff, v20  }
0x72: {  	s28 =	sadd.s32 $0xFFFFFF80, s8;
	v20 =	vadd.s32 v0, v10;
	s21 =	sand.u32 $0x280, s10;
	v11 =	vand.u32 $0x1D, v11;
	v22 =	vand.u32 $0x1F, v25;
	s10 =	sadd.s32 $0x4, s11;
	[tilespmem:v27+s0+$0x0] =	vst.idx.msk $0xffff, v26;
	v25 =	vld [tilespmem:s23+$0x70]  }
0x73: {  	v26 =	vadd.s32 v4, v10;
	v28 =	vmov s12;
	s12 =	sand.u32 $0x300, s28;
	s23 =	sand.u32 $0x380, s8;
	s21 =	sor.u32 s21, s5;
	v27 =	vadd.s32 v0, v11;
	v32 =	vld [tilespmem:s25+$0x40];
	[tilespmem:v19+s0+$0x0] =	vst.idx.msk $0xffff, v17  }
0x74: {  	p1 =	slt.u32 s11, $0x1C;
	v17 =	vand.u32 $0x1E, v28;
	s28 =	sor.u32 s23, s5;
	v19 =	vadd.s32 v7, v22;
	s23 =	smov.u32 s6;
	[tilespmem:v24+s0+$0x0] =	vst.idx.msk $0xffff, v23;
	v23 =	vld [tilespmem:s15+$0x70]  }
0x75: {  	v28 =	vadd.s32 v0, v22;
	s6 =	smov.u32 s21;
	s15 =	smov.u32 s25;
	s25 =	smov.u32 s28;
	v24 =	vld [tilespmem:s21+$0x0];
	[tilespmem:v16+s0+$0x0] =	vst.idx.msk $0xffff, v29;
	v16 =	vmov v26  }
0x76: {  	s11 =	sor.u32 s12, s5;
	v26 =	vld [tilespmem:s25+$0x0];
	[tilespmem:v30+s0+$0x0] =	vst.idx.msk $0xffff, v18  }
0x77: {  	v29 =	vadd.s32 v0, v17;
	v18 =	vld [tilespmem:s11+$0x0];
	[tilespmem:v31+s0+$0x0] =	vst.idx.msk $0xffff, v25  }
0x78: {  	v25 =	vadd.s32 v4, v13;
	[tilespmem:v20+s0+$0x0] =	vst.idx.msk $0xffff, v21;
	v20 =	vadd.s32 v1, v10;
	v21 =	vld [tilespmem:s24+$0x10]  }
0x79: {  	v30 =	vld [tilespmem:s9+$0xFFFFFFD0];
	[tilespmem:v15+s0+$0x0] =	vst.idx.msk $0xffff, v23;
	v15 =	vmov v14;
	v14 =	vmov v19  }
0x7a: {  	v19 =	vadd.s32 v1, v11;
	[tilespmem:v27+s0+$0x0] =	vst.idx.msk $0xffff, v24;
	v23 =	vld [tilespmem:s23+$0x30];
	v24 =	vadd.s32 v3, v9  }
0x7b: {  	v27 =	vld [tilespmem:s6+$0x10];
	[tilespmem:v28+s0+$0x0] =	vst.idx.msk $0xffff, v26  }
0x7c: {  	v26 =	vadd.s32 v1, v22;
	[tilespmem:v29+s0+$0x0] =	vst.idx.msk $0xffff, v18;
	v18 =	vld [tilespmem:s25+$0x10]  }
0x7d: {  	v29 =	vadd.s32 v1, v17;
	v28 =	vld [tilespmem:s11+$0x10];
	[tilespmem:v25+s0+$0x0] =	vst.idx.msk $0xffff, v32  }
0x7e: {  	[tilespmem:v20+s0+$0x0] =	vst.idx.msk $0xffff, v30;
	v20 =	vadd.s32 v5, v8;
	v25 =	vld [tilespmem:s7+$0x50]  }
0x7f: {  	v30 =	vld [tilespmem:s9+$0xFFFFFFE0];
	[tilespmem:v24+s0+$0x0] =	vst.idx.msk $0xffff, v23;
	v23 =	vadd.s32 v5, v12  }
0x80: {  	v24 =	vadd.s32 v4, v9;
	[tilespmem:v19+s0+$0x0] =	vst.idx.msk $0xffff, v27;
	v19 =	vld [tilespmem:s23+$0x40]  }
0x81: {  	v27 =	vadd.s32 v2, v10;
	v31 =	vld [tilespmem:s6+$0x20];
	[tilespmem:v26+s0+$0x0] =	vst.idx.msk $0xffff, v18  }
0x82: {  	v26 =	vadd.s32 v2, v22;
	[tilespmem:v29+s0+$0x0] =	vst.idx.msk $0xffff, v28;
	v18 =	vld [tilespmem:s25+$0x20]  }
0x83: {  	v29 =	vadd.s32 v2, v17;
	v28 =	vld [tilespmem:s11+$0x20];
	[tilespmem:v20+s0+$0x0] =	vst.idx.msk $0xffff, v21  }
0x84: {  	v21 =	vadd.s32 v6, v8;
	v20 =	vld [tilespmem:s24+$0x20];
	[tilespmem:v23+s0+$0x0] =	vst.idx.msk $0xffff, v25;
	v23 =	vadd.s32 v5, v13  }
0x85: {  	[tilespmem:v24+s0+$0x0] =	vst.idx.msk $0xffff, v19;
	v19 =	vld [tilespmem:s7+$0x60];
	v24 =	vadd.s32 v6, v12  }
0x86: {  	[tilespmem:v27+s0+$0x0] =	vst.idx.msk $0xffff, v30;
	v25 =	vld [tilespmem:s23+$0x50];
	v27 =	vadd.s32 v5, v9  }
0x87: {  	v32 =	vadd.s32 v3, v10;
	v30 =	vld [tilespmem:s9+$0xFFFFFFF0];
	[tilespmem:v26+s0+$0x0] =	vst.idx.msk $0xffff, v18  }
0x88: {  	[tilespmem:v29+s0+$0x0] =	vst.idx.msk $0xffff, v28;
	v28 =	vld [tilespmem:s15+$0x50]  }
0x89: {  	v33 =	vadd.s32 v3, v17;
	v29 =	vld [tilespmem:s11+$0x30];
	[tilespmem:v21+s0+$0x0] =	vst.idx.msk $0xffff, v20  }
0x8a: {  	v34 =	vadd.s32 v2, v11;
	v18 =	vld [tilespmem:s24+$0x30];
	[tilespmem:v24+s0+$0x0] =	vst.idx.msk $0xffff, v19;
	v19 =	vadd.s32 v6, v13;
	v13 =	vmov v22;
	s24 =	smov.u32 s9  }
.Ltmp2:
0x8b: {  	[tilespmem:v27+s0+$0x0] =	vst.idx.msk $0xffff, v25;
	v21 =	vld [tilespmem:s7+$0x70];
	v25 =	vadd.s32 v7, v12;
	v12 =	vmov v17;
	s7 =	smov.u32 s11;
	(pc) =	sbr.rel @p1 .LBB2_3-.Ltmp2, $4  }
0x8c: {  	v22 =	vadd.s32 v6, v9;
	[tilespmem:v32+s0+$0x0] =	vst.idx.msk $0xffff, v30;
	v20 =	vld [tilespmem:s23+$0x60]  }
0x8d: {  	v27 =	vadd.s32 v3, v13;
	v26 =	vld [tilespmem:s25+$0x30];
	[tilespmem:v23+s0+$0x0] =	vst.idx.msk $0xffff, v28  }
0x8e: {  	[tilespmem:v33+s0+$0x0] =	vst.idx.msk $0xffff, v29;
	v17 =	vld [tilespmem:s15+$0x60]  }
0x8f: {  	s8 =	sadd.s32 $0x200, s8;
	s9 =	sadd.s32 $0x200, s9;
	s11 =	smov.u32 s10;
	v24 =	vadd.s32 v4, v12;
	[tilespmem:v34+s0+$0x0] =	vst.idx.msk $0xffff, v31;
	v23 =	vld [tilespmem:s7+$0x40]  }
0x90: {  	v28 =	vld [tilespmem:s6+$0x30];
	v29 =	vadd.s32 v3, v11;
	_ =	sdelay $0x3  }
0x91: {  	v30 =	vld [tilespmem:s24+$0x0];
	[tilespmem:v27+s0+$0x0] =	vst.idx.msk $0xffff, v26  }
0x92: {  	v42 =	vadd.s32 v4, v13;
	v41 =	vld [tilespmem:s25+$0x40];
	[tilespmem:v29+s0+$0x0] =	vst.idx.msk $0xffff, v28  }
0x93: {  	v40 =	vadd.s32 v4, v11;
	v39 =	vld [tilespmem:s6+$0x40];
	_ =	sdelay $0x1  }
0x94: {  	[tilespmem:v24+s0+$0x0] =	vst.idx.msk $0xffff, v23  }
0x95: {  	v44 =	vadd.s32 v5, v12;
	[tilespmem:v16+s0+$0x0] =	vst.idx.msk $0xffff, v30;
	v43 =	vld [tilespmem:s7+$0x50]  }
0x96: {  	v46 =	vadd.s32 v5, v10;
	v45 =	vld [tilespmem:s24+$0x10];
	[tilespmem:v42+s0+$0x0] =	vst.idx.msk $0xffff, v41  }
0x97: {  	v48 =	vadd.s32 v5, v13;
	v49 =	vld [tilespmem:s25+$0x50];
	[tilespmem:v40+s0+$0x0] =	vst.idx.msk $0xffff, v39  }
0x98: {  	v47 =	vadd.s32 v5, v11;
	[tilespmem:v25+s0+$0x0] =	vst.idx.msk $0xffff, v21;
	v27 =	vld [tilespmem:s6+$0x50]  }
0x99: {  	[tilespmem:v22+s0+$0x0] =	vst.idx.msk $0xffff, v20  }
0x9a: {  	v8 =	vadd.s32 v7, v8;
	[tilespmem:v44+s0+$0x0] =	vst.idx.msk $0xffff, v43  }
0x9b: {  	v50 =	vadd.s32 v6, v12;
	[tilespmem:v46+s0+$0x0] =	vst.idx.msk $0xffff, v45;
	v16 =	vld [tilespmem:s7+$0x60]  }
0x9c: {  	v52 =	vadd.s32 v6, v10;
	v51 =	vld [tilespmem:s24+$0x20];
	[tilespmem:v48+s0+$0x0] =	vst.idx.msk $0xffff, v49  }
0x9d: {  	v55 =	vadd.s32 v6, v13;
	v56 =	vld [tilespmem:s25+$0x60];
	[tilespmem:v47+s0+$0x0] =	vst.idx.msk $0xffff, v27  }
0x9e: {  	v54 =	vadd.s32 v6, v11;
	[tilespmem:v19+s0+$0x0] =	vst.idx.msk $0xffff, v17;
	v53 =	vld [tilespmem:s6+$0x60]  }
0x9f: {  	v9 =	vadd.s32 v7, v9;
	v57 =	vld [tilespmem:s23+$0x70];
	[tilespmem:v8+s0+$0x0] =	vst.idx.msk $0xffff, v18  }
0xa0: {  	v8 =	vld [tilespmem:s15+$0x70];
	[tilespmem:v50+s0+$0x0] =	vst.idx.msk $0xffff, v16  }
0xa1: {  	v58 =	vadd.s32 v7, v12;
	[tilespmem:v52+s0+$0x0] =	vst.idx.msk $0xffff, v51;
	v16 =	vld [tilespmem:s7+$0x70]  }
0xa2: {  	v60 =	vadd.s32 v7, v10;
	v59 =	vld [tilespmem:s24+$0x30];
	[tilespmem:v55+s0+$0x0] =	vst.idx.msk $0xffff, v56  }
0xa3: {  	v63 =	vld [tilespmem:s25+$0x70];
	[tilespmem:v54+s0+$0x0] =	vst.idx.msk $0xffff, v53  }
0xa4: {  	v61 =	vadd.s32 v7, v11;
	[tilespmem:v9+s0+$0x0] =	vst.idx.msk $0xffff, v57;
	v62 =	vld [tilespmem:s6+$0x70]  }
0xa5: {  	[tilespmem:v15+s0+$0x0] =	vst.idx.msk $0xffff, v8  }
0xa6: {  	p1 =	seq.s32 s18, $0x79;
	[tilespmem:v58+s0+$0x0] =	vst.idx.msk $0xffff, v16  }
0xa7: {  	s5 =	sadd.s32 @!p1 s13, s19;
	[tilespmem:v60+s0+$0x0] =	vst.idx.msk $0xffff, v59  }
0xa8: {  	s5 =	sshrl.u32 @!p1 s5, $0x3;
	[tilespmem:v14+s0+$0x0] =	vst.idx.msk $0xffff, v63  }
0xa9: {  	s5 =	sadd.s32 @!p1 s3, s5;
	s6 =	simm.s32 @!p1 $0x0;
	[tilespmem:v61+s0+$0x0] =	vst.idx.msk $0xffff, v62  }
0xaa: {  	[tilespmem:s6], [sflag:$0x1] =	stream.linear.gather @!p1 [hbm4b:s5+s6], $0x400, $0x38;
	[tilespmem:$0x4800] =	vst v63  }
0xab: {  	s8 =	simm.s32 @!p1 $0x400;
	s7 =	sadd.s32 @!p1 $0xF4280, s5  }
0xac: {  	[tilespmem:s8], [sflag:$0x1] =	stream.linear.gather @!p1 [hbm4b:s7+s6], $0x400, $0x38;
	[tilespmem:$0x4800] =	vst v63  }
0xad: {  	s7 =	sadd.s32 @!p1 $0x1E8500, s5;
	s8 =	simm.s32 @!p1 $0x800  }
0xae: {  	[tilespmem:s8], [sflag:$0x1] =	stream.linear.gather @!p1 [hbm4b:s7+s6], $0x400, $0x38;
	[tilespmem:$0x4800] =	vst v63  }
0xaf: {  	s15 =	sshll.u32 s18, $0xF;
	s5 =	sadd.s32 @!p1 $0x2DC780, s5;
	s7 =	simm.s32 @!p1 $0xC00  }
0xb0: {  	[tilespmem:s7], [sflag:$0x1] =	stream.linear.gather @!p1 [hbm4b:s5+s6], $0x400, $0x38;
	[tilespmem:$0x4800] =	vst v63  }
0xb1: {  	s9 =	simm.s32 $0x2028;
	s6 =	sadd.s32 s15, s16  }
0xb2: {  	s8 =	simm.s32 $0x4;
	s7 =	simm.s32 $0x2000;
	s10 =	sadd.s32 $0x0, s6  }
.LBB2_5:
0xb3: {  	[hbm4b:s10+s2] =	stream.linear.scatter [tilespmem:s7], [sflag:$0x3], $0x20, $0x38;
	[tilespmem:$0x4800] =	vst v63  }
0xb4: {  	s5 =	smov.u32 s8;
	s7 =	smov.u32 s9;
	p3 =	sne.s32 s8, $0x1FC  }
.Ltmp3:
0xb5: {  	s8 =	sadd.s32 $0x4, s8;
	(pc) =	sbr.rel @p3 .LBB2_5-.Ltmp3, $2  }
0xb6: {  	_ =	sdelay $0x2  }
0xb7: {  	s9 =	sadd.s32 $0x28, s9;
	s10 =	sadd.s32 s5, s6  }
0xb8: {  	[hbm4b:s10+s2] =	stream.linear.scatter [tilespmem:s7], [sflag:$0x3], $0x20, $0x38;
	[tilespmem:$0x4800] =	vst v63  }
0xb9: {  	_ =	swait.ge [sflag:s1], $0x400  }
0xba: {  	[sflag:s1] =	ssyncset.done $0x0  }
0xbb: {  	[sflag:s1] =	ssyncadd.s32 $0xFFFFFC00  }
0xbc: {  	_ =	swait.ge [sflag:s1], $0x400  }
0xbd: {  	[sflag:s1] =	ssyncset.done $0x0  }
0xbe: {  	[sflag:s1] =	ssyncadd.s32 $0xFFFFFC00  }
0xbf: {  	_ =	swait.ge [sflag:s1], $0x400  }
0xc0: {  	[sflag:s1] =	ssyncset.done $0x0  }
0xc1: {  	[sflag:s1] =	ssyncadd.s32 $0xFFFFFC00  }
0xc2: {  	_ =	swait.ge [sflag:s1], $0x400  }
0xc3: {  	s5 =	simm.s32 @!p2 $0x4;
	[sflag:s1] =	ssyncset.done $0x0  }
0xc4: {  	s6 =	simm.s32 $0x0;
	s12 =	simm.s32 $0x2;
	[sflag:s1] =	ssyncadd.s32 $0xFFFFFC00  }
0xc5: {  	s8 =	simm.s32 $0x100;
	s9 =	simm.s32 $0x0;
	_ =	swait.ge @!p2 [sflag:s5], $0x1000  }
0xc6: {  	s6 =	sand.u32 $0xC00, s6;
	v8 =	vmov s12;
	s21 =	sand.u32 $0x300, s8;
	[sflag:s5] =	ssyncset.done @!p2 $0x0  }
0xc7: {  	v9 =	vmov s9;
	v17 =	vand.u32 $0x1E, v8;
	s9 =	sor.u32 s21, s6;
	[sflag:s5] =	ssyncadd.s32 @!p2 $0xFFFFF000  }
0xc8: {  	s10 =	simm.s32 $0x1070;
	v8 =	vand.u32 $0x1C, v9;
	v10 =	vadd.s32 v0, v17;
	v9 =	vld [tilespmem:s9+$0x1000]  }
0xc9: {  	s23 =	simm.s32 $0x180;
	s24 =	simm.s32 $0x3;
	v13 =	vadd.s32 v0, v8;
	v11 =	vld [tilespmem:s10+$0xFFFFFF90]  }
0xca: {  	v12 =	vmov s24;
	s5 =	sand.u32 $0x380, s23  }
0xcb: {  	v19 =	vand.u32 $0x1F, v12;
	s23 =	sor.u32 s5, s6  }
0xcc: {  	v12 =	vadd.s32 v0, v19;
	v14 =	vld [tilespmem:s23+$0x1000]  }
0xcd: {  	[tilespmem:v10+s26+$0x0] =	vst.idx.msk $0xffff, v9  }
0xce: {  	[tilespmem:v13+s26+$0x0] =	vst.idx.msk $0xffff, v11;
	v11 =	vadd.s32 v1, v17;
	v10 =	vld [tilespmem:s9+$0x1010]  }
0xcf: {  	v13 =	vadd.s32 v1, v8;
	v15 =	vld [tilespmem:s10+$0xFFFFFFA0]  }
0xd0: {  	s25 =	simm.s32 $0x1;
	s28 =	simm.s32 $0x80  }
0xd1: {  	s29 =	sand.u32 $0x280, s28;
	v9 =	vmov s25;
	[tilespmem:v12+s26+$0x0] =	vst.idx.msk $0xffff, v14  }
0xd2: {  	s24 =	sor.u32 s29, s6;
	v14 =	vadd.s32 v1, v19;
	v9 =	vand.u32 $0x1D, v9;
	v12 =	vld [tilespmem:s23+$0x1010]  }
0xd3: {  	v18 =	vld [tilespmem:s24+$0x1000];
	v16 =	vadd.s32 v0, v9;
	[tilespmem:v11+s26+$0x0] =	vst.idx.msk $0xffff, v10  }
0xd4: {  	[tilespmem:v13+s26+$0x0] =	vst.idx.msk $0xffff, v15;
	v11 =	vadd.s32 v2, v17;
	v10 =	vld [tilespmem:s9+$0x1020]  }
0xd5: {  	v15 =	vadd.s32 v2, v8;
	v13 =	vld [tilespmem:s10+$0xFFFFFFB0];
	_ =	sdelay $0x1  }
0xd6: {  	[tilespmem:v14+s26+$0x0] =	vst.idx.msk $0xffff, v12  }
0xd7: {  	v14 =	vadd.s32 v2, v19;
	[tilespmem:v16+s26+$0x0] =	vst.idx.msk $0xffff, v18;
	v12 =	vld [tilespmem:s23+$0x1020]  }
0xd8: {  	v16 =	vadd.s32 v1, v9;
	v18 =	vld [tilespmem:s24+$0x1010];
	[tilespmem:v11+s26+$0x0] =	vst.idx.msk $0xffff, v10  }
0xd9: {  	[tilespmem:v15+s26+$0x0] =	vst.idx.msk $0xffff, v13;
	v11 =	vadd.s32 v3, v17;
	v10 =	vld [tilespmem:s9+$0x1030]  }
0xda: {  	v15 =	vadd.s32 v3, v8;
	v13 =	vld [tilespmem:s10+$0xFFFFFFC0];
	_ =	sdelay $0x1  }
0xdb: {  	[tilespmem:v14+s26+$0x0] =	vst.idx.msk $0xffff, v12  }
0xdc: {  	v14 =	vadd.s32 v3, v19;
	[tilespmem:v16+s26+$0x0] =	vst.idx.msk $0xffff, v18;
	v12 =	vld [tilespmem:s23+$0x1030]  }
0xdd: {  	s7 =	simm.s32 $0x4;
	[tilespmem:v11+s26+$0x0] =	vst.idx.msk $0xffff, v10  }
0xde: {  	s11 =	simm.s32 $0x280;
	s8 =	simm.s32 $0x200;
	s12 =	simm.s32 $0x5;
	v18 =	vadd.s32 v2, v9;
	v16 =	vld [tilespmem:s24+$0x1020];
	[tilespmem:v15+s26+$0x0] =	vst.idx.msk $0xffff, v13;
	v10 =	vmov s7  }
0xdf: {  	s28 =	sand.u32 $0x280, s11;
	s21 =	simm.s32 $0x7;
	v20 =	vadd.s32 v4, v8;
	s25 =	simm.s32 $0x1270;
	v21 =	vld [tilespmem:s10+$0xFFFFFFD0];
	v10 =	vand.u32 $0x1C, v10  }
0xe0: {  	s29 =	simm.s32 $0x300;
	s6 =	simm.s32 $0x380;
	s5 =	sand.u32 $0xC00, s8;
	v22 =	vld [tilespmem:s25+$0xFFFFFF90];
	v11 =	vmov s12;
	v23 =	vadd.s32 v0, v10  }
0xe1: {  	s6 =	sand.u32 $0x380, s6;
	s12 =	simm.s32 $0x6;
	s7 =	sor.u32 s28, s5;
	v15 =	vld [tilespmem:s9+$0x1040];
	[tilespmem:v14+s26+$0x0] =	vst.idx.msk $0xffff, v12;
	v14 =	vadd.s32 v4, v17;
	v12 =	vmov s21;
	v11 =	vand.u32 $0x1D, v11  }
0xe2: {  	s8 =	sand.u32 $0x300, s29;
	s6 =	sor.u32 s6, s5;
	v26 =	vld [tilespmem:s7+$0x1000];
	v13 =	vand.u32 $0x1F, v12;
	v25 =	vadd.s32 v0, v11;
	v12 =	vmov s12  }
0xe3: {  	s8 =	sor.u32 s8, s5;
	[tilespmem:v18+s26+$0x0] =	vst.idx.msk $0xffff, v16;
	v18 =	vld [tilespmem:s6+$0x1000];
	v12 =	vand.u32 $0x1E, v12;
	v16 =	vadd.s32 v0, v13  }
0xe4: {  	[tilespmem:v20+s26+$0x0] =	vst.idx.msk $0xffff, v21;
	v20 =	vld [tilespmem:s8+$0x1000];
	v21 =	vadd.s32 v0, v12  }
0xe5: {  	v24 =	vld [tilespmem:s23+$0x1040];
	[tilespmem:v23+s26+$0x0] =	vst.idx.msk $0xffff, v22;
	v23 =	vadd.s32 v4, v19  }
0xe6: {  	[tilespmem:v14+s26+$0x0] =	vst.idx.msk $0xffff, v15;
	v14 =	vadd.s32 v1, v10;
	v15 =	vld [tilespmem:s25+$0xFFFFFFA0]  }
0xe7: {  	[tilespmem:v25+s26+$0x0] =	vst.idx.msk $0xffff, v26;
	v25 =	vld [tilespmem:s24+$0x1030];
	v26 =	vadd.s32 v3, v9  }
0xe8: {  	v27 =	vadd.s32 v1, v11;
	v28 =	vld [tilespmem:s7+$0x1010];
	[tilespmem:v16+s26+$0x0] =	vst.idx.msk $0xffff, v18  }
0xe9: {  	v18 =	vadd.s32 v1, v13;
	v16 =	vld [tilespmem:s6+$0x1010];
	[tilespmem:v21+s26+$0x0] =	vst.idx.msk $0xffff, v20  }
0xea: {  	v21 =	vadd.s32 v1, v12;
	v20 =	vld [tilespmem:s8+$0x1010];
	[tilespmem:v23+s26+$0x0] =	vst.idx.msk $0xffff, v24  }
0xeb: {  	v22 =	vld [tilespmem:s10+$0xFFFFFFE0];
	[tilespmem:v14+s26+$0x0] =	vst.idx.msk $0xffff, v15;
	v14 =	vadd.s32 v5, v8  }
0xec: {  	[tilespmem:v26+s26+$0x0] =	vst.idx.msk $0xffff, v25;
	v24 =	vadd.s32 v5, v17;
	v15 =	vld [tilespmem:s9+$0x1050]  }
0xed: {  	v26 =	vadd.s32 v4, v9;
	[tilespmem:v27+s26+$0x0] =	vst.idx.msk $0xffff, v28;
	v25 =	vld [tilespmem:s24+$0x1040]  }
0xee: {  	v27 =	vadd.s32 v2, v10;
	v23 =	vld [tilespmem:s25+$0xFFFFFFB0];
	[tilespmem:v18+s26+$0x0] =	vst.idx.msk $0xffff, v16  }
0xef: {  	v29 =	vadd.s32 v5, v19;
	v30 =	vld [tilespmem:s23+$0x1050];
	[tilespmem:v21+s26+$0x0] =	vst.idx.msk $0xffff, v20  }
0xf0: {  	v18 =	vadd.s32 v2, v13;
	v16 =	vld [tilespmem:s6+$0x1020];
	[tilespmem:v14+s26+$0x0] =	vst.idx.msk $0xffff, v22  }
0xf1: {  	v21 =	vadd.s32 v2, v12;
	v20 =	vld [tilespmem:s8+$0x1020];
	[tilespmem:v24+s26+$0x0] =	vst.idx.msk $0xffff, v15  }
0xf2: {  	v22 =	vadd.s32 v6, v8;
	[tilespmem:v26+s26+$0x0] =	vst.idx.msk $0xffff, v25;
	v14 =	vld [tilespmem:s10+$0xFFFFFFF0]  }
0xf3: {  	v25 =	vadd.s32 v5, v9;
	[tilespmem:v27+s26+$0x0] =	vst.idx.msk $0xffff, v23;
	v23 =	vld [tilespmem:s24+$0x1050]  }
0xf4: {  	v24 =	vadd.s32 v6, v17;
	[tilespmem:v29+s26+$0x0] =	vst.idx.msk $0xffff, v30;
	v15 =	vld [tilespmem:s9+$0x1060]  }
0xf5: {  	v33 =	vadd.s32 v2, v11;
	v28 =	vld [tilespmem:s7+$0x1020];
	[tilespmem:v18+s26+$0x0] =	vst.idx.msk $0xffff, v16  }
0xf6: {  	v27 =	vadd.s32 v3, v10;
	v26 =	vld [tilespmem:s25+$0xFFFFFFC0];
	[tilespmem:v21+s26+$0x0] =	vst.idx.msk $0xffff, v20  }
0xf7: {  	v32 =	vadd.s32 v3, v12;
	v31 =	vld [tilespmem:s8+$0x1030];
	[tilespmem:v22+s26+$0x0] =	vst.idx.msk $0xffff, v14  }
0xf8: {  	[tilespmem:v25+s26+$0x0] =	vst.idx.msk $0xffff, v23;
	v25 =	vadd.s32 v7, v17;
	v17 =	vld [tilespmem:s23+$0x1060]  }
0xf9: {  	[tilespmem:v24+s26+$0x0] =	vst.idx.msk $0xffff, v15;
	v18 =	vld [tilespmem:s10+$0x0]  }
0xfa: {  	[tilespmem:v33+s26+$0x0] =	vst.idx.msk $0xffff, v28;
	v21 =	vld [tilespmem:s9+$0x1070]  }
0xfb: {  	v16 =	vadd.s32 v4, v10;
	v22 =	vadd.s32 v6, v9;
	[tilespmem:v27+s26+$0x0] =	vst.idx.msk $0xffff, v26;
	v20 =	vld [tilespmem:s24+$0x1060]  }
0xfc: {  	v15 =	vadd.s32 v7, v19;
	v26 =	vld [tilespmem:s6+$0x1030];
	v27 =	vadd.s32 v3, v13;
	[tilespmem:v32+s26+$0x0] =	vst.idx.msk $0xffff, v31  }
0xfd: {  	s12 =	simm.s32 $0x8;
	v14 =	vadd.s32 v7, v13;
	v19 =	vadd.s32 v6, v19;
	v24 =	vadd.s32 v4, v12;
	s9 =	simm.s32 $0x580;
	s10 =	simm.s32 $0x1470;
	v23 =	vld [tilespmem:s8+$0x1040]  }
.LBB2_7:
0xfe: {  	s5 =	sadd.s32 $0xFFFFFE80, s9;
	v30 =	vadd.s32 v7, v8  }
0xff: {  	v28 =	vmov s12;
	s11 =	sadd.s32 $0x1, s12;
	s21 =	sadd.s32 $0x3, s12;
	v29 =	vld [tilespmem:s25+$0xFFFFFFD0];
	v31 =	vadd.s32 v7, v9;
	[tilespmem:v25+s26+$0x0] =	vst.idx.msk $0xffff, v21;
	v8 =	vmovc v10;
	v9 =	vmov v11;
	s28 =	smov.u32 s12  }
0x100: {  	s5 =	sand.u32 $0xC00, s5;
	v21 =	vld [tilespmem:s10+$0xFFFFFF90];
	v10 =	vand.u32 $0x1C, v28;
	v11 =	vmov s11;
	s11 =	sadd.s32 $0xFFFFFF00, s9;
	s28 =	sadd.s32 $0x2, s12;
	v25 =	vmov s21;
	[tilespmem:v22+s26+$0x0] =	vst.idx.msk $0xffff, v20  }
0x101: {  	s29 =	sadd.s32 $0xFFFFFF80, s9;
	v20 =	vadd.s32 v0, v10;
	s21 =	sand.u32 $0x280, s11;
	v11 =	vand.u32 $0x1D, v11;
	v22 =	vand.u32 $0x1F, v25;
	s11 =	sadd.s32 $0x4, s12;
	[tilespmem:v27+s26+$0x0] =	vst.idx.msk $0xffff, v26;
	v25 =	vld [tilespmem:s24+$0x1070]  }
0x102: {  	v26 =	vadd.s32 v4, v10;
	v28 =	vmov s28;
	s28 =	sand.u32 $0x300, s29;
	s24 =	sand.u32 $0x380, s9;
	s21 =	sor.u32 s21, s5;
	v27 =	vadd.s32 v0, v11;
	v32 =	vld [tilespmem:s6+$0x1040];
	[tilespmem:v19+s26+$0x0] =	vst.idx.msk $0xffff, v17  }
0x103: {  	p2 =	slt.u32 s12, $0x1C;
	v17 =	vand.u32 $0x1E, v28;
	s29 =	sor.u32 s24, s5;
	v19 =	vadd.s32 v7, v22;
	s24 =	smov.u32 s7;
	[tilespmem:v24+s26+$0x0] =	vst.idx.msk $0xffff, v23;
	v23 =	vld [tilespmem:s23+$0x1070]  }
0x104: {  	v28 =	vadd.s32 v0, v22;
	s7 =	smov.u32 s21;
	s23 =	smov.u32 s6;
	s6 =	smov.u32 s29;
	v24 =	vld [tilespmem:s21+$0x1000];
	[tilespmem:v16+s26+$0x0] =	vst.idx.msk $0xffff, v29;
	v16 =	vmov v26  }
0x105: {  	s12 =	sor.u32 s28, s5;
	v26 =	vld [tilespmem:s6+$0x1000];
	[tilespmem:v30+s26+$0x0] =	vst.idx.msk $0xffff, v18  }
0x106: {  	v29 =	vadd.s32 v0, v17;
	v18 =	vld [tilespmem:s12+$0x1000];
	[tilespmem:v31+s26+$0x0] =	vst.idx.msk $0xffff, v25  }
0x107: {  	v25 =	vadd.s32 v4, v13;
	[tilespmem:v20+s26+$0x0] =	vst.idx.msk $0xffff, v21;
	v20 =	vadd.s32 v1, v10;
	v21 =	vld [tilespmem:s25+$0xFFFFFFE0]  }
0x108: {  	v30 =	vld [tilespmem:s10+$0xFFFFFFA0];
	[tilespmem:v15+s26+$0x0] =	vst.idx.msk $0xffff, v23;
	v15 =	vmov v14;
	v14 =	vmov v19  }
0x109: {  	v19 =	vadd.s32 v1, v11;
	[tilespmem:v27+s26+$0x0] =	vst.idx.msk $0xffff, v24;
	v23 =	vld [tilespmem:s24+$0x1030];
	v24 =	vadd.s32 v3, v9  }
0x10a: {  	v27 =	vld [tilespmem:s7+$0x1010];
	[tilespmem:v28+s26+$0x0] =	vst.idx.msk $0xffff, v26  }
0x10b: {  	v26 =	vadd.s32 v1, v22;
	[tilespmem:v29+s26+$0x0] =	vst.idx.msk $0xffff, v18;
	v18 =	vld [tilespmem:s6+$0x1010]  }
0x10c: {  	v29 =	vadd.s32 v1, v17;
	v28 =	vld [tilespmem:s12+$0x1010];
	[tilespmem:v25+s26+$0x0] =	vst.idx.msk $0xffff, v32  }
0x10d: {  	[tilespmem:v20+s26+$0x0] =	vst.idx.msk $0xffff, v30;
	v20 =	vadd.s32 v5, v8;
	v25 =	vld [tilespmem:s8+$0x1050]  }
0x10e: {  	v30 =	vld [tilespmem:s10+$0xFFFFFFB0];
	[tilespmem:v24+s26+$0x0] =	vst.idx.msk $0xffff, v23;
	v23 =	vadd.s32 v5, v12  }
0x10f: {  	v24 =	vadd.s32 v4, v9;
	[tilespmem:v19+s26+$0x0] =	vst.idx.msk $0xffff, v27;
	v19 =	vld [tilespmem:s24+$0x1040]  }
0x110: {  	v27 =	vadd.s32 v2, v10;
	v31 =	vld [tilespmem:s7+$0x1020];
	[tilespmem:v26+s26+$0x0] =	vst.idx.msk $0xffff, v18  }
0x111: {  	v26 =	vadd.s32 v2, v22;
	[tilespmem:v29+s26+$0x0] =	vst.idx.msk $0xffff, v28;
	v18 =	vld [tilespmem:s6+$0x1020]  }
0x112: {  	v29 =	vadd.s32 v2, v17;
	v28 =	vld [tilespmem:s12+$0x1020];
	[tilespmem:v20+s26+$0x0] =	vst.idx.msk $0xffff, v21  }
0x113: {  	v21 =	vadd.s32 v6, v8;
	v20 =	vld [tilespmem:s25+$0xFFFFFFF0];
	[tilespmem:v23+s26+$0x0] =	vst.idx.msk $0xffff, v25;
	v23 =	vadd.s32 v5, v13  }
0x114: {  	[tilespmem:v24+s26+$0x0] =	vst.idx.msk $0xffff, v19;
	v19 =	vld [tilespmem:s8+$0x1060];
	v24 =	vadd.s32 v6, v12  }
0x115: {  	[tilespmem:v27+s26+$0x0] =	vst.idx.msk $0xffff, v30;
	v25 =	vld [tilespmem:s24+$0x1050];
	v27 =	vadd.s32 v5, v9  }
0x116: {  	v32 =	vadd.s32 v3, v10;
	v30 =	vld [tilespmem:s10+$0xFFFFFFC0];
	[tilespmem:v26+s26+$0x0] =	vst.idx.msk $0xffff, v18  }
0x117: {  	[tilespmem:v29+s26+$0x0] =	vst.idx.msk $0xffff, v28;
	v28 =	vld [tilespmem:s23+$0x1050]  }
0x118: {  	v33 =	vadd.s32 v3, v17;
	v29 =	vld [tilespmem:s12+$0x1030];
	[tilespmem:v21+s26+$0x0] =	vst.idx.msk $0xffff, v20  }
0x119: {  	v34 =	vadd.s32 v2, v11;
	v18 =	vld [tilespmem:s25+$0x0];
	[tilespmem:v24+s26+$0x0] =	vst.idx.msk $0xffff, v19;
	v19 =	vadd.s32 v6, v13;
	v13 =	vmov v22;
	s25 =	smov.u32 s10  }
.Ltmp4:
0x11a: {  	[tilespmem:v27+s26+$0x0] =	vst.idx.msk $0xffff, v25;
	v21 =	vld [tilespmem:s8+$0x1070];
	v25 =	vadd.s32 v7, v12;
	v12 =	vmov v17;
	s8 =	smov.u32 s12;
	(pc) =	sbr.rel @p2 .LBB2_7-.Ltmp4, $4  }
0x11b: {  	v22 =	vadd.s32 v6, v9;
	[tilespmem:v32+s26+$0x0] =	vst.idx.msk $0xffff, v30;
	v20 =	vld [tilespmem:s24+$0x1060]  }
0x11c: {  	v27 =	vadd.s32 v3, v13;
	v26 =	vld [tilespmem:s6+$0x1030];
	[tilespmem:v23+s26+$0x0] =	vst.idx.msk $0xffff, v28  }
0x11d: {  	[tilespmem:v33+s26+$0x0] =	vst.idx.msk $0xffff, v29;
	v17 =	vld [tilespmem:s23+$0x1060]  }
0x11e: {  	s9 =	sadd.s32 $0x200, s9;
	s10 =	sadd.s32 $0x200, s10;
	s12 =	smov.u32 s11;
	v24 =	vadd.s32 v4, v12;
	[tilespmem:v34+s26+$0x0] =	vst.idx.msk $0xffff, v31;
	v23 =	vld [tilespmem:s8+$0x1040]  }
0x11f: {  	v28 =	vld [tilespmem:s7+$0x1030];
	v29 =	vadd.s32 v3, v11;
	_ =	sdelay $0x3  }
0x120: {  	v30 =	vld [tilespmem:s25+$0xFFFFFFD0];
	[tilespmem:v27+s26+$0x0] =	vst.idx.msk $0xffff, v26  }
0x121: {  	v42 =	vadd.s32 v4, v13;
	v41 =	vld [tilespmem:s6+$0x1040];
	[tilespmem:v29+s26+$0x0] =	vst.idx.msk $0xffff, v28  }
0x122: {  	v40 =	vadd.s32 v4, v11;
	v39 =	vld [tilespmem:s7+$0x1040];
	_ =	sdelay $0x1  }
0x123: {  	[tilespmem:v24+s26+$0x0] =	vst.idx.msk $0xffff, v23  }
0x124: {  	v44 =	vadd.s32 v5, v12;
	[tilespmem:v16+s26+$0x0] =	vst.idx.msk $0xffff, v30;
	v43 =	vld [tilespmem:s8+$0x1050]  }
0x125: {  	v46 =	vadd.s32 v5, v10;
	v45 =	vld [tilespmem:s25+$0xFFFFFFE0];
	[tilespmem:v42+s26+$0x0] =	vst.idx.msk $0xffff, v41  }
0x126: {  	v48 =	vadd.s32 v5, v13;
	v49 =	vld [tilespmem:s6+$0x1050];
	[tilespmem:v40+s26+$0x0] =	vst.idx.msk $0xffff, v39  }
0x127: {  	v47 =	vadd.s32 v5, v11;
	[tilespmem:v25+s26+$0x0] =	vst.idx.msk $0xffff, v21;
	v27 =	vld [tilespmem:s7+$0x1050]  }
0x128: {  	[tilespmem:v22+s26+$0x0] =	vst.idx.msk $0xffff, v20  }
0x129: {  	v8 =	vadd.s32 v7, v8;
	[tilespmem:v44+s26+$0x0] =	vst.idx.msk $0xffff, v43  }
0x12a: {  	v50 =	vadd.s32 v6, v12;
	[tilespmem:v46+s26+$0x0] =	vst.idx.msk $0xffff, v45;
	v16 =	vld [tilespmem:s8+$0x1060]  }
0x12b: {  	v52 =	vadd.s32 v6, v10;
	v51 =	vld [tilespmem:s25+$0xFFFFFFF0];
	[tilespmem:v48+s26+$0x0] =	vst.idx.msk $0xffff, v49  }
0x12c: {  	v55 =	vadd.s32 v6, v13;
	v56 =	vld [tilespmem:s6+$0x1060];
	[tilespmem:v47+s26+$0x0] =	vst.idx.msk $0xffff, v27  }
0x12d: {  	v54 =	vadd.s32 v6, v11;
	[tilespmem:v19+s26+$0x0] =	vst.idx.msk $0xffff, v17;
	v53 =	vld [tilespmem:s7+$0x1060]  }
0x12e: {  	v9 =	vadd.s32 v7, v9;
	v57 =	vld [tilespmem:s24+$0x1070];
	[tilespmem:v8+s26+$0x0] =	vst.idx.msk $0xffff, v18  }
0x12f: {  	v8 =	vld [tilespmem:s23+$0x1070];
	[tilespmem:v50+s26+$0x0] =	vst.idx.msk $0xffff, v16  }
0x130: {  	v58 =	vadd.s32 v7, v12;
	[tilespmem:v52+s26+$0x0] =	vst.idx.msk $0xffff, v51;
	v16 =	vld [tilespmem:s8+$0x1070]  }
0x131: {  	v60 =	vadd.s32 v7, v10;
	v59 =	vld [tilespmem:s25+$0x0];
	[tilespmem:v55+s26+$0x0] =	vst.idx.msk $0xffff, v56  }
0x132: {  	v63 =	vld [tilespmem:s6+$0x1070];
	[tilespmem:v54+s26+$0x0] =	vst.idx.msk $0xffff, v53  }
0x133: {  	v61 =	vadd.s32 v7, v11;
	[tilespmem:v9+s26+$0x0] =	vst.idx.msk $0xffff, v57;
	v62 =	vld [tilespmem:s7+$0x1070]  }
0x134: {  	[tilespmem:v15+s26+$0x0] =	vst.idx.msk $0xffff, v8  }
0x135: {  	[tilespmem:v58+s26+$0x0] =	vst.idx.msk $0xffff, v16  }
0x136: {  	s5 =	sadd.s32 @!p1 s14, s19;
	[tilespmem:v60+s26+$0x0] =	vst.idx.msk $0xffff, v59  }
0x137: {  	s5 =	sshrl.u32 @!p1 s5, $0x3;
	[tilespmem:v14+s26+$0x0] =	vst.idx.msk $0xffff, v63  }
0x138: {  	s5 =	sadd.s32 @!p1 s3, s5;
	s6 =	simm.s32 @!p1 $0x0;
	s7 =	simm.s32 @!p1 $0x1000;
	[tilespmem:v61+s26+$0x0] =	vst.idx.msk $0xffff, v62  }
0x139: {  	[tilespmem:s7], [sflag:$0x2] =	stream.linear.gather @!p1 [hbm4b:s5+s6], $0x400, $0x38;
	[tilespmem:$0x4800] =	vst v63  }
0x13a: {  	s8 =	simm.s32 @!p1 $0x1400;
	s7 =	sadd.s32 @!p1 $0xF4280, s5  }
0x13b: {  	[tilespmem:s8], [sflag:$0x2] =	stream.linear.gather @!p1 [hbm4b:s7+s6], $0x400, $0x38;
	[tilespmem:$0x4800] =	vst v63  }
0x13c: {  	s7 =	sadd.s32 @!p1 $0x1E8500, s5;
	s8 =	simm.s32 @!p1 $0x1800  }
0x13d: {  	[tilespmem:s8], [sflag:$0x2] =	stream.linear.gather @!p1 [hbm4b:s7+s6], $0x400, $0x38;
	[tilespmem:$0x4800] =	vst v63  }
0x13e: {  	s29 =	sor.u32 s22, s15;
	s5 =	sadd.s32 @!p1 $0x2DC780, s5;
	s7 =	simm.s32 @!p1 $0x1C00  }
0x13f: {  	[tilespmem:s7], [sflag:$0x2] =	stream.linear.gather @!p1 [hbm4b:s5+s6], $0x400, $0x38;
	[tilespmem:$0x4800] =	vst v63  }
0x140: {  	s9 =	simm.s32 $0x3428;
	s6 =	sadd.s32 s4, s29  }
0x141: {  	s8 =	simm.s32 $0x4;
	s7 =	simm.s32 $0x3400;
	s10 =	sadd.s32 $0x0, s6  }
.LBB2_9:
0x142: {  	[hbm4b:s10+s2] =	stream.linear.scatter [tilespmem:s7], [sflag:$0x4], $0x20, $0x38;
	[tilespmem:$0x4800] =	vst v63  }
0x143: {  	s5 =	smov.u32 s8;
	s7 =	smov.u32 s9;
	p1 =	sne.s32 s8, $0x1FC  }
.Ltmp5:
0x144: {  	s8 =	sadd.s32 $0x4, s8;
	(pc) =	sbr.rel @p1 .LBB2_9-.Ltmp5, $2  }
0x145: {  	_ =	sdelay $0x2  }
0x146: {  	s9 =	sadd.s32 $0x28, s9;
	s10 =	sadd.s32 s5, s6  }
0x147: {  	s18 =	sadd.s32 $0x1, s18  }
0x148: {  	p1 =	sne.s32 s18, $0x7A  }
.Ltmp6:
0x149: {  	_ = 	snop;
	(pc) =	sbr.rel @p1 .LBB2_2-.Ltmp6, $2  }
0x14a: {  	_ =	sdelay $0x2  }
0x14b: {  	[hbm4b:s10+s2] =	stream.linear.scatter [tilespmem:s7], [sflag:$0x4], $0x20, $0x38;
	[tilespmem:$0x4800] =	vst v63  }
0x14c: {  	s5 =	simm.s32 $0x3  }
0x14d: {  	_ =	swait.ge [sflag:s5], $0x1000  }
.Ltmp7:
0x14e: {  	[sflag:s5] =	ssyncset.done $0x0;
	(pc) =	sbr.rel @p0 .LBB2_17-.Ltmp7, $4  }
0x14f: {  	s29 =	simm.s32 $0x4;
	[sflag:s5] =	ssyncadd.s32 $0xFFFFF000  }
0x150: {  	_ =	swait.ge [sflag:s29], $0x1000  }
0x151: {  	[sflag:s29] =	ssyncset.done $0x0  }
0x152: {  	[sflag:s29] =	ssyncadd.s32 $0xFFFFF000  }
0x153: {  	s5 =	simm.s32 $0x0;
	s6 =	rddreg [dreg:$0xa]  }
0x154: {  	[tilespmem:s5], [sflag:$0x5] =	stream.linear.gather [hbm4b:s6+s5], $0x400, $0x38;
	[tilespmem:$0x4800] =	vst v63  }
0x155: {  	_ =	swait.ge [sflag:s30], $0x400  }
0x156: {  	[sflag:s30] =	ssyncset.done $0x0  }
0x157: {  	s7 =	simm.s32 $0x400;
	s12 =	rddreg [dreg:$0xb];
	[sflag:s30] =	ssyncadd.s32 $0xFFFFFC00  }
0x158: {  	[tilespmem:s7], [sflag:$0x5] =	stream.linear.gather [hbm4b:s12+s5], $0x400, $0x38;
	[tilespmem:$0x4800] =	vst v63  }
0x159: {  	_ =	swait.ge [sflag:s30], $0x400  }
0x15a: {  	[sflag:s30] =	ssyncset.done $0x0  }
0x15b: {  	s18 =	simm.s32 $0x800;
	s15 =	rddreg [dreg:$0xc];
	[sflag:s30] =	ssyncadd.s32 $0xFFFFFC00  }
0x15c: {  	[tilespmem:s18], [sflag:$0x5] =	stream.linear.gather [hbm4b:s15+s5], $0x400, $0x38;
	[tilespmem:$0x4800] =	vst v63  }
0x15d: {  	_ =	swait.ge [sflag:s30], $0x400  }
0x15e: {  	s21 =	simm.s32 $0xC00;
	[sflag:s30] =	ssyncset.done $0x0  }
0x15f: {  	s23 =	simm.s32 $0x0;
	s19 =	rddreg [dreg:$0xd];
	[sflag:s30] =	ssyncadd.s32 $0xFFFFFC00  }
0x160: {  	[tilespmem:s21], [sflag:$0x5] =	stream.linear.gather [hbm4b:s19+s5], $0x400, $0x38;
	[tilespmem:$0x4800] =	vst v63  }
0x161: {  	s24 =	simm.s32 $0x2;
	s8 =	simm.s32 $0x100;
	_ =	swait.ge [sflag:s30], $0x400  }
0x162: {  	s6 =	sand.u32 $0xC00, s23;
	v8 =	vmov s24;
	s25 =	sand.u32 $0x300, s8;
	[sflag:s30] =	ssyncset.done $0x0  }
0x163: {  	v9 =	vmov s5;
	v17 =	vand.u32 $0x1E, v8;
	s9 =	sor.u32 s25, s6;
	[sflag:s30] =	ssyncadd.s32 $0xFFFFFC00  }
0x164: {  	s10 =	simm.s32 $0x40;
	v8 =	vand.u32 $0x1C, v9;
	v10 =	vadd.s32 v0, v17;
	v9 =	vld [tilespmem:s9+$0x0]  }
0x165: {  	s28 =	simm.s32 $0x180;
	s29 =	simm.s32 $0x3;
	v13 =	vadd.s32 v0, v8;
	v11 =	vld [tilespmem:s10+$0xFFFFFFC0]  }
0x166: {  	v12 =	vmov s29;
	s5 =	sand.u32 $0x380, s28  }
0x167: {  	v19 =	vand.u32 $0x1F, v12;
	s15 =	sor.u32 s5, s6  }
0x168: {  	v12 =	vadd.s32 v0, v19;
	v14 =	vld [tilespmem:s15+$0x0]  }
0x169: {  	[tilespmem:v10+s0+$0x0] =	vst.idx.msk $0xffff, v9  }
0x16a: {  	[tilespmem:v13+s0+$0x0] =	vst.idx.msk $0xffff, v11;
	v11 =	vadd.s32 v1, v17;
	v10 =	vld [tilespmem:s9+$0x10]  }
0x16b: {  	v13 =	vadd.s32 v1, v8;
	v15 =	vld [tilespmem:s10+$0xFFFFFFD0]  }
0x16c: {  	s8 =	simm.s32 $0x80;
	s7 =	simm.s32 $0x1  }
0x16d: {  	s11 =	sand.u32 $0x280, s8;
	[tilespmem:v12+s0+$0x0] =	vst.idx.msk $0xffff, v14;
	v9 =	vmov s7  }
0x16e: {  	s18 =	sor.u32 s11, s6;
	v14 =	vadd.s32 v1, v19;
	v12 =	vld [tilespmem:s15+$0x10];
	v9 =	vand.u32 $0x1D, v9  }
0x16f: {  	v18 =	vld [tilespmem:s18+$0x0];
	v16 =	vadd.s32 v0, v9;
	[tilespmem:v11+s0+$0x0] =	vst.idx.msk $0xffff, v10  }
0x170: {  	[tilespmem:v13+s0+$0x0] =	vst.idx.msk $0xffff, v15;
	v11 =	vadd.s32 v2, v17;
	v10 =	vld [tilespmem:s9+$0x20]  }
0x171: {  	v15 =	vadd.s32 v2, v8;
	v13 =	vld [tilespmem:s10+$0xFFFFFFE0];
	_ =	sdelay $0x1  }
0x172: {  	[tilespmem:v14+s0+$0x0] =	vst.idx.msk $0xffff, v12  }
0x173: {  	v14 =	vadd.s32 v2, v19;
	v12 =	vld [tilespmem:s15+$0x20];
	[tilespmem:v16+s0+$0x0] =	vst.idx.msk $0xffff, v18  }
0x174: {  	v16 =	vadd.s32 v1, v9;
	v18 =	vld [tilespmem:s18+$0x10];
	[tilespmem:v11+s0+$0x0] =	vst.idx.msk $0xffff, v10  }
0x175: {  	[tilespmem:v15+s0+$0x0] =	vst.idx.msk $0xffff, v13;
	v11 =	vadd.s32 v3, v17;
	v10 =	vld [tilespmem:s9+$0x30]  }
0x176: {  	v15 =	vadd.s32 v3, v8;
	v13 =	vld [tilespmem:s10+$0xFFFFFFF0];
	_ =	sdelay $0x1  }
0x177: {  	[tilespmem:v14+s0+$0x0] =	vst.idx.msk $0xffff, v12  }
0x178: {  	v14 =	vadd.s32 v3, v19;
	v12 =	vld [tilespmem:s15+$0x30];
	[tilespmem:v16+s0+$0x0] =	vst.idx.msk $0xffff, v18  }
0x179: {  	s12 =	simm.s32 $0x4;
	[tilespmem:v11+s0+$0x0] =	vst.idx.msk $0xffff, v10  }
0x17a: {  	s23 =	simm.s32 $0x200;
	s24 =	simm.s32 $0x5;
	s29 =	simm.s32 $0x300;
	v18 =	vadd.s32 v2, v9;
	v16 =	vld [tilespmem:s18+$0x20];
	[tilespmem:v15+s0+$0x0] =	vst.idx.msk $0xffff, v13;
	v10 =	vmov s12  }
0x17b: {  	s25 =	simm.s32 $0x7;
	v20 =	vadd.s32 v4, v8;
	s11 =	simm.s32 $0x280;
	s19 =	simm.s32 $0x240;
	v21 =	vld [tilespmem:s10+$0x0];
	v10 =	vand.u32 $0x1C, v10  }
0x17c: {  	s21 =	simm.s32 $0x380;
	s28 =	sand.u32 $0x280, s11;
	s5 =	sand.u32 $0xC00, s23;
	v22 =	vld [tilespmem:s19+$0xFFFFFFC0];
	v11 =	vmov s24;
	v23 =	vadd.s32 v0, v10  }
0x17d: {  	s6 =	sand.u32 $0x380, s21;
	s7 =	sor.u32 s28, s5;
	s12 =	simm.s32 $0x6;
	[tilespmem:v14+s0+$0x0] =	vst.idx.msk $0xffff, v12;
	v14 =	vadd.s32 v4, v17;
	v12 =	vmov s25;
	v15 =	vld [tilespmem:s9+$0x40];
	v11 =	vand.u32 $0x1D, v11  }
0x17e: {  	s8 =	sand.u32 $0x300, s29;
	s6 =	sor.u32 s6, s5;
	v26 =	vld [tilespmem:s7+$0x0];
	v13 =	vand.u32 $0x1F, v12;
	v12 =	vmov s12;
	v25 =	vadd.s32 v0, v11  }
0x17f: {  	s8 =	sor.u32 s8, s5;
	[tilespmem:v18+s0+$0x0] =	vst.idx.msk $0xffff, v16;
	v18 =	vld [tilespmem:s6+$0x0];
	v12 =	vand.u32 $0x1E, v12;
	v16 =	vadd.s32 v0, v13  }
0x180: {  	[tilespmem:v20+s0+$0x0] =	vst.idx.msk $0xffff, v21;
	v20 =	vld [tilespmem:s8+$0x0];
	v21 =	vadd.s32 v0, v12  }
0x181: {  	v24 =	vld [tilespmem:s15+$0x40];
	[tilespmem:v23+s0+$0x0] =	vst.idx.msk $0xffff, v22;
	v23 =	vadd.s32 v4, v19  }
0x182: {  	[tilespmem:v14+s0+$0x0] =	vst.idx.msk $0xffff, v15;
	v14 =	vadd.s32 v1, v10;
	v15 =	vld [tilespmem:s19+$0xFFFFFFD0]  }
0x183: {  	[tilespmem:v25+s0+$0x0] =	vst.idx.msk $0xffff, v26;
	v25 =	vld [tilespmem:s18+$0x30];
	v26 =	vadd.s32 v3, v9  }
0x184: {  	v27 =	vadd.s32 v1, v11;
	[tilespmem:v16+s0+$0x0] =	vst.idx.msk $0xffff, v18;
	v28 =	vld [tilespmem:s7+$0x10]  }
0x185: {  	v18 =	vadd.s32 v1, v13;
	v16 =	vld [tilespmem:s6+$0x10];
	[tilespmem:v21+s0+$0x0] =	vst.idx.msk $0xffff, v20  }
0x186: {  	v21 =	vadd.s32 v1, v12;
	v20 =	vld [tilespmem:s8+$0x10];
	[tilespmem:v23+s0+$0x0] =	vst.idx.msk $0xffff, v24  }
0x187: {  	v22 =	vld [tilespmem:s10+$0x10];
	[tilespmem:v14+s0+$0x0] =	vst.idx.msk $0xffff, v15;
	v14 =	vadd.s32 v5, v8  }
0x188: {  	[tilespmem:v26+s0+$0x0] =	vst.idx.msk $0xffff, v25;
	v24 =	vadd.s32 v5, v17;
	v15 =	vld [tilespmem:s9+$0x50]  }
0x189: {  	v26 =	vadd.s32 v4, v9;
	[tilespmem:v27+s0+$0x0] =	vst.idx.msk $0xffff, v28;
	v25 =	vld [tilespmem:s18+$0x40]  }
0x18a: {  	v27 =	vadd.s32 v2, v10;
	[tilespmem:v18+s0+$0x0] =	vst.idx.msk $0xffff, v16;
	v23 =	vld [tilespmem:s19+$0xFFFFFFE0]  }
0x18b: {  	v29 =	vadd.s32 v5, v19;
	v30 =	vld [tilespmem:s15+$0x50];
	[tilespmem:v21+s0+$0x0] =	vst.idx.msk $0xffff, v20  }
0x18c: {  	v18 =	vadd.s32 v2, v13;
	v16 =	vld [tilespmem:s6+$0x20];
	[tilespmem:v14+s0+$0x0] =	vst.idx.msk $0xffff, v22  }
0x18d: {  	v21 =	vadd.s32 v2, v12;
	v20 =	vld [tilespmem:s8+$0x20];
	[tilespmem:v24+s0+$0x0] =	vst.idx.msk $0xffff, v15  }
0x18e: {  	v22 =	vadd.s32 v6, v8;
	[tilespmem:v26+s0+$0x0] =	vst.idx.msk $0xffff, v25;
	v14 =	vld [tilespmem:s10+$0x20]  }
0x18f: {  	v25 =	vadd.s32 v5, v9;
	[tilespmem:v27+s0+$0x0] =	vst.idx.msk $0xffff, v23;
	v23 =	vld [tilespmem:s18+$0x50]  }
0x190: {  	v24 =	vadd.s32 v6, v17;
	[tilespmem:v29+s0+$0x0] =	vst.idx.msk $0xffff, v30;
	v15 =	vld [tilespmem:s9+$0x60]  }
0x191: {  	v33 =	vadd.s32 v2, v11;
	v28 =	vld [tilespmem:s7+$0x20];
	[tilespmem:v18+s0+$0x0] =	vst.idx.msk $0xffff, v16  }
0x192: {  	v27 =	vadd.s32 v3, v10;
	v26 =	vld [tilespmem:s19+$0xFFFFFFF0];
	[tilespmem:v21+s0+$0x0] =	vst.idx.msk $0xffff, v20  }
0x193: {  	v32 =	vadd.s32 v3, v12;
	v31 =	vld [tilespmem:s8+$0x30];
	[tilespmem:v22+s0+$0x0] =	vst.idx.msk $0xffff, v14  }
0x194: {  	[tilespmem:v25+s0+$0x0] =	vst.idx.msk $0xffff, v23;
	v25 =	vadd.s32 v7, v17;
	v17 =	vld [tilespmem:s15+$0x60]  }
0x195: {  	[tilespmem:v24+s0+$0x0] =	vst.idx.msk $0xffff, v15;
	v18 =	vld [tilespmem:s10+$0x30]  }
0x196: {  	[tilespmem:v33+s0+$0x0] =	vst.idx.msk $0xffff, v28;
	v21 =	vld [tilespmem:s9+$0x70]  }
0x197: {  	v16 =	vadd.s32 v4, v10;
	v22 =	vadd.s32 v6, v9;
	[tilespmem:v27+s0+$0x0] =	vst.idx.msk $0xffff, v26;
	v20 =	vld [tilespmem:s18+$0x60]  }
0x198: {  	v15 =	vadd.s32 v7, v19;
	v26 =	vld [tilespmem:s6+$0x30];
	v27 =	vadd.s32 v3, v13;
	[tilespmem:v32+s0+$0x0] =	vst.idx.msk $0xffff, v31  }
0x199: {  	s12 =	simm.s32 $0x8;
	v14 =	vadd.s32 v7, v13;
	v19 =	vadd.s32 v6, v19;
	v24 =	vadd.s32 v4, v12;
	s9 =	simm.s32 $0x580;
	s10 =	simm.s32 $0x440;
	v23 =	vld [tilespmem:s8+$0x40]  }
.LBB2_13:
0x19a: {  	s5 =	sadd.s32 $0xFFFFFE80, s9;
	v30 =	vadd.s32 v7, v8  }
0x19b: {  	v28 =	vmov s12;
	s11 =	sadd.s32 $0x1, s12;
	s21 =	sadd.s32 $0x3, s12;
	v29 =	vld [tilespmem:s19+$0x0];
	v31 =	vadd.s32 v7, v9;
	[tilespmem:v25+s0+$0x0] =	vst.idx.msk $0xffff, v21;
	v8 =	vmovc v10;
	v9 =	vmov v11;
	s23 =	smov.u32 s12  }
0x19c: {  	s5 =	sand.u32 $0xC00, s5;
	v21 =	vld [tilespmem:s10+$0xFFFFFFC0];
	v10 =	vand.u32 $0x1C, v28;
	v11 =	vmov s11;
	s11 =	sadd.s32 $0xFFFFFF00, s9;
	s23 =	sadd.s32 $0x2, s12;
	v25 =	vmov s21;
	[tilespmem:v22+s0+$0x0] =	vst.idx.msk $0xffff, v20  }
0x19d: {  	s24 =	sadd.s32 $0xFFFFFF80, s9;
	v20 =	vadd.s32 v0, v10;
	s21 =	sand.u32 $0x280, s11;
	v11 =	vand.u32 $0x1D, v11;
	v22 =	vand.u32 $0x1F, v25;
	s11 =	sadd.s32 $0x4, s12;
	[tilespmem:v27+s0+$0x0] =	vst.idx.msk $0xffff, v26;
	v25 =	vld [tilespmem:s18+$0x70]  }
0x19e: {  	v26 =	vadd.s32 v4, v10;
	v28 =	vmov s23;
	s23 =	sand.u32 $0x300, s24;
	s18 =	sand.u32 $0x380, s9;
	s21 =	sor.u32 s21, s5;
	v27 =	vadd.s32 v0, v11;
	v32 =	vld [tilespmem:s6+$0x40];
	[tilespmem:v19+s0+$0x0] =	vst.idx.msk $0xffff, v17  }
0x19f: {  	p1 =	slt.u32 s12, $0x1C;
	v17 =	vand.u32 $0x1E, v28;
	s24 =	sor.u32 s18, s5;
	v19 =	vadd.s32 v7, v22;
	s18 =	smov.u32 s7;
	[tilespmem:v24+s0+$0x0] =	vst.idx.msk $0xffff, v23;
	v23 =	vld [tilespmem:s15+$0x70]  }
0x1a0: {  	v28 =	vadd.s32 v0, v22;
	s7 =	smov.u32 s21;
	s15 =	smov.u32 s6;
	s6 =	smov.u32 s24;
	v24 =	vld [tilespmem:s21+$0x0];
	[tilespmem:v16+s0+$0x0] =	vst.idx.msk $0xffff, v29;
	v16 =	vmov v26  }
0x1a1: {  	s12 =	sor.u32 s23, s5;
	v26 =	vld [tilespmem:s6+$0x0];
	[tilespmem:v30+s0+$0x0] =	vst.idx.msk $0xffff, v18  }
0x1a2: {  	v29 =	vadd.s32 v0, v17;
	v18 =	vld [tilespmem:s12+$0x0];
	[tilespmem:v31+s0+$0x0] =	vst.idx.msk $0xffff, v25  }
0x1a3: {  	v25 =	vadd.s32 v4, v13;
	[tilespmem:v20+s0+$0x0] =	vst.idx.msk $0xffff, v21;
	v20 =	vadd.s32 v1, v10;
	v21 =	vld [tilespmem:s19+$0x10]  }
0x1a4: {  	v30 =	vld [tilespmem:s10+$0xFFFFFFD0];
	[tilespmem:v15+s0+$0x0] =	vst.idx.msk $0xffff, v23;
	v15 =	vmov v14;
	v14 =	vmov v19  }
0x1a5: {  	v19 =	vadd.s32 v1, v11;
	[tilespmem:v27+s0+$0x0] =	vst.idx.msk $0xffff, v24;
	v23 =	vld [tilespmem:s18+$0x30];
	v24 =	vadd.s32 v3, v9  }
0x1a6: {  	v27 =	vld [tilespmem:s7+$0x10];
	[tilespmem:v28+s0+$0x0] =	vst.idx.msk $0xffff, v26  }
0x1a7: {  	v26 =	vadd.s32 v1, v22;
	[tilespmem:v29+s0+$0x0] =	vst.idx.msk $0xffff, v18;
	v18 =	vld [tilespmem:s6+$0x10]  }
0x1a8: {  	v29 =	vadd.s32 v1, v17;
	v28 =	vld [tilespmem:s12+$0x10];
	[tilespmem:v25+s0+$0x0] =	vst.idx.msk $0xffff, v32  }
0x1a9: {  	[tilespmem:v20+s0+$0x0] =	vst.idx.msk $0xffff, v30;
	v20 =	vadd.s32 v5, v8;
	v25 =	vld [tilespmem:s8+$0x50]  }
0x1aa: {  	v30 =	vld [tilespmem:s10+$0xFFFFFFE0];
	[tilespmem:v24+s0+$0x0] =	vst.idx.msk $0xffff, v23;
	v23 =	vadd.s32 v5, v12  }
0x1ab: {  	v24 =	vadd.s32 v4, v9;
	[tilespmem:v19+s0+$0x0] =	vst.idx.msk $0xffff, v27;
	v19 =	vld [tilespmem:s18+$0x40]  }
0x1ac: {  	v27 =	vadd.s32 v2, v10;
	v31 =	vld [tilespmem:s7+$0x20];
	[tilespmem:v26+s0+$0x0] =	vst.idx.msk $0xffff, v18  }
0x1ad: {  	v26 =	vadd.s32 v2, v22;
	[tilespmem:v29+s0+$0x0] =	vst.idx.msk $0xffff, v28;
	v18 =	vld [tilespmem:s6+$0x20]  }
0x1ae: {  	v29 =	vadd.s32 v2, v17;
	v28 =	vld [tilespmem:s12+$0x20];
	[tilespmem:v20+s0+$0x0] =	vst.idx.msk $0xffff, v21  }
0x1af: {  	v21 =	vadd.s32 v6, v8;
	v20 =	vld [tilespmem:s19+$0x20];
	[tilespmem:v23+s0+$0x0] =	vst.idx.msk $0xffff, v25;
	v23 =	vadd.s32 v5, v13  }
0x1b0: {  	[tilespmem:v24+s0+$0x0] =	vst.idx.msk $0xffff, v19;
	v19 =	vld [tilespmem:s8+$0x60];
	v24 =	vadd.s32 v6, v12  }
0x1b1: {  	[tilespmem:v27+s0+$0x0] =	vst.idx.msk $0xffff, v30;
	v25 =	vld [tilespmem:s18+$0x50];
	v27 =	vadd.s32 v5, v9  }
0x1b2: {  	v32 =	vadd.s32 v3, v10;
	v30 =	vld [tilespmem:s10+$0xFFFFFFF0];
	[tilespmem:v26+s0+$0x0] =	vst.idx.msk $0xffff, v18  }
0x1b3: {  	[tilespmem:v29+s0+$0x0] =	vst.idx.msk $0xffff, v28;
	v28 =	vld [tilespmem:s15+$0x50]  }
0x1b4: {  	v33 =	vadd.s32 v3, v17;
	v29 =	vld [tilespmem:s12+$0x30];
	[tilespmem:v21+s0+$0x0] =	vst.idx.msk $0xffff, v20  }
0x1b5: {  	v34 =	vadd.s32 v2, v11;
	v18 =	vld [tilespmem:s19+$0x30];
	[tilespmem:v24+s0+$0x0] =	vst.idx.msk $0xffff, v19;
	v19 =	vadd.s32 v6, v13;
	v13 =	vmov v22;
	s19 =	smov.u32 s10  }
.Ltmp8:
0x1b6: {  	[tilespmem:v27+s0+$0x0] =	vst.idx.msk $0xffff, v25;
	v21 =	vld [tilespmem:s8+$0x70];
	v25 =	vadd.s32 v7, v12;
	v12 =	vmov v17;
	s8 =	smov.u32 s12;
	(pc) =	sbr.rel @p1 .LBB2_13-.Ltmp8, $4  }
0x1b7: {  	v22 =	vadd.s32 v6, v9;
	[tilespmem:v32+s0+$0x0] =	vst.idx.msk $0xffff, v30;
	v20 =	vld [tilespmem:s18+$0x60]  }
0x1b8: {  	v27 =	vadd.s32 v3, v13;
	v26 =	vld [tilespmem:s6+$0x30];
	[tilespmem:v23+s0+$0x0] =	vst.idx.msk $0xffff, v28  }
0x1b9: {  	[tilespmem:v33+s0+$0x0] =	vst.idx.msk $0xffff, v29;
	v17 =	vld [tilespmem:s15+$0x60]  }
0x1ba: {  	s9 =	sadd.s32 $0x200, s9;
	s10 =	sadd.s32 $0x200, s10;
	s12 =	smov.u32 s11;
	v24 =	vadd.s32 v4, v12;
	[tilespmem:v34+s0+$0x0] =	vst.idx.msk $0xffff, v31;
	v23 =	vld [tilespmem:s8+$0x40]  }
0x1bb: {  	v28 =	vld [tilespmem:s7+$0x30];
	v29 =	vadd.s32 v3, v11;
	_ =	sdelay $0x3  }
0x1bc: {  	v30 =	vld [tilespmem:s19+$0x0];
	[tilespmem:v27+s0+$0x0] =	vst.idx.msk $0xffff, v26  }
0x1bd: {  	v42 =	vadd.s32 v4, v13;
	v41 =	vld [tilespmem:s6+$0x40];
	[tilespmem:v29+s0+$0x0] =	vst.idx.msk $0xffff, v28  }
0x1be: {  	v40 =	vadd.s32 v4, v11;
	v39 =	vld [tilespmem:s7+$0x40];
	_ =	sdelay $0x1  }
0x1bf: {  	[tilespmem:v24+s0+$0x0] =	vst.idx.msk $0xffff, v23  }
0x1c0: {  	v44 =	vadd.s32 v5, v12;
	[tilespmem:v16+s0+$0x0] =	vst.idx.msk $0xffff, v30;
	v43 =	vld [tilespmem:s8+$0x50]  }
0x1c1: {  	v46 =	vadd.s32 v5, v10;
	v45 =	vld [tilespmem:s19+$0x10];
	[tilespmem:v42+s0+$0x0] =	vst.idx.msk $0xffff, v41  }
0x1c2: {  	v48 =	vadd.s32 v5, v13;
	v49 =	vld [tilespmem:s6+$0x50];
	[tilespmem:v40+s0+$0x0] =	vst.idx.msk $0xffff, v39  }
0x1c3: {  	v47 =	vadd.s32 v5, v11;
	[tilespmem:v25+s0+$0x0] =	vst.idx.msk $0xffff, v21;
	v27 =	vld [tilespmem:s7+$0x50]  }
0x1c4: {  	[tilespmem:v22+s0+$0x0] =	vst.idx.msk $0xffff, v20  }
0x1c5: {  	v8 =	vadd.s32 v7, v8;
	[tilespmem:v44+s0+$0x0] =	vst.idx.msk $0xffff, v43  }
0x1c6: {  	v50 =	vadd.s32 v6, v12;
	[tilespmem:v46+s0+$0x0] =	vst.idx.msk $0xffff, v45;
	v16 =	vld [tilespmem:s8+$0x60]  }
0x1c7: {  	v52 =	vadd.s32 v6, v10;
	v51 =	vld [tilespmem:s19+$0x20];
	[tilespmem:v48+s0+$0x0] =	vst.idx.msk $0xffff, v49  }
0x1c8: {  	v55 =	vadd.s32 v6, v13;
	v56 =	vld [tilespmem:s6+$0x60];
	[tilespmem:v47+s0+$0x0] =	vst.idx.msk $0xffff, v27  }
0x1c9: {  	v54 =	vadd.s32 v6, v11;
	[tilespmem:v19+s0+$0x0] =	vst.idx.msk $0xffff, v17;
	v53 =	vld [tilespmem:s7+$0x60]  }
0x1ca: {  	v9 =	vadd.s32 v7, v9;
	v57 =	vld [tilespmem:s18+$0x70];
	[tilespmem:v8+s0+$0x0] =	vst.idx.msk $0xffff, v18  }
0x1cb: {  	v8 =	vld [tilespmem:s15+$0x70];
	[tilespmem:v50+s0+$0x0] =	vst.idx.msk $0xffff, v16  }
0x1cc: {  	v58 =	vadd.s32 v7, v12;
	[tilespmem:v52+s0+$0x0] =	vst.idx.msk $0xffff, v51;
	v16 =	vld [tilespmem:s8+$0x70]  }
0x1cd: {  	v60 =	vadd.s32 v7, v10;
	v59 =	vld [tilespmem:s19+$0x30];
	[tilespmem:v55+s0+$0x0] =	vst.idx.msk $0xffff, v56  }
0x1ce: {  	v63 =	vld [tilespmem:s6+$0x70];
	[tilespmem:v54+s0+$0x0] =	vst.idx.msk $0xffff, v53  }
0x1cf: {  	v61 =	vadd.s32 v7, v11;
	[tilespmem:v9+s0+$0x0] =	vst.idx.msk $0xffff, v57;
	v62 =	vld [tilespmem:s7+$0x70]  }
0x1d0: {  	[tilespmem:v15+s0+$0x0] =	vst.idx.msk $0xffff, v8  }
0x1d1: {  	[tilespmem:v58+s0+$0x0] =	vst.idx.msk $0xffff, v16  }
0x1d2: {  	[tilespmem:v60+s0+$0x0] =	vst.idx.msk $0xffff, v59  }
0x1d3: {  	s9 =	sadd.s32 $0x0, s20;
	[tilespmem:v14+s0+$0x0] =	vst.idx.msk $0xffff, v63  }
0x1d4: {  	s8 =	simm.s32 $0x2028;
	s6 =	simm.s32 $0x2000;
	s7 =	simm.s32 $0x4;
	[tilespmem:v61+s0+$0x0] =	vst.idx.msk $0xffff, v62  }
.LBB2_15:
0x1d5: {  	[hbm4b:s9+s2] =	stream.linear.scatter [tilespmem:s6], [sflag:$0x5], $0x20, $0x38;
	[tilespmem:$0x4800] =	vst v63  }
0x1d6: {  	s5 =	smov.u32 s7;
	s6 =	smov.u32 s8;
	p1 =	sne.s32 s7, $0x1FC  }
.Ltmp9:
0x1d7: {  	s7 =	sadd.s32 $0x4, s7;
	(pc) =	sbr.rel @p1 .LBB2_15-.Ltmp9, $2  }
0x1d8: {  	_ =	sdelay $0x2  }
0x1d9: {  	s8 =	sadd.s32 $0x28, s8;
	s9 =	sadd.s32 s5, s20  }
.Ltmp10:
0x1da: {  	(pc) =	sbr.rel .LBB2_17-.Ltmp10, $4  }
0x1db: {  	[hbm4b:s9+s2] =	stream.linear.scatter [tilespmem:s6], [sflag:$0x5], $0x20, $0x38;
	[tilespmem:$0x4800] =	vst v63  }
0x1dc: {  	_ =	swait.ge [sflag:s30], $0x1000  }
0x1dd: {  	[sflag:s30] =	ssyncset.done $0x0  }
0x1de: {  	[sflag:s30] =	ssyncadd.s32 $0xFFFFF000  }
.LBB2_18:
0x1df: {  	_ =	sfence.sel $0x180000  }
0x1e0: {  	[bflag:$0x0] =	sbarrier.arrive $0xFFFF  }
0x1e1: {  	_ =	strace $0x90000047  }
0x1e2: {  	s0 =	stileid.u32;
	[bflag:$0x2] =	sbarrier.arrive $0xFFFF  }
0x1e3: {  	p0 =	sne.s32 s0, $0x0;
	s0 =	rddreg [dreg:$0x1]  }
0x1e4: {  	s0 =	sadd.s32 @!p0 $0x100000, s0  }
0x1e5: {  	[sflag:s0] =	ssyncadd.tile.s32 @!p0 $0x1;
	_ =	shalt  }
.Lfunc_end2:
_tile_overlayer_lowered:
.L_overlay_start_2:
0x1e6: {  	(tag) =	ssettag $0x2  }
0x1e7: {  	s0 =	rddreg [dreg:$0x0];
	s2 =	stileid.u32  }
0x1e8: {  	s1 =	rddreg [dreg:$0x1];
	p0 =	sne.s32 s2, $0x0  }
0x1e9: {  	s3 =	rddreg [dreg:$0x2];
	[bflag:$0x3] =	sbarrier.arrive $0xFFFF;
	s2 =	simm.s32 @!p0 $0x1C05  }
0x1ea: {  	[timem:s3], [sflag:s2] =	dma.local @!p0 [hbm:s0], s1  }
0x1eb: {  	s0 =	simm.s32 @!p0 $0x5  }
0x1ec: {  	_ =	swait.ge @!p0 [sflag:s0], s1  }
0x1ed: {  	s1 =	ssub.s32 @!p0 $0x0, s1;
	[sflag:s0] =	ssyncset.done @!p0 $0x0  }
0x1ee: {  	[sflag:s0] =	ssyncadd.s32 @!p0 s1  }
0x1ef: {  	[bflag:$0x3] =	sbarrier.arrive $0xFFFF  }
0x1f0: {  	_ =	shalt  }

// kernel: kernel.7.cloned.1.call-start
scs
__scs_entry_jumppad:
0x0: {  	(pc) =	sbr.rel $0x88, $3  }
0x1: {  	(tag) =	ssettag $0x0;
	lr =	simm.s32 $0x1  }
0x2: {  	[smem:$0x3F9F] =	sst lr;
	_ =	strace $0xD0000000  }
0x3: {  	_ = 	snop  }
0x4: {  	_ = 	snop  }
0x5: {  	_ = 	snop  }
0x6: {  	_ = 	snop  }
0x7: {  	_ = 	snop  }
__scs_overlays_trampoline_lowered:
0x8: {  	[smem:$0x3FAE] =	sst s0  }
0x9: {  	[smem:$0x3FAF] =	sst s1  }
0xa: {  	[smem:$0x3FB0] =	sst s2  }
0xb: {  	[smem:$0x3FB1] =	sst s3  }
0xc: {  	[smem:$0x3FB2] =	sst s4  }
0xd: {  	[smem:$0x3FB3] =	sst s5  }
0xe: {  	[smem:$0x3FB4] =	sst s6  }
0xf: {  	[smem:$0x3FB5] =	sst s7  }
0x10: {  	[smem:$0x3FB6] =	sst s8  }
0x11: {  	[smem:$0x3FB7] =	sst s9;
	s0 =	simm.s32 @!p0 $0x0  }
0x12: {  	s1 =	sld [smem:$0x3F9D];
	s0 =	simm.s32 @p0 $0x1  }
0x13: {  	[smem:$0x3FB8] =	sst s0;
	s0 =	simm.s32 @!p1 $0x0  }
0x14: {  	s2 =	sld [smem:$0x3F9C];
	s0 =	simm.s32 @p1 $0x1  }
0x15: {  	[smem:$0x3FB9] =	sst s0;
	s0 =	simm.s32 @!p2 $0x0  }
0x16: {  	s3 =	sld [smem:$0x3FDB];
	s0 =	simm.s32 @p2 $0x1  }
0x17: {  	s4 =	simm.s32 $0x1BF5;
	[smem:$0x3FBB] =	sst s0  }
0x18: {  	s0 =	sld [smem:$0x3F9E];
	_ =	swait.ge [sflag:s4], $0x0  }
0x19: {  	s7 =	sld [smem:$0x3F9F]  }
0x1a: {  	s8 =	sadd.s32 $0xFFFFE003, lr  }
0x1b: {  	s9 =	sadd.s32 $0xFFFFFEF7, lr;
	s5 =	simm.s32 $0xFFFFFFFF;
	p2 =	slt.u32 s8, $0xFFFFF086  }
0x1c: {  	p1 =	slt.u32 s9, $0xF7A;
	s5 =	simm.s32 @!p2 $0x0  }
0x1d: {  	s5 =	simm.s32 @p1 $0x1;
	p0 =	seq.s32 s7, s2  }
0x1e: {  	s7 =	smul.u32 @!p0 $0xF7A, s2;
	p2 =	seq.s32 @!p0 s5, $0x0  }
0x1f: {  	s9 =	smul.u32 $0xF7A, s1;
	s8 =	simm.s32 @!p0 $0x1BF5;
	p2 =	por !p2, p0  }
0x20: {  	[sflag:s8] =	ssyncset.s32 @!p0 $0xFFFFF086;
	s6 =	sadd.s32 @!p0 s3, s7;
	s7 =	simm.s32 @!p0 $0x108  }
0x21: {  	s3 =	sadd.s32 s3, s9;
	s6 =	sadd.s32 @!p0 $0x88, s6;
	s7 =	simm.s32 @p2 $0x1082  }
0x22: {  	[simem:s7], [sflag:s8] =	dma.local @!p0 [hbm:s6], $0xF7A  }
0x23: {  	s9 =	sor.u32 $0xD0000000, s2;
	s6 =	simm.s32 $0x108;
	_ =	swait.ge @!p0 [sflag:s8], $0x0  }
0x24: {  	s3 =	sadd.s32 $0x88, s3;
	s6 =	simm.s32 @!p1 $0x1082;
	[sflag:s4] =	ssyncset.s32 $0xFFFFF086  }
0x25: {  	[simem:s6], [sflag:s4] =	dma.local [hbm:s3], $0xF7A  }
0x26: {  	[smem:$0x3F9F] =	sst s1;
	(tag) =	ssettag s2;
	_ =	strace s9  }
0x27: {  	s1 =	sld [smem:$0x3FAF]  }
0x28: {  	s2 =	sld [smem:$0x3FB0]  }
0x29: {  	s4 =	sld [smem:$0x3FB2]  }
0x2a: {  	p0 =	seq.s32 s5, $0x0;
	s5 =	sld [smem:$0x3FB3]  }
0x2b: {  	s6 =	sld [smem:$0x3FB4]  }
0x2c: {  	s7 =	sld [smem:$0x3FB5]  }
0x2d: {  	s3 =	simm.s32 $0x108;
	s8 =	sld [smem:$0x3FB6]  }
0x2e: {  	s3 =	simm.s32 @!p0 $0x1082;
	s9 =	sld [smem:$0x3FB7]  }
0x2f: {  	lr =	sadd.s32 s0, s3;
	s0 =	sld [smem:$0x3FAE]  }
0x30: {  	s3 =	sld [smem:$0x3FB1]  }
0x31: {  	[smem:$0x3FBA] =	sst s10  }
0x32: {  	s10 =	sld [smem:$0x3FB8];
	_ =	sdelay $0x3  }
0x33: {  	p0 =	seq.s32 s10, $0x1;
	s10 =	sld [smem:$0x3FBA];
	_ =	sdelay $0x3  }
0x34: {  	[smem:$0x3FBA] =	sst s10  }
0x35: {  	s10 =	sld [smem:$0x3FB9];
	_ =	sdelay $0x3  }
0x36: {  	p1 =	seq.s32 s10, $0x1;
	s10 =	sld [smem:$0x3FBA];
	_ =	sdelay $0x3  }
0x37: {  	[smem:$0x3FBA] =	sst s10  }
0x38: {  	s10 =	sld [smem:$0x3FBB]  }
0x39: {  	_ = 	snop;
	(pc) =	sbr.ind lr, $3  }
0x3a: {  	_ = 	snop  }
0x3b: {  	_ = 	snop  }
0x3c: {  	p2 =	seq.s32 s10, $0x1;
	s10 =	sld [smem:$0x3FBA]  }
0x3d: {  	_ =	shalt  }
0x3e: {  	_ =	shalt  }
0x3f: {  	_ =	shalt  }
0x40: {  	_ =	shalt  }
0x41: {  	_ =	shalt  }
0x42: {  	_ =	shalt  }
0x43: {  	_ =	shalt  }
0x44: {  	_ =	shalt  }
0x45: {  	_ =	shalt  }
0x46: {  	_ =	shalt  }
0x47: {  	_ =	shalt  }
0x48: {  	_ =	shalt  }
0x49: {  	_ =	shalt  }
0x4a: {  	_ =	shalt  }
0x4b: {  	_ =	shalt  }
0x4c: {  	_ =	shalt  }
0x4d: {  	_ =	shalt  }
0x4e: {  	_ =	shalt  }
0x4f: {  	_ =	shalt  }
0x50: {  	_ =	shalt  }
0x51: {  	_ =	shalt  }
0x52: {  	_ =	shalt  }
0x53: {  	_ =	shalt  }
0x54: {  	_ =	shalt  }
0x55: {  	_ =	shalt  }
0x56: {  	_ =	shalt  }
0x57: {  	_ =	shalt  }
0x58: {  	_ =	shalt  }
0x59: {  	_ =	shalt  }
0x5a: {  	_ =	shalt  }
0x5b: {  	_ =	shalt  }
0x5c: {  	_ =	shalt  }
0x5d: {  	_ =	shalt  }
0x5e: {  	_ =	shalt  }
0x5f: {  	_ =	shalt  }
0x60: {  	_ =	shalt  }
0x61: {  	_ =	shalt  }
0x62: {  	_ =	shalt  }
0x63: {  	_ =	shalt  }
0x64: {  	_ =	shalt  }
0x65: {  	_ =	shalt  }
0x66: {  	_ =	shalt  }
0x67: {  	_ =	shalt  }
0x68: {  	_ =	shalt  }
0x69: {  	_ =	shalt  }
0x6a: {  	_ =	shalt  }
0x6b: {  	_ =	shalt  }
0x6c: {  	_ =	shalt  }
0x6d: {  	_ =	shalt  }
0x6e: {  	_ =	shalt  }
0x6f: {  	_ =	shalt  }
0x70: {  	_ =	shalt  }
0x71: {  	_ =	shalt  }
0x72: {  	_ =	shalt  }
0x73: {  	_ =	shalt  }
0x74: {  	_ =	shalt  }
0x75: {  	_ =	shalt  }
0x76: {  	_ =	shalt  }
0x77: {  	_ =	shalt  }
0x78: {  	_ =	shalt  }
0x79: {  	_ =	shalt  }
0x7a: {  	_ =	shalt  }
0x7b: {  	_ =	shalt  }
0x7c: {  	_ =	shalt  }
0x7d: {  	_ =	shalt  }
0x7e: {  	_ =	shalt  }
0x7f: {  	_ =	shalt  }
0x80: {  	_ =	shalt  }
0x81: {  	_ =	shalt  }
0x82: {  	_ =	shalt  }
0x83: {  	_ =	shalt  }
0x84: {  	_ =	shalt  }
0x85: {  	_ =	shalt  }
0x86: {  	_ =	shalt  }
0x87: {  	_ =	shalt  }
.Lfunc_end0:
.L_simem_size_0:
called_computation.1_lowered:
.L_overlay_start_0:
0x88: {  	s2 =	sld [smem:$0x3FD9]  }
0x89: {  	s3 =	sld [smem:$0x3FFE];
	_ =	sdelay $0x1  }
0x8a: {  	s1 =	srdreg.scid  }
0x8b: {  	s0 =	sand.u32 $0x1, s1  }
0x8c: {  	s17 =	sshll.u32 s0, $0xA;
	s2 =	sadd.s32 s3, s2  }
0x8d: {  	s2 =	sadd.s32 s2, s17  }
0x8e: {  	[smem:$0x3FC6] =	sst s2  }
0x8f: {  	_ = 	snop  }
0x90: {  	s2 =	sld [smem:$0x3FC9]  }
0x91: {  	s18 =	sld [smem:$0x3FD0];
	(tm) =	ssettm $0x1  }
0x92: {  	s4 =	sld [smem:$0x3FFB];
	_ =	sdelay $0x3  }
0x93: {  	_ =	strace s4  }
0x94: {  	s4 =	sld [smem:$0x3FFC];
	_ =	sdelay $0x3  }
0x95: {  	_ =	strace s4  }
0x96: {  	s4 =	sld [smem:$0x3FFD];
	_ =	sdelay $0x3  }
0x97: {  	_ =	strace s4  }
0x98: {  	_ =	strace $0x8FFFFFFF  }
0x99: {  	s19 =	sld [smem:$0x3FDB];
	_ =	sdelay $0x1  }
0x9a: {  	s5 =	simm.s32 $_scs_section_size  }
0x9b: {  	s6 =	simm.s32 $_size__tile_overlayer_lowered;
	s7 =	simm.s32 $_tile_overlayer_lowered  }
0x9c: {  	s22 =	simm.s32 $0x1BFF;
	s21 =	sshll.u32 s7, $0x1;
	s4 =	sadd.s32 s5, s19  }
0x9d: {  	s8 =	simm.s32 $0x0;
	s20 =	sshll.u32 s6, $0x1;
	s6 =	sadd.s32 s21, s4  }
0x9e: {  	[timem:s8], [sflag:s22] =	dma.local [hbm:s6], s20  }
0x9f: {  	_ =	swait.ge [sflag:s22], s20  }
0xa0: {  	s5 =	ssub.s32 $0x0, s20;
	[sflag:s22] =	ssyncset.done $0x0  }
0xa1: {  	[sflag:s22] =	ssyncadd.s32 s5;
	_ =	sdelay $0x1  }
0xa2: {  	s23 =	simm.s32 $0x1B8B  }
0xa3: {  	_ =	swait.ge [sflag:s23], $0x1  }
0xa4: {  	[sflag:s23] =	ssyncset.done $0x0  }
0xa5: {  	s25 =	simm.s32 $0x1B8E;
	s24 =	sld [smem:$0x3FFE];
	[sflag:s23] =	ssyncadd.s32 $0xFFFFFFFF  }
0xa6: {  	s26 =	simm.s32 $execute0_lowered;
	[smem:$0x3FD2] =	sst s25  }
0xa7: {  	s6 =	sshll.u32 s26, $0x1;
	_ =	strace $0x80000049;
	[dreg:$0x1] =	wrdreg $0xFFFFFFFF  }
0xa8: {  	s28 =	simm.s32 $_size_execute0_lowered;
	s4 =	sadd.s32 s4, s6;
	[dreg:$0x0] =	wrdreg $0x0  }
0xa9: {  	s6 =	sshll.u32 s28, $0x1;
	[dreg:$0x2] =	wrdreg s4  }
0xaa: {  	[dreg:$0x3] =	wrdreg s6  }
0xab: {  	[dreg:$0x4] =	wrdreg $0xC0  }
0xac: {  	_ =	task [dreg:s8], $0x5FFFF  }
0xad: {  	[dreg:$0x1] =	wrdreg $0xFFFFFFFF  }
0xae: {  	[dreg:$0x0] =	wrdreg $0x60  }
0xaf: {  	[dreg:$0x2] =	wrdreg s2  }
0xb0: {  	[dreg:$0x3] =	wrdreg s24  }
0xb1: {  	[dreg:$0x4] =	wrdreg s18  }
0xb2: {  	[dreg:$0x5] =	wrdreg $0x9  }
0xb3: {  	_ =	task.clear_ibuf [dreg:s8], $0x6FFFF;
	_ =	strace $0x90000049  }
0xb4: {  	s29 =	simm.s32 $0x9;
	_ =	strace $0x8000004B  }
0xb5: {  	_ =	swait.ge [sflag:s29], $0x1  }
0xb6: {  	[sflag:s29] =	ssyncadd.s32 $0xFFFFFFFF  }
0xb7: {  	_ =	strace $0x9000004B  }
0xb8: {  	_ =	sfence  }
0xb9: {  	s30 =	sld [smem:$0x0];
	_ =	sdelay $0x2  }
0xba: {  	s31 =	sshll.u32 s1, $0xD;
	s1 =	sshrl.u32 s1, $0x2  }
0xbb: {  	s3 =	sand.u32 $0x4000, s31;
	s1 =	sadd.s32 s1, s30  }
0xbc: {  	s0 =	sor.u32 s3, s0;
	s1 =	sshll.u32 s1, $0x11  }
0xbd: {  	s0 =	sor.u32 s1, s0  }
0xbe: {  	s0 =	sadd.s32 $0x8F2B, s0  }
0xbf: {  	[sflag:s0] =	ssyncadd.remote.s32 $0x1  }
0xc0: {  	_ =	sfence.sel $0xFFFF  }
0xc1: {  	[dreg:$0x0] =	wrdreg $0xFFFFFFFF;
	(pc) =	sbr.abs _section_cstart, $3  }
0xc2: {  	[dreg:$0x1] =	wrdreg $0xFFFFFFFF  }
0xc3: {  	_ =	task.clear_ibuf [dreg:s8], $0x2FFFF;
	_ =	strace $0x9FFFFFFF  }
0xc4: {  	(tm) =	ssettm $0x7FFFFFFF  }
0xc5: {  	_ =	shalt  }
tec
execute0_lowered:
.L_overlay_start_1:
0x0: {  	(tag) =	ssettag $0x1  }
0x1: {  	s0 =	rddreg [dreg:$0x0];
	s1 =	srdreg.scid  }
0x2: {  	s2 =	stileid.u32;
	s4 =	rddreg [dreg:$0x1]  }
0x3: {  	s19 =	simm.s32 $0x1;
	s20 =	simm.s32 $0xA400;
	s31 =	simm.s32 $0x2  }
0x4: {  	s21 =	simm.s32 $0x3;
	s22 =	simm.s32 $0xC600;
	s18 =	simm.s32 $0x4  }
0x5: {  	s28 =	simm.s32 $0xE3C0;
	s29 =	simm.s32 $0xE448;
	s30 =	simm.s32 $0xE4D0  }
0x6: {  	s13 =	simm.s32 $0xE5E0;
	s14 =	simm.s32 $0xE668;
	s15 =	simm.s32 $0xE6F0  }
0x7: {  	s16 =	simm.s32 $0xE778;
	s12 =	simm.s32 $0x0;
	s1 =	sand.u32 $0x1, s1  }
0x8: {  	v0 =	vlaneseq.u32;
	s3 =	sshll.u32 s2, $0x1;
	s2 =	rddreg [dreg:$0x2];
	s4 =	sadd.s32 $0x3D1200, s4  }
0x9: {  	v1 =	vimm.s32 $0x0;
	vm0 =	vcmask $0x300;
	v0 =	vmul.u32 $0x88, v0;
	s5 =	sor.u32 s1, s3;
	s3 =	simm.s32 $0x0;
	s1 =	ssub.s32 $0x2, s1  }
0xa: {  	v1 =	vsel vm0, $0x3, v1;
	s8 =	sadd.s32 $0x2000, s2;
	s5 =	smul.u32 $0x6400, s5;
	[smem:$0x7FF] =	sst s3  }
0xb: {  	s9 =	sadd.s32 $0x3000, s2;
	s6 =	sshrl.u32 s1, $0x1;
	v2 =	vadd.s32 $0x880, v0;
	v3 =	vor.u32 $0x1, v0;
	v4 =	vadd.s32 $0x881, v0;
	_ =	strace $0x8000004A  }
0xc: {  	v5 =	vor.u32 $0x2, v0;
	v6 =	vadd.s32 $0x882, v0;
	v7 =	vor.u32 $0x3, v0;
	s1 =	ssub.s32 s1, s6;
	s7 =	sshrl.u32 s5, $0x3;
	s6 =	sshrl.u32 s5, $0x7  }
0xd: {  	v8 =	vadd.s32 $0x883, v0;
	v9 =	vor.u32 $0x4, v0;
	v10 =	vadd.s32 $0x884, v0;
	s26 =	smax.u32 s1, $0x1;
	s1 =	simm.s32 $0xB500;
	s5 =	simm.s32 $0xD700  }
0xe: {  	v11 =	vor.u32 $0x5, v0;
	v12 =	vadd.s32 $0x885, v0;
	v13 =	vor.u32 $0x6, v0;
	s0 =	sadd.s32 s0, s7;
	s7 =	sadd.s32 $0x1000, s2;
	[dreg:$0x5] =	wrdreg s26  }
0xf: {  	v14 =	vadd.s32 $0x886, v0;
	v15 =	vor.u32 $0x7, v0;
	v16 =	vadd.s32 $0x887, v0;
	s26 =	simm.s32 $0xE338;
	[dreg:$0x4] =	wrdreg s0;
	s0 =	simm.s32 $0xE558  }
.LBB2_1:
0x10: {  	[dreg:$0x6] =	wrdreg s12  }
0x11: {  	s10 =	rddreg [dreg:$0x4];
	s11 =	simm.s32 $0x9  }
0x12: {  	[tilespmem:s3], [sflag:$0x9] =	stream.linear.gather [hbm4b:s10+s3], $0x6400, $0x38;
	[tilespmem:$0xE800] =	vst v63  }
0x13: {  	_ =	swait.ge [sflag:s11], $0x6400  }
0x14: {  	[sflag:s11] =	ssyncset.done $0x0  }
0x15: {  	s10 =	simm.s32 $0x80;
	[sflag:s11] =	ssyncadd.s32 $0xFFFF9C00;
	s11 =	simm.s32 $0x6400  }
0x16: {  	[tilespmem:s11], [sflag:$0x1] =	stream.indirect.gather [hbm4b:s4+s10], $0x20, s3, s10, $0xb8;
	[tilespmem:$0xE800] =	vst v63  }
0x17: {  	s12 =	simm.s32 $0x7400  }
0x18: {  	[tilespmem:s12], [sflag:$0x2] =	stream.indirect.gather [hbm4b:s4+s10], $0x20, s10, s10, $0xb8;
	[tilespmem:$0xE800] =	vst v63  }
0x19: {  	s17 =	simm.s32 $0x100;
	s23 =	simm.s32 $0x8400  }
0x1a: {  	[tilespmem:s23], [sflag:$0x3] =	stream.indirect.gather [hbm4b:s4+s10], $0x20, s17, s10, $0xb8;
	[tilespmem:$0xE800] =	vst v63  }
0x1b: {  	s24 =	simm.s32 $0x180;
	s25 =	simm.s32 $0x9400;
	s17 =	simm.s32 $0x0  }
0x1c: {  	[tilespmem:s25], [sflag:$0x4] =	stream.indirect.gather [hbm4b:s4+s10], $0x20, s24, s10, $0xb8;
	[tilespmem:$0xE800] =	vst v63  }
.LBB2_2:
0x1d: {  	_ =	swait.ge [sflag:s19], $0x1000  }
0x1e: {  	p0 =	seq.s32 s17, $0x0;
	[sflag:s19] =	ssyncset.done $0x0  }
0x1f: {  	s10 =	simm.s32 @!p0 $0x5;
	[sflag:s19] =	ssyncadd.s32 $0xFFFFF000  }
0x20: {  	_ =	swait.ge @!p0 [sflag:s10], $0x400  }
0x21: {  	[sflag:s10] =	ssyncset.done @!p0 $0x0  }
0x22: {  	[sflag:s10] =	ssyncadd.s32 @!p0 $0xFFFFFC00  }
0x23: {  	_ =	swait.ge @!p0 [sflag:s10], $0x400  }
0x24: {  	s11 =	simm.s32 $0x0;
	[sflag:s10] =	ssyncset.done @!p0 $0x0  }
0x25: {  	s25 =	simm.s32 $0x1;
	s12 =	simm.s32 $0x2;
	[sflag:s10] =	ssyncadd.s32 @!p0 $0xFFFFFC00  }
0x26: {  	s23 =	simm.s32 $0x3;
	s24 =	simm.s32 $0x5;
	v17 =	vmov s11;
	v18 =	vmov s25;
	_ =	swait.ge @!p0 [sflag:s10], $0x400  }
0x27: {  	v19 =	vmov s12;
	v20 =	vmov s23;
	s23 =	simm.s32 $0x4;
	s25 =	simm.s32 $0x6;
	v22 =	vmov s24;
	[sflag:s10] =	ssyncset.done @!p0 $0x0  }
0x28: {  	s12 =	simm.s32 $0x7;
	v17 =	vshrl.u32 v17, $0x3;
	v21 =	vmov s23;
	v23 =	vmov s25;
	[sflag:s10] =	ssyncadd.s32 @!p0 $0xFFFFFC00  }
0x29: {  	v18 =	vshrl.u32 v18, $0x3;
	v24 =	vmov s12;
	v19 =	vshrl.u32 v19, $0x3;
	_ =	swait.ge @!p0 [sflag:s10], $0x400  }
0x2a: {  	v20 =	vshrl.u32 v20, $0x3;
	v22 =	vshrl.u32 v22, $0x3;
	v24 =	vshrl.u32 v24, $0x3;
	[sflag:s10] =	ssyncset.done @!p0 $0x0  }
0x2b: {  	s11 =	simm.s32 $0x6480;
	v17 =	vshll.u32 v17, v1;
	v21 =	vshrl.u32 v21, $0x3;
	v24 =	vshll.u32 v24, v1;
	[sflag:s10] =	ssyncadd.s32 @!p0 $0xFFFFFC00  }
0x2c: {  	v23 =	vshrl.u32 v23, $0x3;
	v18 =	vshll.u32 v18, v1;
	v24 =	vbroadcast v24, $0x0;
	v25 =	vld [tilespmem:s11+$0x60]  }
0x2d: {  	v19 =	vshll.u32 v19, v1;
	v20 =	vshll.u32 v20, v1;
	v17 =	vbroadcast v17, $0x0;
	v26 =	vld [tilespmem:s11+$0xFFFFFF80]  }
0x2e: {  	v22 =	vshll.u32 v22, v1;
	v18 =	vbroadcast v18, $0x0;
	v28 =	vadd.s32 v15, v24;
	v27 =	vld [tilespmem:s11+$0xFFFFFFA0]  }
0x2f: {  	v21 =	vshll.u32 v21, v1;
	v19 =	vbroadcast v19, $0x0;
	v29 =	vadd.s32 v0, v17;
	v30 =	vld [tilespmem:s11+$0xFFFFFFC0]  }
0x30: {  	v33 =	vbroadcast v20, $0x0;
	v20 =	vshll.u32 v23, v1;
	v31 =	vadd.s32 v3, v18;
	v32 =	vld [tilespmem:s11+$0xFFFFFFE0]  }
0x31: {  	v21 =	vbroadcast v21, $0x0;
	v23 =	vadd.s32 v5, v19;
	v34 =	vld [tilespmem:s11+$0x0];
	v25 =	vmul.f32 $5.656854150e+00, v25  }
0x32: {  	v37 =	vbroadcast v22, $0x0;
	v35 =	vadd.s32 v7, v33;
	v36 =	vld [tilespmem:s11+$0x20];
	v26 =	vmul.f32 $5.656854150e+00, v26  }
0x33: {  	v39 =	vbroadcast v20, $0x0;
	v38 =	vld [tilespmem:s11+$0x40];
	v22 =	vmul.f32 $5.656854150e+00, v27;
	v27 =	vadd.s32 v9, v21;
	[tilespmem:v28+s20+$0x0] =	vst.idx.msk $0xffff, v25  }
0x34: {  	v20 =	vmul.f32 $5.656854150e+00, v30;
	[tilespmem:v29+s20+$0x0] =	vst.idx.msk $0xffff, v26;
	v25 =	vadd.s32 v11, v37;
	v26 =	vld [tilespmem:s11+$0x70]  }
0x35: {  	s24 =	simm.s32 $0x9;
	[tilespmem:v31+s20+$0x0] =	vst.idx.msk $0xffff, v22;
	v22 =	vmul.f32 $5.656854150e+00, v32;
	v29 =	vadd.s32 v13, v39;
	v28 =	vld [tilespmem:s11+$0xFFFFFF90]  }
0x36: {  	v61 =	vmov s24;
	v24 =	vadd.s32 v16, v24;
	[tilespmem:v23+s20+$0x0] =	vst.idx.msk $0xffff, v20;
	v20 =	vmul.f32 $5.656854150e+00, v34;
	v31 =	vld [tilespmem:s11+$0xFFFFFFB0]  }
0x37: {  	s23 =	simm.s32 $0x8;
	v59 =	vadd.s32 v2, v17;
	v62 =	vadd.s32 v4, v18;
	v17 =	vmul.f32 $5.656854150e+00, v36;
	v60 =	vld [tilespmem:s11+$0xFFFFFFD0];
	[tilespmem:v35+s20+$0x0] =	vst.idx.msk $0xffff, v22  }
0x38: {  	v63 =	vadd.s32 v6, v19;
	v30 =	vmov s23;
	v18 =	vmul.f32 $5.656854150e+00, v38;
	s23 =	simm.s32 $0xC;
	v40 =	vld [tilespmem:s11+$0xFFFFFFF0];
	[tilespmem:v27+s20+$0x0] =	vst.idx.msk $0xffff, v20  }
0x39: {  	v30 =	vshrl.u32 v30, $0x3;
	v23 =	vmov s23;
	v41 =	vld [tilespmem:s11+$0x10];
	[tilespmem:v25+s20+$0x0] =	vst.idx.msk $0xffff, v17;
	v19 =	vmul.f32 $5.656854150e+00, v26  }
0x3a: {  	s12 =	simm.s32 $0xB;
	v30 =	vshll.u32 v30, v1;
	v17 =	vadd.s32 v8, v33;
	[tilespmem:v29+s20+$0x0] =	vst.idx.msk $0xffff, v18;
	v25 =	vmul.f32 $5.656854150e+00, v28;
	v27 =	vld [tilespmem:s11+$0x30]  }
0x3b: {  	s25 =	simm.s32 $0xA;
	v22 =	vmov s12;
	v18 =	vadd.s32 v10, v21;
	v26 =	vmul.f32 $5.656854150e+00, v31;
	v29 =	vld [tilespmem:s11+$0x50];
	[tilespmem:v24+s20+$0x0] =	vst.idx.msk $0xffff, v19  }
0x3c: {  	s24 =	simm.s32 $0xD;
	v20 =	vmov s25;
	v21 =	vadd.s32 v12, v37;
	v31 =	vmul.f32 $5.656854150e+00, v60;
	[tilespmem:v59+s20+$0x0] =	vst.idx.msk $0xffff, v25  }
0x3d: {  	s25 =	simm.s32 $0xE;
	v24 =	vmov s24;
	[tilespmem:v62+s20+$0x0] =	vst.idx.msk $0xffff, v26;
	v28 =	vmul.f32 $5.656854150e+00, v40;
	v19 =	vadd.s32 v14, v39  }
0x3e: {  	s10 =	sshll.u32 s17, $0x2;
	s23 =	simm.s32 $0xF;
	s12 =	simm.s32 $0x10;
	v25 =	vmov s25;
	v26 =	vshrl.u32 v61, $0x3;
	[tilespmem:v63+s20+$0x0] =	vst.idx.msk $0xffff, v31;
	v31 =	vmul.f32 $5.656854150e+00, v41  }
.LBB2_3:
0x3f: {  	p1 =	slt.u32 s12, $0x78;
	v20 =	vshrl.u32 v20, $0x3;
	v32 =	vmov s23;
	[tilespmem:v17+s20+$0x0] =	vst.idx.msk $0xffff, v28;
	v17 =	vmul.f32 $5.656854150e+00, v27  }
0x40: {  	v22 =	vshrl.u32 v22, $0x3;
	v27 =	vshrl.u32 v32, $0x3;
	[tilespmem:v18+s20+$0x0] =	vst.idx.msk $0xffff, v31;
	v18 =	vmul.f32 $5.656854150e+00, v29  }
0x41: {  	v23 =	vshrl.u32 v23, $0x3;
	v24 =	vshrl.u32 v24, $0x3;
	s11 =	sadd.s32 $0x100, s11;
	v27 =	vshll.u32 v27, v1;
	[tilespmem:v21+s20+$0x0] =	vst.idx.msk $0xffff, v17  }
0x42: {  	v17 =	vbroadcast v30, $0x0;
	v21 =	vshrl.u32 v25, $0x3;
	v25 =	vld [tilespmem:s11+$0x60];
	v27 =	vbroadcast v27, $0x0;
	[tilespmem:v19+s20+$0x0] =	vst.idx.msk $0xffff, v18  }
0x43: {  	v20 =	vshll.u32 v20, v1;
	v22 =	vshll.u32 v22, v1;
	v19 =	vshll.u32 v26, v1;
	v18 =	vld [tilespmem:s11+$0xFFFFFF80]  }
0x44: {  	v23 =	vshll.u32 v23, v1;
	v19 =	vbroadcast v19, $0x0;
	v26 =	vld [tilespmem:s11+$0xFFFFFFA0];
	v28 =	vadd.s32 v15, v27  }
0x45: {  	v31 =	vbroadcast v20, $0x0;
	v20 =	vshll.u32 v24, v1;
	v29 =	vadd.s32 v0, v17;
	v30 =	vld [tilespmem:s11+$0xFFFFFFC0]  }
0x46: {  	v33 =	vbroadcast v22, $0x0;
	v21 =	vshll.u32 v21, v1;
	v24 =	vadd.s32 v3, v19;
	v32 =	vld [tilespmem:s11+$0xFFFFFFE0]  }
0x47: {  	v35 =	vbroadcast v23, $0x0;
	v22 =	vadd.s32 v5, v31;
	v34 =	vld [tilespmem:s11+$0x0];
	v23 =	vmul.f32 $5.656854150e+00, v25  }
0x48: {  	v37 =	vbroadcast v20, $0x0;
	v25 =	vadd.s32 v7, v33;
	v18 =	vmul.f32 $5.656854150e+00, v18;
	v36 =	vld [tilespmem:s11+$0x20]  }
0x49: {  	v39 =	vbroadcast v21, $0x0;
	v20 =	vmul.f32 $5.656854150e+00, v26;
	v26 =	vadd.s32 v9, v35;
	v38 =	vld [tilespmem:s11+$0x40];
	[tilespmem:v28+s20+$0x0] =	vst.idx.msk $0xffff, v23  }
0x4a: {  	v21 =	vadd.s32 v11, v37;
	[tilespmem:v29+s20+$0x0] =	vst.idx.msk $0xffff, v18;
	v18 =	vmul.f32 $5.656854150e+00, v30;
	v23 =	vld [tilespmem:s11+$0x70]  }
0x4b: {  	v28 =	vld [tilespmem:s11+$0xFFFFFF90];
	[tilespmem:v24+s20+$0x0] =	vst.idx.msk $0xffff, v20;
	v20 =	vmul.f32 $5.656854150e+00, v32;
	v24 =	vadd.s32 v13, v39  }
0x4c: {  	v29 =	vmov s12;
	v32 =	vadd.s32 v16, v27;
	v30 =	vld [tilespmem:s11+$0xFFFFFFB0];
	[tilespmem:v22+s20+$0x0] =	vst.idx.msk $0xffff, v18;
	v18 =	vmul.f32 $5.656854150e+00, v34  }
0x4d: {  	s23 =	sadd.s32 $0x1, s12;
	v40 =	vadd.s32 v2, v17;
	v34 =	vshrl.u32 v29, $0x3;
	v41 =	vld [tilespmem:s11+$0xFFFFFFD0];
	[tilespmem:v25+s20+$0x0] =	vst.idx.msk $0xffff, v20;
	v17 =	vmul.f32 $5.656854150e+00, v36  }
0x4e: {  	v19 =	vadd.s32 v4, v19;
	v36 =	vmov s23;
	s23 =	sadd.s32 $0x2, s12;
	v42 =	vld [tilespmem:s11+$0xFFFFFFF0];
	[tilespmem:v26+s20+$0x0] =	vst.idx.msk $0xffff, v18;
	v18 =	vmul.f32 $5.656854150e+00, v38  }
0x4f: {  	v31 =	vadd.s32 v6, v31;
	v20 =	vmov s23;
	s23 =	sadd.s32 $0x3, s12;
	v38 =	vld [tilespmem:s11+$0x10];
	[tilespmem:v21+s20+$0x0] =	vst.idx.msk $0xffff, v17;
	v21 =	vmul.f32 $5.656854150e+00, v23  }
.Ltmp0:
0x50: {  	v22 =	vmov s23;
	s23 =	sadd.s32 $0x4, s12;
	v17 =	vadd.s32 v8, v33;
	v25 =	vmul.f32 $5.656854150e+00, v28;
	v27 =	vld [tilespmem:s11+$0x30];
	[tilespmem:v24+s20+$0x0] =	vst.idx.msk $0xffff, v18;
	(pc) =	sbr.rel @p1 .LBB2_3-.Ltmp0, $4  }
0x51: {  	v23 =	vmov s23;
	s23 =	sadd.s32 $0x5, s12;
	v18 =	vadd.s32 v10, v35;
	v26 =	vmul.f32 $5.656854150e+00, v30;
	v29 =	vld [tilespmem:s11+$0x50];
	[tilespmem:v32+s20+$0x0] =	vst.idx.msk $0xffff, v21  }
0x52: {  	v24 =	vmov s23;
	s23 =	sadd.s32 $0x6, s12;
	v21 =	vadd.s32 v12, v37;
	[tilespmem:v40+s20+$0x0] =	vst.idx.msk $0xffff, v25;
	v32 =	vmul.f32 $5.656854150e+00, v41  }
0x53: {  	v25 =	vmov s23;
	[tilespmem:v19+s20+$0x0] =	vst.idx.msk $0xffff, v26;
	v28 =	vmul.f32 $5.656854150e+00, v42;
	v19 =	vadd.s32 v14, v39  }
0x54: {  	v30 =	vshll.u32 v34, v1;
	s23 =	sadd.s32 $0x7, s12;
	s12 =	sadd.s32 $0x8, s12;
	v26 =	vshrl.u32 v36, $0x3;
	[tilespmem:v31+s20+$0x0] =	vst.idx.msk $0xffff, v32;
	v31 =	vmul.f32 $5.656854150e+00, v38  }
0x55: {  	v20 =	vshrl.u32 v20, $0x3;
	v32 =	vmov s23;
	v27 =	vmul.f32 $5.656854150e+00, v27  }
0x56: {  	v22 =	vshrl.u32 v22, $0x3;
	v23 =	vshrl.u32 v23, $0x3;
	v24 =	vshrl.u32 v24, $0x3  }
0x57: {  	s11 =	sadd.s32 $0x100, s11;
	v30 =	vbroadcast v30, $0x0;
	v25 =	vshrl.u32 v25, $0x3;
	v32 =	vshrl.u32 v32, $0x3  }
0x58: {  	v26 =	vshll.u32 v26, v1;
	v29 =	vmul.f32 $5.656854150e+00, v29;
	v34 =	vld [tilespmem:s11+$0xFFFFFF80];
	v32 =	vshll.u32 v32, v1  }
0x59: {  	v33 =	vld [tilespmem:s11+$0x60];
	v20 =	vshll.u32 v20, v1;
	v22 =	vshll.u32 v22, v1;
	v32 =	vbroadcast v32, $0x0  }
0x5a: {  	[tilespmem:v17+s20+$0x0] =	vst.idx.msk $0xffff, v28;
	v35 =	vld [tilespmem:s11+$0xFFFFFFA0];
	v26 =	vbroadcast v26, $0x0;
	v23 =	vshll.u32 v23, v1;
	v17 =	vadd.s32 v0, v30  }
0x5b: {  	v28 =	vld [tilespmem:s11+$0xFFFFFFC0];
	v24 =	vshll.u32 v24, v1;
	[tilespmem:v18+s20+$0x0] =	vst.idx.msk $0xffff, v31;
	v20 =	vbroadcast v20, $0x0;
	v36 =	vadd.s32 v15, v32  }
0x5c: {  	v31 =	vld [tilespmem:s11+$0xFFFFFFE0];
	v25 =	vshll.u32 v25, v1;
	v22 =	vbroadcast v22, $0x0;
	[tilespmem:v21+s20+$0x0] =	vst.idx.msk $0xffff, v27;
	v18 =	vadd.s32 v3, v26  }
0x5d: {  	v27 =	vld [tilespmem:s11+$0x0];
	v23 =	vbroadcast v23, $0x0;
	[tilespmem:v19+s20+$0x0] =	vst.idx.msk $0xffff, v29;
	v21 =	vadd.s32 v5, v20;
	v19 =	vmul.f32 $5.656854150e+00, v34  }
0x5e: {  	v49 =	vld [tilespmem:s11+$0x20];
	v24 =	vbroadcast v24, $0x0;
	v29 =	vadd.s32 v7, v22;
	v33 =	vmul.f32 $5.656854150e+00, v33  }
0x5f: {  	v38 =	vld [tilespmem:s11+$0x40];
	v25 =	vbroadcast v25, $0x0;
	v37 =	vadd.s32 v9, v23;
	v35 =	vmul.f32 $5.656854150e+00, v35;
	[tilespmem:v17+s20+$0x0] =	vst.idx.msk $0xffff, v19  }
0x60: {  	v17 =	vmul.f32 $5.656854150e+00, v28;
	v19 =	vadd.s32 v11, v24;
	v50 =	vld [tilespmem:s11+$0xFFFFFF90];
	[tilespmem:v36+s20+$0x0] =	vst.idx.msk $0xffff, v33  }
0x61: {  	[tilespmem:v18+s20+$0x0] =	vst.idx.msk $0xffff, v35;
	v18 =	vmul.f32 $5.656854150e+00, v31;
	v31 =	vadd.s32 v13, v25;
	v28 =	vld [tilespmem:s11+$0x70]  }
0x62: {  	v35 =	vld [tilespmem:s11+$0xFFFFFFB0];
	[tilespmem:v21+s20+$0x0] =	vst.idx.msk $0xffff, v17;
	v17 =	vmul.f32 $5.656854150e+00, v27;
	v27 =	vadd.s32 v2, v30  }
0x63: {  	v21 =	vadd.s32 v16, v32;
	[tilespmem:v29+s20+$0x0] =	vst.idx.msk $0xffff, v18;
	v18 =	vmul.f32 $5.656854150e+00, v49;
	v30 =	vld [tilespmem:s11+$0xFFFFFFD0]  }
0x64: {  	v26 =	vadd.s32 v4, v26;
	v29 =	vld [tilespmem:s11+$0xFFFFFFF0];
	[tilespmem:v37+s20+$0x0] =	vst.idx.msk $0xffff, v17;
	v17 =	vmul.f32 $5.656854150e+00, v38  }
0x65: {  	v20 =	vadd.s32 v6, v20;
	v51 =	vld [tilespmem:s11+$0x10];
	[tilespmem:v19+s20+$0x0] =	vst.idx.msk $0xffff, v18;
	v19 =	vmul.f32 $5.656854150e+00, v50  }
0x66: {  	v22 =	vadd.s32 v8, v22;
	[tilespmem:v31+s20+$0x0] =	vst.idx.msk $0xffff, v17;
	v18 =	vmul.f32 $5.656854150e+00, v28;
	v28 =	vld [tilespmem:s11+$0x30]  }
0x67: {  	v23 =	vadd.s32 v10, v23;
	v17 =	vmul.f32 $5.656854150e+00, v35;
	v31 =	vld [tilespmem:s11+$0x50];
	[tilespmem:v27+s20+$0x0] =	vst.idx.msk $0xffff, v19  }
0x68: {  	v19 =	vadd.s32 v12, v24;
	[tilespmem:v21+s20+$0x0] =	vst.idx.msk $0xffff, v18;
	v18 =	vmul.f32 $5.656854150e+00, v30  }
0x69: {  	[tilespmem:v26+s20+$0x0] =	vst.idx.msk $0xffff, v17;
	v17 =	vmul.f32 $5.656854150e+00, v29;
	v21 =	vadd.s32 v14, v25  }
0x6a: {  	[tilespmem:v20+s20+$0x0] =	vst.idx.msk $0xffff, v18;
	v18 =	vmul.f32 $5.656854150e+00, v51  }
0x6b: {  	p1 =	seq.s32 s17, $0x31;
	[tilespmem:v22+s20+$0x0] =	vst.idx.msk $0xffff, v17;
	v17 =	vmul.f32 $5.656854150e+00, v28  }
0x6c: {  	s11 =	sshll.u32 @!p1 s17, $0x9;
	[tilespmem:v23+s20+$0x0] =	vst.idx.msk $0xffff, v18;
	v18 =	vmul.f32 $5.656854150e+00, v31  }
0x6d: {  	s11 =	sand.u32 @!p1 $0x3FFFFE00, s11;
	[tilespmem:v19+s20+$0x0] =	vst.idx.msk $0xffff, v17  }
0x6e: {  	s23 =	simm.s32 @!p1 $0x80;
	s24 =	simm.s32 @!p1 $0x6400;
	s12 =	sadd.s32 @!p1 $0x200, s11;
	[tilespmem:v21+s20+$0x0] =	vst.idx.msk $0xffff, v18  }
0x6f: {  	[tilespmem:s24], [sflag:$0x1] =	stream.indirect.gather @!p1 [hbm4b:s4+s23], $0x20, s12, s23, $0xb8;
	[tilespmem:$0xE800] =	vst v63  }
0x70: {  	s12 =	sadd.s32 s6, s10  }
0x71: {  	s24 =	sshll.u32 s12, $0x9;
	s25 =	sshll.u32 s12, $0xE  }
0x72: {  	s12 =	sshll.u32 s12, $0x4;
	s23 =	sand.u32 $0xFFE0000, s24;
	s24 =	sand.u32 $0x10000, s25  }
0x73: {  	s12 =	sand.u32 $0xF80, s12;
	s23 =	sor.u32 s24, s23  }
0x74: {  	s12 =	sor.u32 s12, s23  }
0x75: {  	s23 =	sadd.s32 s2, s12  }
0x76: {  	[hbm4b:s23+s3] =	stream.linear.scatter [tilespmem:s20], [sflag:$0x5], $0x80, $0x38;
	[tilespmem:$0xE800] =	vst v63  }
0x77: {  	s25 =	simm.s32 $0xA488;
	s24 =	sadd.s32 $0x10, s23  }
0x78: {  	[hbm4b:s24+s3] =	stream.linear.scatter [tilespmem:s25], [sflag:$0x5], $0x80, $0x38;
	[tilespmem:$0xE800] =	vst v63  }
0x79: {  	s24 =	sadd.s32 $0x20, s23;
	s25 =	simm.s32 $0xA510  }
0x7a: {  	[hbm4b:s24+s3] =	stream.linear.scatter [tilespmem:s25], [sflag:$0x5], $0x80, $0x38;
	[tilespmem:$0xE800] =	vst v63  }
0x7b: {  	s24 =	sadd.s32 $0x30, s23;
	s25 =	simm.s32 $0xA598  }
0x7c: {  	[hbm4b:s24+s3] =	stream.linear.scatter [tilespmem:s25], [sflag:$0x5], $0x80, $0x38;
	[tilespmem:$0xE800] =	vst v63  }
0x7d: {  	s24 =	sadd.s32 $0x40, s23;
	s25 =	simm.s32 $0xA620  }
0x7e: {  	[hbm4b:s24+s3] =	stream.linear.scatter [tilespmem:s25], [sflag:$0x5], $0x80, $0x38;
	[tilespmem:$0xE800] =	vst v63  }
0x7f: {  	s24 =	sadd.s32 $0x50, s23;
	s25 =	simm.s32 $0xA6A8  }
0x80: {  	[hbm4b:s24+s3] =	stream.linear.scatter [tilespmem:s25], [sflag:$0x5], $0x80, $0x38;
	[tilespmem:$0xE800] =	vst v63  }
0x81: {  	s24 =	sadd.s32 $0x60, s23;
	s25 =	simm.s32 $0xA730  }
0x82: {  	[hbm4b:s24+s3] =	stream.linear.scatter [tilespmem:s25], [sflag:$0x5], $0x80, $0x38;
	[tilespmem:$0xE800] =	vst v63  }
0x83: {  	s23 =	sadd.s32 $0x70, s23;
	s25 =	simm.s32 $0xA7B8  }
0x84: {  	[hbm4b:s23+s3] =	stream.linear.scatter [tilespmem:s25], [sflag:$0x5], $0x80, $0x38;
	[tilespmem:$0xE800] =	vst v63  }
0x85: {  	s23 =	sadd.s32 s12, s7;
	s25 =	simm.s32 $0xA840  }
0x86: {  	[hbm4b:s23+s3] =	stream.linear.scatter [tilespmem:s25], [sflag:$0x5], $0x80, $0x38;
	[tilespmem:$0xE800] =	vst v63  }
0x87: {  	s24 =	sadd.s32 $0x10, s23;
	s25 =	simm.s32 $0xA8C8  }
0x88: {  	[hbm4b:s24+s3] =	stream.linear.scatter [tilespmem:s25], [sflag:$0x5], $0x80, $0x38;
	[tilespmem:$0xE800] =	vst v63  }
0x89: {  	s24 =	sadd.s32 $0x20, s23;
	s25 =	simm.s32 $0xA950  }
0x8a: {  	[hbm4b:s24+s3] =	stream.linear.scatter [tilespmem:s25], [sflag:$0x5], $0x80, $0x38;
	[tilespmem:$0xE800] =	vst v63  }
0x8b: {  	s24 =	sadd.s32 $0x30, s23;
	s25 =	simm.s32 $0xA9D8  }
0x8c: {  	[hbm4b:s24+s3] =	stream.linear.scatter [tilespmem:s25], [sflag:$0x5], $0x80, $0x38;
	[tilespmem:$0xE800] =	vst v63  }
0x8d: {  	s24 =	sadd.s32 $0x40, s23;
	s25 =	simm.s32 $0xAA60  }
0x8e: {  	[hbm4b:s24+s3] =	stream.linear.scatter [tilespmem:s25], [sflag:$0x5], $0x80, $0x38;
	[tilespmem:$0xE800] =	vst v63  }
0x8f: {  	s24 =	sadd.s32 $0x50, s23;
	s25 =	simm.s32 $0xAAE8  }
0x90: {  	[hbm4b:s24+s3] =	stream.linear.scatter [tilespmem:s25], [sflag:$0x5], $0x80, $0x38;
	[tilespmem:$0xE800] =	vst v63  }
0x91: {  	s24 =	sadd.s32 $0x60, s23;
	s25 =	simm.s32 $0xAB70  }
0x92: {  	[hbm4b:s24+s3] =	stream.linear.scatter [tilespmem:s25], [sflag:$0x5], $0x80, $0x38;
	[tilespmem:$0xE800] =	vst v63  }
0x93: {  	s23 =	sadd.s32 $0x70, s23;
	s25 =	simm.s32 $0xABF8  }
0x94: {  	[hbm4b:s23+s3] =	stream.linear.scatter [tilespmem:s25], [sflag:$0x5], $0x80, $0x38;
	[tilespmem:$0xE800] =	vst v63  }
0x95: {  	s23 =	sadd.s32 s12, s8;
	s25 =	simm.s32 $0xAC80  }
0x96: {  	[hbm4b:s23+s3] =	stream.linear.scatter [tilespmem:s25], [sflag:$0x5], $0x80, $0x38;
	[tilespmem:$0xE800] =	vst v63  }
0x97: {  	s24 =	sadd.s32 $0x10, s23;
	s25 =	simm.s32 $0xAD08  }
0x98: {  	[hbm4b:s24+s3] =	stream.linear.scatter [tilespmem:s25], [sflag:$0x5], $0x80, $0x38;
	[tilespmem:$0xE800] =	vst v63  }
0x99: {  	s24 =	sadd.s32 $0x20, s23;
	s25 =	simm.s32 $0xAD90  }
0x9a: {  	[hbm4b:s24+s3] =	stream.linear.scatter [tilespmem:s25], [sflag:$0x5], $0x80, $0x38;
	[tilespmem:$0xE800] =	vst v63  }
0x9b: {  	s24 =	sadd.s32 $0x30, s23;
	s25 =	simm.s32 $0xAE18  }
0x9c: {  	[hbm4b:s24+s3] =	stream.linear.scatter [tilespmem:s25], [sflag:$0x5], $0x80, $0x38;
	[tilespmem:$0xE800] =	vst v63  }
0x9d: {  	s24 =	sadd.s32 $0x40, s23;
	s25 =	simm.s32 $0xAEA0  }
0x9e: {  	[hbm4b:s24+s3] =	stream.linear.scatter [tilespmem:s25], [sflag:$0x5], $0x80, $0x38;
	[tilespmem:$0xE800] =	vst v63  }
0x9f: {  	s24 =	sadd.s32 $0x50, s23;
	s25 =	simm.s32 $0xAF28  }
0xa0: {  	[hbm4b:s24+s3] =	stream.linear.scatter [tilespmem:s25], [sflag:$0x5], $0x80, $0x38;
	[tilespmem:$0xE800] =	vst v63  }
0xa1: {  	s24 =	sadd.s32 $0x60, s23;
	s25 =	simm.s32 $0xAFB0  }
0xa2: {  	[hbm4b:s24+s3] =	stream.linear.scatter [tilespmem:s25], [sflag:$0x5], $0x80, $0x38;
	[tilespmem:$0xE800] =	vst v63  }
0xa3: {  	s23 =	sadd.s32 $0x70, s23;
	s25 =	simm.s32 $0xB038  }
0xa4: {  	[hbm4b:s23+s3] =	stream.linear.scatter [tilespmem:s25], [sflag:$0x5], $0x80, $0x38;
	[tilespmem:$0xE800] =	vst v63  }
0xa5: {  	s12 =	sadd.s32 s12, s9;
	s25 =	simm.s32 $0xB0C0  }
0xa6: {  	[hbm4b:s12+s3] =	stream.linear.scatter [tilespmem:s25], [sflag:$0x5], $0x80, $0x38;
	[tilespmem:$0xE800] =	vst v63  }
0xa7: {  	s24 =	sadd.s32 $0x10, s12;
	s25 =	simm.s32 $0xB148  }
0xa8: {  	[hbm4b:s24+s3] =	stream.linear.scatter [tilespmem:s25], [sflag:$0x5], $0x80, $0x38;
	[tilespmem:$0xE800] =	vst v63  }
0xa9: {  	s24 =	sadd.s32 $0x20, s12;
	s25 =	simm.s32 $0xB1D0  }
0xaa: {  	[hbm4b:s24+s3] =	stream.linear.scatter [tilespmem:s25], [sflag:$0x5], $0x80, $0x38;
	[tilespmem:$0xE800] =	vst v63  }
0xab: {  	s24 =	sadd.s32 $0x30, s12;
	s25 =	simm.s32 $0xB258  }
0xac: {  	[hbm4b:s24+s3] =	stream.linear.scatter [tilespmem:s25], [sflag:$0x5], $0x80, $0x38;
	[tilespmem:$0xE800] =	vst v63  }
0xad: {  	s24 =	sadd.s32 $0x40, s12;
	s25 =	simm.s32 $0xB2E0  }
0xae: {  	[hbm4b:s24+s3] =	stream.linear.scatter [tilespmem:s25], [sflag:$0x5], $0x80, $0x38;
	[tilespmem:$0xE800] =	vst v63  }
0xaf: {  	s24 =	sadd.s32 $0x50, s12;
	s25 =	simm.s32 $0xB368  }
0xb0: {  	[hbm4b:s24+s3] =	stream.linear.scatter [tilespmem:s25], [sflag:$0x5], $0x80, $0x38;
	[tilespmem:$0xE800] =	vst v63  }
0xb1: {  	s24 =	sadd.s32 $0x60, s12;
	s25 =	simm.s32 $0xB3F0  }
0xb2: {  	[hbm4b:s24+s3] =	stream.linear.scatter [tilespmem:s25], [sflag:$0x5], $0x80, $0x38;
	[tilespmem:$0xE800] =	vst v63  }
0xb3: {  	s12 =	sadd.s32 $0x70, s12;
	s24 =	simm.s32 $0xB478  }
0xb4: {  	[hbm4b:s12+s3] =	stream.linear.scatter [tilespmem:s24], [sflag:$0x5], $0x80, $0x38;
	[tilespmem:$0xE800] =	vst v63  }
0xb5: {  	_ =	swait.ge [sflag:s31], $0x1000  }
0xb6: {  	[sflag:s31] =	ssyncset.done $0x0  }
0xb7: {  	s12 =	simm.s32 @!p0 $0x6;
	[sflag:s31] =	ssyncadd.s32 $0xFFFFF000  }
0xb8: {  	_ =	swait.ge @!p0 [sflag:s12], $0x400  }
0xb9: {  	[sflag:s12] =	ssyncset.done @!p0 $0x0  }
0xba: {  	[sflag:s12] =	ssyncadd.s32 @!p0 $0xFFFFFC00  }
0xbb: {  	_ =	swait.ge @!p0 [sflag:s12], $0x400  }
0xbc: {  	s23 =	simm.s32 $0x1;
	[sflag:s12] =	ssyncset.done @!p0 $0x0  }
0xbd: {  	v18 =	vmov s23;
	s23 =	simm.s32 $0x4;
	[sflag:s12] =	ssyncadd.s32 @!p0 $0xFFFFFC00  }
0xbe: {  	v21 =	vmov s23;
	v18 =	vshrl.u32 v18, $0x3;
	s24 =	simm.s32 $0x2;
	_ =	swait.ge @!p0 [sflag:s12], $0x400  }
0xbf: {  	v21 =	vshrl.u32 v21, $0x3;
	v18 =	vshll.u32 v18, v1;
	v19 =	vmov s24;
	s24 =	simm.s32 $0x5;
	[sflag:s12] =	ssyncset.done @!p0 $0x0  }
0xc0: {  	v18 =	vbroadcast v18, $0x0;
	v21 =	vshll.u32 v21, v1;
	v22 =	vmov s24;
	s24 =	simm.s32 $0x7;
	[sflag:s12] =	ssyncadd.s32 @!p0 $0xFFFFFC00  }
0xc1: {  	v21 =	vbroadcast v21, $0x0;
	s25 =	simm.s32 $0x0;
	v24 =	vmov s24;
	_ =	swait.ge @!p0 [sflag:s12], $0x400  }
0xc2: {  	v31 =	vadd.s32 v3, v18;
	v17 =	vmov s25;
	s25 =	simm.s32 $0x3;
	v24 =	vshrl.u32 v24, $0x3;
	[sflag:s12] =	ssyncset.done @!p0 $0x0  }
0xc3: {  	s23 =	simm.s32 $0x74F0;
	v17 =	vshrl.u32 v17, $0x3;
	v20 =	vmov s25;
	s25 =	simm.s32 $0x6;
	v24 =	vshll.u32 v24, v1;
	[sflag:s12] =	ssyncadd.s32 @!p0 $0xFFFFFC00  }
0xc4: {  	v23 =	vmov s25;
	v17 =	vshll.u32 v17, v1;
	v24 =	vbroadcast v24, $0x0;
	v25 =	vld [tilespmem:s23+$0xFFFFFFF0]  }
0xc5: {  	v20 =	vshrl.u32 v20, $0x3;
	v19 =	vshrl.u32 v19, $0x3;
	v17 =	vbroadcast v17, $0x0;
	v26 =	vld [tilespmem:s23+$0xFFFFFF10]  }
0xc6: {  	v23 =	vshrl.u32 v23, $0x3;
	v19 =	vshll.u32 v19, v1;
	v28 =	vadd.s32 v15, v24;
	v27 =	vld [tilespmem:s23+$0xFFFFFF30]  }
0xc7: {  	v20 =	vshll.u32 v20, v1;
	v29 =	vadd.s32 v0, v17;
	v19 =	vbroadcast v19, $0x0;
	v30 =	vld [tilespmem:s23+$0xFFFFFF50]  }
0xc8: {  	v22 =	vshrl.u32 v22, $0x3;
	v53 =	vbroadcast v20, $0x0;
	v20 =	vshll.u32 v23, v1;
	v52 =	vld [tilespmem:s23+$0xFFFFFF70]  }
0xc9: {  	v22 =	vshll.u32 v22, v1;
	v23 =	vadd.s32 v5, v19;
	v54 =	vld [tilespmem:s23+$0xFFFFFF90];
	v25 =	vmul.f32 $5.656854150e+00, v25  }
0xca: {  	v55 =	vadd.s32 v7, v53;
	v57 =	vbroadcast v22, $0x0;
	v56 =	vld [tilespmem:s23+$0xFFFFFFB0];
	v26 =	vmul.f32 $5.656854150e+00, v26  }
0xcb: {  	v39 =	vbroadcast v20, $0x0;
	v58 =	vld [tilespmem:s23+$0xFFFFFFD0];
	v22 =	vmul.f32 $5.656854150e+00, v27;
	v27 =	vadd.s32 v9, v21;
	[tilespmem:v28+s1+$0x0] =	vst.idx.msk $0xffff, v25  }
0xcc: {  	v20 =	vmul.f32 $5.656854150e+00, v30;
	[tilespmem:v29+s1+$0x0] =	vst.idx.msk $0xffff, v26;
	v25 =	vadd.s32 v11, v57;
	v26 =	vld [tilespmem:s23+$0x0]  }
0xcd: {  	[tilespmem:v31+s1+$0x0] =	vst.idx.msk $0xffff, v22;
	v22 =	vmul.f32 $5.656854150e+00, v52;
	v29 =	vadd.s32 v13, v39;
	v28 =	vld [tilespmem:s23+$0xFFFFFF20]  }
0xce: {  	v62 =	vadd.s32 v4, v18;
	s25 =	simm.s32 $0x8;
	v24 =	vadd.s32 v16, v24;
	[tilespmem:v23+s1+$0x0] =	vst.idx.msk $0xffff, v20;
	v20 =	vmul.f32 $5.656854150e+00, v54;
	v31 =	vld [tilespmem:s23+$0xFFFFFF40]  }
0xcf: {  	s24 =	simm.s32 $0x9;
	v59 =	vadd.s32 v2, v17;
	v30 =	vmov s25;
	v17 =	vmul.f32 $5.656854150e+00, v56;
	v60 =	vld [tilespmem:s23+$0xFFFFFF60];
	[tilespmem:v55+s1+$0x0] =	vst.idx.msk $0xffff, v22  }
0xd0: {  	v61 =	vmov s24;
	v18 =	vmul.f32 $5.656854150e+00, v58;
	v30 =	vshrl.u32 v30, $0x3;
	v40 =	vld [tilespmem:s23+$0xFFFFFF80];
	[tilespmem:v27+s1+$0x0] =	vst.idx.msk $0xffff, v20  }
0xd1: {  	s24 =	simm.s32 $0xB;
	v63 =	vadd.s32 v6, v19;
	v30 =	vshll.u32 v30, v1;
	v41 =	vld [tilespmem:s23+$0xFFFFFFA0];
	[tilespmem:v25+s1+$0x0] =	vst.idx.msk $0xffff, v17;
	v19 =	vmul.f32 $5.656854150e+00, v26  }
0xd2: {  	s25 =	simm.s32 $0xA;
	v22 =	vmov s24;
	v17 =	vadd.s32 v8, v53;
	[tilespmem:v29+s1+$0x0] =	vst.idx.msk $0xffff, v18;
	v25 =	vmul.f32 $5.656854150e+00, v28;
	v27 =	vld [tilespmem:s23+$0xFFFFFFC0]  }
0xd3: {  	v20 =	vmov s25;
	s25 =	simm.s32 $0xC;
	v18 =	vadd.s32 v10, v21;
	v26 =	vmul.f32 $5.656854150e+00, v31;
	v29 =	vld [tilespmem:s23+$0xFFFFFFE0];
	[tilespmem:v24+s1+$0x0] =	vst.idx.msk $0xffff, v19  }
0xd4: {  	s24 =	simm.s32 $0xD;
	v23 =	vmov s25;
	v21 =	vadd.s32 v12, v57;
	v31 =	vmul.f32 $5.656854150e+00, v60;
	[tilespmem:v59+s1+$0x0] =	vst.idx.msk $0xffff, v25  }
0xd5: {  	s25 =	simm.s32 $0xE;
	v24 =	vmov s24;
	[tilespmem:v62+s1+$0x0] =	vst.idx.msk $0xffff, v26;
	v28 =	vmul.f32 $5.656854150e+00, v40;
	v19 =	vadd.s32 v14, v39  }
0xd6: {  	s12 =	sor.u32 $0x1, s10;
	v25 =	vmov s25;
	v26 =	vshrl.u32 v61, $0x3;
	s25 =	simm.s32 $0xF;
	s24 =	simm.s32 $0x10;
	[tilespmem:v63+s1+$0x0] =	vst.idx.msk $0xffff, v31;
	v31 =	vmul.f32 $5.656854150e+00, v41  }
.LBB2_5:
0xd7: {  	p2 =	slt.u32 s24, $0x78;
	v20 =	vshrl.u32 v20, $0x3;
	v32 =	vmov s25;
	[tilespmem:v17+s1+$0x0] =	vst.idx.msk $0xffff, v28;
	v17 =	vmul.f32 $5.656854150e+00, v27  }
0xd8: {  	v22 =	vshrl.u32 v22, $0x3;
	v27 =	vshrl.u32 v32, $0x3;
	[tilespmem:v18+s1+$0x0] =	vst.idx.msk $0xffff, v31;
	v18 =	vmul.f32 $5.656854150e+00, v29  }
0xd9: {  	v23 =	vshrl.u32 v23, $0x3;
	v24 =	vshrl.u32 v24, $0x3;
	s23 =	sadd.s32 $0x100, s23;
	v27 =	vshll.u32 v27, v1;
	[tilespmem:v21+s1+$0x0] =	vst.idx.msk $0xffff, v17  }
0xda: {  	v17 =	vbroadcast v30, $0x0;
	v21 =	vshrl.u32 v25, $0x3;
	v25 =	vld [tilespmem:s23+$0xFFFFFFF0];
	v27 =	vbroadcast v27, $0x0;
	[tilespmem:v19+s1+$0x0] =	vst.idx.msk $0xffff, v18  }
0xdb: {  	v20 =	vshll.u32 v20, v1;
	v22 =	vshll.u32 v22, v1;
	v19 =	vshll.u32 v26, v1;
	v18 =	vld [tilespmem:s23+$0xFFFFFF10]  }
0xdc: {  	v23 =	vshll.u32 v23, v1;
	v19 =	vbroadcast v19, $0x0;
	v26 =	vld [tilespmem:s23+$0xFFFFFF30];
	v28 =	vadd.s32 v15, v27  }
0xdd: {  	v31 =	vbroadcast v20, $0x0;
	v20 =	vshll.u32 v24, v1;
	v29 =	vadd.s32 v0, v17;
	v30 =	vld [tilespmem:s23+$0xFFFFFF50]  }
0xde: {  	v33 =	vbroadcast v22, $0x0;
	v21 =	vshll.u32 v21, v1;
	v24 =	vadd.s32 v3, v19;
	v32 =	vld [tilespmem:s23+$0xFFFFFF70]  }
0xdf: {  	v35 =	vbroadcast v23, $0x0;
	v22 =	vadd.s32 v5, v31;
	v34 =	vld [tilespmem:s23+$0xFFFFFF90];
	v23 =	vmul.f32 $5.656854150e+00, v25  }
0xe0: {  	v37 =	vbroadcast v20, $0x0;
	v25 =	vadd.s32 v7, v33;
	v18 =	vmul.f32 $5.656854150e+00, v18;
	v36 =	vld [tilespmem:s23+$0xFFFFFFB0]  }
0xe1: {  	v39 =	vbroadcast v21, $0x0;
	v20 =	vmul.f32 $5.656854150e+00, v26;
	v26 =	vadd.s32 v9, v35;
	v38 =	vld [tilespmem:s23+$0xFFFFFFD0];
	[tilespmem:v28+s1+$0x0] =	vst.idx.msk $0xffff, v23  }
0xe2: {  	v21 =	vadd.s32 v11, v37;
	[tilespmem:v29+s1+$0x0] =	vst.idx.msk $0xffff, v18;
	v18 =	vmul.f32 $5.656854150e+00, v30;
	v23 =	vld [tilespmem:s23+$0x0]  }
0xe3: {  	v28 =	vld [tilespmem:s23+$0xFFFFFF20];
	[tilespmem:v24+s1+$0x0] =	vst.idx.msk $0xffff, v20;
	v20 =	vmul.f32 $5.656854150e+00, v32;
	v24 =	vadd.s32 v13, v39  }
0xe4: {  	v29 =	vmov s24;
	v32 =	vadd.s32 v16, v27;
	v30 =	vld [tilespmem:s23+$0xFFFFFF40];
	[tilespmem:v22+s1+$0x0] =	vst.idx.msk $0xffff, v18;
	v18 =	vmul.f32 $5.656854150e+00, v34  }
0xe5: {  	s25 =	sadd.s32 $0x1, s24;
	v40 =	vadd.s32 v2, v17;
	v34 =	vshrl.u32 v29, $0x3;
	v41 =	vld [tilespmem:s23+$0xFFFFFF60];
	[tilespmem:v25+s1+$0x0] =	vst.idx.msk $0xffff, v20;
	v17 =	vmul.f32 $5.656854150e+00, v36  }
0xe6: {  	v19 =	vadd.s32 v4, v19;
	v36 =	vmov s25;
	s25 =	sadd.s32 $0x2, s24;
	v42 =	vld [tilespmem:s23+$0xFFFFFF80];
	[tilespmem:v26+s1+$0x0] =	vst.idx.msk $0xffff, v18;
	v18 =	vmul.f32 $5.656854150e+00, v38  }
0xe7: {  	v31 =	vadd.s32 v6, v31;
	v20 =	vmov s25;
	s25 =	sadd.s32 $0x3, s24;
	v38 =	vld [tilespmem:s23+$0xFFFFFFA0];
	[tilespmem:v21+s1+$0x0] =	vst.idx.msk $0xffff, v17;
	v21 =	vmul.f32 $5.656854150e+00, v23  }
.Ltmp1:
0xe8: {  	v22 =	vmov s25;
	s25 =	sadd.s32 $0x4, s24;
	v17 =	vadd.s32 v8, v33;
	v25 =	vmul.f32 $5.656854150e+00, v28;
	v27 =	vld [tilespmem:s23+$0xFFFFFFC0];
	[tilespmem:v24+s1+$0x0] =	vst.idx.msk $0xffff, v18;
	(pc) =	sbr.rel @p2 .LBB2_5-.Ltmp1, $4  }
0xe9: {  	v23 =	vmov s25;
	s25 =	sadd.s32 $0x5, s24;
	v18 =	vadd.s32 v10, v35;
	v26 =	vmul.f32 $5.656854150e+00, v30;
	v29 =	vld [tilespmem:s23+$0xFFFFFFE0];
	[tilespmem:v32+s1+$0x0] =	vst.idx.msk $0xffff, v21  }
0xea: {  	v24 =	vmov s25;
	s25 =	sadd.s32 $0x6, s24;
	v21 =	vadd.s32 v12, v37;
	[tilespmem:v40+s1+$0x0] =	vst.idx.msk $0xffff, v25;
	v32 =	vmul.f32 $5.656854150e+00, v41  }
0xeb: {  	v25 =	vmov s25;
	[tilespmem:v19+s1+$0x0] =	vst.idx.msk $0xffff, v26;
	v28 =	vmul.f32 $5.656854150e+00, v42;
	v19 =	vadd.s32 v14, v39  }
0xec: {  	v30 =	vshll.u32 v34, v1;
	s25 =	sadd.s32 $0x7, s24;
	s24 =	sadd.s32 $0x8, s24;
	v26 =	vshrl.u32 v36, $0x3;
	[tilespmem:v31+s1+$0x0] =	vst.idx.msk $0xffff, v32;
	v31 =	vmul.f32 $5.656854150e+00, v38  }
0xed: {  	v20 =	vshrl.u32 v20, $0x3;
	v32 =	vmov s25;
	v27 =	vmul.f32 $5.656854150e+00, v27  }
0xee: {  	v22 =	vshrl.u32 v22, $0x3;
	v23 =	vshrl.u32 v23, $0x3;
	v24 =	vshrl.u32 v24, $0x3  }
0xef: {  	s23 =	sadd.s32 $0x100, s23;
	v30 =	vbroadcast v30, $0x0;
	v25 =	vshrl.u32 v25, $0x3;
	v32 =	vshrl.u32 v32, $0x3  }
0xf0: {  	v26 =	vshll.u32 v26, v1;
	v29 =	vmul.f32 $5.656854150e+00, v29;
	v34 =	vld [tilespmem:s23+$0xFFFFFF10];
	v32 =	vshll.u32 v32, v1  }
0xf1: {  	v33 =	vld [tilespmem:s23+$0xFFFFFFF0];
	v20 =	vshll.u32 v20, v1;
	v22 =	vshll.u32 v22, v1;
	v32 =	vbroadcast v32, $0x0  }
0xf2: {  	[tilespmem:v17+s1+$0x0] =	vst.idx.msk $0xffff, v28;
	v35 =	vld [tilespmem:s23+$0xFFFFFF30];
	v26 =	vbroadcast v26, $0x0;
	v23 =	vshll.u32 v23, v1;
	v17 =	vadd.s32 v0, v30  }
0xf3: {  	v28 =	vld [tilespmem:s23+$0xFFFFFF50];
	v24 =	vshll.u32 v24, v1;
	[tilespmem:v18+s1+$0x0] =	vst.idx.msk $0xffff, v31;
	v20 =	vbroadcast v20, $0x0;
	v36 =	vadd.s32 v15, v32  }
0xf4: {  	v31 =	vld [tilespmem:s23+$0xFFFFFF70];
	v25 =	vshll.u32 v25, v1;
	v22 =	vbroadcast v22, $0x0;
	[tilespmem:v21+s1+$0x0] =	vst.idx.msk $0xffff, v27;
	v18 =	vadd.s32 v3, v26  }
0xf5: {  	v27 =	vld [tilespmem:s23+$0xFFFFFF90];
	v23 =	vbroadcast v23, $0x0;
	[tilespmem:v19+s1+$0x0] =	vst.idx.msk $0xffff, v29;
	v21 =	vadd.s32 v5, v20;
	v19 =	vmul.f32 $5.656854150e+00, v34  }
0xf6: {  	v49 =	vld [tilespmem:s23+$0xFFFFFFB0];
	v24 =	vbroadcast v24, $0x0;
	v29 =	vadd.s32 v7, v22;
	v33 =	vmul.f32 $5.656854150e+00, v33  }
0xf7: {  	v38 =	vld [tilespmem:s23+$0xFFFFFFD0];
	v25 =	vbroadcast v25, $0x0;
	v37 =	vadd.s32 v9, v23;
	v35 =	vmul.f32 $5.656854150e+00, v35;
	[tilespmem:v17+s1+$0x0] =	vst.idx.msk $0xffff, v19  }
0xf8: {  	v17 =	vmul.f32 $5.656854150e+00, v28;
	v19 =	vadd.s32 v11, v24;
	v50 =	vld [tilespmem:s23+$0xFFFFFF20];
	[tilespmem:v36+s1+$0x0] =	vst.idx.msk $0xffff, v33  }
0xf9: {  	[tilespmem:v18+s1+$0x0] =	vst.idx.msk $0xffff, v35;
	v18 =	vmul.f32 $5.656854150e+00, v31;
	v31 =	vadd.s32 v13, v25;
	v28 =	vld [tilespmem:s23+$0x0]  }
0xfa: {  	v35 =	vld [tilespmem:s23+$0xFFFFFF40];
	[tilespmem:v21+s1+$0x0] =	vst.idx.msk $0xffff, v17;
	v17 =	vmul.f32 $5.656854150e+00, v27;
	v27 =	vadd.s32 v2, v30  }
0xfb: {  	v21 =	vadd.s32 v16, v32;
	[tilespmem:v29+s1+$0x0] =	vst.idx.msk $0xffff, v18;
	v18 =	vmul.f32 $5.656854150e+00, v49;
	v30 =	vld [tilespmem:s23+$0xFFFFFF60]  }
0xfc: {  	v26 =	vadd.s32 v4, v26;
	v29 =	vld [tilespmem:s23+$0xFFFFFF80];
	[tilespmem:v37+s1+$0x0] =	vst.idx.msk $0xffff, v17;
	v17 =	vmul.f32 $5.656854150e+00, v38  }
0xfd: {  	v20 =	vadd.s32 v6, v20;
	v51 =	vld [tilespmem:s23+$0xFFFFFFA0];
	[tilespmem:v19+s1+$0x0] =	vst.idx.msk $0xffff, v18;
	v19 =	vmul.f32 $5.656854150e+00, v50  }
0xfe: {  	v22 =	vadd.s32 v8, v22;
	[tilespmem:v31+s1+$0x0] =	vst.idx.msk $0xffff, v17;
	v18 =	vmul.f32 $5.656854150e+00, v28;
	v28 =	vld [tilespmem:s23+$0xFFFFFFC0]  }
0xff: {  	v23 =	vadd.s32 v10, v23;
	v17 =	vmul.f32 $5.656854150e+00, v35;
	v31 =	vld [tilespmem:s23+$0xFFFFFFE0];
	[tilespmem:v27+s1+$0x0] =	vst.idx.msk $0xffff, v19  }
0x100: {  	v19 =	vadd.s32 v12, v24;
	[tilespmem:v21+s1+$0x0] =	vst.idx.msk $0xffff, v18;
	v18 =	vmul.f32 $5.656854150e+00, v30  }
0x101: {  	[tilespmem:v26+s1+$0x0] =	vst.idx.msk $0xffff, v17;
	v17 =	vmul.f32 $5.656854150e+00, v29;
	v21 =	vadd.s32 v14, v25  }
0x102: {  	[tilespmem:v20+s1+$0x0] =	vst.idx.msk $0xffff, v18;
	v18 =	vmul.f32 $5.656854150e+00, v51  }
0x103: {  	[tilespmem:v22+s1+$0x0] =	vst.idx.msk $0xffff, v17;
	v17 =	vmul.f32 $5.656854150e+00, v28  }
0x104: {  	[tilespmem:v23+s1+$0x0] =	vst.idx.msk $0xffff, v18;
	v18 =	vmul.f32 $5.656854150e+00, v31  }
0x105: {  	[tilespmem:v19+s1+$0x0] =	vst.idx.msk $0xffff, v17  }
0x106: {  	s24 =	simm.s32 @!p1 $0x80;
	s25 =	simm.s32 @!p1 $0x7400;
	s23 =	sadd.s32 @!p1 $0x280, s11;
	[tilespmem:v21+s1+$0x0] =	vst.idx.msk $0xffff, v18  }
0x107: {  	[tilespmem:s25], [sflag:$0x2] =	stream.indirect.gather @!p1 [hbm4b:s4+s24], $0x20, s23, s24, $0xb8;
	[tilespmem:$0xE800] =	vst v63  }
0x108: {  	s23 =	sadd.s32 s6, s12  }
0x109: {  	s25 =	sshll.u32 s12, $0xE;
	s24 =	sshll.u32 s23, $0x9  }
0x10a: {  	s12 =	sand.u32 $0x14000, s25;
	s23 =	sshll.u32 s23, $0x4;
	s24 =	sand.u32 $0xFFE0000, s24  }
0x10b: {  	s23 =	sand.u32 $0xF80, s23;
	s12 =	sor.u32 s12, s24  }
0x10c: {  	s12 =	sor.u32 s23, s12  }
0x10d: {  	s23 =	sadd.s32 s2, s12  }
0x10e: {  	[hbm4b:s23+s3] =	stream.linear.scatter [tilespmem:s1], [sflag:$0x6], $0x80, $0x38;
	[tilespmem:$0xE800] =	vst v63  }
0x10f: {  	s25 =	simm.s32 $0xB588;
	s24 =	sadd.s32 $0x10, s23  }
0x110: {  	[hbm4b:s24+s3] =	stream.linear.scatter [tilespmem:s25], [sflag:$0x6], $0x80, $0x38;
	[tilespmem:$0xE800] =	vst v63  }
0x111: {  	s24 =	sadd.s32 $0x20, s23;
	s25 =	simm.s32 $0xB610  }
0x112: {  	[hbm4b:s24+s3] =	stream.linear.scatter [tilespmem:s25], [sflag:$0x6], $0x80, $0x38;
	[tilespmem:$0xE800] =	vst v63  }
0x113: {  	s24 =	sadd.s32 $0x30, s23;
	s25 =	simm.s32 $0xB698  }
0x114: {  	[hbm4b:s24+s3] =	stream.linear.scatter [tilespmem:s25], [sflag:$0x6], $0x80, $0x38;
	[tilespmem:$0xE800] =	vst v63  }
0x115: {  	s24 =	sadd.s32 $0x40, s23;
	s25 =	simm.s32 $0xB720  }
0x116: {  	[hbm4b:s24+s3] =	stream.linear.scatter [tilespmem:s25], [sflag:$0x6], $0x80, $0x38;
	[tilespmem:$0xE800] =	vst v63  }
0x117: {  	s24 =	sadd.s32 $0x50, s23;
	s25 =	simm.s32 $0xB7A8  }
0x118: {  	[hbm4b:s24+s3] =	stream.linear.scatter [tilespmem:s25], [sflag:$0x6], $0x80, $0x38;
	[tilespmem:$0xE800] =	vst v63  }
0x119: {  	s24 =	sadd.s32 $0x60, s23;
	s25 =	simm.s32 $0xB830  }
0x11a: {  	[hbm4b:s24+s3] =	stream.linear.scatter [tilespmem:s25], [sflag:$0x6], $0x80, $0x38;
	[tilespmem:$0xE800] =	vst v63  }
0x11b: {  	s23 =	sadd.s32 $0x70, s23;
	s25 =	simm.s32 $0xB8B8  }
0x11c: {  	[hbm4b:s23+s3] =	stream.linear.scatter [tilespmem:s25], [sflag:$0x6], $0x80, $0x38;
	[tilespmem:$0xE800] =	vst v63  }
0x11d: {  	s23 =	sadd.s32 s12, s7;
	s25 =	simm.s32 $0xB940  }
0x11e: {  	[hbm4b:s23+s3] =	stream.linear.scatter [tilespmem:s25], [sflag:$0x6], $0x80, $0x38;
	[tilespmem:$0xE800] =	vst v63  }
0x11f: {  	s24 =	sadd.s32 $0x10, s23;
	s25 =	simm.s32 $0xB9C8  }
0x120: {  	[hbm4b:s24+s3] =	stream.linear.scatter [tilespmem:s25], [sflag:$0x6], $0x80, $0x38;
	[tilespmem:$0xE800] =	vst v63  }
0x121: {  	s24 =	sadd.s32 $0x20, s23;
	s25 =	simm.s32 $0xBA50  }
0x122: {  	[hbm4b:s24+s3] =	stream.linear.scatter [tilespmem:s25], [sflag:$0x6], $0x80, $0x38;
	[tilespmem:$0xE800] =	vst v63  }
0x123: {  	s24 =	sadd.s32 $0x30, s23;
	s25 =	simm.s32 $0xBAD8  }
0x124: {  	[hbm4b:s24+s3] =	stream.linear.scatter [tilespmem:s25], [sflag:$0x6], $0x80, $0x38;
	[tilespmem:$0xE800] =	vst v63  }
0x125: {  	s24 =	sadd.s32 $0x40, s23;
	s25 =	simm.s32 $0xBB60  }
0x126: {  	[hbm4b:s24+s3] =	stream.linear.scatter [tilespmem:s25], [sflag:$0x6], $0x80, $0x38;
	[tilespmem:$0xE800] =	vst v63  }
0x127: {  	s24 =	sadd.s32 $0x50, s23;
	s25 =	simm.s32 $0xBBE8  }
0x128: {  	[hbm4b:s24+s3] =	stream.linear.scatter [tilespmem:s25], [sflag:$0x6], $0x80, $0x38;
	[tilespmem:$0xE800] =	vst v63  }
0x129: {  	s24 =	sadd.s32 $0x60, s23;
	s25 =	simm.s32 $0xBC70  }
0x12a: {  	[hbm4b:s24+s3] =	stream.linear.scatter [tilespmem:s25], [sflag:$0x6], $0x80, $0x38;
	[tilespmem:$0xE800] =	vst v63  }
0x12b: {  	s23 =	sadd.s32 $0x70, s23;
	s25 =	simm.s32 $0xBCF8  }
0x12c: {  	[hbm4b:s23+s3] =	stream.linear.scatter [tilespmem:s25], [sflag:$0x6], $0x80, $0x38;
	[tilespmem:$0xE800] =	vst v63  }
0x12d: {  	s23 =	sadd.s32 s12, s8;
	s25 =	simm.s32 $0xBD80  }
0x12e: {  	[hbm4b:s23+s3] =	stream.linear.scatter [tilespmem:s25], [sflag:$0x6], $0x80, $0x38;
	[tilespmem:$0xE800] =	vst v63  }
0x12f: {  	s24 =	sadd.s32 $0x10, s23;
	s25 =	simm.s32 $0xBE08  }
0x130: {  	[hbm4b:s24+s3] =	stream.linear.scatter [tilespmem:s25], [sflag:$0x6], $0x80, $0x38;
	[tilespmem:$0xE800] =	vst v63  }
0x131: {  	s24 =	sadd.s32 $0x20, s23;
	s25 =	simm.s32 $0xBE90  }
0x132: {  	[hbm4b:s24+s3] =	stream.linear.scatter [tilespmem:s25], [sflag:$0x6], $0x80, $0x38;
	[tilespmem:$0xE800] =	vst v63  }
0x133: {  	s24 =	sadd.s32 $0x30, s23;
	s25 =	simm.s32 $0xBF18  }
0x134: {  	[hbm4b:s24+s3] =	stream.linear.scatter [tilespmem:s25], [sflag:$0x6], $0x80, $0x38;
	[tilespmem:$0xE800] =	vst v63  }
0x135: {  	s24 =	sadd.s32 $0x40, s23;
	s25 =	simm.s32 $0xBFA0  }
0x136: {  	[hbm4b:s24+s3] =	stream.linear.scatter [tilespmem:s25], [sflag:$0x6], $0x80, $0x38;
	[tilespmem:$0xE800] =	vst v63  }
0x137: {  	s24 =	sadd.s32 $0x50, s23;
	s25 =	simm.s32 $0xC028  }
0x138: {  	[hbm4b:s24+s3] =	stream.linear.scatter [tilespmem:s25], [sflag:$0x6], $0x80, $0x38;
	[tilespmem:$0xE800] =	vst v63  }
0x139: {  	s24 =	sadd.s32 $0x60, s23;
	s25 =	simm.s32 $0xC0B0  }
0x13a: {  	[hbm4b:s24+s3] =	stream.linear.scatter [tilespmem:s25], [sflag:$0x6], $0x80, $0x38;
	[tilespmem:$0xE800] =	vst v63  }
0x13b: {  	s23 =	sadd.s32 $0x70, s23;
	s25 =	simm.s32 $0xC138  }
0x13c: {  	[hbm4b:s23+s3] =	stream.linear.scatter [tilespmem:s25], [sflag:$0x6], $0x80, $0x38;
	[tilespmem:$0xE800] =	vst v63  }
0x13d: {  	s12 =	sadd.s32 s12, s9;
	s25 =	simm.s32 $0xC1C0  }
0x13e: {  	[hbm4b:s12+s3] =	stream.linear.scatter [tilespmem:s25], [sflag:$0x6], $0x80, $0x38;
	[tilespmem:$0xE800] =	vst v63  }
0x13f: {  	s24 =	sadd.s32 $0x10, s12;
	s25 =	simm.s32 $0xC248  }
0x140: {  	[hbm4b:s24+s3] =	stream.linear.scatter [tilespmem:s25], [sflag:$0x6], $0x80, $0x38;
	[tilespmem:$0xE800] =	vst v63  }
0x141: {  	s24 =	sadd.s32 $0x20, s12;
	s25 =	simm.s32 $0xC2D0  }
0x142: {  	[hbm4b:s24+s3] =	stream.linear.scatter [tilespmem:s25], [sflag:$0x6], $0x80, $0x38;
	[tilespmem:$0xE800] =	vst v63  }
0x143: {  	s24 =	sadd.s32 $0x30, s12;
	s25 =	simm.s32 $0xC358  }
0x144: {  	[hbm4b:s24+s3] =	stream.linear.scatter [tilespmem:s25], [sflag:$0x6], $0x80, $0x38;
	[tilespmem:$0xE800] =	vst v63  }
0x145: {  	s24 =	sadd.s32 $0x40, s12;
	s25 =	simm.s32 $0xC3E0  }
0x146: {  	[hbm4b:s24+s3] =	stream.linear.scatter [tilespmem:s25], [sflag:$0x6], $0x80, $0x38;
	[tilespmem:$0xE800] =	vst v63  }
0x147: {  	s24 =	sadd.s32 $0x50, s12;
	s25 =	simm.s32 $0xC468  }
0x148: {  	[hbm4b:s24+s3] =	stream.linear.scatter [tilespmem:s25], [sflag:$0x6], $0x80, $0x38;
	[tilespmem:$0xE800] =	vst v63  }
0x149: {  	s24 =	sadd.s32 $0x60, s12;
	s25 =	simm.s32 $0xC4F0  }
0x14a: {  	[hbm4b:s24+s3] =	stream.linear.scatter [tilespmem:s25], [sflag:$0x6], $0x80, $0x38;
	[tilespmem:$0xE800] =	vst v63  }
0x14b: {  	s12 =	sadd.s32 $0x70, s12;
	s24 =	simm.s32 $0xC578  }
0x14c: {  	[hbm4b:s12+s3] =	stream.linear.scatter [tilespmem:s24], [sflag:$0x6], $0x80, $0x38;
	[tilespmem:$0xE800] =	vst v63  }
0x14d: {  	_ =	swait.ge [sflag:s21], $0x1000  }
0x14e: {  	[sflag:s21] =	ssyncset.done $0x0  }
0x14f: {  	s12 =	simm.s32 @!p0 $0x7;
	[sflag:s21] =	ssyncadd.s32 $0xFFFFF000  }
0x150: {  	_ =	swait.ge @!p0 [sflag:s12], $0x400  }
0x151: {  	[sflag:s12] =	ssyncset.done @!p0 $0x0  }
0x152: {  	[sflag:s12] =	ssyncadd.s32 @!p0 $0xFFFFFC00  }
0x153: {  	_ =	swait.ge @!p0 [sflag:s12], $0x400  }
0x154: {  	s23 =	simm.s32 $0x1;
	[sflag:s12] =	ssyncset.done @!p0 $0x0  }
0x155: {  	v18 =	vmov s23;
	s23 =	simm.s32 $0x4;
	[sflag:s12] =	ssyncadd.s32 @!p0 $0xFFFFFC00  }
0x156: {  	v21 =	vmov s23;
	v18 =	vshrl.u32 v18, $0x3;
	s24 =	simm.s32 $0x2;
	_ =	swait.ge @!p0 [sflag:s12], $0x400  }
0x157: {  	v21 =	vshrl.u32 v21, $0x3;
	v18 =	vshll.u32 v18, v1;
	v19 =	vmov s24;
	s24 =	simm.s32 $0x5;
	[sflag:s12] =	ssyncset.done @!p0 $0x0  }
0x158: {  	v18 =	vbroadcast v18, $0x0;
	v21 =	vshll.u32 v21, v1;
	v22 =	vmov s24;
	s24 =	simm.s32 $0x7;
	[sflag:s12] =	ssyncadd.s32 @!p0 $0xFFFFFC00  }
0x159: {  	v21 =	vbroadcast v21, $0x0;
	s25 =	simm.s32 $0x0;
	v24 =	vmov s24;
	_ =	swait.ge @!p0 [sflag:s12], $0x400  }
0x15a: {  	v31 =	vadd.s32 v3, v18;
	v17 =	vmov s25;
	s25 =	simm.s32 $0x3;
	v24 =	vshrl.u32 v24, $0x3;
	[sflag:s12] =	ssyncset.done @!p0 $0x0  }
0x15b: {  	s23 =	simm.s32 $0x84F0;
	v17 =	vshrl.u32 v17, $0x3;
	v20 =	vmov s25;
	s25 =	simm.s32 $0x6;
	v24 =	vshll.u32 v24, v1;
	[sflag:s12] =	ssyncadd.s32 @!p0 $0xFFFFFC00  }
0x15c: {  	v23 =	vmov s25;
	v17 =	vshll.u32 v17, v1;
	v24 =	vbroadcast v24, $0x0;
	v25 =	vld [tilespmem:s23+$0xFFFFFFF0]  }
0x15d: {  	v20 =	vshrl.u32 v20, $0x3;
	v19 =	vshrl.u32 v19, $0x3;
	v17 =	vbroadcast v17, $0x0;
	v26 =	vld [tilespmem:s23+$0xFFFFFF10]  }
0x15e: {  	v23 =	vshrl.u32 v23, $0x3;
	v19 =	vshll.u32 v19, v1;
	v28 =	vadd.s32 v15, v24;
	v27 =	vld [tilespmem:s23+$0xFFFFFF30]  }
0x15f: {  	v20 =	vshll.u32 v20, v1;
	v29 =	vadd.s32 v0, v17;
	v19 =	vbroadcast v19, $0x0;
	v30 =	vld [tilespmem:s23+$0xFFFFFF50]  }
0x160: {  	v22 =	vshrl.u32 v22, $0x3;
	v53 =	vbroadcast v20, $0x0;
	v20 =	vshll.u32 v23, v1;
	v52 =	vld [tilespmem:s23+$0xFFFFFF70]  }
0x161: {  	v22 =	vshll.u32 v22, v1;
	v23 =	vadd.s32 v5, v19;
	v54 =	vld [tilespmem:s23+$0xFFFFFF90];
	v25 =	vmul.f32 $5.656854150e+00, v25  }
0x162: {  	v55 =	vadd.s32 v7, v53;
	v57 =	vbroadcast v22, $0x0;
	v56 =	vld [tilespmem:s23+$0xFFFFFFB0];
	v26 =	vmul.f32 $5.656854150e+00, v26  }
0x163: {  	v39 =	vbroadcast v20, $0x0;
	v58 =	vld [tilespmem:s23+$0xFFFFFFD0];
	v22 =	vmul.f32 $5.656854150e+00, v27;
	v27 =	vadd.s32 v9, v21;
	[tilespmem:v28+s22+$0x0] =	vst.idx.msk $0xffff, v25  }
0x164: {  	v20 =	vmul.f32 $5.656854150e+00, v30;
	[tilespmem:v29+s22+$0x0] =	vst.idx.msk $0xffff, v26;
	v25 =	vadd.s32 v11, v57;
	v26 =	vld [tilespmem:s23+$0x0]  }
0x165: {  	[tilespmem:v31+s22+$0x0] =	vst.idx.msk $0xffff, v22;
	v22 =	vmul.f32 $5.656854150e+00, v52;
	v29 =	vadd.s32 v13, v39;
	v28 =	vld [tilespmem:s23+$0xFFFFFF20]  }
0x166: {  	v62 =	vadd.s32 v4, v18;
	s25 =	simm.s32 $0x8;
	v24 =	vadd.s32 v16, v24;
	[tilespmem:v23+s22+$0x0] =	vst.idx.msk $0xffff, v20;
	v20 =	vmul.f32 $5.656854150e+00, v54;
	v31 =	vld [tilespmem:s23+$0xFFFFFF40]  }
0x167: {  	s24 =	simm.s32 $0x9;
	v59 =	vadd.s32 v2, v17;
	v30 =	vmov s25;
	v17 =	vmul.f32 $5.656854150e+00, v56;
	v60 =	vld [tilespmem:s23+$0xFFFFFF60];
	[tilespmem:v55+s22+$0x0] =	vst.idx.msk $0xffff, v22  }
0x168: {  	v61 =	vmov s24;
	v18 =	vmul.f32 $5.656854150e+00, v58;
	v30 =	vshrl.u32 v30, $0x3;
	v40 =	vld [tilespmem:s23+$0xFFFFFF80];
	[tilespmem:v27+s22+$0x0] =	vst.idx.msk $0xffff, v20  }
0x169: {  	s24 =	simm.s32 $0xB;
	v63 =	vadd.s32 v6, v19;
	v30 =	vshll.u32 v30, v1;
	v41 =	vld [tilespmem:s23+$0xFFFFFFA0];
	[tilespmem:v25+s22+$0x0] =	vst.idx.msk $0xffff, v17;
	v19 =	vmul.f32 $5.656854150e+00, v26  }
0x16a: {  	s25 =	simm.s32 $0xA;
	v22 =	vmov s24;
	v17 =	vadd.s32 v8, v53;
	[tilespmem:v29+s22+$0x0] =	vst.idx.msk $0xffff, v18;
	v25 =	vmul.f32 $5.656854150e+00, v28;
	v27 =	vld [tilespmem:s23+$0xFFFFFFC0]  }
0x16b: {  	v20 =	vmov s25;
	s25 =	simm.s32 $0xC;
	v18 =	vadd.s32 v10, v21;
	v26 =	vmul.f32 $5.656854150e+00, v31;
	v29 =	vld [tilespmem:s23+$0xFFFFFFE0];
	[tilespmem:v24+s22+$0x0] =	vst.idx.msk $0xffff, v19  }
0x16c: {  	s24 =	simm.s32 $0xD;
	v23 =	vmov s25;
	v21 =	vadd.s32 v12, v57;
	v31 =	vmul.f32 $5.656854150e+00, v60;
	[tilespmem:v59+s22+$0x0] =	vst.idx.msk $0xffff, v25  }
0x16d: {  	s25 =	simm.s32 $0xE;
	v24 =	vmov s24;
	[tilespmem:v62+s22+$0x0] =	vst.idx.msk $0xffff, v26;
	v28 =	vmul.f32 $5.656854150e+00, v40;
	v19 =	vadd.s32 v14, v39  }
0x16e: {  	s12 =	sor.u32 $0x2, s10;
	v25 =	vmov s25;
	v26 =	vshrl.u32 v61, $0x3;
	s25 =	simm.s32 $0xF;
	s24 =	simm.s32 $0x10;
	[tilespmem:v63+s22+$0x0] =	vst.idx.msk $0xffff, v31;
	v31 =	vmul.f32 $5.656854150e+00, v41  }
.LBB2_7:
0x16f: {  	p2 =	slt.u32 s24, $0x78;
	v20 =	vshrl.u32 v20, $0x3;
	v32 =	vmov s25;
	[tilespmem:v17+s22+$0x0] =	vst.idx.msk $0xffff, v28;
	v17 =	vmul.f32 $5.656854150e+00, v27  }
0x170: {  	v22 =	vshrl.u32 v22, $0x3;
	v27 =	vshrl.u32 v32, $0x3;
	[tilespmem:v18+s22+$0x0] =	vst.idx.msk $0xffff, v31;
	v18 =	vmul.f32 $5.656854150e+00, v29  }
0x171: {  	v23 =	vshrl.u32 v23, $0x3;
	v24 =	vshrl.u32 v24, $0x3;
	s23 =	sadd.s32 $0x100, s23;
	v27 =	vshll.u32 v27, v1;
	[tilespmem:v21+s22+$0x0] =	vst.idx.msk $0xffff, v17  }
0x172: {  	v17 =	vbroadcast v30, $0x0;
	v21 =	vshrl.u32 v25, $0x3;
	v25 =	vld [tilespmem:s23+$0xFFFFFFF0];
	v27 =	vbroadcast v27, $0x0;
	[tilespmem:v19+s22+$0x0] =	vst.idx.msk $0xffff, v18  }
0x173: {  	v20 =	vshll.u32 v20, v1;
	v22 =	vshll.u32 v22, v1;
	v19 =	vshll.u32 v26, v1;
	v18 =	vld [tilespmem:s23+$0xFFFFFF10]  }
0x174: {  	v23 =	vshll.u32 v23, v1;
	v19 =	vbroadcast v19, $0x0;
	v26 =	vld [tilespmem:s23+$0xFFFFFF30];
	v28 =	vadd.s32 v15, v27  }
0x175: {  	v31 =	vbroadcast v20, $0x0;
	v20 =	vshll.u32 v24, v1;
	v29 =	vadd.s32 v0, v17;
	v30 =	vld [tilespmem:s23+$0xFFFFFF50]  }
0x176: {  	v33 =	vbroadcast v22, $0x0;
	v21 =	vshll.u32 v21, v1;
	v24 =	vadd.s32 v3, v19;
	v32 =	vld [tilespmem:s23+$0xFFFFFF70]  }
0x177: {  	v35 =	vbroadcast v23, $0x0;
	v22 =	vadd.s32 v5, v31;
	v34 =	vld [tilespmem:s23+$0xFFFFFF90];
	v23 =	vmul.f32 $5.656854150e+00, v25  }
0x178: {  	v37 =	vbroadcast v20, $0x0;
	v25 =	vadd.s32 v7, v33;
	v18 =	vmul.f32 $5.656854150e+00, v18;
	v36 =	vld [tilespmem:s23+$0xFFFFFFB0]  }
0x179: {  	v39 =	vbroadcast v21, $0x0;
	v20 =	vmul.f32 $5.656854150e+00, v26;
	v26 =	vadd.s32 v9, v35;
	v38 =	vld [tilespmem:s23+$0xFFFFFFD0];
	[tilespmem:v28+s22+$0x0] =	vst.idx.msk $0xffff, v23  }
0x17a: {  	v21 =	vadd.s32 v11, v37;
	[tilespmem:v29+s22+$0x0] =	vst.idx.msk $0xffff, v18;
	v18 =	vmul.f32 $5.656854150e+00, v30;
	v23 =	vld [tilespmem:s23+$0x0]  }
0x17b: {  	v28 =	vld [tilespmem:s23+$0xFFFFFF20];
	[tilespmem:v24+s22+$0x0] =	vst.idx.msk $0xffff, v20;
	v20 =	vmul.f32 $5.656854150e+00, v32;
	v24 =	vadd.s32 v13, v39  }
0x17c: {  	v29 =	vmov s24;
	v32 =	vadd.s32 v16, v27;
	v30 =	vld [tilespmem:s23+$0xFFFFFF40];
	[tilespmem:v22+s22+$0x0] =	vst.idx.msk $0xffff, v18;
	v18 =	vmul.f32 $5.656854150e+00, v34  }
0x17d: {  	s25 =	sadd.s32 $0x1, s24;
	v40 =	vadd.s32 v2, v17;
	v34 =	vshrl.u32 v29, $0x3;
	v41 =	vld [tilespmem:s23+$0xFFFFFF60];
	[tilespmem:v25+s22+$0x0] =	vst.idx.msk $0xffff, v20;
	v17 =	vmul.f32 $5.656854150e+00, v36  }
0x17e: {  	v19 =	vadd.s32 v4, v19;
	v36 =	vmov s25;
	s25 =	sadd.s32 $0x2, s24;
	v42 =	vld [tilespmem:s23+$0xFFFFFF80];
	[tilespmem:v26+s22+$0x0] =	vst.idx.msk $0xffff, v18;
	v18 =	vmul.f32 $5.656854150e+00, v38  }
0x17f: {  	v31 =	vadd.s32 v6, v31;
	v20 =	vmov s25;
	s25 =	sadd.s32 $0x3, s24;
	v38 =	vld [tilespmem:s23+$0xFFFFFFA0];
	[tilespmem:v21+s22+$0x0] =	vst.idx.msk $0xffff, v17;
	v21 =	vmul.f32 $5.656854150e+00, v23  }
.Ltmp2:
0x180: {  	v22 =	vmov s25;
	s25 =	sadd.s32 $0x4, s24;
	v17 =	vadd.s32 v8, v33;
	v25 =	vmul.f32 $5.656854150e+00, v28;
	v27 =	vld [tilespmem:s23+$0xFFFFFFC0];
	[tilespmem:v24+s22+$0x0] =	vst.idx.msk $0xffff, v18;
	(pc) =	sbr.rel @p2 .LBB2_7-.Ltmp2, $4  }
0x181: {  	v23 =	vmov s25;
	s25 =	sadd.s32 $0x5, s24;
	v18 =	vadd.s32 v10, v35;
	v26 =	vmul.f32 $5.656854150e+00, v30;
	v29 =	vld [tilespmem:s23+$0xFFFFFFE0];
	[tilespmem:v32+s22+$0x0] =	vst.idx.msk $0xffff, v21  }
0x182: {  	v24 =	vmov s25;
	s25 =	sadd.s32 $0x6, s24;
	v21 =	vadd.s32 v12, v37;
	[tilespmem:v40+s22+$0x0] =	vst.idx.msk $0xffff, v25;
	v32 =	vmul.f32 $5.656854150e+00, v41  }
0x183: {  	v25 =	vmov s25;
	[tilespmem:v19+s22+$0x0] =	vst.idx.msk $0xffff, v26;
	v28 =	vmul.f32 $5.656854150e+00, v42;
	v19 =	vadd.s32 v14, v39  }
0x184: {  	v30 =	vshll.u32 v34, v1;
	s25 =	sadd.s32 $0x7, s24;
	s24 =	sadd.s32 $0x8, s24;
	v26 =	vshrl.u32 v36, $0x3;
	[tilespmem:v31+s22+$0x0] =	vst.idx.msk $0xffff, v32;
	v31 =	vmul.f32 $5.656854150e+00, v38  }
0x185: {  	v20 =	vshrl.u32 v20, $0x3;
	v32 =	vmov s25;
	v27 =	vmul.f32 $5.656854150e+00, v27  }
0x186: {  	v22 =	vshrl.u32 v22, $0x3;
	v23 =	vshrl.u32 v23, $0x3;
	v24 =	vshrl.u32 v24, $0x3  }
0x187: {  	s23 =	sadd.s32 $0x100, s23;
	v30 =	vbroadcast v30, $0x0;
	v25 =	vshrl.u32 v25, $0x3;
	v32 =	vshrl.u32 v32, $0x3  }
0x188: {  	v26 =	vshll.u32 v26, v1;
	v29 =	vmul.f32 $5.656854150e+00, v29;
	v34 =	vld [tilespmem:s23+$0xFFFFFF10];
	v32 =	vshll.u32 v32, v1  }
0x189: {  	v33 =	vld [tilespmem:s23+$0xFFFFFFF0];
	v20 =	vshll.u32 v20, v1;
	v22 =	vshll.u32 v22, v1;
	v32 =	vbroadcast v32, $0x0  }
0x18a: {  	[tilespmem:v17+s22+$0x0] =	vst.idx.msk $0xffff, v28;
	v35 =	vld [tilespmem:s23+$0xFFFFFF30];
	v26 =	vbroadcast v26, $0x0;
	v23 =	vshll.u32 v23, v1;
	v17 =	vadd.s32 v0, v30  }
0x18b: {  	v28 =	vld [tilespmem:s23+$0xFFFFFF50];
	v24 =	vshll.u32 v24, v1;
	[tilespmem:v18+s22+$0x0] =	vst.idx.msk $0xffff, v31;
	v20 =	vbroadcast v20, $0x0;
	v36 =	vadd.s32 v15, v32  }
0x18c: {  	v31 =	vld [tilespmem:s23+$0xFFFFFF70];
	v25 =	vshll.u32 v25, v1;
	v22 =	vbroadcast v22, $0x0;
	[tilespmem:v21+s22+$0x0] =	vst.idx.msk $0xffff, v27;
	v18 =	vadd.s32 v3, v26  }
0x18d: {  	v27 =	vld [tilespmem:s23+$0xFFFFFF90];
	v23 =	vbroadcast v23, $0x0;
	[tilespmem:v19+s22+$0x0] =	vst.idx.msk $0xffff, v29;
	v21 =	vadd.s32 v5, v20;
	v19 =	vmul.f32 $5.656854150e+00, v34  }
0x18e: {  	v49 =	vld [tilespmem:s23+$0xFFFFFFB0];
	v24 =	vbroadcast v24, $0x0;
	v29 =	vadd.s32 v7, v22;
	v33 =	vmul.f32 $5.656854150e+00, v33  }
0x18f: {  	v38 =	vld [tilespmem:s23+$0xFFFFFFD0];
	v25 =	vbroadcast v25, $0x0;
	v37 =	vadd.s32 v9, v23;
	v35 =	vmul.f32 $5.656854150e+00, v35;
	[tilespmem:v17+s22+$0x0] =	vst.idx.msk $0xffff, v19  }
0x190: {  	v17 =	vmul.f32 $5.656854150e+00, v28;
	v19 =	vadd.s32 v11, v24;
	v50 =	vld [tilespmem:s23+$0xFFFFFF20];
	[tilespmem:v36+s22+$0x0] =	vst.idx.msk $0xffff, v33  }
0x191: {  	[tilespmem:v18+s22+$0x0] =	vst.idx.msk $0xffff, v35;
	v18 =	vmul.f32 $5.656854150e+00, v31;
	v31 =	vadd.s32 v13, v25;
	v28 =	vld [tilespmem:s23+$0x0]  }
0x192: {  	v35 =	vld [tilespmem:s23+$0xFFFFFF40];
	[tilespmem:v21+s22+$0x0] =	vst.idx.msk $0xffff, v17;
	v17 =	vmul.f32 $5.656854150e+00, v27;
	v27 =	vadd.s32 v2, v30  }
0x193: {  	v21 =	vadd.s32 v16, v32;
	[tilespmem:v29+s22+$0x0] =	vst.idx.msk $0xffff, v18;
	v18 =	vmul.f32 $5.656854150e+00, v49;
	v30 =	vld [tilespmem:s23+$0xFFFFFF60]  }
0x194: {  	v26 =	vadd.s32 v4, v26;
	v29 =	vld [tilespmem:s23+$0xFFFFFF80];
	[tilespmem:v37+s22+$0x0] =	vst.idx.msk $0xffff, v17;
	v17 =	vmul.f32 $5.656854150e+00, v38  }
0x195: {  	v20 =	vadd.s32 v6, v20;
	v51 =	vld [tilespmem:s23+$0xFFFFFFA0];
	[tilespmem:v19+s22+$0x0] =	vst.idx.msk $0xffff, v18;
	v19 =	vmul.f32 $5.656854150e+00, v50  }
0x196: {  	v22 =	vadd.s32 v8, v22;
	[tilespmem:v31+s22+$0x0] =	vst.idx.msk $0xffff, v17;
	v18 =	vmul.f32 $5.656854150e+00, v28;
	v28 =	vld [tilespmem:s23+$0xFFFFFFC0]  }
0x197: {  	v23 =	vadd.s32 v10, v23;
	v17 =	vmul.f32 $5.656854150e+00, v35;
	v31 =	vld [tilespmem:s23+$0xFFFFFFE0];
	[tilespmem:v27+s22+$0x0] =	vst.idx.msk $0xffff, v19  }
0x198: {  	v19 =	vadd.s32 v12, v24;
	[tilespmem:v21+s22+$0x0] =	vst.idx.msk $0xffff, v18;
	v18 =	vmul.f32 $5.656854150e+00, v30  }
0x199: {  	[tilespmem:v26+s22+$0x0] =	vst.idx.msk $0xffff, v17;
	v17 =	vmul.f32 $5.656854150e+00, v29;
	v21 =	vadd.s32 v14, v25  }
0x19a: {  	[tilespmem:v20+s22+$0x0] =	vst.idx.msk $0xffff, v18;
	v18 =	vmul.f32 $5.656854150e+00, v51  }
0x19b: {  	[tilespmem:v22+s22+$0x0] =	vst.idx.msk $0xffff, v17;
	v17 =	vmul.f32 $5.656854150e+00, v28  }
0x19c: {  	[tilespmem:v23+s22+$0x0] =	vst.idx.msk $0xffff, v18;
	v18 =	vmul.f32 $5.656854150e+00, v31  }
0x19d: {  	[tilespmem:v19+s22+$0x0] =	vst.idx.msk $0xffff, v17  }
0x19e: {  	s24 =	simm.s32 @!p1 $0x80;
	s25 =	simm.s32 @!p1 $0x8400;
	s23 =	sadd.s32 @!p1 $0x300, s11;
	[tilespmem:v21+s22+$0x0] =	vst.idx.msk $0xffff, v18  }
0x19f: {  	[tilespmem:s25], [sflag:$0x3] =	stream.indirect.gather @!p1 [hbm4b:s4+s24], $0x20, s23, s24, $0xb8;
	[tilespmem:$0xE800] =	vst v63  }
0x1a0: {  	s23 =	sadd.s32 s6, s12  }
0x1a1: {  	s25 =	sshll.u32 s12, $0xE;
	s24 =	sshll.u32 s23, $0x9  }
0x1a2: {  	s12 =	sand.u32 $0x18000, s25;
	s23 =	sshll.u32 s23, $0x4;
	s24 =	sand.u32 $0xFFE0000, s24  }
0x1a3: {  	s23 =	sand.u32 $0xF80, s23;
	s12 =	sor.u32 s12, s24  }
0x1a4: {  	s12 =	sor.u32 s23, s12  }
0x1a5: {  	s23 =	sadd.s32 s2, s12  }
0x1a6: {  	[hbm4b:s23+s3] =	stream.linear.scatter [tilespmem:s22], [sflag:$0x7], $0x80, $0x38;
	[tilespmem:$0xE800] =	vst v63  }
0x1a7: {  	s25 =	simm.s32 $0xC688;
	s24 =	sadd.s32 $0x10, s23  }
0x1a8: {  	[hbm4b:s24+s3] =	stream.linear.scatter [tilespmem:s25], [sflag:$0x7], $0x80, $0x38;
	[tilespmem:$0xE800] =	vst v63  }
0x1a9: {  	s24 =	sadd.s32 $0x20, s23;
	s25 =	simm.s32 $0xC710  }
0x1aa: {  	[hbm4b:s24+s3] =	stream.linear.scatter [tilespmem:s25], [sflag:$0x7], $0x80, $0x38;
	[tilespmem:$0xE800] =	vst v63  }
0x1ab: {  	s24 =	sadd.s32 $0x30, s23;
	s25 =	simm.s32 $0xC798  }
0x1ac: {  	[hbm4b:s24+s3] =	stream.linear.scatter [tilespmem:s25], [sflag:$0x7], $0x80, $0x38;
	[tilespmem:$0xE800] =	vst v63  }
0x1ad: {  	s24 =	sadd.s32 $0x40, s23;
	s25 =	simm.s32 $0xC820  }
0x1ae: {  	[hbm4b:s24+s3] =	stream.linear.scatter [tilespmem:s25], [sflag:$0x7], $0x80, $0x38;
	[tilespmem:$0xE800] =	vst v63  }
0x1af: {  	s24 =	sadd.s32 $0x50, s23;
	s25 =	simm.s32 $0xC8A8  }
0x1b0: {  	[hbm4b:s24+s3] =	stream.linear.scatter [tilespmem:s25], [sflag:$0x7], $0x80, $0x38;
	[tilespmem:$0xE800] =	vst v63  }
0x1b1: {  	s24 =	sadd.s32 $0x60, s23;
	s25 =	simm.s32 $0xC930  }
0x1b2: {  	[hbm4b:s24+s3] =	stream.linear.scatter [tilespmem:s25], [sflag:$0x7], $0x80, $0x38;
	[tilespmem:$0xE800] =	vst v63  }
0x1b3: {  	s23 =	sadd.s32 $0x70, s23;
	s25 =	simm.s32 $0xC9B8  }
0x1b4: {  	[hbm4b:s23+s3] =	stream.linear.scatter [tilespmem:s25], [sflag:$0x7], $0x80, $0x38;
	[tilespmem:$0xE800] =	vst v63  }
0x1b5: {  	s23 =	sadd.s32 s12, s7;
	s25 =	simm.s32 $0xCA40  }
0x1b6: {  	[hbm4b:s23+s3] =	stream.linear.scatter [tilespmem:s25], [sflag:$0x7], $0x80, $0x38;
	[tilespmem:$0xE800] =	vst v63  }
0x1b7: {  	s24 =	sadd.s32 $0x10, s23;
	s25 =	simm.s32 $0xCAC8  }
0x1b8: {  	[hbm4b:s24+s3] =	stream.linear.scatter [tilespmem:s25], [sflag:$0x7], $0x80, $0x38;
	[tilespmem:$0xE800] =	vst v63  }
0x1b9: {  	s24 =	sadd.s32 $0x20, s23;
	s25 =	simm.s32 $0xCB50  }
0x1ba: {  	[hbm4b:s24+s3] =	stream.linear.scatter [tilespmem:s25], [sflag:$0x7], $0x80, $0x38;
	[tilespmem:$0xE800] =	vst v63  }
0x1bb: {  	s24 =	sadd.s32 $0x30, s23;
	s25 =	simm.s32 $0xCBD8  }
0x1bc: {  	[hbm4b:s24+s3] =	stream.linear.scatter [tilespmem:s25], [sflag:$0x7], $0x80, $0x38;
	[tilespmem:$0xE800] =	vst v63  }
0x1bd: {  	s24 =	sadd.s32 $0x40, s23;
	s25 =	simm.s32 $0xCC60  }
0x1be: {  	[hbm4b:s24+s3] =	stream.linear.scatter [tilespmem:s25], [sflag:$0x7], $0x80, $0x38;
	[tilespmem:$0xE800] =	vst v63  }
0x1bf: {  	s24 =	sadd.s32 $0x50, s23;
	s25 =	simm.s32 $0xCCE8  }
0x1c0: {  	[hbm4b:s24+s3] =	stream.linear.scatter [tilespmem:s25], [sflag:$0x7], $0x80, $0x38;
	[tilespmem:$0xE800] =	vst v63  }
0x1c1: {  	s24 =	sadd.s32 $0x60, s23;
	s25 =	simm.s32 $0xCD70  }
0x1c2: {  	[hbm4b:s24+s3] =	stream.linear.scatter [tilespmem:s25], [sflag:$0x7], $0x80, $0x38;
	[tilespmem:$0xE800] =	vst v63  }
0x1c3: {  	s23 =	sadd.s32 $0x70, s23;
	s25 =	simm.s32 $0xCDF8  }
0x1c4: {  	[hbm4b:s23+s3] =	stream.linear.scatter [tilespmem:s25], [sflag:$0x7], $0x80, $0x38;
	[tilespmem:$0xE800] =	vst v63  }
0x1c5: {  	s23 =	sadd.s32 s12, s8;
	s25 =	simm.s32 $0xCE80  }
0x1c6: {  	[hbm4b:s23+s3] =	stream.linear.scatter [tilespmem:s25], [sflag:$0x7], $0x80, $0x38;
	[tilespmem:$0xE800] =	vst v63  }
0x1c7: {  	s24 =	sadd.s32 $0x10, s23;
	s25 =	simm.s32 $0xCF08  }
0x1c8: {  	[hbm4b:s24+s3] =	stream.linear.scatter [tilespmem:s25], [sflag:$0x7], $0x80, $0x38;
	[tilespmem:$0xE800] =	vst v63  }
0x1c9: {  	s24 =	sadd.s32 $0x20, s23;
	s25 =	simm.s32 $0xCF90  }
0x1ca: {  	[hbm4b:s24+s3] =	stream.linear.scatter [tilespmem:s25], [sflag:$0x7], $0x80, $0x38;
	[tilespmem:$0xE800] =	vst v63  }
0x1cb: {  	s24 =	sadd.s32 $0x30, s23;
	s25 =	simm.s32 $0xD018  }
0x1cc: {  	[hbm4b:s24+s3] =	stream.linear.scatter [tilespmem:s25], [sflag:$0x7], $0x80, $0x38;
	[tilespmem:$0xE800] =	vst v63  }
0x1cd: {  	s24 =	sadd.s32 $0x40, s23;
	s25 =	simm.s32 $0xD0A0  }
0x1ce: {  	[hbm4b:s24+s3] =	stream.linear.scatter [tilespmem:s25], [sflag:$0x7], $0x80, $0x38;
	[tilespmem:$0xE800] =	vst v63  }
0x1cf: {  	s24 =	sadd.s32 $0x50, s23;
	s25 =	simm.s32 $0xD128  }
0x1d0: {  	[hbm4b:s24+s3] =	stream.linear.scatter [tilespmem:s25], [sflag:$0x7], $0x80, $0x38;
	[tilespmem:$0xE800] =	vst v63  }
0x1d1: {  	s24 =	sadd.s32 $0x60, s23;
	s25 =	simm.s32 $0xD1B0  }
0x1d2: {  	[hbm4b:s24+s3] =	stream.linear.scatter [tilespmem:s25], [sflag:$0x7], $0x80, $0x38;
	[tilespmem:$0xE800] =	vst v63  }
0x1d3: {  	s23 =	sadd.s32 $0x70, s23;
	s25 =	simm.s32 $0xD238  }
0x1d4: {  	[hbm4b:s23+s3] =	stream.linear.scatter [tilespmem:s25], [sflag:$0x7], $0x80, $0x38;
	[tilespmem:$0xE800] =	vst v63  }
0x1d5: {  	s12 =	sadd.s32 s12, s9;
	s25 =	simm.s32 $0xD2C0  }
0x1d6: {  	[hbm4b:s12+s3] =	stream.linear.scatter [tilespmem:s25], [sflag:$0x7], $0x80, $0x38;
	[tilespmem:$0xE800] =	vst v63  }
0x1d7: {  	s24 =	sadd.s32 $0x10, s12;
	s25 =	simm.s32 $0xD348  }
0x1d8: {  	[hbm4b:s24+s3] =	stream.linear.scatter [tilespmem:s25], [sflag:$0x7], $0x80, $0x38;
	[tilespmem:$0xE800] =	vst v63  }
0x1d9: {  	s24 =	sadd.s32 $0x20, s12;
	s25 =	simm.s32 $0xD3D0  }
0x1da: {  	[hbm4b:s24+s3] =	stream.linear.scatter [tilespmem:s25], [sflag:$0x7], $0x80, $0x38;
	[tilespmem:$0xE800] =	vst v63  }
0x1db: {  	s24 =	sadd.s32 $0x30, s12;
	s25 =	simm.s32 $0xD458  }
0x1dc: {  	[hbm4b:s24+s3] =	stream.linear.scatter [tilespmem:s25], [sflag:$0x7], $0x80, $0x38;
	[tilespmem:$0xE800] =	vst v63  }
0x1dd: {  	s24 =	sadd.s32 $0x40, s12;
	s25 =	simm.s32 $0xD4E0  }
0x1de: {  	[hbm4b:s24+s3] =	stream.linear.scatter [tilespmem:s25], [sflag:$0x7], $0x80, $0x38;
	[tilespmem:$0xE800] =	vst v63  }
0x1df: {  	s24 =	sadd.s32 $0x50, s12;
	s25 =	simm.s32 $0xD568  }
0x1e0: {  	[hbm4b:s24+s3] =	stream.linear.scatter [tilespmem:s25], [sflag:$0x7], $0x80, $0x38;
	[tilespmem:$0xE800] =	vst v63  }
0x1e1: {  	s24 =	sadd.s32 $0x60, s12;
	s25 =	simm.s32 $0xD5F0  }
0x1e2: {  	[hbm4b:s24+s3] =	stream.linear.scatter [tilespmem:s25], [sflag:$0x7], $0x80, $0x38;
	[tilespmem:$0xE800] =	vst v63  }
0x1e3: {  	s12 =	sadd.s32 $0x70, s12;
	s25 =	simm.s32 $0xD678  }
0x1e4: {  	[hbm4b:s12+s3] =	stream.linear.scatter [tilespmem:s25], [sflag:$0x7], $0x80, $0x38;
	[tilespmem:$0xE800] =	vst v63  }
0x1e5: {  	_ =	swait.ge [sflag:s18], $0x1000  }
0x1e6: {  	[sflag:s18] =	ssyncset.done $0x0  }
0x1e7: {  	s12 =	simm.s32 @!p0 $0x8;
	[sflag:s18] =	ssyncadd.s32 $0xFFFFF000  }
0x1e8: {  	_ =	swait.ge @!p0 [sflag:s12], $0x400  }
0x1e9: {  	[sflag:s12] =	ssyncset.done @!p0 $0x0  }
0x1ea: {  	[sflag:s12] =	ssyncadd.s32 @!p0 $0xFFFFFC00  }
0x1eb: {  	_ =	swait.ge @!p0 [sflag:s12], $0x400  }
0x1ec: {  	s23 =	simm.s32 $0x2;
	[sflag:s12] =	ssyncset.done @!p0 $0x0  }
0x1ed: {  	v19 =	vmov s23;
	s24 =	simm.s32 $0x0;
	[sflag:s12] =	ssyncadd.s32 @!p0 $0xFFFFFC00  }
0x1ee: {  	v19 =	vshrl.u32 v19, $0x3;
	v17 =	vmov s24;
	s24 =	simm.s32 $0x3;
	_ =	swait.ge @!p0 [sflag:s12], $0x400  }
0x1ef: {  	v19 =	vshll.u32 v19, v1;
	v20 =	vmov s24;
	s24 =	simm.s32 $0x5;
	[sflag:s12] =	ssyncset.done @!p0 $0x0  }
0x1f0: {  	v19 =	vbroadcast v19, $0x0;
	s25 =	simm.s32 $0x1;
	v17 =	vshrl.u32 v17, $0x3;
	v22 =	vmov s24;
	s24 =	simm.s32 $0x7;
	[sflag:s12] =	ssyncadd.s32 @!p0 $0xFFFFFC00  }
0x1f1: {  	v18 =	vmov s25;
	s25 =	simm.s32 $0x4;
	v17 =	vshll.u32 v17, v1;
	v24 =	vmov s24;
	_ =	swait.ge @!p0 [sflag:s12], $0x400  }
0x1f2: {  	v20 =	vshrl.u32 v20, $0x3;
	v21 =	vmov s25;
	v24 =	vshrl.u32 v24, $0x3;
	[sflag:s12] =	ssyncset.done @!p0 $0x0  }
0x1f3: {  	v18 =	vshrl.u32 v18, $0x3;
	v22 =	vshrl.u32 v22, $0x3;
	v24 =	vshll.u32 v24, v1;
	[sflag:s12] =	ssyncadd.s32 @!p0 $0xFFFFFC00;
	s12 =	simm.s32 $0x94F0  }
0x1f4: {  	s25 =	simm.s32 $0x6;
	v17 =	vbroadcast v17, $0x0;
	v20 =	vshll.u32 v20, v1;
	v24 =	vbroadcast v24, $0x0;
	v25 =	vld [tilespmem:s12+$0xFFFFFFF0]  }
0x1f5: {  	v23 =	vmov s25;
	v21 =	vshrl.u32 v21, $0x3;
	v18 =	vshll.u32 v18, v1;
	v26 =	vld [tilespmem:s12+$0xFFFFFF10]  }
0x1f6: {  	v22 =	vshll.u32 v22, v1;
	v18 =	vbroadcast v18, $0x0;
	v28 =	vadd.s32 v15, v24;
	v27 =	vld [tilespmem:s12+$0xFFFFFF30]  }
0x1f7: {  	v53 =	vbroadcast v20, $0x0;
	v23 =	vshrl.u32 v23, $0x3;
	v29 =	vadd.s32 v0, v17;
	v30 =	vld [tilespmem:s12+$0xFFFFFF50]  }
0x1f8: {  	v21 =	vshll.u32 v21, v1;
	v20 =	vshll.u32 v23, v1;
	v31 =	vadd.s32 v3, v18;
	v52 =	vld [tilespmem:s12+$0xFFFFFF70]  }
0x1f9: {  	v23 =	vadd.s32 v5, v19;
	v21 =	vbroadcast v21, $0x0;
	v54 =	vld [tilespmem:s12+$0xFFFFFF90];
	v25 =	vmul.f32 $5.656854150e+00, v25  }
0x1fa: {  	v57 =	vbroadcast v22, $0x0;
	v55 =	vadd.s32 v7, v53;
	v56 =	vld [tilespmem:s12+$0xFFFFFFB0];
	v26 =	vmul.f32 $5.656854150e+00, v26  }
0x1fb: {  	v39 =	vbroadcast v20, $0x0;
	v58 =	vld [tilespmem:s12+$0xFFFFFFD0];
	v22 =	vmul.f32 $5.656854150e+00, v27;
	v27 =	vadd.s32 v9, v21;
	[tilespmem:v28+s5+$0x0] =	vst.idx.msk $0xffff, v25  }
0x1fc: {  	v20 =	vmul.f32 $5.656854150e+00, v30;
	[tilespmem:v29+s5+$0x0] =	vst.idx.msk $0xffff, v26;
	v25 =	vadd.s32 v11, v57;
	v26 =	vld [tilespmem:s12+$0x0]  }
0x1fd: {  	[tilespmem:v31+s5+$0x0] =	vst.idx.msk $0xffff, v22;
	v22 =	vmul.f32 $5.656854150e+00, v52;
	v29 =	vadd.s32 v13, v39;
	v28 =	vld [tilespmem:s12+$0xFFFFFF20]  }
0x1fe: {  	v63 =	vadd.s32 v6, v19;
	s25 =	simm.s32 $0x8;
	v24 =	vadd.s32 v16, v24;
	[tilespmem:v23+s5+$0x0] =	vst.idx.msk $0xffff, v20;
	v20 =	vmul.f32 $5.656854150e+00, v54;
	v31 =	vld [tilespmem:s12+$0xFFFFFF40]  }
0x1ff: {  	v59 =	vadd.s32 v2, v17;
	v30 =	vmov s25;
	v17 =	vmul.f32 $5.656854150e+00, v56;
	v60 =	vld [tilespmem:s12+$0xFFFFFF60];
	[tilespmem:v55+s5+$0x0] =	vst.idx.msk $0xffff, v22  }
0x200: {  	s24 =	simm.s32 $0x9;
	v62 =	vadd.s32 v4, v18;
	v18 =	vmul.f32 $5.656854150e+00, v58;
	v30 =	vshrl.u32 v30, $0x3;
	v40 =	vld [tilespmem:s12+$0xFFFFFF80];
	[tilespmem:v27+s5+$0x0] =	vst.idx.msk $0xffff, v20  }
0x201: {  	v61 =	vmov s24;
	s24 =	simm.s32 $0xB;
	v30 =	vshll.u32 v30, v1;
	v41 =	vld [tilespmem:s12+$0xFFFFFFA0];
	[tilespmem:v25+s5+$0x0] =	vst.idx.msk $0xffff, v17;
	v19 =	vmul.f32 $5.656854150e+00, v26  }
0x202: {  	s25 =	simm.s32 $0xA;
	v22 =	vmov s24;
	v17 =	vadd.s32 v8, v53;
	[tilespmem:v29+s5+$0x0] =	vst.idx.msk $0xffff, v18;
	v25 =	vmul.f32 $5.656854150e+00, v28;
	v27 =	vld [tilespmem:s12+$0xFFFFFFC0]  }
0x203: {  	v20 =	vmov s25;
	s25 =	simm.s32 $0xC;
	v18 =	vadd.s32 v10, v21;
	v26 =	vmul.f32 $5.656854150e+00, v31;
	v29 =	vld [tilespmem:s12+$0xFFFFFFE0];
	[tilespmem:v24+s5+$0x0] =	vst.idx.msk $0xffff, v19  }
0x204: {  	s24 =	simm.s32 $0xD;
	v23 =	vmov s25;
	v21 =	vadd.s32 v12, v57;
	v31 =	vmul.f32 $5.656854150e+00, v60;
	[tilespmem:v59+s5+$0x0] =	vst.idx.msk $0xffff, v25  }
0x205: {  	s25 =	simm.s32 $0xE;
	v24 =	vmov s24;
	[tilespmem:v62+s5+$0x0] =	vst.idx.msk $0xffff, v26;
	v28 =	vmul.f32 $5.656854150e+00, v40;
	v19 =	vadd.s32 v14, v39  }
0x206: {  	s10 =	sor.u32 $0x3, s10;
	s23 =	simm.s32 $0x10;
	v25 =	vmov s25;
	v26 =	vshrl.u32 v61, $0x3;
	s24 =	simm.s32 $0xF;
	[tilespmem:v63+s5+$0x0] =	vst.idx.msk $0xffff, v31;
	v31 =	vmul.f32 $5.656854150e+00, v41  }
.LBB2_9:
0x207: {  	p0 =	slt.u32 s23, $0x78;
	v20 =	vshrl.u32 v20, $0x3;
	v32 =	vmov s24;
	[tilespmem:v17+s5+$0x0] =	vst.idx.msk $0xffff, v28;
	v17 =	vmul.f32 $5.656854150e+00, v27  }
0x208: {  	v22 =	vshrl.u32 v22, $0x3;
	v27 =	vshrl.u32 v32, $0x3;
	[tilespmem:v18+s5+$0x0] =	vst.idx.msk $0xffff, v31;
	v18 =	vmul.f32 $5.656854150e+00, v29  }
0x209: {  	v23 =	vshrl.u32 v23, $0x3;
	v24 =	vshrl.u32 v24, $0x3;
	s12 =	sadd.s32 $0x100, s12;
	v27 =	vshll.u32 v27, v1;
	[tilespmem:v21+s5+$0x0] =	vst.idx.msk $0xffff, v17  }
0x20a: {  	v17 =	vbroadcast v30, $0x0;
	v21 =	vshrl.u32 v25, $0x3;
	v25 =	vld [tilespmem:s12+$0xFFFFFFF0];
	v27 =	vbroadcast v27, $0x0;
	[tilespmem:v19+s5+$0x0] =	vst.idx.msk $0xffff, v18  }
0x20b: {  	v20 =	vshll.u32 v20, v1;
	v22 =	vshll.u32 v22, v1;
	v19 =	vshll.u32 v26, v1;
	v18 =	vld [tilespmem:s12+$0xFFFFFF10]  }
0x20c: {  	v23 =	vshll.u32 v23, v1;
	v19 =	vbroadcast v19, $0x0;
	v26 =	vld [tilespmem:s12+$0xFFFFFF30];
	v28 =	vadd.s32 v15, v27  }
0x20d: {  	v31 =	vbroadcast v20, $0x0;
	v20 =	vshll.u32 v24, v1;
	v29 =	vadd.s32 v0, v17;
	v30 =	vld [tilespmem:s12+$0xFFFFFF50]  }
0x20e: {  	v33 =	vbroadcast v22, $0x0;
	v21 =	vshll.u32 v21, v1;
	v24 =	vadd.s32 v3, v19;
	v32 =	vld [tilespmem:s12+$0xFFFFFF70]  }
0x20f: {  	v35 =	vbroadcast v23, $0x0;
	v22 =	vadd.s32 v5, v31;
	v34 =	vld [tilespmem:s12+$0xFFFFFF90];
	v23 =	vmul.f32 $5.656854150e+00, v25  }
0x210: {  	v37 =	vbroadcast v20, $0x0;
	v25 =	vadd.s32 v7, v33;
	v18 =	vmul.f32 $5.656854150e+00, v18;
	v36 =	vld [tilespmem:s12+$0xFFFFFFB0]  }
0x211: {  	v39 =	vbroadcast v21, $0x0;
	v20 =	vmul.f32 $5.656854150e+00, v26;
	v26 =	vadd.s32 v9, v35;
	v38 =	vld [tilespmem:s12+$0xFFFFFFD0];
	[tilespmem:v28+s5+$0x0] =	vst.idx.msk $0xffff, v23  }
0x212: {  	v21 =	vadd.s32 v11, v37;
	[tilespmem:v29+s5+$0x0] =	vst.idx.msk $0xffff, v18;
	v18 =	vmul.f32 $5.656854150e+00, v30;
	v23 =	vld [tilespmem:s12+$0x0]  }
0x213: {  	v28 =	vld [tilespmem:s12+$0xFFFFFF20];
	[tilespmem:v24+s5+$0x0] =	vst.idx.msk $0xffff, v20;
	v20 =	vmul.f32 $5.656854150e+00, v32;
	v24 =	vadd.s32 v13, v39  }
0x214: {  	v29 =	vmov s23;
	v32 =	vadd.s32 v16, v27;
	v30 =	vld [tilespmem:s12+$0xFFFFFF40];
	[tilespmem:v22+s5+$0x0] =	vst.idx.msk $0xffff, v18;
	v18 =	vmul.f32 $5.656854150e+00, v34  }
0x215: {  	s24 =	sadd.s32 $0x1, s23;
	v40 =	vadd.s32 v2, v17;
	v34 =	vshrl.u32 v29, $0x3;
	v41 =	vld [tilespmem:s12+$0xFFFFFF60];
	[tilespmem:v25+s5+$0x0] =	vst.idx.msk $0xffff, v20;
	v17 =	vmul.f32 $5.656854150e+00, v36  }
0x216: {  	v19 =	vadd.s32 v4, v19;
	v36 =	vmov s24;
	s24 =	sadd.s32 $0x2, s23;
	v42 =	vld [tilespmem:s12+$0xFFFFFF80];
	[tilespmem:v26+s5+$0x0] =	vst.idx.msk $0xffff, v18;
	v18 =	vmul.f32 $5.656854150e+00, v38  }
0x217: {  	v31 =	vadd.s32 v6, v31;
	v20 =	vmov s24;
	s24 =	sadd.s32 $0x3, s23;
	v38 =	vld [tilespmem:s12+$0xFFFFFFA0];
	[tilespmem:v21+s5+$0x0] =	vst.idx.msk $0xffff, v17;
	v21 =	vmul.f32 $5.656854150e+00, v23  }
.Ltmp3:
0x218: {  	v22 =	vmov s24;
	s24 =	sadd.s32 $0x4, s23;
	v17 =	vadd.s32 v8, v33;
	v25 =	vmul.f32 $5.656854150e+00, v28;
	v27 =	vld [tilespmem:s12+$0xFFFFFFC0];
	[tilespmem:v24+s5+$0x0] =	vst.idx.msk $0xffff, v18;
	(pc) =	sbr.rel @p0 .LBB2_9-.Ltmp3, $4  }
0x219: {  	v23 =	vmov s24;
	s24 =	sadd.s32 $0x5, s23;
	v18 =	vadd.s32 v10, v35;
	v26 =	vmul.f32 $5.656854150e+00, v30;
	v29 =	vld [tilespmem:s12+$0xFFFFFFE0];
	[tilespmem:v32+s5+$0x0] =	vst.idx.msk $0xffff, v21  }
0x21a: {  	v24 =	vmov s24;
	s24 =	sadd.s32 $0x6, s23;
	v21 =	vadd.s32 v12, v37;
	[tilespmem:v40+s5+$0x0] =	vst.idx.msk $0xffff, v25;
	v32 =	vmul.f32 $5.656854150e+00, v41  }
0x21b: {  	v25 =	vmov s24;
	[tilespmem:v19+s5+$0x0] =	vst.idx.msk $0xffff, v26;
	v28 =	vmul.f32 $5.656854150e+00, v42;
	v19 =	vadd.s32 v14, v39  }
0x21c: {  	v30 =	vshll.u32 v34, v1;
	s24 =	sadd.s32 $0x7, s23;
	s23 =	sadd.s32 $0x8, s23;
	v26 =	vshrl.u32 v36, $0x3;
	[tilespmem:v31+s5+$0x0] =	vst.idx.msk $0xffff, v32;
	v31 =	vmul.f32 $5.656854150e+00, v38  }
0x21d: {  	v20 =	vshrl.u32 v20, $0x3;
	v32 =	vmov s24;
	v27 =	vmul.f32 $5.656854150e+00, v27  }
0x21e: {  	v22 =	vshrl.u32 v22, $0x3;
	v23 =	vshrl.u32 v23, $0x3;
	v24 =	vshrl.u32 v24, $0x3  }
0x21f: {  	s12 =	sadd.s32 $0x100, s12;
	v30 =	vbroadcast v30, $0x0;
	v25 =	vshrl.u32 v25, $0x3;
	v32 =	vshrl.u32 v32, $0x3  }
0x220: {  	v26 =	vshll.u32 v26, v1;
	v29 =	vmul.f32 $5.656854150e+00, v29;
	v34 =	vld [tilespmem:s12+$0xFFFFFF10];
	v32 =	vshll.u32 v32, v1  }
0x221: {  	v33 =	vld [tilespmem:s12+$0xFFFFFFF0];
	v20 =	vshll.u32 v20, v1;
	v22 =	vshll.u32 v22, v1;
	v32 =	vbroadcast v32, $0x0  }
0x222: {  	[tilespmem:v17+s5+$0x0] =	vst.idx.msk $0xffff, v28;
	v35 =	vld [tilespmem:s12+$0xFFFFFF30];
	v26 =	vbroadcast v26, $0x0;
	v23 =	vshll.u32 v23, v1;
	v17 =	vadd.s32 v0, v30  }
0x223: {  	v49 =	vld [tilespmem:s12+$0xFFFFFF50];
	v24 =	vshll.u32 v24, v1;
	v20 =	vbroadcast v20, $0x0;
	v36 =	vadd.s32 v15, v32  }
0x224: {  	[tilespmem:v18+s5+$0x0] =	vst.idx.msk $0xffff, v31;
	v50 =	vld [tilespmem:s12+$0xFFFFFF70];
	v25 =	vshll.u32 v25, v1;
	v22 =	vbroadcast v22, $0x0;
	v18 =	vadd.s32 v3, v26  }
0x225: {  	v52 =	vld [tilespmem:s12+$0xFFFFFF90];
	v23 =	vbroadcast v23, $0x0;
	[tilespmem:v19+s5+$0x0] =	vst.idx.msk $0xffff, v29;
	v51 =	vadd.s32 v5, v20;
	v19 =	vmul.f32 $5.656854150e+00, v34  }
0x226: {  	v54 =	vld [tilespmem:s12+$0xFFFFFFB0];
	[tilespmem:v21+s5+$0x0] =	vst.idx.msk $0xffff, v27;
	v24 =	vbroadcast v24, $0x0;
	v53 =	vadd.s32 v7, v22;
	v33 =	vmul.f32 $5.656854150e+00, v33  }
0x227: {  	v38 =	vld [tilespmem:s12+$0xFFFFFFD0];
	v25 =	vbroadcast v25, $0x0;
	v37 =	vadd.s32 v9, v23;
	v35 =	vmul.f32 $5.656854150e+00, v35;
	[tilespmem:v17+s5+$0x0] =	vst.idx.msk $0xffff, v19  }
0x228: {  	v17 =	vmul.f32 $5.656854150e+00, v49;
	v19 =	vadd.s32 v11, v24;
	v56 =	vld [tilespmem:s12+$0xFFFFFF20];
	[tilespmem:v36+s5+$0x0] =	vst.idx.msk $0xffff, v33  }
0x229: {  	v57 =	vadd.s32 v13, v25;
	[tilespmem:v18+s5+$0x0] =	vst.idx.msk $0xffff, v35;
	v18 =	vmul.f32 $5.656854150e+00, v50;
	v55 =	vld [tilespmem:s12+$0x0]  }
0x22a: {  	v59 =	vadd.s32 v2, v30;
	v35 =	vld [tilespmem:s12+$0xFFFFFF40];
	[tilespmem:v51+s5+$0x0] =	vst.idx.msk $0xffff, v17;
	v17 =	vmul.f32 $5.656854150e+00, v52  }
0x22b: {  	v58 =	vadd.s32 v16, v32;
	[tilespmem:v53+s5+$0x0] =	vst.idx.msk $0xffff, v18;
	v18 =	vmul.f32 $5.656854150e+00, v54;
	v60 =	vld [tilespmem:s12+$0xFFFFFF60]  }
0x22c: {  	v26 =	vadd.s32 v4, v26;
	v29 =	vld [tilespmem:s12+$0xFFFFFF80];
	[tilespmem:v37+s5+$0x0] =	vst.idx.msk $0xffff, v17;
	v17 =	vmul.f32 $5.656854150e+00, v38  }
0x22d: {  	v20 =	vadd.s32 v6, v20;
	v61 =	vld [tilespmem:s12+$0xFFFFFFA0];
	[tilespmem:v19+s5+$0x0] =	vst.idx.msk $0xffff, v18;
	v19 =	vmul.f32 $5.656854150e+00, v56  }
0x22e: {  	v22 =	vadd.s32 v8, v22;
	v62 =	vld [tilespmem:s12+$0xFFFFFFC0];
	[tilespmem:v57+s5+$0x0] =	vst.idx.msk $0xffff, v17;
	v18 =	vmul.f32 $5.656854150e+00, v55  }
0x22f: {  	v23 =	vadd.s32 v10, v23;
	v17 =	vmul.f32 $5.656854150e+00, v35;
	v31 =	vld [tilespmem:s12+$0xFFFFFFE0];
	[tilespmem:v59+s5+$0x0] =	vst.idx.msk $0xffff, v19  }
0x230: {  	v19 =	vadd.s32 v12, v24;
	[tilespmem:v58+s5+$0x0] =	vst.idx.msk $0xffff, v18;
	v18 =	vmul.f32 $5.656854150e+00, v60  }
0x231: {  	v63 =	vadd.s32 v14, v25;
	[tilespmem:v26+s5+$0x0] =	vst.idx.msk $0xffff, v17;
	v17 =	vmul.f32 $5.656854150e+00, v29  }
0x232: {  	[tilespmem:v20+s5+$0x0] =	vst.idx.msk $0xffff, v18;
	v18 =	vmul.f32 $5.656854150e+00, v61  }
0x233: {  	[tilespmem:v22+s5+$0x0] =	vst.idx.msk $0xffff, v17;
	v17 =	vmul.f32 $5.656854150e+00, v62  }
0x234: {  	[tilespmem:v23+s5+$0x0] =	vst.idx.msk $0xffff, v18;
	v18 =	vmul.f32 $5.656854150e+00, v31  }
0x235: {  	s11 =	sadd.s32 @!p1 $0x380, s11;
	[tilespmem:v19+s5+$0x0] =	vst.idx.msk $0xffff, v17  }
0x236: {  	s23 =	simm.s32 @!p1 $0x9400;
	s24 =	sadd.s32 s6, s10;
	s12 =	simm.s32 @!p1 $0x80;
	[tilespmem:v63+s5+$0x0] =	vst.idx.msk $0xffff, v18  }
0x237: {  	[tilespmem:s23], [sflag:$0x4] =	stream.indirect.gather @!p1 [hbm4b:s4+s12], $0x20, s11, s12, $0xb8;
	[tilespmem:$0xE800] =	vst v63  }
0x238: {  	s25 =	sshll.u32 s24, $0x9;
	s23 =	sshll.u32 s10, $0xE  }
0x239: {  	s12 =	sand.u32 $0xFFE0000, s25;
	s11 =	sshll.u32 s24, $0x4;
	s10 =	sand.u32 $0x1C000, s23  }
0x23a: {  	s11 =	sand.u32 $0xF80, s11;
	s10 =	sor.u32 s10, s12  }
0x23b: {  	s10 =	sor.u32 s11, s10  }
0x23c: {  	s11 =	sadd.s32 s2, s10  }
0x23d: {  	[hbm4b:s11+s3] =	stream.linear.scatter [tilespmem:s5], [sflag:$0x8], $0x80, $0x38;
	[tilespmem:$0xE800] =	vst v63  }
0x23e: {  	s25 =	simm.s32 $0xD788;
	s24 =	sadd.s32 $0x10, s11  }
0x23f: {  	[hbm4b:s24+s3] =	stream.linear.scatter [tilespmem:s25], [sflag:$0x8], $0x80, $0x38;
	[tilespmem:$0xE800] =	vst v63  }
0x240: {  	s24 =	sadd.s32 $0x20, s11;
	s25 =	simm.s32 $0xD810  }
0x241: {  	[hbm4b:s24+s3] =	stream.linear.scatter [tilespmem:s25], [sflag:$0x8], $0x80, $0x38;
	[tilespmem:$0xE800] =	vst v63  }
0x242: {  	s24 =	sadd.s32 $0x30, s11;
	s25 =	simm.s32 $0xD898  }
0x243: {  	[hbm4b:s24+s3] =	stream.linear.scatter [tilespmem:s25], [sflag:$0x8], $0x80, $0x38;
	[tilespmem:$0xE800] =	vst v63  }
0x244: {  	s24 =	sadd.s32 $0x40, s11;
	s25 =	simm.s32 $0xD920  }
0x245: {  	[hbm4b:s24+s3] =	stream.linear.scatter [tilespmem:s25], [sflag:$0x8], $0x80, $0x38;
	[tilespmem:$0xE800] =	vst v63  }
0x246: {  	s24 =	sadd.s32 $0x50, s11;
	s25 =	simm.s32 $0xD9A8  }
0x247: {  	[hbm4b:s24+s3] =	stream.linear.scatter [tilespmem:s25], [sflag:$0x8], $0x80, $0x38;
	[tilespmem:$0xE800] =	vst v63  }
0x248: {  	s23 =	sadd.s32 $0x60, s11;
	s24 =	simm.s32 $0xDA30  }
0x249: {  	[hbm4b:s23+s3] =	stream.linear.scatter [tilespmem:s24], [sflag:$0x8], $0x80, $0x38;
	[tilespmem:$0xE800] =	vst v63  }
0x24a: {  	s11 =	sadd.s32 $0x70, s11;
	s25 =	simm.s32 $0xDAB8  }
0x24b: {  	[hbm4b:s11+s3] =	stream.linear.scatter [tilespmem:s25], [sflag:$0x8], $0x80, $0x38;
	[tilespmem:$0xE800] =	vst v63  }
0x24c: {  	s23 =	simm.s32 $0xDB40;
	s11 =	sadd.s32 s10, s7  }
0x24d: {  	[hbm4b:s11+s3] =	stream.linear.scatter [tilespmem:s23], [sflag:$0x8], $0x80, $0x38;
	[tilespmem:$0xE800] =	vst v63  }
0x24e: {  	s25 =	simm.s32 $0xDBC8;
	s24 =	sadd.s32 $0x10, s11  }
0x24f: {  	[hbm4b:s24+s3] =	stream.linear.scatter [tilespmem:s25], [sflag:$0x8], $0x80, $0x38;
	[tilespmem:$0xE800] =	vst v63  }
0x250: {  	s24 =	sadd.s32 $0x20, s11;
	s25 =	simm.s32 $0xDC50  }
0x251: {  	[hbm4b:s24+s3] =	stream.linear.scatter [tilespmem:s25], [sflag:$0x8], $0x80, $0x38;
	[tilespmem:$0xE800] =	vst v63  }
0x252: {  	s24 =	sadd.s32 $0x30, s11;
	s25 =	simm.s32 $0xDCD8  }
0x253: {  	[hbm4b:s24+s3] =	stream.linear.scatter [tilespmem:s25], [sflag:$0x8], $0x80, $0x38;
	[tilespmem:$0xE800] =	vst v63  }
0x254: {  	s24 =	sadd.s32 $0x40, s11;
	s25 =	simm.s32 $0xDD60  }
0x255: {  	[hbm4b:s24+s3] =	stream.linear.scatter [tilespmem:s25], [sflag:$0x8], $0x80, $0x38;
	[tilespmem:$0xE800] =	vst v63  }
0x256: {  	s24 =	sadd.s32 $0x50, s11;
	s25 =	simm.s32 $0xDDE8  }
0x257: {  	[hbm4b:s24+s3] =	stream.linear.scatter [tilespmem:s25], [sflag:$0x8], $0x80, $0x38;
	[tilespmem:$0xE800] =	vst v63  }
0x258: {  	s23 =	sadd.s32 $0x60, s11;
	s24 =	simm.s32 $0xDE70  }
0x259: {  	[hbm4b:s23+s3] =	stream.linear.scatter [tilespmem:s24], [sflag:$0x8], $0x80, $0x38;
	[tilespmem:$0xE800] =	vst v63  }
0x25a: {  	s11 =	sadd.s32 $0x70, s11;
	s25 =	simm.s32 $0xDEF8  }
0x25b: {  	[hbm4b:s11+s3] =	stream.linear.scatter [tilespmem:s25], [sflag:$0x8], $0x80, $0x38;
	[tilespmem:$0xE800] =	vst v63  }
0x25c: {  	s23 =	simm.s32 $0xDF80;
	s11 =	sadd.s32 s10, s8  }
0x25d: {  	[hbm4b:s11+s3] =	stream.linear.scatter [tilespmem:s23], [sflag:$0x8], $0x80, $0x38;
	[tilespmem:$0xE800] =	vst v63  }
0x25e: {  	s25 =	simm.s32 $0xE008;
	s24 =	sadd.s32 $0x10, s11  }
0x25f: {  	[hbm4b:s24+s3] =	stream.linear.scatter [tilespmem:s25], [sflag:$0x8], $0x80, $0x38;
	[tilespmem:$0xE800] =	vst v63  }
0x260: {  	s24 =	sadd.s32 $0x20, s11;
	s25 =	simm.s32 $0xE090  }
0x261: {  	[hbm4b:s24+s3] =	stream.linear.scatter [tilespmem:s25], [sflag:$0x8], $0x80, $0x38;
	[tilespmem:$0xE800] =	vst v63  }
0x262: {  	s24 =	sadd.s32 $0x30, s11;
	s25 =	simm.s32 $0xE118  }
0x263: {  	[hbm4b:s24+s3] =	stream.linear.scatter [tilespmem:s25], [sflag:$0x8], $0x80, $0x38;
	[tilespmem:$0xE800] =	vst v63  }
0x264: {  	s24 =	sadd.s32 $0x40, s11;
	s25 =	simm.s32 $0xE1A0  }
0x265: {  	[hbm4b:s24+s3] =	stream.linear.scatter [tilespmem:s25], [sflag:$0x8], $0x80, $0x38;
	[tilespmem:$0xE800] =	vst v63  }
0x266: {  	s24 =	sadd.s32 $0x50, s11;
	s25 =	simm.s32 $0xE228  }
0x267: {  	[hbm4b:s24+s3] =	stream.linear.scatter [tilespmem:s25], [sflag:$0x8], $0x80, $0x38;
	[tilespmem:$0xE800] =	vst v63  }
0x268: {  	s24 =	sadd.s32 $0x60, s11;
	s25 =	simm.s32 $0xE2B0  }
0x269: {  	[hbm4b:s24+s3] =	stream.linear.scatter [tilespmem:s25], [sflag:$0x8], $0x80, $0x38;
	[tilespmem:$0xE800] =	vst v63  }
0x26a: {  	s11 =	sadd.s32 $0x70, s11  }
0x26b: {  	[hbm4b:s11+s3] =	stream.linear.scatter [tilespmem:s26], [sflag:$0x8], $0x80, $0x38;
	[tilespmem:$0xE800] =	vst v63  }
0x26c: {  	s10 =	sadd.s32 s10, s9  }
0x26d: {  	[hbm4b:s10+s3] =	stream.linear.scatter [tilespmem:s28], [sflag:$0x8], $0x80, $0x38;
	[tilespmem:$0xE800] =	vst v63  }
0x26e: {  	s24 =	sadd.s32 $0x10, s10  }
0x26f: {  	[hbm4b:s24+s3] =	stream.linear.scatter [tilespmem:s29], [sflag:$0x8], $0x80, $0x38;
	[tilespmem:$0xE800] =	vst v63  }
0x270: {  	s25 =	sadd.s32 $0x20, s10  }
0x271: {  	[hbm4b:s25+s3] =	stream.linear.scatter [tilespmem:s30], [sflag:$0x8], $0x80, $0x38;
	[tilespmem:$0xE800] =	vst v63  }
0x272: {  	s12 =	sadd.s32 $0x30, s10  }
0x273: {  	[hbm4b:s12+s3] =	stream.linear.scatter [tilespmem:s0], [sflag:$0x8], $0x80, $0x38;
	[tilespmem:$0xE800] =	vst v63  }
0x274: {  	s17 =	sadd.s32 $0x1, s17;
	s23 =	sadd.s32 $0x40, s10  }
0x275: {  	[hbm4b:s23+s3] =	stream.linear.scatter [tilespmem:s13], [sflag:$0x8], $0x80, $0x38;
	[tilespmem:$0xE800] =	vst v63  }
0x276: {  	p0 =	sne.s32 s17, $0x32;
	s24 =	sadd.s32 $0x50, s10  }
0x277: {  	[hbm4b:s24+s3] =	stream.linear.scatter [tilespmem:s14], [sflag:$0x8], $0x80, $0x38;
	[tilespmem:$0xE800] =	vst v63  }
.Ltmp4:
0x278: {  	_ = 	snop;
	(pc) =	sbr.rel @p0 .LBB2_2-.Ltmp4, $4  }
0x279: {  	s25 =	sadd.s32 $0x60, s10  }
0x27a: {  	[hbm4b:s25+s3] =	stream.linear.scatter [tilespmem:s15], [sflag:$0x8], $0x80, $0x38;
	[tilespmem:$0xE800] =	vst v63  }
0x27b: {  	s10 =	sadd.s32 $0x70, s10  }
0x27c: {  	[hbm4b:s10+s3] =	stream.linear.scatter [tilespmem:s16], [sflag:$0x8], $0x80, $0x38;
	[tilespmem:$0xE800] =	vst v63  }
0x27d: {  	s10 =	simm.s32 $0x5  }
0x27e: {  	_ =	swait.ge [sflag:s10], $0x400  }
0x27f: {  	[sflag:s10] =	ssyncset.done $0x0  }
0x280: {  	[sflag:s10] =	ssyncadd.s32 $0xFFFFFC00  }
0x281: {  	_ =	swait.ge [sflag:s10], $0x400  }
0x282: {  	[sflag:s10] =	ssyncset.done $0x0  }
0x283: {  	[sflag:s10] =	ssyncadd.s32 $0xFFFFFC00  }
0x284: {  	_ =	swait.ge [sflag:s10], $0x400  }
0x285: {  	[sflag:s10] =	ssyncset.done $0x0  }
0x286: {  	[sflag:s10] =	ssyncadd.s32 $0xFFFFFC00  }
0x287: {  	_ =	swait.ge [sflag:s10], $0x400  }
0x288: {  	[sflag:s10] =	ssyncset.done $0x0  }
0x289: {  	s23 =	simm.s32 $0x6;
	[sflag:s10] =	ssyncadd.s32 $0xFFFFFC00  }
0x28a: {  	_ =	swait.ge [sflag:s23], $0x400  }
0x28b: {  	[sflag:s23] =	ssyncset.done $0x0  }
0x28c: {  	[sflag:s23] =	ssyncadd.s32 $0xFFFFFC00  }
0x28d: {  	_ =	swait.ge [sflag:s23], $0x400  }
0x28e: {  	[sflag:s23] =	ssyncset.done $0x0  }
0x28f: {  	[sflag:s23] =	ssyncadd.s32 $0xFFFFFC00  }
0x290: {  	_ =	swait.ge [sflag:s23], $0x400  }
0x291: {  	[sflag:s23] =	ssyncset.done $0x0  }
0x292: {  	[sflag:s23] =	ssyncadd.s32 $0xFFFFFC00  }
0x293: {  	_ =	swait.ge [sflag:s23], $0x400  }
0x294: {  	[sflag:s23] =	ssyncset.done $0x0  }
0x295: {  	s24 =	simm.s32 $0x7;
	[sflag:s23] =	ssyncadd.s32 $0xFFFFFC00  }
0x296: {  	_ =	swait.ge [sflag:s24], $0x400  }
0x297: {  	[sflag:s24] =	ssyncset.done $0x0  }
0x298: {  	[sflag:s24] =	ssyncadd.s32 $0xFFFFFC00  }
0x299: {  	_ =	swait.ge [sflag:s24], $0x400  }
0x29a: {  	[sflag:s24] =	ssyncset.done $0x0  }
0x29b: {  	[sflag:s24] =	ssyncadd.s32 $0xFFFFFC00  }
0x29c: {  	_ =	swait.ge [sflag:s24], $0x400  }
0x29d: {  	[sflag:s24] =	ssyncset.done $0x0  }
0x29e: {  	[sflag:s24] =	ssyncadd.s32 $0xFFFFFC00  }
0x29f: {  	_ =	swait.ge [sflag:s24], $0x400  }
0x2a0: {  	[sflag:s24] =	ssyncset.done $0x0  }
0x2a1: {  	s11 =	simm.s32 $0x8;
	[sflag:s24] =	ssyncadd.s32 $0xFFFFFC00  }
0x2a2: {  	_ =	swait.ge [sflag:s11], $0x400  }
0x2a3: {  	[sflag:s11] =	ssyncset.done $0x0  }
0x2a4: {  	[sflag:s11] =	ssyncadd.s32 $0xFFFFFC00  }
0x2a5: {  	_ =	swait.ge [sflag:s11], $0x400  }
0x2a6: {  	[sflag:s11] =	ssyncset.done $0x0  }
0x2a7: {  	[sflag:s11] =	ssyncadd.s32 $0xFFFFFC00  }
0x2a8: {  	_ =	swait.ge [sflag:s11], $0x400  }
0x2a9: {  	[sflag:s11] =	ssyncset.done $0x0  }
0x2aa: {  	[sflag:s11] =	ssyncadd.s32 $0xFFFFFC00  }
0x2ab: {  	_ =	swait.ge [sflag:s11], $0x400  }
0x2ac: {  	s12 =	rddreg [dreg:$0x6]  }
0x2ad: {  	s25 =	rddreg [dreg:$0x5];
	s12 =	sadd.s32 $0x1, s12  }
0x2ae: {  	p0 =	sne.s32 s12, s25  }
.Ltmp5:
0x2af: {  	_ = 	snop;
	(pc) =	sbr.rel @p0 .LBB2_1-.Ltmp5, $3  }
0x2b0: {  	_ =	sdelay $0x1  }
0x2b1: {  	[sflag:s11] =	ssyncset.done $0x0  }
0x2b2: {  	[sflag:s11] =	ssyncadd.s32 $0xFFFFFC00  }
0x2b3: {  	_ =	sfence.sel $0x180000  }
0x2b4: {  	[bflag:$0x0] =	sbarrier.arrive $0xFFFF  }
0x2b5: {  	_ =	strace $0x9000004A  }
0x2b6: {  	s0 =	stileid.u32;
	[bflag:$0x2] =	sbarrier.arrive $0xFFFF  }
0x2b7: {  	p0 =	sne.s32 s0, $0x0;
	s0 =	rddreg [dreg:$0x3]  }
0x2b8: {  	s0 =	sadd.s32 @!p0 $0x100000, s0  }
0x2b9: {  	[sflag:s0] =	ssyncadd.tile.s32 @!p0 $0x1;
	_ =	shalt  }
.Lfunc_end2:
_tile_overlayer_lowered:
.L_overlay_start_2:
0x2ba: {  	(tag) =	ssettag $0x2  }
0x2bb: {  	s0 =	rddreg [dreg:$0x0];
	s2 =	stileid.u32  }
0x2bc: {  	s1 =	rddreg [dreg:$0x1];
	p0 =	sne.s32 s2, $0x0  }
0x2bd: {  	s3 =	rddreg [dreg:$0x2];
	[bflag:$0x3] =	sbarrier.arrive $0xFFFF;
	s2 =	simm.s32 @!p0 $0x1C09  }
0x2be: {  	[timem:s3], [sflag:s2] =	dma.local @!p0 [hbm:s0], s1  }
0x2bf: {  	s0 =	simm.s32 @!p0 $0x9  }
0x2c0: {  	_ =	swait.ge @!p0 [sflag:s0], s1  }
0x2c1: {  	s1 =	ssub.s32 @!p0 $0x0, s1;
	[sflag:s0] =	ssyncset.done @!p0 $0x0  }
0x2c2: {  	[sflag:s0] =	ssyncadd.s32 @!p0 s1  }
0x2c3: {  	[bflag:$0x3] =	sbarrier.arrive $0xFFFF  }
0x2c4: {  	_ =	shalt  }

</sc_bundles>
